<compile_context>
chip_gen: v7x
topology: tpu7x:2x2x1
jax: 0.10.2.dev20260603
libtpu: 0.0.44.dev20260713+nightly
codegen_flags: <defaults>
</compile_context>

<pallas_src>
import functools

import jax
import jax.numpy as jnp
from jax import lax
from jax.experimental import pallas as pl
from jax.experimental.pallas import tpu as pltpu
from jax.experimental.pallas import tpu_sc as plsc

F = 256
HALF = F // 2
TRIL = F * (F + 1) // 2
IN_SPLIT = 16384
ROW_SPLIT = 181
DIAG_OFFSET = 0.5
NC = 2
NS = 16
NW = NC * NS


def _sc_body(in_hbm, out_hbm, outb, inb, sem_in1, sem_in2, sem_out_hi,
             sem_out_lo):
    cid = lax.axis_index("c")
    sid = lax.axis_index("s")
    wid = sid * NC + cid
    batch = in_hbm.shape[0]
    per_w = batch // NW
    base = wid * per_w

    iota16 = lax.iota(jnp.int32, 16)
    zeros16 = jnp.zeros((16,), jnp.float32)

    def in1_copy(b):
        return pltpu.make_async_copy(
            in_hbm.at[b, pl.ds(0, IN_SPLIT)],
            inb.at[pl.ds(0, IN_SPLIT)], sem_in1)

    def in2_copy(b):
        return pltpu.make_async_copy(
            in_hbm.at[b, pl.ds(IN_SPLIT, TRIL - IN_SPLIT)],
            inb.at[pl.ds(IN_SPLIT, TRIL - IN_SPLIT)], sem_in2)

    def out_hi_copy(b):
        return pltpu.make_async_copy(
            outb.at[pl.ds(HALF, HALF)],
            out_hbm.at[b, pl.ds(HALF, HALF)], sem_out_hi)

    def out_lo_copy(b):
        return pltpu.make_async_copy(
            outb.at[pl.ds(0, HALF)],
            out_hbm.at[b, pl.ds(0, HALF)], sem_out_lo)

    def expand(r0, r1):
        for j in range(F // 16):
            col = j * 16
            lo = max(col + 16, r0)
            if lo >= r1:
                continue

            @plsc.parallel_loop(lo, r1, unroll=8)
            def _copy(r):
                s = (r * (r + 1)) >> 1
                outb[r, pl.ds(col, 16)] = inb[pl.ds(s + col, 16)]

        @plsc.parallel_loop(r0, r1, unroll=4)
        def _diag(r):
            s = (r * (r + 1)) >> 1
            jd16 = (r >> 4) * 16
            c = jd16 + iota16
            vals = inb[pl.ds(s + jd16, 16)]
            dval = jnp.abs(DIAG_OFFSET + vals) + 1e-9
            res = jnp.where(c < r, vals, jnp.where(c == r, dval, zeros16))
            outb[r, pl.ds(jd16, 16)] = res

    in1_copy(base).start()
    in2_copy(base).start()

    for j in range(F // 16):
        col = j * 16

        @plsc.parallel_loop(0, F, unroll=8)
        def _zero(r):
            outb[r, pl.ds(col, 16)] = zeros16

    in1_copy(base).wait()
    in2_copy(base).wait()

    def batch_body(t, _):
        b = base + t

        @pl.when(t > 0)
        def _():
            in2_copy(b).wait()
            out_hi_copy(b - 1).wait()
        expand(ROW_SPLIT, F)

        @pl.when(t > 0)
        def _():
            in1_copy(b).wait()
        expand(HALF, ROW_SPLIT)
        out_hi_copy(b).start()

        @pl.when(t < per_w - 1)
        def _():
            in2_copy(b + 1).start()

        @pl.when(t > 0)
        def _():
            out_lo_copy(b - 1).wait()
        expand(0, HALF)
        out_lo_copy(b).start()

        @pl.when(t < per_w - 1)
        def _():
            in1_copy(b + 1).start()
        return 0
    lax.fori_loop(0, per_w, batch_body, 0)

    out_hi_copy(base + per_w - 1).wait()
    out_lo_copy(base + per_w - 1).wait()


def kernel(input):
    batch = input.shape[0]
    mesh = plsc.VectorSubcoreMesh(core_axis_name="c", subcore_axis_name="s")
    run = functools.partial(
        pl.kernel,
        mesh=mesh,
        out_type=jax.ShapeDtypeStruct((batch, F, F), jnp.float32),
        scratch_types=[
            pltpu.VMEM((F, F), jnp.float32),
            pltpu.VMEM((TRIL,), jnp.float32),
            pltpu.SemaphoreType.DMA,
            pltpu.SemaphoreType.DMA,
            pltpu.SemaphoreType.DMA,
            pltpu.SemaphoreType.DMA,
        ],
    )(_sc_body)
    return run(input)

# --- scband reference (transcript-rebuilt; emitter-appended) ---
"""Pipeline reference for scband-lower-triangular-43628277793244 (READ-ONLY COPY).

The authoritative reference and input builder live on the scoring server;
editing this copy changes nothing except your own understanding.
"""

import jax, jax.numpy as jnp
import numpy as np

FEATURES = 256
OFFSET = 0.5
BATCH = 1024

def setup_inputs(seed: int = 0) -> dict:
    key = jax.random.key(seed)
    tril_size = FEATURES * (FEATURES + 1) // 2
    x = jax.random.normal(key, (BATCH, tril_size), dtype=jnp.float32)
    return {"input": x}

def reference(input):
    F = FEATURES
    ix0, ix1 = np.tril_indices(F)
    ix0 = jnp.asarray(ix0)
    ix1 = jnp.asarray(ix1)
    l = jnp.zeros((*input.shape[:-1], F, F), dtype=input.dtype)
    # scatter-overwrite the flattened lower-triangular values into the matrix
    l = l.at[..., ix0, ix1].set(input)
    d = jnp.arange(F)
    diag = l[..., d, d]
    l = l.at[..., d, d].set(jnp.abs(OFFSET + diag) + 1e-09)
    return l

if __name__ == "__main__":
    import jax
    _d = setup_inputs()
    print(jax.jit(kernel)(*tuple(_d.values())))

</pallas_src>

<mosaic_0001>
#map = affine_map<(d0, d1) -> (0, 0)>
#map1 = affine_map<(d0, d1) -> (0, 0, 0)>
module attributes {stable_mosaic.version = 14 : i64} {
  func.func @_sc_body(%arg0: i32, %arg1: i32, %arg2: memref<1024x32896xf32, #tpu.memory_space<hbm>>, %arg3: memref<1024x256x256xf32, #tpu.memory_space<hbm>>, %arg4: memref<256x256xf32, #tpu.memory_space<vmem>>, %arg5: memref<32896xf32, #tpu.memory_space<vmem>>, %arg6: memref<!tpu.dma_semaphore, #tpu.memory_space<semaphore_mem>>, %arg7: memref<!tpu.dma_semaphore, #tpu.memory_space<semaphore_mem>>, %arg8: memref<!tpu.dma_semaphore, #tpu.memory_space<semaphore_mem>>, %arg9: memref<!tpu.dma_semaphore, #tpu.memory_space<semaphore_mem>>) attributes {dimension_semantics = [#tpu.dimension_semantics<core_parallel>, #tpu.dimension_semantics<subcore_parallel>], iteration_bounds = array<i64: 2, 16>, scalar_prefetch = 0 : i64, scratch_operands = 6 : i64, tpu.core_type = #tpu.core_type<sc_vector_subcore>, window_params = [{transform_indices = #map}, {transform_indices = #map1}]} {
    %mul3A = arith.constant 2 : i32
    %mul3A_0 = arith.muli %arg1, %mul3A : i32
    %add3A = arith.addi %mul3A_0, %arg0 : i32
    %mul3A_1 = arith.constant 32 : i32
    %mul3A_2 = arith.muli %add3A, %mul3A_1 : i32
    %iota3A = tpu.iota {dimensions = array<i32: 0>} : vector<16xi32>
    %broadcast_in_dim3A = arith.constant 0.000000e+00 : f32
    %broadcast_in_dim3A_3 = vector.broadcast %broadcast_in_dim3A : f32 to vector<16xf32>
    %dma_start3A = arith.constant 0 : i32
    %dma_start3A_4 = tpu.memref_slice %arg5[%dma_start3A] : memref<32896xf32, #tpu.memory_space<vmem>> -> memref<16384xf32, #tpu.memory_space<vmem>>
    %dma_start3A_5 = arith.constant 0 : i32
    %dma_start3A_6 = tpu.memref_slice %arg2[%mul3A_2, %dma_start3A_5] : memref<1024x32896xf32, #tpu.memory_space<hbm>> -> memref<1x16384xf32, #tpu.memory_space<hbm>>
    %dma_start3A_7 = tpu.memref_squeeze %dma_start3A_6 : memref<1x16384xf32, #tpu.memory_space<hbm>> -> memref<16384xf32, #tpu.memory_space<hbm>>
    %dma_start3A_8 = arith.constant 0 : i32
    %dma_start3A_9 = tpu.memref_slice %arg5[%dma_start3A_8] : memref<32896xf32, #tpu.memory_space<vmem>> -> memref<16384xf32, #tpu.memory_space<vmem>>
    %dma_start3A_10 = arith.constant 0 : i32
    %dma_start3A_11 = tpu.memref_slice %arg2[%mul3A_2, %dma_start3A_10] : memref<1024x32896xf32, #tpu.memory_space<hbm>> -> memref<1x16384xf32, #tpu.memory_space<hbm>>
    %dma_start3A_12 = tpu.memref_squeeze %dma_start3A_11 : memref<1x16384xf32, #tpu.memory_space<hbm>> -> memref<16384xf32, #tpu.memory_space<hbm>>
    tpu.enqueue_dma source(%dma_start3A_12 : memref<16384xf32, #tpu.memory_space<hbm>>) target(%dma_start3A_9 : memref<16384xf32, #tpu.memory_space<vmem>>) target_semaphore(%arg6 : memref<!tpu.dma_semaphore, #tpu.memory_space<semaphore_mem>>)
    %dma_start3A_13 = arith.constant 16384 : i32
    %dma_start3A_14 = tpu.memref_slice %arg5[%dma_start3A_13] : memref<32896xf32, #tpu.memory_space<vmem>> -> memref<16512xf32, #tpu.memory_space<vmem>>
    %dma_start3A_15 = arith.constant 16384 : i32
    %dma_start3A_16 = tpu.memref_slice %arg2[%mul3A_2, %dma_start3A_15] : memref<1024x32896xf32, #tpu.memory_space<hbm>> -> memref<1x16512xf32, #tpu.memory_space<hbm>>
    %dma_start3A_17 = tpu.memref_squeeze %dma_start3A_16 : memref<1x16512xf32, #tpu.memory_space<hbm>> -> memref<16512xf32, #tpu.memory_space<hbm>>
    %dma_start3A_18 = arith.constant 16384 : i32
    %dma_start3A_19 = tpu.memref_slice %arg5[%dma_start3A_18] : memref<32896xf32, #tpu.memory_space<vmem>> -> memref<16512xf32, #tpu.memory_space<vmem>>
    %dma_start3A_20 = arith.constant 16384 : i32
    %dma_start3A_21 = tpu.memref_slice %arg2[%mul3A_2, %dma_start3A_20] : memref<1024x32896xf32, #tpu.memory_space<hbm>> -> memref<1x16512xf32, #tpu.memory_space<hbm>>
    %dma_start3A_22 = tpu.memref_squeeze %dma_start3A_21 : memref<1x16512xf32, #tpu.memory_space<hbm>> -> memref<16512xf32, #tpu.memory_space<hbm>>
    tpu.enqueue_dma source(%dma_start3A_22 : memref<16512xf32, #tpu.memory_space<hbm>>) target(%dma_start3A_19 : memref<16512xf32, #tpu.memory_space<vmem>>) target_semaphore(%arg7 : memref<!tpu.dma_semaphore, #tpu.memory_space<semaphore_mem>>)
    %parallel_loop3A = arith.constant 0 : i32
    %parallel_loop3A_23 = arith.constant 256 : i32
    %parallel_loop3A_24 = arith.constant 1 : i32
    scf.for %parallel_loop3A_130 = %parallel_loop3A to %parallel_loop3A_23 step %parallel_loop3A_24  : i32 {
      %parallel_loop3A_131 = arith.index_cast %parallel_loop3A_130 : i32 to index
      %parallel_loop3A_132 = arith.constant 0 : index
      %parallel_loop3A_133 = tpu.vector_load %arg4[%parallel_loop3A_131, %parallel_loop3A_132] {strides = array<i32>} : memref<256x256xf32, #tpu.memory_space<vmem>>, vector<1x16xf32>,
      %parallel_loop3A_134 = vector.shape_cast %parallel_loop3A_133 : vector<1x16xf32> to vector<16xf32>
      %parallel_loop3A_135 = vector.shape_cast %broadcast_in_dim3A_3 : vector<16xf32> to vector<1x16xf32>
      tpu.vector_store %arg4[%parallel_loop3A_131, %parallel_loop3A_132], %parallel_loop3A_135 {strides = array<i32>} : memref<256x256xf32, #tpu.memory_space<vmem>>, vector<1x16xf32>,
    } {sc.loop_unroll_factor = 8 : i64, sc.parallel_access}
    %parallel_loop3A_25 = arith.constant 0 : i32
    %parallel_loop3A_26 = arith.constant 256 : i32
    %parallel_loop3A_27 = arith.constant 1 : i32
    scf.for %parallel_loop3A_130 = %parallel_loop3A_25 to %parallel_loop3A_26 step %parallel_loop3A_27  : i32 {
      %parallel_loop3A_131 = arith.index_cast %parallel_loop3A_130 : i32 to index
      %parallel_loop3A_132 = arith.constant 16 : index
      %parallel_loop3A_133 = tpu.vector_load %arg4[%parallel_loop3A_131, %parallel_loop3A_132] {strides = array<i32>} : memref<256x256xf32, #tpu.memory_space<vmem>>, vector<1x16xf32>,
      %parallel_loop3A_134 = vector.shape_cast %parallel_loop3A_133 : vector<1x16xf32> to vector<16xf32>
      %parallel_loop3A_135 = vector.shape_cast %broadcast_in_dim3A_3 : vector<16xf32> to vector<1x16xf32>
      tpu.vector_store %arg4[%parallel_loop3A_131, %parallel_loop3A_132], %parallel_loop3A_135 {strides = array<i32>} : memref<256x256xf32, #tpu.memory_space<vmem>>, vector<1x16xf32>,
    } {sc.loop_unroll_factor = 8 : i64, sc.parallel_access}
    %parallel_loop3A_28 = arith.constant 0 : i32
    %parallel_loop3A_29 = arith.constant 256 : i32
    %parallel_loop3A_30 = arith.constant 1 : i32
    scf.for %parallel_loop3A_130 = %parallel_loop3A_28 to %parallel_loop3A_29 step %parallel_loop3A_30  : i32 {
      %parallel_loop3A_131 = arith.index_cast %parallel_loop3A_130 : i32 to index
      %parallel_loop3A_132 = arith.constant 32 : index
      %parallel_loop3A_133 = tpu.vector_load %arg4[%parallel_loop3A_131, %parallel_loop3A_132] {strides = array<i32>} : memref<256x256xf32, #tpu.memory_space<vmem>>, vector<1x16xf32>,
      %parallel_loop3A_134 = vector.shape_cast %parallel_loop3A_133 : vector<1x16xf32> to vector<16xf32>
      %parallel_loop3A_135 = vector.shape_cast %broadcast_in_dim3A_3 : vector<16xf32> to vector<1x16xf32>
      tpu.vector_store %arg4[%parallel_loop3A_131, %parallel_loop3A_132], %parallel_loop3A_135 {strides = array<i32>} : memref<256x256xf32, #tpu.memory_space<vmem>>, vector<1x16xf32>,
    } {sc.loop_unroll_factor = 8 : i64, sc.parallel_access}
    %parallel_loop3A_31 = arith.constant 0 : i32
    %parallel_loop3A_32 = arith.constant 256 : i32
    %parallel_loop3A_33 = arith.constant 1 : i32
    scf.for %parallel_loop3A_130 = %parallel_loop3A_31 to %parallel_loop3A_32 step %parallel_loop3A_33  : i32 {
      %parallel_loop3A_131 = arith.index_cast %parallel_loop3A_130 : i32 to index
      %parallel_loop3A_132 = arith.constant 48 : index
      %parallel_loop3A_133 = tpu.vector_load %arg4[%parallel_loop3A_131, %parallel_loop3A_132] {strides = array<i32>} : memref<256x256xf32, #tpu.memory_space<vmem>>, vector<1x16xf32>,
      %parallel_loop3A_134 = vector.shape_cast %parallel_loop3A_133 : vector<1x16xf32> to vector<16xf32>
      %parallel_loop3A_135 = vector.shape_cast %broadcast_in_dim3A_3 : vector<16xf32> to vector<1x16xf32>
      tpu.vector_store %arg4[%parallel_loop3A_131, %parallel_loop3A_132], %parallel_loop3A_135 {strides = array<i32>} : memref<256x256xf32, #tpu.memory_space<vmem>>, vector<1x16xf32>,
    } {sc.loop_unroll_factor = 8 : i64, sc.parallel_access}
    %parallel_loop3A_34 = arith.constant 0 : i32
    %parallel_loop3A_35 = arith.constant 256 : i32
    %parallel_loop3A_36 = arith.constant 1 : i32
    scf.for %parallel_loop3A_130 = %parallel_loop3A_34 to %parallel_loop3A_35 step %parallel_loop3A_36  : i32 {
      %parallel_loop3A_131 = arith.index_cast %parallel_loop3A_130 : i32 to index
      %parallel_loop3A_132 = arith.constant 64 : index
      %parallel_loop3A_133 = tpu.vector_load %arg4[%parallel_loop3A_131, %parallel_loop3A_132] {strides = array<i32>} : memref<256x256xf32, #tpu.memory_space<vmem>>, vector<1x16xf32>,
      %parallel_loop3A_134 = vector.shape_cast %parallel_loop3A_133 : vector<1x16xf32> to vector<16xf32>
      %parallel_loop3A_135 = vector.shape_cast %broadcast_in_dim3A_3 : vector<16xf32> to vector<1x16xf32>
      tpu.vector_store %arg4[%parallel_loop3A_131, %parallel_loop3A_132], %parallel_loop3A_135 {strides = array<i32>} : memref<256x256xf32, #tpu.memory_space<vmem>>, vector<1x16xf32>,
    } {sc.loop_unroll_factor = 8 : i64, sc.parallel_access}
    %parallel_loop3A_37 = arith.constant 0 : i32
    %parallel_loop3A_38 = arith.constant 256 : i32
    %parallel_loop3A_39 = arith.constant 1 : i32
    scf.for %parallel_loop3A_130 = %parallel_loop3A_37 to %parallel_loop3A_38 step %parallel_loop3A_39  : i32 {
      %parallel_loop3A_131 = arith.index_cast %parallel_loop3A_130 : i32 to index
      %parallel_loop3A_132 = arith.constant 80 : index
      %parallel_loop3A_133 = tpu.vector_load %arg4[%parallel_loop3A_131, %parallel_loop3A_132] {strides = array<i32>} : memref<256x256xf32, #tpu.memory_space<vmem>>, vector<1x16xf32>,
      %parallel_loop3A_134 = vector.shape_cast %parallel_loop3A_133 : vector<1x16xf32> to vector<16xf32>
      %parallel_loop3A_135 = vector.shape_cast %broadcast_in_dim3A_3 : vector<16xf32> to vector<1x16xf32>
      tpu.vector_store %arg4[%parallel_loop3A_131, %parallel_loop3A_132], %parallel_loop3A_135 {strides = array<i32>} : memref<256x256xf32, #tpu.memory_space<vmem>>, vector<1x16xf32>,
    } {sc.loop_unroll_factor = 8 : i64, sc.parallel_access}
    %parallel_loop3A_40 = arith.constant 0 : i32
    %parallel_loop3A_41 = arith.constant 256 : i32
    %parallel_loop3A_42 = arith.constant 1 : i32
    scf.for %parallel_loop3A_130 = %parallel_loop3A_40 to %parallel_loop3A_41 step %parallel_loop3A_42  : i32 {
      %parallel_loop3A_131 = arith.index_cast %parallel_loop3A_130 : i32 to index
      %parallel_loop3A_132 = arith.constant 96 : index
      %parallel_loop3A_133 = tpu.vector_load %arg4[%parallel_loop3A_131, %parallel_loop3A_132] {strides = array<i32>} : memref<256x256xf32, #tpu.memory_space<vmem>>, vector<1x16xf32>,
      %parallel_loop3A_134 = vector.shape_cast %parallel_loop3A_133 : vector<1x16xf32> to vector<16xf32>
      %parallel_loop3A_135 = vector.shape_cast %broadcast_in_dim3A_3 : vector<16xf32> to vector<1x16xf32>
      tpu.vector_store %arg4[%parallel_loop3A_131, %parallel_loop3A_132], %parallel_loop3A_135 {strides = array<i32>} : memref<256x256xf32, #tpu.memory_space<vmem>>, vector<1x16xf32>,
    } {sc.loop_unroll_factor = 8 : i64, sc.parallel_access}
    %parallel_loop3A_43 = arith.constant 0 : i32
    %parallel_loop3A_44 = arith.constant 256 : i32
    %parallel_loop3A_45 = arith.constant 1 : i32
    scf.for %parallel_loop3A_130 = %parallel_loop3A_43 to %parallel_loop3A_44 step %parallel_loop3A_45  : i32 {
      %parallel_loop3A_131 = arith.index_cast %parallel_loop3A_130 : i32 to index
      %parallel_loop3A_132 = arith.constant 112 : index
      %parallel_loop3A_133 = tpu.vector_load %arg4[%parallel_loop3A_131, %parallel_loop3A_132] {strides = array<i32>} : memref<256x256xf32, #tpu.memory_space<vmem>>, vector<1x16xf32>,
      %parallel_loop3A_134 = vector.shape_cast %parallel_loop3A_133 : vector<1x16xf32> to vector<16xf32>
      %parallel_loop3A_135 = vector.shape_cast %broadcast_in_dim3A_3 : vector<16xf32> to vector<1x16xf32>
      tpu.vector_store %arg4[%parallel_loop3A_131, %parallel_loop3A_132], %parallel_loop3A_135 {strides = array<i32>} : memref<256x256xf32, #tpu.memory_space<vmem>>, vector<1x16xf32>,
    } {sc.loop_unroll_factor = 8 : i64, sc.parallel_access}
    %parallel_loop3A_46 = arith.constant 0 : i32
    %parallel_loop3A_47 = arith.constant 256 : i32
    %parallel_loop3A_48 = arith.constant 1 : i32
    scf.for %parallel_loop3A_130 = %parallel_loop3A_46 to %parallel_loop3A_47 step %parallel_loop3A_48  : i32 {
      %parallel_loop3A_131 = arith.index_cast %parallel_loop3A_130 : i32 to index
      %parallel_loop3A_132 = arith.constant 128 : index
      %parallel_loop3A_133 = tpu.vector_load %arg4[%parallel_loop3A_131, %parallel_loop3A_132] {strides = array<i32>} : memref<256x256xf32, #tpu.memory_space<vmem>>, vector<1x16xf32>,
      %parallel_loop3A_134 = vector.shape_cast %parallel_loop3A_133 : vector<1x16xf32> to vector<16xf32>
      %parallel_loop3A_135 = vector.shape_cast %broadcast_in_dim3A_3 : vector<16xf32> to vector<1x16xf32>
      tpu.vector_store %arg4[%parallel_loop3A_131, %parallel_loop3A_132], %parallel_loop3A_135 {strides = array<i32>} : memref<256x256xf32, #tpu.memory_space<vmem>>, vector<1x16xf32>,
    } {sc.loop_unroll_factor = 8 : i64, sc.parallel_access}
    %parallel_loop3A_49 = arith.constant 0 : i32
    %parallel_loop3A_50 = arith.constant 256 : i32
    %parallel_loop3A_51 = arith.constant 1 : i32
    scf.for %parallel_loop3A_130 = %parallel_loop3A_49 to %parallel_loop3A_50 step %parallel_loop3A_51  : i32 {
      %parallel_loop3A_131 = arith.index_cast %parallel_loop3A_130 : i32 to index
      %parallel_loop3A_132 = arith.constant 144 : index
      %parallel_loop3A_133 = tpu.vector_load %arg4[%parallel_loop3A_131, %parallel_loop3A_132] {strides = array<i32>} : memref<256x256xf32, #tpu.memory_space<vmem>>, vector<1x16xf32>,
      %parallel_loop3A_134 = vector.shape_cast %parallel_loop3A_133 : vector<1x16xf32> to vector<16xf32>
      %parallel_loop3A_135 = vector.shape_cast %broadcast_in_dim3A_3 : vector<16xf32> to vector<1x16xf32>
      tpu.vector_store %arg4[%parallel_loop3A_131, %parallel_loop3A_132], %parallel_loop3A_135 {strides = array<i32>} : memref<256x256xf32, #tpu.memory_space<vmem>>, vector<1x16xf32>,
    } {sc.loop_unroll_factor = 8 : i64, sc.parallel_access}
    %parallel_loop3A_52 = arith.constant 0 : i32
    %parallel_loop3A_53 = arith.constant 256 : i32
    %parallel_loop3A_54 = arith.constant 1 : i32
    scf.for %parallel_loop3A_130 = %parallel_loop3A_52 to %parallel_loop3A_53 step %parallel_loop3A_54  : i32 {
      %parallel_loop3A_131 = arith.index_cast %parallel_loop3A_130 : i32 to index
      %parallel_loop3A_132 = arith.constant 160 : index
      %parallel_loop3A_133 = tpu.vector_load %arg4[%parallel_loop3A_131, %parallel_loop3A_132] {strides = array<i32>} : memref<256x256xf32, #tpu.memory_space<vmem>>, vector<1x16xf32>,
      %parallel_loop3A_134 = vector.shape_cast %parallel_loop3A_133 : vector<1x16xf32> to vector<16xf32>
      %parallel_loop3A_135 = vector.shape_cast %broadcast_in_dim3A_3 : vector<16xf32> to vector<1x16xf32>
      tpu.vector_store %arg4[%parallel_loop3A_131, %parallel_loop3A_132], %parallel_loop3A_135 {strides = array<i32>} : memref<256x256xf32, #tpu.memory_space<vmem>>, vector<1x16xf32>,
    } {sc.loop_unroll_factor = 8 : i64, sc.parallel_access}
    %parallel_loop3A_55 = arith.constant 0 : i32
    %parallel_loop3A_56 = arith.constant 256 : i32
    %parallel_loop3A_57 = arith.constant 1 : i32
    scf.for %parallel_loop3A_130 = %parallel_loop3A_55 to %parallel_loop3A_56 step %parallel_loop3A_57  : i32 {
      %parallel_loop3A_131 = arith.index_cast %parallel_loop3A_130 : i32 to index
      %parallel_loop3A_132 = arith.constant 176 : index
      %parallel_loop3A_133 = tpu.vector_load %arg4[%parallel_loop3A_131, %parallel_loop3A_132] {strides = array<i32>} : memref<256x256xf32, #tpu.memory_space<vmem>>, vector<1x16xf32>,
      %parallel_loop3A_134 = vector.shape_cast %parallel_loop3A_133 : vector<1x16xf32> to vector<16xf32>
      %parallel_loop3A_135 = vector.shape_cast %broadcast_in_dim3A_3 : vector<16xf32> to vector<1x16xf32>
      tpu.vector_store %arg4[%parallel_loop3A_131, %parallel_loop3A_132], %parallel_loop3A_135 {strides = array<i32>} : memref<256x256xf32, #tpu.memory_space<vmem>>, vector<1x16xf32>,
    } {sc.loop_unroll_factor = 8 : i64, sc.parallel_access}
    %parallel_loop3A_58 = arith.constant 0 : i32
    %parallel_loop3A_59 = arith.constant 256 : i32
    %parallel_loop3A_60 = arith.constant 1 : i32
    scf.for %parallel_loop3A_130 = %parallel_loop3A_58 to %parallel_loop3A_59 step %parallel_loop3A_60  : i32 {
      %parallel_loop3A_131 = arith.index_cast %parallel_loop3A_130 : i32 to index
      %parallel_loop3A_132 = arith.constant 192 : index
      %parallel_loop3A_133 = tpu.vector_load %arg4[%parallel_loop3A_131, %parallel_loop3A_132] {strides = array<i32>} : memref<256x256xf32, #tpu.memory_space<vmem>>, vector<1x16xf32>,
      %parallel_loop3A_134 = vector.shape_cast %parallel_loop3A_133 : vector<1x16xf32> to vector<16xf32>
      %parallel_loop3A_135 = vector.shape_cast %broadcast_in_dim3A_3 : vector<16xf32> to vector<1x16xf32>
      tpu.vector_store %arg4[%parallel_loop3A_131, %parallel_loop3A_132], %parallel_loop3A_135 {strides = array<i32>} : memref<256x256xf32, #tpu.memory_space<vmem>>, vector<1x16xf32>,
    } {sc.loop_unroll_factor = 8 : i64, sc.parallel_access}
    %parallel_loop3A_61 = arith.constant 0 : i32
    %parallel_loop3A_62 = arith.constant 256 : i32
    %parallel_loop3A_63 = arith.constant 1 : i32
    scf.for %parallel_loop3A_130 = %parallel_loop3A_61 to %parallel_loop3A_62 step %parallel_loop3A_63  : i32 {
      %parallel_loop3A_131 = arith.index_cast %parallel_loop3A_130 : i32 to index
      %parallel_loop3A_132 = arith.constant 208 : index
      %parallel_loop3A_133 = tpu.vector_load %arg4[%parallel_loop3A_131, %parallel_loop3A_132] {strides = array<i32>} : memref<256x256xf32, #tpu.memory_space<vmem>>, vector<1x16xf32>,
      %parallel_loop3A_134 = vector.shape_cast %parallel_loop3A_133 : vector<1x16xf32> to vector<16xf32>
      %parallel_loop3A_135 = vector.shape_cast %broadcast_in_dim3A_3 : vector<16xf32> to vector<1x16xf32>
      tpu.vector_store %arg4[%parallel_loop3A_131, %parallel_loop3A_132], %parallel_loop3A_135 {strides = array<i32>} : memref<256x256xf32, #tpu.memory_space<vmem>>, vector<1x16xf32>,
    } {sc.loop_unroll_factor = 8 : i64, sc.parallel_access}
    %parallel_loop3A_64 = arith.constant 0 : i32
    %parallel_loop3A_65 = arith.constant 256 : i32
    %parallel_loop3A_66 = arith.constant 1 : i32
    scf.for %parallel_loop3A_130 = %parallel_loop3A_64 to %parallel_loop3A_65 step %parallel_loop3A_66  : i32 {
      %parallel_loop3A_131 = arith.index_cast %parallel_loop3A_130 : i32 to index
      %parallel_loop3A_132 = arith.constant 224 : index
      %parallel_loop3A_133 = tpu.vector_load %arg4[%parallel_loop3A_131, %parallel_loop3A_132] {strides = array<i32>} : memref<256x256xf32, #tpu.memory_space<vmem>>, vector<1x16xf32>,
      %parallel_loop3A_134 = vector.shape_cast %parallel_loop3A_133 : vector<1x16xf32> to vector<16xf32>
      %parallel_loop3A_135 = vector.shape_cast %broadcast_in_dim3A_3 : vector<16xf32> to vector<1x16xf32>
      tpu.vector_store %arg4[%parallel_loop3A_131, %parallel_loop3A_132], %parallel_loop3A_135 {strides = array<i32>} : memref<256x256xf32, #tpu.memory_space<vmem>>, vector<1x16xf32>,
    } {sc.loop_unroll_factor = 8 : i64, sc.parallel_access}
    %parallel_loop3A_67 = arith.constant 0 : i32
    %parallel_loop3A_68 = arith.constant 256 : i32
    %parallel_loop3A_69 = arith.constant 1 : i32
    scf.for %parallel_loop3A_130 = %parallel_loop3A_67 to %parallel_loop3A_68 step %parallel_loop3A_69  : i32 {
      %parallel_loop3A_131 = arith.index_cast %parallel_loop3A_130 : i32 to index
      %parallel_loop3A_132 = arith.constant 240 : index
      %parallel_loop3A_133 = tpu.vector_load %arg4[%parallel_loop3A_131, %parallel_loop3A_132] {strides = array<i32>} : memref<256x256xf32, #tpu.memory_space<vmem>>, vector<1x16xf32>,
      %parallel_loop3A_134 = vector.shape_cast %parallel_loop3A_133 : vector<1x16xf32> to vector<16xf32>
      %parallel_loop3A_135 = vector.shape_cast %broadcast_in_dim3A_3 : vector<16xf32> to vector<1x16xf32>
      tpu.vector_store %arg4[%parallel_loop3A_131, %parallel_loop3A_132], %parallel_loop3A_135 {strides = array<i32>} : memref<256x256xf32, #tpu.memory_space<vmem>>, vector<1x16xf32>,
    } {sc.loop_unroll_factor = 8 : i64, sc.parallel_access}
    %dma_wait3A = arith.constant 0 : i32
    %dma_wait3A_70 = tpu.memref_slice %arg5[%dma_wait3A] : memref<32896xf32, #tpu.memory_space<vmem>> -> memref<16384xf32, #tpu.memory_space<vmem>>
    %dma_wait3A_71 = arith.constant 0 : i32
    %dma_wait3A_72 = tpu.memref_slice %arg2[%mul3A_2, %dma_wait3A_71] : memref<1024x32896xf32, #tpu.memory_space<hbm>> -> memref<1x16384xf32, #tpu.memory_space<hbm>>
    %dma_wait3A_73 = tpu.memref_squeeze %dma_wait3A_72 : memref<1x16384xf32, #tpu.memory_space<hbm>> -> memref<16384xf32, #tpu.memory_space<hbm>>
    %dma_wait3A_74 = arith.constant 0 : i32
    %dma_wait3A_75 = tpu.memref_slice %arg5[%dma_wait3A_74] : memref<32896xf32, #tpu.memory_space<vmem>> -> memref<16384xf32, #tpu.memory_space<vmem>>
    %dma_wait3A_76 = arith.constant 0 : i32
    %dma_wait3A_77 = tpu.memref_slice %arg2[%mul3A_2, %dma_wait3A_76] : memref<1024x32896xf32, #tpu.memory_space<hbm>> -> memref<1x16384xf32, #tpu.memory_space<hbm>>
    %dma_wait3A_78 = tpu.memref_squeeze %dma_wait3A_77 : memref<1x16384xf32, #tpu.memory_space<hbm>> -> memref<16384xf32, #tpu.memory_space<hbm>>
    tpu.wait_dma2 semaphore(%arg6 : memref<!tpu.dma_semaphore, #tpu.memory_space<semaphore_mem>>) src(%dma_wait3A_78 : memref<16384xf32, #tpu.memory_space<hbm>>) dst(%dma_wait3A_75 : memref<16384xf32, #tpu.memory_space<vmem>>)
    %dma_wait3A_79 = arith.constant 16384 : i32
    %dma_wait3A_80 = tpu.memref_slice %arg5[%dma_wait3A_79] : memref<32896xf32, #tpu.memory_space<vmem>> -> memref<16512xf32, #tpu.memory_space<vmem>>
    %dma_wait3A_81 = arith.constant 16384 : i32
    %dma_wait3A_82 = tpu.memref_slice %arg2[%mul3A_2, %dma_wait3A_81] : memref<1024x32896xf32, #tpu.memory_space<hbm>> -> memref<1x16512xf32, #tpu.memory_space<hbm>>
    %dma_wait3A_83 = tpu.memref_squeeze %dma_wait3A_82 : memref<1x16512xf32, #tpu.memory_space<hbm>> -> memref<16512xf32, #tpu.memory_space<hbm>>
    %dma_wait3A_84 = arith.constant 16384 : i32
    %dma_wait3A_85 = tpu.memref_slice %arg5[%dma_wait3A_84] : memref<32896xf32, #tpu.memory_space<vmem>> -> memref<16512xf32, #tpu.memory_space<vmem>>
    %dma_wait3A_86 = arith.constant 16384 : i32
    %dma_wait3A_87 = tpu.memref_slice %arg2[%mul3A_2, %dma_wait3A_86] : memref<1024x32896xf32, #tpu.memory_space<hbm>> -> memref<1x16512xf32, #tpu.memory_space<hbm>>
    %dma_wait3A_88 = tpu.memref_squeeze %dma_wait3A_87 : memref<1x16512xf32, #tpu.memory_space<hbm>> -> memref<16512xf32, #tpu.memory_space<hbm>>
    tpu.wait_dma2 semaphore(%arg7 : memref<!tpu.dma_semaphore, #tpu.memory_space<semaphore_mem>>) src(%dma_wait3A_88 : memref<16512xf32, #tpu.memory_space<hbm>>) dst(%dma_wait3A_85 : memref<16512xf32, #tpu.memory_space<vmem>>)
    %scan3A = arith.constant 0 : i32
    %scan3A_89 = arith.constant 0 : i32
    %scan3A_90 = arith.constant 32 : i32
    %scan3A_91 = arith.addi %scan3A_89, %scan3A_90 : i32
    %scan3A_92 = arith.constant 1 : i32
    %scan3A_93 = scf.for %scan3A_130 = %scan3A_89 to %scan3A_91 step %scan3A_92 iter_args(%scan3A_131 = %scan3A) -> (i32)  : i32 {
      %add3A_132 = arith.addi %mul3A_2, %scan3A_130 : i32
      %gt3A = arith.constant 0 : i32
      %gt3A_133 = arith.cmpi sgt, %scan3A_130, %gt3A : i32
      %convert_element_type3A = arith.extui %gt3A_133 : i1 to i32
      %cond3A = arith.constant 0 : i32
      %cond3A_134 = arith.cmpi ne, %convert_element_type3A, %cond3A : i32
      scf.if %cond3A_134 {
        %dma_wait3A_291 = arith.constant 16384 : i32
        %dma_wait3A_292 = tpu.memref_slice %arg5[%dma_wait3A_291] : memref<32896xf32, #tpu.memory_space<vmem>> -> memref<16512xf32, #tpu.memory_space<vmem>>
        %dma_wait3A_293 = arith.constant 16384 : i32
        %dma_wait3A_294 = tpu.memref_slice %arg2[%add3A_132, %dma_wait3A_293] : memref<1024x32896xf32, #tpu.memory_space<hbm>> -> memref<1x16512xf32, #tpu.memory_space<hbm>>
        %dma_wait3A_295 = tpu.memref_squeeze %dma_wait3A_294 : memref<1x16512xf32, #tpu.memory_space<hbm>> -> memref<16512xf32, #tpu.memory_space<hbm>>
        %dma_wait3A_296 = arith.constant 16384 : i32
        %dma_wait3A_297 = tpu.memref_slice %arg5[%dma_wait3A_296] : memref<32896xf32, #tpu.memory_space<vmem>> -> memref<16512xf32, #tpu.memory_space<vmem>>
        %dma_wait3A_298 = arith.constant 16384 : i32
        %dma_wait3A_299 = tpu.memref_slice %arg2[%add3A_132, %dma_wait3A_298] : memref<1024x32896xf32, #tpu.memory_space<hbm>> -> memref<1x16512xf32, #tpu.memory_space<hbm>>
        %dma_wait3A_300 = tpu.memref_squeeze %dma_wait3A_299 : memref<1x16512xf32, #tpu.memory_space<hbm>> -> memref<16512xf32, #tpu.memory_space<hbm>>
        tpu.wait_dma2 semaphore(%arg7 : memref<!tpu.dma_semaphore, #tpu.memory_space<semaphore_mem>>) src(%dma_wait3A_300 : memref<16512xf32, #tpu.memory_space<hbm>>) dst(%dma_wait3A_297 : memref<16512xf32, #tpu.memory_space<vmem>>)
        %sub3A_301 = arith.constant 1 : i32
        %sub3A_302 = arith.subi %add3A_132, %sub3A_301 : i32
        %dma_wait3A_303 = arith.constant 128 : i32
        %dma_wait3A_304 = arith.constant 0 : i32
        %dma_wait3A_305 = tpu.memref_slice %arg4[%dma_wait3A_303, %dma_wait3A_304] : memref<256x256xf32, #tpu.memory_space<vmem>> -> memref<128x256xf32, #tpu.memory_space<vmem>>
        %dma_wait3A_306 = arith.constant 128 : i32
        %dma_wait3A_307 = arith.constant 0 : i32
        %dma_wait3A_308 = tpu.memref_slice %arg3[%sub3A_302, %dma_wait3A_306, %dma_wait3A_307] : memref<1024x256x256xf32, #tpu.memory_space<hbm>> -> memref<1x128x256xf32, #tpu.memory_space<hbm>>
        %dma_wait3A_309 = tpu.memref_squeeze %dma_wait3A_308 : memref<1x128x256xf32, #tpu.memory_space<hbm>> -> memref<128x256xf32, #tpu.memory_space<hbm>>
        %dma_wait3A_310 = arith.constant 128 : i32
        %dma_wait3A_311 = arith.constant 0 : i32
        %dma_wait3A_312 = tpu.memref_slice %arg3[%sub3A_302, %dma_wait3A_310, %dma_wait3A_311] : memref<1024x256x256xf32, #tpu.memory_space<hbm>> -> memref<1x128x256xf32, #tpu.memory_space<hbm>>
        %dma_wait3A_313 = tpu.memref_squeeze %dma_wait3A_312 : memref<1x128x256xf32, #tpu.memory_space<hbm>> -> memref<128x256xf32, #tpu.memory_space<hbm>>
        %dma_wait3A_314 = arith.constant 128 : i32
        %dma_wait3A_315 = arith.constant 0 : i32
        %dma_wait3A_316 = tpu.memref_slice %arg4[%dma_wait3A_314, %dma_wait3A_315] : memref<256x256xf32, #tpu.memory_space<vmem>> -> memref<128x256xf32, #tpu.memory_space<vmem>>
        tpu.wait_dma2 semaphore(%arg8 : memref<!tpu.dma_semaphore, #tpu.memory_space<semaphore_mem>>) src(%dma_wait3A_316 : memref<128x256xf32, #tpu.memory_space<vmem>>) dst(%dma_wait3A_313 : memref<128x256xf32, #tpu.memory_space<hbm>>)
      } else {
      }
      %parallel_loop3A_135 = arith.constant 181 : i32
      %parallel_loop3A_136 = arith.constant 256 : i32
      %parallel_loop3A_137 = arith.constant 1 : i32
      scf.for %parallel_loop3A_291 = %parallel_loop3A_135 to %parallel_loop3A_136 step %parallel_loop3A_137  : i32 {
        %parallel_loop3A_292 = arith.constant 1 : i32
        %parallel_loop3A_293 = arith.addi %parallel_loop3A_291, %parallel_loop3A_292 : i32
        %parallel_loop3A_294 = arith.muli %parallel_loop3A_291, %parallel_loop3A_293 : i32
        %parallel_loop3A_295 = arith.constant 1 : i32
        %parallel_loop3A_296 = arith.shrsi %parallel_loop3A_294, %parallel_loop3A_295 : i32
        %parallel_loop3A_297 = arith.constant 0 : i32
        %parallel_loop3A_298 = arith.addi %parallel_loop3A_296, %parallel_loop3A_297 : i32
        %parallel_loop3A_299 = arith.index_cast %parallel_loop3A_298 : i32 to index
        %parallel_loop3A_300 = tpu.vector_load %arg5[%parallel_loop3A_299] {strides = array<i32>} : memref<32896xf32, #tpu.memory_space<vmem>>, vector<16xf32>,
        %parallel_loop3A_301 = vector.shape_cast %parallel_loop3A_300 : vector<16xf32> to vector<16xf32>
        %parallel_loop3A_302 = arith.index_cast %parallel_loop3A_291 : i32 to index
        %parallel_loop3A_303 = arith.constant 0 : index
        %parallel_loop3A_304 = tpu.vector_load %arg4[%parallel_loop3A_302, %parallel_loop3A_303] {strides = array<i32>} : memref<256x256xf32, #tpu.memory_space<vmem>>, vector<1x16xf32>,
        %parallel_loop3A_305 = vector.shape_cast %parallel_loop3A_304 : vector<1x16xf32> to vector<16xf32>
        %parallel_loop3A_306 = vector.shape_cast %parallel_loop3A_301 : vector<16xf32> to vector<1x16xf32>
        tpu.vector_store %arg4[%parallel_loop3A_302, %parallel_loop3A_303], %parallel_loop3A_306 {strides = array<i32>} : memref<256x256xf32, #tpu.memory_space<vmem>>, vector<1x16xf32>,
      } {sc.loop_unroll_factor = 8 : i64, sc.parallel_access}
      %parallel_loop3A_138 = arith.constant 181 : i32
      %parallel_loop3A_139 = arith.constant 256 : i32
      %parallel_loop3A_140 = arith.constant 1 : i32
      scf.for %parallel_loop3A_291 = %parallel_loop3A_138 to %parallel_loop3A_139 step %parallel_loop3A_140  : i32 {
        %parallel_loop3A_292 = arith.constant 1 : i32
        %parallel_loop3A_293 = arith.addi %parallel_loop3A_291, %parallel_loop3A_292 : i32
        %parallel_loop3A_294 = arith.muli %parallel_loop3A_291, %parallel_loop3A_293 : i32
        %parallel_loop3A_295 = arith.constant 1 : i32
        %parallel_loop3A_296 = arith.shrsi %parallel_loop3A_294, %parallel_loop3A_295 : i32
        %parallel_loop3A_297 = arith.constant 16 : i32
        %parallel_loop3A_298 = arith.addi %parallel_loop3A_296, %parallel_loop3A_297 : i32
        %parallel_loop3A_299 = arith.index_cast %parallel_loop3A_298 : i32 to index
        %parallel_loop3A_300 = tpu.vector_load %arg5[%parallel_loop3A_299] {strides = array<i32>} : memref<32896xf32, #tpu.memory_space<vmem>>, vector<16xf32>,
        %parallel_loop3A_301 = vector.shape_cast %parallel_loop3A_300 : vector<16xf32> to vector<16xf32>
        %parallel_loop3A_302 = arith.index_cast %parallel_loop3A_291 : i32 to index
        %parallel_loop3A_303 = arith.constant 16 : index
        %parallel_loop3A_304 = tpu.vector_load %arg4[%parallel_loop3A_302, %parallel_loop3A_303] {strides = array<i32>} : memref<256x256xf32, #tpu.memory_space<vmem>>, vector<1x16xf32>,
        %parallel_loop3A_305 = vector.shape_cast %parallel_loop3A_304 : vector<1x16xf32> to vector<16xf32>
        %parallel_loop3A_306 = vector.shape_cast %parallel_loop3A_301 : vector<16xf32> to vector<1x16xf32>
        tpu.vector_store %arg4[%parallel_loop3A_302, %parallel_loop3A_303], %parallel_loop3A_306 {strides = array<i32>} : memref<256x256xf32, #tpu.memory_space<vmem>>, vector<1x16xf32>,
      } {sc.loop_unroll_factor = 8 : i64, sc.parallel_access}
      %parallel_loop3A_141 = arith.constant 181 : i32
      %parallel_loop3A_142 = arith.constant 256 : i32
      %parallel_loop3A_143 = arith.constant 1 : i32
      scf.for %parallel_loop3A_291 = %parallel_loop3A_141 to %parallel_loop3A_142 step %parallel_loop3A_143  : i32 {
        %parallel_loop3A_292 = arith.constant 1 : i32
        %parallel_loop3A_293 = arith.addi %parallel_loop3A_291, %parallel_loop3A_292 : i32
        %parallel_loop3A_294 = arith.muli %parallel_loop3A_291, %parallel_loop3A_293 : i32
        %parallel_loop3A_295 = arith.constant 1 : i32
        %parallel_loop3A_296 = arith.shrsi %parallel_loop3A_294, %parallel_loop3A_295 : i32
        %parallel_loop3A_297 = arith.constant 32 : i32
        %parallel_loop3A_298 = arith.addi %parallel_loop3A_296, %parallel_loop3A_297 : i32
        %parallel_loop3A_299 = arith.index_cast %parallel_loop3A_298 : i32 to index
        %parallel_loop3A_300 = tpu.vector_load %arg5[%parallel_loop3A_299] {strides = array<i32>} : memref<32896xf32, #tpu.memory_space<vmem>>, vector<16xf32>,
        %parallel_loop3A_301 = vector.shape_cast %parallel_loop3A_300 : vector<16xf32> to vector<16xf32>
        %parallel_loop3A_302 = arith.index_cast %parallel_loop3A_291 : i32 to index
        %parallel_loop3A_303 = arith.constant 32 : index
        %parallel_loop3A_304 = tpu.vector_load %arg4[%parallel_loop3A_302, %parallel_loop3A_303] {strides = array<i32>} : memref<256x256xf32, #tpu.memory_space<vmem>>, vector<1x16xf32>,
        %parallel_loop3A_305 = vector.shape_cast %parallel_loop3A_304 : vector<1x16xf32> to vector<16xf32>
        %parallel_loop3A_306 = vector.shape_cast %parallel_loop3A_301 : vector<16xf32> to vector<1x16xf32>
        tpu.vector_store %arg4[%parallel_loop3A_302, %parallel_loop3A_303], %parallel_loop3A_306 {strides = array<i32>} : memref<256x256xf32, #tpu.memory_space<vmem>>, vector<1x16xf32>,
      } {sc.loop_unroll_factor = 8 : i64, sc.parallel_access}
      %parallel_loop3A_144 = arith.constant 181 : i32
      %parallel_loop3A_145 = arith.constant 256 : i32
      %parallel_loop3A_146 = arith.constant 1 : i32
      scf.for %parallel_loop3A_291 = %parallel_loop3A_144 to %parallel_loop3A_145 step %parallel_loop3A_146  : i32 {
        %parallel_loop3A_292 = arith.constant 1 : i32
        %parallel_loop3A_293 = arith.addi %parallel_loop3A_291, %parallel_loop3A_292 : i32
        %parallel_loop3A_294 = arith.muli %parallel_loop3A_291, %parallel_loop3A_293 : i32
        %parallel_loop3A_295 = arith.constant 1 : i32
        %parallel_loop3A_296 = arith.shrsi %parallel_loop3A_294, %parallel_loop3A_295 : i32
        %parallel_loop3A_297 = arith.constant 48 : i32
        %parallel_loop3A_298 = arith.addi %parallel_loop3A_296, %parallel_loop3A_297 : i32
        %parallel_loop3A_299 = arith.index_cast %parallel_loop3A_298 : i32 to index
        %parallel_loop3A_300 = tpu.vector_load %arg5[%parallel_loop3A_299] {strides = array<i32>} : memref<32896xf32, #tpu.memory_space<vmem>>, vector<16xf32>,
        %parallel_loop3A_301 = vector.shape_cast %parallel_loop3A_300 : vector<16xf32> to vector<16xf32>
        %parallel_loop3A_302 = arith.index_cast %parallel_loop3A_291 : i32 to index
        %parallel_loop3A_303 = arith.constant 48 : index
        %parallel_loop3A_304 = tpu.vector_load %arg4[%parallel_loop3A_302, %parallel_loop3A_303] {strides = array<i32>} : memref<256x256xf32, #tpu.memory_space<vmem>>, vector<1x16xf32>,
        %parallel_loop3A_305 = vector.shape_cast %parallel_loop3A_304 : vector<1x16xf32> to vector<16xf32>
        %parallel_loop3A_306 = vector.shape_cast %parallel_loop3A_301 : vector<16xf32> to vector<1x16xf32>
        tpu.vector_store %arg4[%parallel_loop3A_302, %parallel_loop3A_303], %parallel_loop3A_306 {strides = array<i32>} : memref<256x256xf32, #tpu.memory_space<vmem>>, vector<1x16xf32>,
      } {sc.loop_unroll_factor = 8 : i64, sc.parallel_access}
      %parallel_loop3A_147 = arith.constant 181 : i32
      %parallel_loop3A_148 = arith.constant 256 : i32
      %parallel_loop3A_149 = arith.constant 1 : i32
      scf.for %parallel_loop3A_291 = %parallel_loop3A_147 to %parallel_loop3A_148 step %parallel_loop3A_149  : i32 {
        %parallel_loop3A_292 = arith.constant 1 : i32
        %parallel_loop3A_293 = arith.addi %parallel_loop3A_291, %parallel_loop3A_292 : i32
        %parallel_loop3A_294 = arith.muli %parallel_loop3A_291, %parallel_loop3A_293 : i32
        %parallel_loop3A_295 = arith.constant 1 : i32
        %parallel_loop3A_296 = arith.shrsi %parallel_loop3A_294, %parallel_loop3A_295 : i32
        %parallel_loop3A_297 = arith.constant 64 : i32
        %parallel_loop3A_298 = arith.addi %parallel_loop3A_296, %parallel_loop3A_297 : i32
        %parallel_loop3A_299 = arith.index_cast %parallel_loop3A_298 : i32 to index
        %parallel_loop3A_300 = tpu.vector_load %arg5[%parallel_loop3A_299] {strides = array<i32>} : memref<32896xf32, #tpu.memory_space<vmem>>, vector<16xf32>,
        %parallel_loop3A_301 = vector.shape_cast %parallel_loop3A_300 : vector<16xf32> to vector<16xf32>
        %parallel_loop3A_302 = arith.index_cast %parallel_loop3A_291 : i32 to index
        %parallel_loop3A_303 = arith.constant 64 : index
        %parallel_loop3A_304 = tpu.vector_load %arg4[%parallel_loop3A_302, %parallel_loop3A_303] {strides = array<i32>} : memref<256x256xf32, #tpu.memory_space<vmem>>, vector<1x16xf32>,
        %parallel_loop3A_305 = vector.shape_cast %parallel_loop3A_304 : vector<1x16xf32> to vector<16xf32>
        %parallel_loop3A_306 = vector.shape_cast %parallel_loop3A_301 : vector<16xf32> to vector<1x16xf32>
        tpu.vector_store %arg4[%parallel_loop3A_302, %parallel_loop3A_303], %parallel_loop3A_306 {strides = array<i32>} : memref<256x256xf32, #tpu.memory_space<vmem>>, vector<1x16xf32>,
      } {sc.loop_unroll_factor = 8 : i64, sc.parallel_access}
      %parallel_loop3A_150 = arith.constant 181 : i32
      %parallel_loop3A_151 = arith.constant 256 : i32
      %parallel_loop3A_152 = arith.constant 1 : i32
      scf.for %parallel_loop3A_291 = %parallel_loop3A_150 to %parallel_loop3A_151 step %parallel_loop3A_152  : i32 {
        %parallel_loop3A_292 = arith.constant 1 : i32
        %parallel_loop3A_293 = arith.addi %parallel_loop3A_291, %parallel_loop3A_292 : i32
        %parallel_loop3A_294 = arith.muli %parallel_loop3A_291, %parallel_loop3A_293 : i32
        %parallel_loop3A_295 = arith.constant 1 : i32
        %parallel_loop3A_296 = arith.shrsi %parallel_loop3A_294, %parallel_loop3A_295 : i32
        %parallel_loop3A_297 = arith.constant 80 : i32
        %parallel_loop3A_298 = arith.addi %parallel_loop3A_296, %parallel_loop3A_297 : i32
        %parallel_loop3A_299 = arith.index_cast %parallel_loop3A_298 : i32 to index
        %parallel_loop3A_300 = tpu.vector_load %arg5[%parallel_loop3A_299] {strides = array<i32>} : memref<32896xf32, #tpu.memory_space<vmem>>, vector<16xf32>,
        %parallel_loop3A_301 = vector.shape_cast %parallel_loop3A_300 : vector<16xf32> to vector<16xf32>
        %parallel_loop3A_302 = arith.index_cast %parallel_loop3A_291 : i32 to index
        %parallel_loop3A_303 = arith.constant 80 : index
        %parallel_loop3A_304 = tpu.vector_load %arg4[%parallel_loop3A_302, %parallel_loop3A_303] {strides = array<i32>} : memref<256x256xf32, #tpu.memory_space<vmem>>, vector<1x16xf32>,
        %parallel_loop3A_305 = vector.shape_cast %parallel_loop3A_304 : vector<1x16xf32> to vector<16xf32>
        %parallel_loop3A_306 = vector.shape_cast %parallel_loop3A_301 : vector<16xf32> to vector<1x16xf32>
        tpu.vector_store %arg4[%parallel_loop3A_302, %parallel_loop3A_303], %parallel_loop3A_306 {strides = array<i32>} : memref<256x256xf32, #tpu.memory_space<vmem>>, vector<1x16xf32>,
      } {sc.loop_unroll_factor = 8 : i64, sc.parallel_access}
      %parallel_loop3A_153 = arith.constant 181 : i32
      %parallel_loop3A_154 = arith.constant 256 : i32
      %parallel_loop3A_155 = arith.constant 1 : i32
      scf.for %parallel_loop3A_291 = %parallel_loop3A_153 to %parallel_loop3A_154 step %parallel_loop3A_155  : i32 {
        %parallel_loop3A_292 = arith.constant 1 : i32
        %parallel_loop3A_293 = arith.addi %parallel_loop3A_291, %parallel_loop3A_292 : i32
        %parallel_loop3A_294 = arith.muli %parallel_loop3A_291, %parallel_loop3A_293 : i32
        %parallel_loop3A_295 = arith.constant 1 : i32
        %parallel_loop3A_296 = arith.shrsi %parallel_loop3A_294, %parallel_loop3A_295 : i32
        %parallel_loop3A_297 = arith.constant 96 : i32
        %parallel_loop3A_298 = arith.addi %parallel_loop3A_296, %parallel_loop3A_297 : i32
        %parallel_loop3A_299 = arith.index_cast %parallel_loop3A_298 : i32 to index
        %parallel_loop3A_300 = tpu.vector_load %arg5[%parallel_loop3A_299] {strides = array<i32>} : memref<32896xf32, #tpu.memory_space<vmem>>, vector<16xf32>,
        %parallel_loop3A_301 = vector.shape_cast %parallel_loop3A_300 : vector<16xf32> to vector<16xf32>
        %parallel_loop3A_302 = arith.index_cast %parallel_loop3A_291 : i32 to index
        %parallel_loop3A_303 = arith.constant 96 : index
        %parallel_loop3A_304 = tpu.vector_load %arg4[%parallel_loop3A_302, %parallel_loop3A_303] {strides = array<i32>} : memref<256x256xf32, #tpu.memory_space<vmem>>, vector<1x16xf32>,
        %parallel_loop3A_305 = vector.shape_cast %parallel_loop3A_304 : vector<1x16xf32> to vector<16xf32>
        %parallel_loop3A_306 = vector.shape_cast %parallel_loop3A_301 : vector<16xf32> to vector<1x16xf32>
        tpu.vector_store %arg4[%parallel_loop3A_302, %parallel_loop3A_303], %parallel_loop3A_306 {strides = array<i32>} : memref<256x256xf32, #tpu.memory_space<vmem>>, vector<1x16xf32>,
      } {sc.loop_unroll_factor = 8 : i64, sc.parallel_access}
      %parallel_loop3A_156 = arith.constant 181 : i32
      %parallel_loop3A_157 = arith.constant 256 : i32
      %parallel_loop3A_158 = arith.constant 1 : i32
      scf.for %parallel_loop3A_291 = %parallel_loop3A_156 to %parallel_loop3A_157 step %parallel_loop3A_158  : i32 {
        %parallel_loop3A_292 = arith.constant 1 : i32
        %parallel_loop3A_293 = arith.addi %parallel_loop3A_291, %parallel_loop3A_292 : i32
        %parallel_loop3A_294 = arith.muli %parallel_loop3A_291, %parallel_loop3A_293 : i32
        %parallel_loop3A_295 = arith.constant 1 : i32
        %parallel_loop3A_296 = arith.shrsi %parallel_loop3A_294, %parallel_loop3A_295 : i32
        %parallel_loop3A_297 = arith.constant 112 : i32
        %parallel_loop3A_298 = arith.addi %parallel_loop3A_296, %parallel_loop3A_297 : i32
        %parallel_loop3A_299 = arith.index_cast %parallel_loop3A_298 : i32 to index
        %parallel_loop3A_300 = tpu.vector_load %arg5[%parallel_loop3A_299] {strides = array<i32>} : memref<32896xf32, #tpu.memory_space<vmem>>, vector<16xf32>,
        %parallel_loop3A_301 = vector.shape_cast %parallel_loop3A_300 : vector<16xf32> to vector<16xf32>
        %parallel_loop3A_302 = arith.index_cast %parallel_loop3A_291 : i32 to index
        %parallel_loop3A_303 = arith.constant 112 : index
        %parallel_loop3A_304 = tpu.vector_load %arg4[%parallel_loop3A_302, %parallel_loop3A_303] {strides = array<i32>} : memref<256x256xf32, #tpu.memory_space<vmem>>, vector<1x16xf32>,
        %parallel_loop3A_305 = vector.shape_cast %parallel_loop3A_304 : vector<1x16xf32> to vector<16xf32>
        %parallel_loop3A_306 = vector.shape_cast %parallel_loop3A_301 : vector<16xf32> to vector<1x16xf32>
        tpu.vector_store %arg4[%parallel_loop3A_302, %parallel_loop3A_303], %parallel_loop3A_306 {strides = array<i32>} : memref<256x256xf32, #tpu.memory_space<vmem>>, vector<1x16xf32>,
      } {sc.loop_unroll_factor = 8 : i64, sc.parallel_access}
      %parallel_loop3A_159 = arith.constant 181 : i32
      %parallel_loop3A_160 = arith.constant 256 : i32
      %parallel_loop3A_161 = arith.constant 1 : i32
      scf.for %parallel_loop3A_291 = %parallel_loop3A_159 to %parallel_loop3A_160 step %parallel_loop3A_161  : i32 {
        %parallel_loop3A_292 = arith.constant 1 : i32
        %parallel_loop3A_293 = arith.addi %parallel_loop3A_291, %parallel_loop3A_292 : i32
        %parallel_loop3A_294 = arith.muli %parallel_loop3A_291, %parallel_loop3A_293 : i32
        %parallel_loop3A_295 = arith.constant 1 : i32
        %parallel_loop3A_296 = arith.shrsi %parallel_loop3A_294, %parallel_loop3A_295 : i32
        %parallel_loop3A_297 = arith.constant 128 : i32
        %parallel_loop3A_298 = arith.addi %parallel_loop3A_296, %parallel_loop3A_297 : i32
        %parallel_loop3A_299 = arith.index_cast %parallel_loop3A_298 : i32 to index
        %parallel_loop3A_300 = tpu.vector_load %arg5[%parallel_loop3A_299] {strides = array<i32>} : memref<32896xf32, #tpu.memory_space<vmem>>, vector<16xf32>,
        %parallel_loop3A_301 = vector.shape_cast %parallel_loop3A_300 : vector<16xf32> to vector<16xf32>
        %parallel_loop3A_302 = arith.index_cast %parallel_loop3A_291 : i32 to index
        %parallel_loop3A_303 = arith.constant 128 : index
        %parallel_loop3A_304 = tpu.vector_load %arg4[%parallel_loop3A_302, %parallel_loop3A_303] {strides = array<i32>} : memref<256x256xf32, #tpu.memory_space<vmem>>, vector<1x16xf32>,
        %parallel_loop3A_305 = vector.shape_cast %parallel_loop3A_304 : vector<1x16xf32> to vector<16xf32>
        %parallel_loop3A_306 = vector.shape_cast %parallel_loop3A_301 : vector<16xf32> to vector<1x16xf32>
        tpu.vector_store %arg4[%parallel_loop3A_302, %parallel_loop3A_303], %parallel_loop3A_306 {strides = array<i32>} : memref<256x256xf32, #tpu.memory_space<vmem>>, vector<1x16xf32>,
      } {sc.loop_unroll_factor = 8 : i64, sc.parallel_access}
      %parallel_loop3A_162 = arith.constant 181 : i32
      %parallel_loop3A_163 = arith.constant 256 : i32
      %parallel_loop3A_164 = arith.constant 1 : i32
      scf.for %parallel_loop3A_291 = %parallel_loop3A_162 to %parallel_loop3A_163 step %parallel_loop3A_164  : i32 {
        %parallel_loop3A_292 = arith.constant 1 : i32
        %parallel_loop3A_293 = arith.addi %parallel_loop3A_291, %parallel_loop3A_292 : i32
        %parallel_loop3A_294 = arith.muli %parallel_loop3A_291, %parallel_loop3A_293 : i32
        %parallel_loop3A_295 = arith.constant 1 : i32
        %parallel_loop3A_296 = arith.shrsi %parallel_loop3A_294, %parallel_loop3A_295 : i32
        %parallel_loop3A_297 = arith.constant 144 : i32
        %parallel_loop3A_298 = arith.addi %parallel_loop3A_296, %parallel_loop3A_297 : i32
        %parallel_loop3A_299 = arith.index_cast %parallel_loop3A_298 : i32 to index
        %parallel_loop3A_300 = tpu.vector_load %arg5[%parallel_loop3A_299] {strides = array<i32>} : memref<32896xf32, #tpu.memory_space<vmem>>, vector<16xf32>,
        %parallel_loop3A_301 = vector.shape_cast %parallel_loop3A_300 : vector<16xf32> to vector<16xf32>
        %parallel_loop3A_302 = arith.index_cast %parallel_loop3A_291 : i32 to index
        %parallel_loop3A_303 = arith.constant 144 : index
        %parallel_loop3A_304 = tpu.vector_load %arg4[%parallel_loop3A_302, %parallel_loop3A_303] {strides = array<i32>} : memref<256x256xf32, #tpu.memory_space<vmem>>, vector<1x16xf32>,
        %parallel_loop3A_305 = vector.shape_cast %parallel_loop3A_304 : vector<1x16xf32> to vector<16xf32>
        %parallel_loop3A_306 = vector.shape_cast %parallel_loop3A_301 : vector<16xf32> to vector<1x16xf32>
        tpu.vector_store %arg4[%parallel_loop3A_302, %parallel_loop3A_303], %parallel_loop3A_306 {strides = array<i32>} : memref<256x256xf32, #tpu.memory_space<vmem>>, vector<1x16xf32>,
      } {sc.loop_unroll_factor = 8 : i64, sc.parallel_access}
      %parallel_loop3A_165 = arith.constant 181 : i32
      %parallel_loop3A_166 = arith.constant 256 : i32
      %parallel_loop3A_167 = arith.constant 1 : i32
      scf.for %parallel_loop3A_291 = %parallel_loop3A_165 to %parallel_loop3A_166 step %parallel_loop3A_167  : i32 {
        %parallel_loop3A_292 = arith.constant 1 : i32
        %parallel_loop3A_293 = arith.addi %parallel_loop3A_291, %parallel_loop3A_292 : i32
        %parallel_loop3A_294 = arith.muli %parallel_loop3A_291, %parallel_loop3A_293 : i32
        %parallel_loop3A_295 = arith.constant 1 : i32
        %parallel_loop3A_296 = arith.shrsi %parallel_loop3A_294, %parallel_loop3A_295 : i32
        %parallel_loop3A_297 = arith.constant 160 : i32
        %parallel_loop3A_298 = arith.addi %parallel_loop3A_296, %parallel_loop3A_297 : i32
        %parallel_loop3A_299 = arith.index_cast %parallel_loop3A_298 : i32 to index
        %parallel_loop3A_300 = tpu.vector_load %arg5[%parallel_loop3A_299] {strides = array<i32>} : memref<32896xf32, #tpu.memory_space<vmem>>, vector<16xf32>,
        %parallel_loop3A_301 = vector.shape_cast %parallel_loop3A_300 : vector<16xf32> to vector<16xf32>
        %parallel_loop3A_302 = arith.index_cast %parallel_loop3A_291 : i32 to index
        %parallel_loop3A_303 = arith.constant 160 : index
        %parallel_loop3A_304 = tpu.vector_load %arg4[%parallel_loop3A_302, %parallel_loop3A_303] {strides = array<i32>} : memref<256x256xf32, #tpu.memory_space<vmem>>, vector<1x16xf32>,
        %parallel_loop3A_305 = vector.shape_cast %parallel_loop3A_304 : vector<1x16xf32> to vector<16xf32>
        %parallel_loop3A_306 = vector.shape_cast %parallel_loop3A_301 : vector<16xf32> to vector<1x16xf32>
        tpu.vector_store %arg4[%parallel_loop3A_302, %parallel_loop3A_303], %parallel_loop3A_306 {strides = array<i32>} : memref<256x256xf32, #tpu.memory_space<vmem>>, vector<1x16xf32>,
      } {sc.loop_unroll_factor = 8 : i64, sc.parallel_access}
      %parallel_loop3A_168 = arith.constant 192 : i32
      %parallel_loop3A_169 = arith.constant 256 : i32
      %parallel_loop3A_170 = arith.constant 1 : i32
      scf.for %parallel_loop3A_291 = %parallel_loop3A_168 to %parallel_loop3A_169 step %parallel_loop3A_170  : i32 {
        %parallel_loop3A_292 = arith.constant 1 : i32
        %parallel_loop3A_293 = arith.addi %parallel_loop3A_291, %parallel_loop3A_292 : i32
        %parallel_loop3A_294 = arith.muli %parallel_loop3A_291, %parallel_loop3A_293 : i32
        %parallel_loop3A_295 = arith.constant 1 : i32
        %parallel_loop3A_296 = arith.shrsi %parallel_loop3A_294, %parallel_loop3A_295 : i32
        %parallel_loop3A_297 = arith.constant 176 : i32
        %parallel_loop3A_298 = arith.addi %parallel_loop3A_296, %parallel_loop3A_297 : i32
        %parallel_loop3A_299 = arith.index_cast %parallel_loop3A_298 : i32 to index
        %parallel_loop3A_300 = tpu.vector_load %arg5[%parallel_loop3A_299] {strides = array<i32>} : memref<32896xf32, #tpu.memory_space<vmem>>, vector<16xf32>,
        %parallel_loop3A_301 = vector.shape_cast %parallel_loop3A_300 : vector<16xf32> to vector<16xf32>
        %parallel_loop3A_302 = arith.index_cast %parallel_loop3A_291 : i32 to index
        %parallel_loop3A_303 = arith.constant 176 : index
        %parallel_loop3A_304 = tpu.vector_load %arg4[%parallel_loop3A_302, %parallel_loop3A_303] {strides = array<i32>} : memref<256x256xf32, #tpu.memory_space<vmem>>, vector<1x16xf32>,
        %parallel_loop3A_305 = vector.shape_cast %parallel_loop3A_304 : vector<1x16xf32> to vector<16xf32>
        %parallel_loop3A_306 = vector.shape_cast %parallel_loop3A_301 : vector<16xf32> to vector<1x16xf32>
        tpu.vector_store %arg4[%parallel_loop3A_302, %parallel_loop3A_303], %parallel_loop3A_306 {strides = array<i32>} : memref<256x256xf32, #tpu.memory_space<vmem>>, vector<1x16xf32>,
      } {sc.loop_unroll_factor = 8 : i64, sc.parallel_access}
      %parallel_loop3A_171 = arith.constant 208 : i32
      %parallel_loop3A_172 = arith.constant 256 : i32
      %parallel_loop3A_173 = arith.constant 1 : i32
      scf.for %parallel_loop3A_291 = %parallel_loop3A_171 to %parallel_loop3A_172 step %parallel_loop3A_173  : i32 {
        %parallel_loop3A_292 = arith.constant 1 : i32
        %parallel_loop3A_293 = arith.addi %parallel_loop3A_291, %parallel_loop3A_292 : i32
        %parallel_loop3A_294 = arith.muli %parallel_loop3A_291, %parallel_loop3A_293 : i32
        %parallel_loop3A_295 = arith.constant 1 : i32
        %parallel_loop3A_296 = arith.shrsi %parallel_loop3A_294, %parallel_loop3A_295 : i32
        %parallel_loop3A_297 = arith.constant 192 : i32
        %parallel_loop3A_298 = arith.addi %parallel_loop3A_296, %parallel_loop3A_297 : i32
        %parallel_loop3A_299 = arith.index_cast %parallel_loop3A_298 : i32 to index
        %parallel_loop3A_300 = tpu.vector_load %arg5[%parallel_loop3A_299] {strides = array<i32>} : memref<32896xf32, #tpu.memory_space<vmem>>, vector<16xf32>,
        %parallel_loop3A_301 = vector.shape_cast %parallel_loop3A_300 : vector<16xf32> to vector<16xf32>
        %parallel_loop3A_302 = arith.index_cast %parallel_loop3A_291 : i32 to index
        %parallel_loop3A_303 = arith.constant 192 : index
        %parallel_loop3A_304 = tpu.vector_load %arg4[%parallel_loop3A_302, %parallel_loop3A_303] {strides = array<i32>} : memref<256x256xf32, #tpu.memory_space<vmem>>, vector<1x16xf32>,
        %parallel_loop3A_305 = vector.shape_cast %parallel_loop3A_304 : vector<1x16xf32> to vector<16xf32>
        %parallel_loop3A_306 = vector.shape_cast %parallel_loop3A_301 : vector<16xf32> to vector<1x16xf32>
        tpu.vector_store %arg4[%parallel_loop3A_302, %parallel_loop3A_303], %parallel_loop3A_306 {strides = array<i32>} : memref<256x256xf32, #tpu.memory_space<vmem>>, vector<1x16xf32>,
      } {sc.loop_unroll_factor = 8 : i64, sc.parallel_access}
      %parallel_loop3A_174 = arith.constant 224 : i32
      %parallel_loop3A_175 = arith.constant 256 : i32
      %parallel_loop3A_176 = arith.constant 1 : i32
      scf.for %parallel_loop3A_291 = %parallel_loop3A_174 to %parallel_loop3A_175 step %parallel_loop3A_176  : i32 {
        %parallel_loop3A_292 = arith.constant 1 : i32
        %parallel_loop3A_293 = arith.addi %parallel_loop3A_291, %parallel_loop3A_292 : i32
        %parallel_loop3A_294 = arith.muli %parallel_loop3A_291, %parallel_loop3A_293 : i32
        %parallel_loop3A_295 = arith.constant 1 : i32
        %parallel_loop3A_296 = arith.shrsi %parallel_loop3A_294, %parallel_loop3A_295 : i32
        %parallel_loop3A_297 = arith.constant 208 : i32
        %parallel_loop3A_298 = arith.addi %parallel_loop3A_296, %parallel_loop3A_297 : i32
        %parallel_loop3A_299 = arith.index_cast %parallel_loop3A_298 : i32 to index
        %parallel_loop3A_300 = tpu.vector_load %arg5[%parallel_loop3A_299] {strides = array<i32>} : memref<32896xf32, #tpu.memory_space<vmem>>, vector<16xf32>,
        %parallel_loop3A_301 = vector.shape_cast %parallel_loop3A_300 : vector<16xf32> to vector<16xf32>
        %parallel_loop3A_302 = arith.index_cast %parallel_loop3A_291 : i32 to index
        %parallel_loop3A_303 = arith.constant 208 : index
        %parallel_loop3A_304 = tpu.vector_load %arg4[%parallel_loop3A_302, %parallel_loop3A_303] {strides = array<i32>} : memref<256x256xf32, #tpu.memory_space<vmem>>, vector<1x16xf32>,
        %parallel_loop3A_305 = vector.shape_cast %parallel_loop3A_304 : vector<1x16xf32> to vector<16xf32>
        %parallel_loop3A_306 = vector.shape_cast %parallel_loop3A_301 : vector<16xf32> to vector<1x16xf32>
        tpu.vector_store %arg4[%parallel_loop3A_302, %parallel_loop3A_303], %parallel_loop3A_306 {strides = array<i32>} : memref<256x256xf32, #tpu.memory_space<vmem>>, vector<1x16xf32>,
      } {sc.loop_unroll_factor = 8 : i64, sc.parallel_access}
      %parallel_loop3A_177 = arith.constant 240 : i32
      %parallel_loop3A_178 = arith.constant 256 : i32
      %parallel_loop3A_179 = arith.constant 1 : i32
      scf.for %parallel_loop3A_291 = %parallel_loop3A_177 to %parallel_loop3A_178 step %parallel_loop3A_179  : i32 {
        %parallel_loop3A_292 = arith.constant 1 : i32
        %parallel_loop3A_293 = arith.addi %parallel_loop3A_291, %parallel_loop3A_292 : i32
        %parallel_loop3A_294 = arith.muli %parallel_loop3A_291, %parallel_loop3A_293 : i32
        %parallel_loop3A_295 = arith.constant 1 : i32
        %parallel_loop3A_296 = arith.shrsi %parallel_loop3A_294, %parallel_loop3A_295 : i32
        %parallel_loop3A_297 = arith.constant 224 : i32
        %parallel_loop3A_298 = arith.addi %parallel_loop3A_296, %parallel_loop3A_297 : i32
        %parallel_loop3A_299 = arith.index_cast %parallel_loop3A_298 : i32 to index
        %parallel_loop3A_300 = tpu.vector_load %arg5[%parallel_loop3A_299] {strides = array<i32>} : memref<32896xf32, #tpu.memory_space<vmem>>, vector<16xf32>,
        %parallel_loop3A_301 = vector.shape_cast %parallel_loop3A_300 : vector<16xf32> to vector<16xf32>
        %parallel_loop3A_302 = arith.index_cast %parallel_loop3A_291 : i32 to index
        %parallel_loop3A_303 = arith.constant 224 : index
        %parallel_loop3A_304 = tpu.vector_load %arg4[%parallel_loop3A_302, %parallel_loop3A_303] {strides = array<i32>} : memref<256x256xf32, #tpu.memory_space<vmem>>, vector<1x16xf32>,
        %parallel_loop3A_305 = vector.shape_cast %parallel_loop3A_304 : vector<1x16xf32> to vector<16xf32>
        %parallel_loop3A_306 = vector.shape_cast %parallel_loop3A_301 : vector<16xf32> to vector<1x16xf32>
        tpu.vector_store %arg4[%parallel_loop3A_302, %parallel_loop3A_303], %parallel_loop3A_306 {strides = array<i32>} : memref<256x256xf32, #tpu.memory_space<vmem>>, vector<1x16xf32>,
      } {sc.loop_unroll_factor = 8 : i64, sc.parallel_access}
      %parallel_loop3A_180 = arith.constant 181 : i32
      %parallel_loop3A_181 = arith.constant 256 : i32
      %parallel_loop3A_182 = arith.constant 1 : i32
      scf.for %parallel_loop3A_291 = %parallel_loop3A_180 to %parallel_loop3A_181 step %parallel_loop3A_182  : i32 {
        %parallel_loop3A_292 = arith.constant 1 : i32
        %parallel_loop3A_293 = arith.addi %parallel_loop3A_291, %parallel_loop3A_292 : i32
        %parallel_loop3A_294 = arith.muli %parallel_loop3A_291, %parallel_loop3A_293 : i32
        %parallel_loop3A_295 = arith.constant 1 : i32
        %parallel_loop3A_296 = arith.shrsi %parallel_loop3A_294, %parallel_loop3A_295 : i32
        %parallel_loop3A_297 = arith.constant 4 : i32
        %parallel_loop3A_298 = arith.shrsi %parallel_loop3A_291, %parallel_loop3A_297 : i32
        %parallel_loop3A_299 = arith.constant 16 : i32
        %parallel_loop3A_300 = arith.muli %parallel_loop3A_298, %parallel_loop3A_299 : i32
        %parallel_loop3A_301 = vector.broadcast %parallel_loop3A_300 : i32 to vector<16xi32>
        %parallel_loop3A_302 = arith.addi %parallel_loop3A_301, %iota3A : vector<16xi32>
        %parallel_loop3A_303 = arith.addi %parallel_loop3A_296, %parallel_loop3A_300 : i32
        %parallel_loop3A_304 = arith.index_cast %parallel_loop3A_303 : i32 to index
        %parallel_loop3A_305 = tpu.vector_load %arg5[%parallel_loop3A_304] {strides = array<i32>} : memref<32896xf32, #tpu.memory_space<vmem>>, vector<16xf32>,
        %parallel_loop3A_306 = vector.shape_cast %parallel_loop3A_305 : vector<16xf32> to vector<16xf32>
        %parallel_loop3A_307 = arith.constant 5.000000e-01 : f32
        %parallel_loop3A_308 = vector.broadcast %parallel_loop3A_307 : f32 to vector<16xf32>
        %parallel_loop3A_309 = arith.addf %parallel_loop3A_308, %parallel_loop3A_306 : vector<16xf32>
        %parallel_loop3A_310 = math.absf %parallel_loop3A_309 : vector<16xf32>
        %parallel_loop3A_311 = arith.constant 9.99999971E-10 : f32
        %parallel_loop3A_312 = vector.broadcast %parallel_loop3A_311 : f32 to vector<16xf32>
        %parallel_loop3A_313 = arith.addf %parallel_loop3A_310, %parallel_loop3A_312 : vector<16xf32>
        %parallel_loop3A_314 = vector.broadcast %parallel_loop3A_291 : i32 to vector<16xi32>
        %parallel_loop3A_315 = arith.cmpi slt, %parallel_loop3A_302, %parallel_loop3A_314 : vector<16xi32>
        %parallel_loop3A_316 = vector.broadcast %parallel_loop3A_291 : i32 to vector<16xi32>
        %parallel_loop3A_317 = arith.cmpi eq, %parallel_loop3A_302, %parallel_loop3A_316 : vector<16xi32>
        %parallel_loop3A_318 = arith.select %parallel_loop3A_317, %parallel_loop3A_313, %broadcast_in_dim3A_3 : vector<16xi1>, vector<16xf32>
        %parallel_loop3A_319 = arith.select %parallel_loop3A_315, %parallel_loop3A_306, %parallel_loop3A_318 : vector<16xi1>, vector<16xf32>
        %parallel_loop3A_320 = arith.index_cast %parallel_loop3A_291 : i32 to index
        %parallel_loop3A_321 = arith.index_cast %parallel_loop3A_300 : i32 to index
        %parallel_loop3A_322 = tpu.vector_load %arg4[%parallel_loop3A_320, %parallel_loop3A_321] {strides = array<i32>} : memref<256x256xf32, #tpu.memory_space<vmem>>, vector<1x16xf32>,
        %parallel_loop3A_323 = vector.shape_cast %parallel_loop3A_322 : vector<1x16xf32> to vector<16xf32>
        %parallel_loop3A_324 = vector.shape_cast %parallel_loop3A_319 : vector<16xf32> to vector<1x16xf32>
        tpu.vector_store %arg4[%parallel_loop3A_320, %parallel_loop3A_321], %parallel_loop3A_324 {strides = array<i32>} : memref<256x256xf32, #tpu.memory_space<vmem>>, vector<1x16xf32>,
      } {sc.loop_unroll_factor = 4 : i64, sc.parallel_access}
      %gt3A_183 = arith.constant 0 : i32
      %gt3A_184 = arith.cmpi sgt, %scan3A_130, %gt3A_183 : i32
      %convert_element_type3A_185 = arith.extui %gt3A_184 : i1 to i32
      %cond3A_186 = arith.constant 0 : i32
      %cond3A_187 = arith.cmpi ne, %convert_element_type3A_185, %cond3A_186 : i32
      scf.if %cond3A_187 {
        %dma_wait3A_291 = arith.constant 0 : i32
        %dma_wait3A_292 = tpu.memref_slice %arg5[%dma_wait3A_291] : memref<32896xf32, #tpu.memory_space<vmem>> -> memref<16384xf32, #tpu.memory_space<vmem>>
        %dma_wait3A_293 = arith.constant 0 : i32
        %dma_wait3A_294 = tpu.memref_slice %arg2[%add3A_132, %dma_wait3A_293] : memref<1024x32896xf32, #tpu.memory_space<hbm>> -> memref<1x16384xf32, #tpu.memory_space<hbm>>
        %dma_wait3A_295 = tpu.memref_squeeze %dma_wait3A_294 : memref<1x16384xf32, #tpu.memory_space<hbm>> -> memref<16384xf32, #tpu.memory_space<hbm>>
        %dma_wait3A_296 = arith.constant 0 : i32
        %dma_wait3A_297 = tpu.memref_slice %arg5[%dma_wait3A_296] : memref<32896xf32, #tpu.memory_space<vmem>> -> memref<16384xf32, #tpu.memory_space<vmem>>
        %dma_wait3A_298 = arith.constant 0 : i32
        %dma_wait3A_299 = tpu.memref_slice %arg2[%add3A_132, %dma_wait3A_298] : memref<1024x32896xf32, #tpu.memory_space<hbm>> -> memref<1x16384xf32, #tpu.memory_space<hbm>>
        %dma_wait3A_300 = tpu.memref_squeeze %dma_wait3A_299 : memref<1x16384xf32, #tpu.memory_space<hbm>> -> memref<16384xf32, #tpu.memory_space<hbm>>
        tpu.wait_dma2 semaphore(%arg6 : memref<!tpu.dma_semaphore, #tpu.memory_space<semaphore_mem>>) src(%dma_wait3A_300 : memref<16384xf32, #tpu.memory_space<hbm>>) dst(%dma_wait3A_297 : memref<16384xf32, #tpu.memory_space<vmem>>)
      } else {
      }
      %parallel_loop3A_188 = arith.constant 128 : i32
      %parallel_loop3A_189 = arith.constant 181 : i32
      %parallel_loop3A_190 = arith.constant 1 : i32
      scf.for %parallel_loop3A_291 = %parallel_loop3A_188 to %parallel_loop3A_189 step %parallel_loop3A_190  : i32 {
        %parallel_loop3A_292 = arith.constant 1 : i32
        %parallel_loop3A_293 = arith.addi %parallel_loop3A_291, %parallel_loop3A_292 : i32
        %parallel_loop3A_294 = arith.muli %parallel_loop3A_291, %parallel_loop3A_293 : i32
        %parallel_loop3A_295 = arith.constant 1 : i32
        %parallel_loop3A_296 = arith.shrsi %parallel_loop3A_294, %parallel_loop3A_295 : i32
        %parallel_loop3A_297 = arith.constant 0 : i32
        %parallel_loop3A_298 = arith.addi %parallel_loop3A_296, %parallel_loop3A_297 : i32
        %parallel_loop3A_299 = arith.index_cast %parallel_loop3A_298 : i32 to index
        %parallel_loop3A_300 = tpu.vector_load %arg5[%parallel_loop3A_299] {strides = array<i32>} : memref<32896xf32, #tpu.memory_space<vmem>>, vector<16xf32>,
        %parallel_loop3A_301 = vector.shape_cast %parallel_loop3A_300 : vector<16xf32> to vector<16xf32>
        %parallel_loop3A_302 = arith.index_cast %parallel_loop3A_291 : i32 to index
        %parallel_loop3A_303 = arith.constant 0 : index
        %parallel_loop3A_304 = tpu.vector_load %arg4[%parallel_loop3A_302, %parallel_loop3A_303] {strides = array<i32>} : memref<256x256xf32, #tpu.memory_space<vmem>>, vector<1x16xf32>,
        %parallel_loop3A_305 = vector.shape_cast %parallel_loop3A_304 : vector<1x16xf32> to vector<16xf32>
        %parallel_loop3A_306 = vector.shape_cast %parallel_loop3A_301 : vector<16xf32> to vector<1x16xf32>
        tpu.vector_store %arg4[%parallel_loop3A_302, %parallel_loop3A_303], %parallel_loop3A_306 {strides = array<i32>} : memref<256x256xf32, #tpu.memory_space<vmem>>, vector<1x16xf32>,
      } {sc.loop_unroll_factor = 8 : i64, sc.parallel_access}
      %parallel_loop3A_191 = arith.constant 128 : i32
      %parallel_loop3A_192 = arith.constant 181 : i32
      %parallel_loop3A_193 = arith.constant 1 : i32
      scf.for %parallel_loop3A_291 = %parallel_loop3A_191 to %parallel_loop3A_192 step %parallel_loop3A_193  : i32 {
        %parallel_loop3A_292 = arith.constant 1 : i32
        %parallel_loop3A_293 = arith.addi %parallel_loop3A_291, %parallel_loop3A_292 : i32
        %parallel_loop3A_294 = arith.muli %parallel_loop3A_291, %parallel_loop3A_293 : i32
        %parallel_loop3A_295 = arith.constant 1 : i32
        %parallel_loop3A_296 = arith.shrsi %parallel_loop3A_294, %parallel_loop3A_295 : i32
        %parallel_loop3A_297 = arith.constant 16 : i32
        %parallel_loop3A_298 = arith.addi %parallel_loop3A_296, %parallel_loop3A_297 : i32
        %parallel_loop3A_299 = arith.index_cast %parallel_loop3A_298 : i32 to index
        %parallel_loop3A_300 = tpu.vector_load %arg5[%parallel_loop3A_299] {strides = array<i32>} : memref<32896xf32, #tpu.memory_space<vmem>>, vector<16xf32>,
        %parallel_loop3A_301 = vector.shape_cast %parallel_loop3A_300 : vector<16xf32> to vector<16xf32>
        %parallel_loop3A_302 = arith.index_cast %parallel_loop3A_291 : i32 to index
        %parallel_loop3A_303 = arith.constant 16 : index
        %parallel_loop3A_304 = tpu.vector_load %arg4[%parallel_loop3A_302, %parallel_loop3A_303] {strides = array<i32>} : memref<256x256xf32, #tpu.memory_space<vmem>>, vector<1x16xf32>,
        %parallel_loop3A_305 = vector.shape_cast %parallel_loop3A_304 : vector<1x16xf32> to vector<16xf32>
        %parallel_loop3A_306 = vector.shape_cast %parallel_loop3A_301 : vector<16xf32> to vector<1x16xf32>
        tpu.vector_store %arg4[%parallel_loop3A_302, %parallel_loop3A_303], %parallel_loop3A_306 {strides = array<i32>} : memref<256x256xf32, #tpu.memory_space<vmem>>, vector<1x16xf32>,
      } {sc.loop_unroll_factor = 8 : i64, sc.parallel_access}
      %parallel_loop3A_194 = arith.constant 128 : i32
      %parallel_loop3A_195 = arith.constant 181 : i32
      %parallel_loop3A_196 = arith.constant 1 : i32
      scf.for %parallel_loop3A_291 = %parallel_loop3A_194 to %parallel_loop3A_195 step %parallel_loop3A_196  : i32 {
        %parallel_loop3A_292 = arith.constant 1 : i32
        %parallel_loop3A_293 = arith.addi %parallel_loop3A_291, %parallel_loop3A_292 : i32
        %parallel_loop3A_294 = arith.muli %parallel_loop3A_291, %parallel_loop3A_293 : i32
        %parallel_loop3A_295 = arith.constant 1 : i32
        %parallel_loop3A_296 = arith.shrsi %parallel_loop3A_294, %parallel_loop3A_295 : i32
        %parallel_loop3A_297 = arith.constant 32 : i32
        %parallel_loop3A_298 = arith.addi %parallel_loop3A_296, %parallel_loop3A_297 : i32
        %parallel_loop3A_299 = arith.index_cast %parallel_loop3A_298 : i32 to index
        %parallel_loop3A_300 = tpu.vector_load %arg5[%parallel_loop3A_299] {strides = array<i32>} : memref<32896xf32, #tpu.memory_space<vmem>>, vector<16xf32>,
        %parallel_loop3A_301 = vector.shape_cast %parallel_loop3A_300 : vector<16xf32> to vector<16xf32>
        %parallel_loop3A_302 = arith.index_cast %parallel_loop3A_291 : i32 to index
        %parallel_loop3A_303 = arith.constant 32 : index
        %parallel_loop3A_304 = tpu.vector_load %arg4[%parallel_loop3A_302, %parallel_loop3A_303] {strides = array<i32>} : memref<256x256xf32, #tpu.memory_space<vmem>>, vector<1x16xf32>,
        %parallel_loop3A_305 = vector.shape_cast %parallel_loop3A_304 : vector<1x16xf32> to vector<16xf32>
        %parallel_loop3A_306 = vector.shape_cast %parallel_loop3A_301 : vector<16xf32> to vector<1x16xf32>
        tpu.vector_store %arg4[%parallel_loop3A_302, %parallel_loop3A_303], %parallel_loop3A_306 {strides = array<i32>} : memref<256x256xf32, #tpu.memory_space<vmem>>, vector<1x16xf32>,
      } {sc.loop_unroll_factor = 8 : i64, sc.parallel_access}
      %parallel_loop3A_197 = arith.constant 128 : i32
      %parallel_loop3A_198 = arith.constant 181 : i32
      %parallel_loop3A_199 = arith.constant 1 : i32
      scf.for %parallel_loop3A_291 = %parallel_loop3A_197 to %parallel_loop3A_198 step %parallel_loop3A_199  : i32 {
        %parallel_loop3A_292 = arith.constant 1 : i32
        %parallel_loop3A_293 = arith.addi %parallel_loop3A_291, %parallel_loop3A_292 : i32
        %parallel_loop3A_294 = arith.muli %parallel_loop3A_291, %parallel_loop3A_293 : i32
        %parallel_loop3A_295 = arith.constant 1 : i32
        %parallel_loop3A_296 = arith.shrsi %parallel_loop3A_294, %parallel_loop3A_295 : i32
        %parallel_loop3A_297 = arith.constant 48 : i32
        %parallel_loop3A_298 = arith.addi %parallel_loop3A_296, %parallel_loop3A_297 : i32
        %parallel_loop3A_299 = arith.index_cast %parallel_loop3A_298 : i32 to index
        %parallel_loop3A_300 = tpu.vector_load %arg5[%parallel_loop3A_299] {strides = array<i32>} : memref<32896xf32, #tpu.memory_space<vmem>>, vector<16xf32>,
        %parallel_loop3A_301 = vector.shape_cast %parallel_loop3A_300 : vector<16xf32> to vector<16xf32>
        %parallel_loop3A_302 = arith.index_cast %parallel_loop3A_291 : i32 to index
        %parallel_loop3A_303 = arith.constant 48 : index
        %parallel_loop3A_304 = tpu.vector_load %arg4[%parallel_loop3A_302, %parallel_loop3A_303] {strides = array<i32>} : memref<256x256xf32, #tpu.memory_space<vmem>>, vector<1x16xf32>,
        %parallel_loop3A_305 = vector.shape_cast %parallel_loop3A_304 : vector<1x16xf32> to vector<16xf32>
        %parallel_loop3A_306 = vector.shape_cast %parallel_loop3A_301 : vector<16xf32> to vector<1x16xf32>
        tpu.vector_store %arg4[%parallel_loop3A_302, %parallel_loop3A_303], %parallel_loop3A_306 {strides = array<i32>} : memref<256x256xf32, #tpu.memory_space<vmem>>, vector<1x16xf32>,
      } {sc.loop_unroll_factor = 8 : i64, sc.parallel_access}
      %parallel_loop3A_200 = arith.constant 128 : i32
      %parallel_loop3A_201 = arith.constant 181 : i32
      %parallel_loop3A_202 = arith.constant 1 : i32
      scf.for %parallel_loop3A_291 = %parallel_loop3A_200 to %parallel_loop3A_201 step %parallel_loop3A_202  : i32 {
        %parallel_loop3A_292 = arith.constant 1 : i32
        %parallel_loop3A_293 = arith.addi %parallel_loop3A_291, %parallel_loop3A_292 : i32
        %parallel_loop3A_294 = arith.muli %parallel_loop3A_291, %parallel_loop3A_293 : i32
        %parallel_loop3A_295 = arith.constant 1 : i32
        %parallel_loop3A_296 = arith.shrsi %parallel_loop3A_294, %parallel_loop3A_295 : i32
        %parallel_loop3A_297 = arith.constant 64 : i32
        %parallel_loop3A_298 = arith.addi %parallel_loop3A_296, %parallel_loop3A_297 : i32
        %parallel_loop3A_299 = arith.index_cast %parallel_loop3A_298 : i32 to index
        %parallel_loop3A_300 = tpu.vector_load %arg5[%parallel_loop3A_299] {strides = array<i32>} : memref<32896xf32, #tpu.memory_space<vmem>>, vector<16xf32>,
        %parallel_loop3A_301 = vector.shape_cast %parallel_loop3A_300 : vector<16xf32> to vector<16xf32>
        %parallel_loop3A_302 = arith.index_cast %parallel_loop3A_291 : i32 to index
        %parallel_loop3A_303 = arith.constant 64 : index
        %parallel_loop3A_304 = tpu.vector_load %arg4[%parallel_loop3A_302, %parallel_loop3A_303] {strides = array<i32>} : memref<256x256xf32, #tpu.memory_space<vmem>>, vector<1x16xf32>,
        %parallel_loop3A_305 = vector.shape_cast %parallel_loop3A_304 : vector<1x16xf32> to vector<16xf32>
        %parallel_loop3A_306 = vector.shape_cast %parallel_loop3A_301 : vector<16xf32> to vector<1x16xf32>
        tpu.vector_store %arg4[%parallel_loop3A_302, %parallel_loop3A_303], %parallel_loop3A_306 {strides = array<i32>} : memref<256x256xf32, #tpu.memory_space<vmem>>, vector<1x16xf32>,
      } {sc.loop_unroll_factor = 8 : i64, sc.parallel_access}
      %parallel_loop3A_203 = arith.constant 128 : i32
      %parallel_loop3A_204 = arith.constant 181 : i32
      %parallel_loop3A_205 = arith.constant 1 : i32
      scf.for %parallel_loop3A_291 = %parallel_loop3A_203 to %parallel_loop3A_204 step %parallel_loop3A_205  : i32 {
        %parallel_loop3A_292 = arith.constant 1 : i32
        %parallel_loop3A_293 = arith.addi %parallel_loop3A_291, %parallel_loop3A_292 : i32
        %parallel_loop3A_294 = arith.muli %parallel_loop3A_291, %parallel_loop3A_293 : i32
        %parallel_loop3A_295 = arith.constant 1 : i32
        %parallel_loop3A_296 = arith.shrsi %parallel_loop3A_294, %parallel_loop3A_295 : i32
        %parallel_loop3A_297 = arith.constant 80 : i32
        %parallel_loop3A_298 = arith.addi %parallel_loop3A_296, %parallel_loop3A_297 : i32
        %parallel_loop3A_299 = arith.index_cast %parallel_loop3A_298 : i32 to index
        %parallel_loop3A_300 = tpu.vector_load %arg5[%parallel_loop3A_299] {strides = array<i32>} : memref<32896xf32, #tpu.memory_space<vmem>>, vector<16xf32>,
        %parallel_loop3A_301 = vector.shape_cast %parallel_loop3A_300 : vector<16xf32> to vector<16xf32>
        %parallel_loop3A_302 = arith.index_cast %parallel_loop3A_291 : i32 to index
        %parallel_loop3A_303 = arith.constant 80 : index
        %parallel_loop3A_304 = tpu.vector_load %arg4[%parallel_loop3A_302, %parallel_loop3A_303] {strides = array<i32>} : memref<256x256xf32, #tpu.memory_space<vmem>>, vector<1x16xf32>,
        %parallel_loop3A_305 = vector.shape_cast %parallel_loop3A_304 : vector<1x16xf32> to vector<16xf32>
        %parallel_loop3A_306 = vector.shape_cast %parallel_loop3A_301 : vector<16xf32> to vector<1x16xf32>
        tpu.vector_store %arg4[%parallel_loop3A_302, %parallel_loop3A_303], %parallel_loop3A_306 {strides = array<i32>} : memref<256x256xf32, #tpu.memory_space<vmem>>, vector<1x16xf32>,
      } {sc.loop_unroll_factor = 8 : i64, sc.parallel_access}
      %parallel_loop3A_206 = arith.constant 128 : i32
      %parallel_loop3A_207 = arith.constant 181 : i32
      %parallel_loop3A_208 = arith.constant 1 : i32
      scf.for %parallel_loop3A_291 = %parallel_loop3A_206 to %parallel_loop3A_207 step %parallel_loop3A_208  : i32 {
        %parallel_loop3A_292 = arith.constant 1 : i32
        %parallel_loop3A_293 = arith.addi %parallel_loop3A_291, %parallel_loop3A_292 : i32
        %parallel_loop3A_294 = arith.muli %parallel_loop3A_291, %parallel_loop3A_293 : i32
        %parallel_loop3A_295 = arith.constant 1 : i32
        %parallel_loop3A_296 = arith.shrsi %parallel_loop3A_294, %parallel_loop3A_295 : i32
        %parallel_loop3A_297 = arith.constant 96 : i32
        %parallel_loop3A_298 = arith.addi %parallel_loop3A_296, %parallel_loop3A_297 : i32
        %parallel_loop3A_299 = arith.index_cast %parallel_loop3A_298 : i32 to index
        %parallel_loop3A_300 = tpu.vector_load %arg5[%parallel_loop3A_299] {strides = array<i32>} : memref<32896xf32, #tpu.memory_space<vmem>>, vector<16xf32>,
        %parallel_loop3A_301 = vector.shape_cast %parallel_loop3A_300 : vector<16xf32> to vector<16xf32>
        %parallel_loop3A_302 = arith.index_cast %parallel_loop3A_291 : i32 to index
        %parallel_loop3A_303 = arith.constant 96 : index
        %parallel_loop3A_304 = tpu.vector_load %arg4[%parallel_loop3A_302, %parallel_loop3A_303] {strides = array<i32>} : memref<256x256xf32, #tpu.memory_space<vmem>>, vector<1x16xf32>,
        %parallel_loop3A_305 = vector.shape_cast %parallel_loop3A_304 : vector<1x16xf32> to vector<16xf32>
        %parallel_loop3A_306 = vector.shape_cast %parallel_loop3A_301 : vector<16xf32> to vector<1x16xf32>
        tpu.vector_store %arg4[%parallel_loop3A_302, %parallel_loop3A_303], %parallel_loop3A_306 {strides = array<i32>} : memref<256x256xf32, #tpu.memory_space<vmem>>, vector<1x16xf32>,
      } {sc.loop_unroll_factor = 8 : i64, sc.parallel_access}
      %parallel_loop3A_209 = arith.constant 128 : i32
      %parallel_loop3A_210 = arith.constant 181 : i32
      %parallel_loop3A_211 = arith.constant 1 : i32
      scf.for %parallel_loop3A_291 = %parallel_loop3A_209 to %parallel_loop3A_210 step %parallel_loop3A_211  : i32 {
        %parallel_loop3A_292 = arith.constant 1 : i32
        %parallel_loop3A_293 = arith.addi %parallel_loop3A_291, %parallel_loop3A_292 : i32
        %parallel_loop3A_294 = arith.muli %parallel_loop3A_291, %parallel_loop3A_293 : i32
        %parallel_loop3A_295 = arith.constant 1 : i32
        %parallel_loop3A_296 = arith.shrsi %parallel_loop3A_294, %parallel_loop3A_295 : i32
        %parallel_loop3A_297 = arith.constant 112 : i32
        %parallel_loop3A_298 = arith.addi %parallel_loop3A_296, %parallel_loop3A_297 : i32
        %parallel_loop3A_299 = arith.index_cast %parallel_loop3A_298 : i32 to index
        %parallel_loop3A_300 = tpu.vector_load %arg5[%parallel_loop3A_299] {strides = array<i32>} : memref<32896xf32, #tpu.memory_space<vmem>>, vector<16xf32>,
        %parallel_loop3A_301 = vector.shape_cast %parallel_loop3A_300 : vector<16xf32> to vector<16xf32>
        %parallel_loop3A_302 = arith.index_cast %parallel_loop3A_291 : i32 to index
        %parallel_loop3A_303 = arith.constant 112 : index
        %parallel_loop3A_304 = tpu.vector_load %arg4[%parallel_loop3A_302, %parallel_loop3A_303] {strides = array<i32>} : memref<256x256xf32, #tpu.memory_space<vmem>>, vector<1x16xf32>,
        %parallel_loop3A_305 = vector.shape_cast %parallel_loop3A_304 : vector<1x16xf32> to vector<16xf32>
        %parallel_loop3A_306 = vector.shape_cast %parallel_loop3A_301 : vector<16xf32> to vector<1x16xf32>
        tpu.vector_store %arg4[%parallel_loop3A_302, %parallel_loop3A_303], %parallel_loop3A_306 {strides = array<i32>} : memref<256x256xf32, #tpu.memory_space<vmem>>, vector<1x16xf32>,
      } {sc.loop_unroll_factor = 8 : i64, sc.parallel_access}
      %parallel_loop3A_212 = arith.constant 144 : i32
      %parallel_loop3A_213 = arith.constant 181 : i32
      %parallel_loop3A_214 = arith.constant 1 : i32
      scf.for %parallel_loop3A_291 = %parallel_loop3A_212 to %parallel_loop3A_213 step %parallel_loop3A_214  : i32 {
        %parallel_loop3A_292 = arith.constant 1 : i32
        %parallel_loop3A_293 = arith.addi %parallel_loop3A_291, %parallel_loop3A_292 : i32
        %parallel_loop3A_294 = arith.muli %parallel_loop3A_291, %parallel_loop3A_293 : i32
        %parallel_loop3A_295 = arith.constant 1 : i32
        %parallel_loop3A_296 = arith.shrsi %parallel_loop3A_294, %parallel_loop3A_295 : i32
        %parallel_loop3A_297 = arith.constant 128 : i32
        %parallel_loop3A_298 = arith.addi %parallel_loop3A_296, %parallel_loop3A_297 : i32
        %parallel_loop3A_299 = arith.index_cast %parallel_loop3A_298 : i32 to index
        %parallel_loop3A_300 = tpu.vector_load %arg5[%parallel_loop3A_299] {strides = array<i32>} : memref<32896xf32, #tpu.memory_space<vmem>>, vector<16xf32>,
        %parallel_loop3A_301 = vector.shape_cast %parallel_loop3A_300 : vector<16xf32> to vector<16xf32>
        %parallel_loop3A_302 = arith.index_cast %parallel_loop3A_291 : i32 to index
        %parallel_loop3A_303 = arith.constant 128 : index
        %parallel_loop3A_304 = tpu.vector_load %arg4[%parallel_loop3A_302, %parallel_loop3A_303] {strides = array<i32>} : memref<256x256xf32, #tpu.memory_space<vmem>>, vector<1x16xf32>,
        %parallel_loop3A_305 = vector.shape_cast %parallel_loop3A_304 : vector<1x16xf32> to vector<16xf32>
        %parallel_loop3A_306 = vector.shape_cast %parallel_loop3A_301 : vector<16xf32> to vector<1x16xf32>
        tpu.vector_store %arg4[%parallel_loop3A_302, %parallel_loop3A_303], %parallel_loop3A_306 {strides = array<i32>} : memref<256x256xf32, #tpu.memory_space<vmem>>, vector<1x16xf32>,
      } {sc.loop_unroll_factor = 8 : i64, sc.parallel_access}
      %parallel_loop3A_215 = arith.constant 160 : i32
      %parallel_loop3A_216 = arith.constant 181 : i32
      %parallel_loop3A_217 = arith.constant 1 : i32
      scf.for %parallel_loop3A_291 = %parallel_loop3A_215 to %parallel_loop3A_216 step %parallel_loop3A_217  : i32 {
        %parallel_loop3A_292 = arith.constant 1 : i32
        %parallel_loop3A_293 = arith.addi %parallel_loop3A_291, %parallel_loop3A_292 : i32
        %parallel_loop3A_294 = arith.muli %parallel_loop3A_291, %parallel_loop3A_293 : i32
        %parallel_loop3A_295 = arith.constant 1 : i32
        %parallel_loop3A_296 = arith.shrsi %parallel_loop3A_294, %parallel_loop3A_295 : i32
        %parallel_loop3A_297 = arith.constant 144 : i32
        %parallel_loop3A_298 = arith.addi %parallel_loop3A_296, %parallel_loop3A_297 : i32
        %parallel_loop3A_299 = arith.index_cast %parallel_loop3A_298 : i32 to index
        %parallel_loop3A_300 = tpu.vector_load %arg5[%parallel_loop3A_299] {strides = array<i32>} : memref<32896xf32, #tpu.memory_space<vmem>>, vector<16xf32>,
        %parallel_loop3A_301 = vector.shape_cast %parallel_loop3A_300 : vector<16xf32> to vector<16xf32>
        %parallel_loop3A_302 = arith.index_cast %parallel_loop3A_291 : i32 to index
        %parallel_loop3A_303 = arith.constant 144 : index
        %parallel_loop3A_304 = tpu.vector_load %arg4[%parallel_loop3A_302, %parallel_loop3A_303] {strides = array<i32>} : memref<256x256xf32, #tpu.memory_space<vmem>>, vector<1x16xf32>,
        %parallel_loop3A_305 = vector.shape_cast %parallel_loop3A_304 : vector<1x16xf32> to vector<16xf32>
        %parallel_loop3A_306 = vector.shape_cast %parallel_loop3A_301 : vector<16xf32> to vector<1x16xf32>
        tpu.vector_store %arg4[%parallel_loop3A_302, %parallel_loop3A_303], %parallel_loop3A_306 {strides = array<i32>} : memref<256x256xf32, #tpu.memory_space<vmem>>, vector<1x16xf32>,
      } {sc.loop_unroll_factor = 8 : i64, sc.parallel_access}
      %parallel_loop3A_218 = arith.constant 176 : i32
      %parallel_loop3A_219 = arith.constant 181 : i32
      %parallel_loop3A_220 = arith.constant 1 : i32
      scf.for %parallel_loop3A_291 = %parallel_loop3A_218 to %parallel_loop3A_219 step %parallel_loop3A_220  : i32 {
        %parallel_loop3A_292 = arith.constant 1 : i32
        %parallel_loop3A_293 = arith.addi %parallel_loop3A_291, %parallel_loop3A_292 : i32
        %parallel_loop3A_294 = arith.muli %parallel_loop3A_291, %parallel_loop3A_293 : i32
        %parallel_loop3A_295 = arith.constant 1 : i32
        %parallel_loop3A_296 = arith.shrsi %parallel_loop3A_294, %parallel_loop3A_295 : i32
        %parallel_loop3A_297 = arith.constant 160 : i32
        %parallel_loop3A_298 = arith.addi %parallel_loop3A_296, %parallel_loop3A_297 : i32
        %parallel_loop3A_299 = arith.index_cast %parallel_loop3A_298 : i32 to index
        %parallel_loop3A_300 = tpu.vector_load %arg5[%parallel_loop3A_299] {strides = array<i32>} : memref<32896xf32, #tpu.memory_space<vmem>>, vector<16xf32>,
        %parallel_loop3A_301 = vector.shape_cast %parallel_loop3A_300 : vector<16xf32> to vector<16xf32>
        %parallel_loop3A_302 = arith.index_cast %parallel_loop3A_291 : i32 to index
        %parallel_loop3A_303 = arith.constant 160 : index
        %parallel_loop3A_304 = tpu.vector_load %arg4[%parallel_loop3A_302, %parallel_loop3A_303] {strides = array<i32>} : memref<256x256xf32, #tpu.memory_space<vmem>>, vector<1x16xf32>,
        %parallel_loop3A_305 = vector.shape_cast %parallel_loop3A_304 : vector<1x16xf32> to vector<16xf32>
        %parallel_loop3A_306 = vector.shape_cast %parallel_loop3A_301 : vector<16xf32> to vector<1x16xf32>
        tpu.vector_store %arg4[%parallel_loop3A_302, %parallel_loop3A_303], %parallel_loop3A_306 {strides = array<i32>} : memref<256x256xf32, #tpu.memory_space<vmem>>, vector<1x16xf32>,
      } {sc.loop_unroll_factor = 8 : i64, sc.parallel_access}
      %parallel_loop3A_221 = arith.constant 128 : i32
      %parallel_loop3A_222 = arith.constant 181 : i32
      %parallel_loop3A_223 = arith.constant 1 : i32
      scf.for %parallel_loop3A_291 = %parallel_loop3A_221 to %parallel_loop3A_222 step %parallel_loop3A_223  : i32 {
        %parallel_loop3A_292 = arith.constant 1 : i32
        %parallel_loop3A_293 = arith.addi %parallel_loop3A_291, %parallel_loop3A_292 : i32
        %parallel_loop3A_294 = arith.muli %parallel_loop3A_291, %parallel_loop3A_293 : i32
        %parallel_loop3A_295 = arith.constant 1 : i32
        %parallel_loop3A_296 = arith.shrsi %parallel_loop3A_294, %parallel_loop3A_295 : i32
        %parallel_loop3A_297 = arith.constant 4 : i32
        %parallel_loop3A_298 = arith.shrsi %parallel_loop3A_291, %parallel_loop3A_297 : i32
        %parallel_loop3A_299 = arith.constant 16 : i32
        %parallel_loop3A_300 = arith.muli %parallel_loop3A_298, %parallel_loop3A_299 : i32
        %parallel_loop3A_301 = vector.broadcast %parallel_loop3A_300 : i32 to vector<16xi32>
        %parallel_loop3A_302 = arith.addi %parallel_loop3A_301, %iota3A : vector<16xi32>
        %parallel_loop3A_303 = arith.addi %parallel_loop3A_296, %parallel_loop3A_300 : i32
        %parallel_loop3A_304 = arith.index_cast %parallel_loop3A_303 : i32 to index
        %parallel_loop3A_305 = tpu.vector_load %arg5[%parallel_loop3A_304] {strides = array<i32>} : memref<32896xf32, #tpu.memory_space<vmem>>, vector<16xf32>,
        %parallel_loop3A_306 = vector.shape_cast %parallel_loop3A_305 : vector<16xf32> to vector<16xf32>
        %parallel_loop3A_307 = arith.constant 5.000000e-01 : f32
        %parallel_loop3A_308 = vector.broadcast %parallel_loop3A_307 : f32 to vector<16xf32>
        %parallel_loop3A_309 = arith.addf %parallel_loop3A_308, %parallel_loop3A_306 : vector<16xf32>
        %parallel_loop3A_310 = math.absf %parallel_loop3A_309 : vector<16xf32>
        %parallel_loop3A_311 = arith.constant 9.99999971E-10 : f32
        %parallel_loop3A_312 = vector.broadcast %parallel_loop3A_311 : f32 to vector<16xf32>
        %parallel_loop3A_313 = arith.addf %parallel_loop3A_310, %parallel_loop3A_312 : vector<16xf32>
        %parallel_loop3A_314 = vector.broadcast %parallel_loop3A_291 : i32 to vector<16xi32>
        %parallel_loop3A_315 = arith.cmpi slt, %parallel_loop3A_302, %parallel_loop3A_314 : vector<16xi32>
        %parallel_loop3A_316 = vector.broadcast %parallel_loop3A_291 : i32 to vector<16xi32>
        %parallel_loop3A_317 = arith.cmpi eq, %parallel_loop3A_302, %parallel_loop3A_316 : vector<16xi32>
        %parallel_loop3A_318 = arith.select %parallel_loop3A_317, %parallel_loop3A_313, %broadcast_in_dim3A_3 : vector<16xi1>, vector<16xf32>
        %parallel_loop3A_319 = arith.select %parallel_loop3A_315, %parallel_loop3A_306, %parallel_loop3A_318 : vector<16xi1>, vector<16xf32>
        %parallel_loop3A_320 = arith.index_cast %parallel_loop3A_291 : i32 to index
        %parallel_loop3A_321 = arith.index_cast %parallel_loop3A_300 : i32 to index
        %parallel_loop3A_322 = tpu.vector_load %arg4[%parallel_loop3A_320, %parallel_loop3A_321] {strides = array<i32>} : memref<256x256xf32, #tpu.memory_space<vmem>>, vector<1x16xf32>,
        %parallel_loop3A_323 = vector.shape_cast %parallel_loop3A_322 : vector<1x16xf32> to vector<16xf32>
        %parallel_loop3A_324 = vector.shape_cast %parallel_loop3A_319 : vector<16xf32> to vector<1x16xf32>
        tpu.vector_store %arg4[%parallel_loop3A_320, %parallel_loop3A_321], %parallel_loop3A_324 {strides = array<i32>} : memref<256x256xf32, #tpu.memory_space<vmem>>, vector<1x16xf32>,
      } {sc.loop_unroll_factor = 4 : i64, sc.parallel_access}
      %dma_start3A_224 = arith.constant 128 : i32
      %dma_start3A_225 = arith.constant 0 : i32
      %dma_start3A_226 = tpu.memref_slice %arg4[%dma_start3A_224, %dma_start3A_225] : memref<256x256xf32, #tpu.memory_space<vmem>> -> memref<128x256xf32, #tpu.memory_space<vmem>>
      %dma_start3A_227 = arith.constant 128 : i32
      %dma_start3A_228 = arith.constant 0 : i32
      %dma_start3A_229 = tpu.memref_slice %arg3[%add3A_132, %dma_start3A_227, %dma_start3A_228] : memref<1024x256x256xf32, #tpu.memory_space<hbm>> -> memref<1x128x256xf32, #tpu.memory_space<hbm>>
      %dma_start3A_230 = tpu.memref_squeeze %dma_start3A_229 : memref<1x128x256xf32, #tpu.memory_space<hbm>> -> memref<128x256xf32, #tpu.memory_space<hbm>>
      %dma_start3A_231 = arith.constant 128 : i32
      %dma_start3A_232 = arith.constant 0 : i32
      %dma_start3A_233 = tpu.memref_slice %arg3[%add3A_132, %dma_start3A_231, %dma_start3A_232] : memref<1024x256x256xf32, #tpu.memory_space<hbm>> -> memref<1x128x256xf32, #tpu.memory_space<hbm>>
      %dma_start3A_234 = tpu.memref_squeeze %dma_start3A_233 : memref<1x128x256xf32, #tpu.memory_space<hbm>> -> memref<128x256xf32, #tpu.memory_space<hbm>>
      %dma_start3A_235 = arith.constant 128 : i32
      %dma_start3A_236 = arith.constant 0 : i32
      %dma_start3A_237 = tpu.memref_slice %arg4[%dma_start3A_235, %dma_start3A_236] : memref<256x256xf32, #tpu.memory_space<vmem>> -> memref<128x256xf32, #tpu.memory_space<vmem>>
      tpu.enqueue_dma source(%dma_start3A_237 : memref<128x256xf32, #tpu.memory_space<vmem>>) target(%dma_start3A_234 : memref<128x256xf32, #tpu.memory_space<hbm>>) target_semaphore(%arg8 : memref<!tpu.dma_semaphore, #tpu.memory_space<semaphore_mem>>)
      %lt3A = arith.constant 31 : i32
      %lt3A_238 = arith.cmpi slt, %scan3A_130, %lt3A : i32
      %convert_element_type3A_239 = arith.extui %lt3A_238 : i1 to i32
      %cond3A_240 = arith.constant 0 : i32
      %cond3A_241 = arith.cmpi ne, %convert_element_type3A_239, %cond3A_240 : i32
      scf.if %cond3A_241 {
        %add3A_291 = arith.constant 1 : i32
        %add3A_292 = arith.addi %add3A_132, %add3A_291 : i32
        %dma_start3A_293 = arith.constant 16384 : i32
        %dma_start3A_294 = tpu.memref_slice %arg5[%dma_start3A_293] : memref<32896xf32, #tpu.memory_space<vmem>> -> memref<16512xf32, #tpu.memory_space<vmem>>
        %dma_start3A_295 = arith.constant 16384 : i32
        %dma_start3A_296 = tpu.memref_slice %arg2[%add3A_292, %dma_start3A_295] : memref<1024x32896xf32, #tpu.memory_space<hbm>> -> memref<1x16512xf32, #tpu.memory_space<hbm>>
        %dma_start3A_297 = tpu.memref_squeeze %dma_start3A_296 : memref<1x16512xf32, #tpu.memory_space<hbm>> -> memref<16512xf32, #tpu.memory_space<hbm>>
        %dma_start3A_298 = arith.constant 16384 : i32
        %dma_start3A_299 = tpu.memref_slice %arg5[%dma_start3A_298] : memref<32896xf32, #tpu.memory_space<vmem>> -> memref<16512xf32, #tpu.memory_space<vmem>>
        %dma_start3A_300 = arith.constant 16384 : i32
        %dma_start3A_301 = tpu.memref_slice %arg2[%add3A_292, %dma_start3A_300] : memref<1024x32896xf32, #tpu.memory_space<hbm>> -> memref<1x16512xf32, #tpu.memory_space<hbm>>
        %dma_start3A_302 = tpu.memref_squeeze %dma_start3A_301 : memref<1x16512xf32, #tpu.memory_space<hbm>> -> memref<16512xf32, #tpu.memory_space<hbm>>
        tpu.enqueue_dma source(%dma_start3A_302 : memref<16512xf32, #tpu.memory_space<hbm>>) target(%dma_start3A_299 : memref<16512xf32, #tpu.memory_space<vmem>>) target_semaphore(%arg7 : memref<!tpu.dma_semaphore, #tpu.memory_space<semaphore_mem>>)
      } else {
      }
      %gt3A_242 = arith.constant 0 : i32
      %gt3A_243 = arith.cmpi sgt, %scan3A_130, %gt3A_242 : i32
      %convert_element_type3A_244 = arith.extui %gt3A_243 : i1 to i32
      %cond3A_245 = arith.constant 0 : i32
      %cond3A_246 = arith.cmpi ne, %convert_element_type3A_244, %cond3A_245 : i32
      scf.if %cond3A_246 {
        %sub3A_291 = arith.constant 1 : i32
        %sub3A_292 = arith.subi %add3A_132, %sub3A_291 : i32
        %dma_wait3A_293 = arith.constant 0 : i32
        %dma_wait3A_294 = arith.constant 0 : i32
        %dma_wait3A_295 = tpu.memref_slice %arg4[%dma_wait3A_293, %dma_wait3A_294] : memref<256x256xf32, #tpu.memory_space<vmem>> -> memref<128x256xf32, #tpu.memory_space<vmem>>
        %dma_wait3A_296 = arith.constant 0 : i32
        %dma_wait3A_297 = arith.constant 0 : i32
        %dma_wait3A_298 = tpu.memref_slice %arg3[%sub3A_292, %dma_wait3A_296, %dma_wait3A_297] : memref<1024x256x256xf32, #tpu.memory_space<hbm>> -> memref<1x128x256xf32, #tpu.memory_space<hbm>>
        %dma_wait3A_299 = tpu.memref_squeeze %dma_wait3A_298 : memref<1x128x256xf32, #tpu.memory_space<hbm>> -> memref<128x256xf32, #tpu.memory_space<hbm>>
        %dma_wait3A_300 = arith.constant 0 : i32
        %dma_wait3A_301 = arith.constant 0 : i32
        %dma_wait3A_302 = tpu.memref_slice %arg3[%sub3A_292, %dma_wait3A_300, %dma_wait3A_301] : memref<1024x256x256xf32, #tpu.memory_space<hbm>> -> memref<1x128x256xf32, #tpu.memory_space<hbm>>
        %dma_wait3A_303 = tpu.memref_squeeze %dma_wait3A_302 : memref<1x128x256xf32, #tpu.memory_space<hbm>> -> memref<128x256xf32, #tpu.memory_space<hbm>>
        %dma_wait3A_304 = arith.constant 0 : i32
        %dma_wait3A_305 = arith.constant 0 : i32
        %dma_wait3A_306 = tpu.memref_slice %arg4[%dma_wait3A_304, %dma_wait3A_305] : memref<256x256xf32, #tpu.memory_space<vmem>> -> memref<128x256xf32, #tpu.memory_space<vmem>>
        tpu.wait_dma2 semaphore(%arg9 : memref<!tpu.dma_semaphore, #tpu.memory_space<semaphore_mem>>) src(%dma_wait3A_306 : memref<128x256xf32, #tpu.memory_space<vmem>>) dst(%dma_wait3A_303 : memref<128x256xf32, #tpu.memory_space<hbm>>)
      } else {
      }
      %parallel_loop3A_247 = arith.constant 16 : i32
      %parallel_loop3A_248 = arith.constant 128 : i32
      %parallel_loop3A_249 = arith.constant 1 : i32
      scf.for %parallel_loop3A_291 = %parallel_loop3A_247 to %parallel_loop3A_248 step %parallel_loop3A_249  : i32 {
        %parallel_loop3A_292 = arith.constant 1 : i32
        %parallel_loop3A_293 = arith.addi %parallel_loop3A_291, %parallel_loop3A_292 : i32
        %parallel_loop3A_294 = arith.muli %parallel_loop3A_291, %parallel_loop3A_293 : i32
        %parallel_loop3A_295 = arith.constant 1 : i32
        %parallel_loop3A_296 = arith.shrsi %parallel_loop3A_294, %parallel_loop3A_295 : i32
        %parallel_loop3A_297 = arith.constant 0 : i32
        %parallel_loop3A_298 = arith.addi %parallel_loop3A_296, %parallel_loop3A_297 : i32
        %parallel_loop3A_299 = arith.index_cast %parallel_loop3A_298 : i32 to index
        %parallel_loop3A_300 = tpu.vector_load %arg5[%parallel_loop3A_299] {strides = array<i32>} : memref<32896xf32, #tpu.memory_space<vmem>>, vector<16xf32>,
        %parallel_loop3A_301 = vector.shape_cast %parallel_loop3A_300 : vector<16xf32> to vector<16xf32>
        %parallel_loop3A_302 = arith.index_cast %parallel_loop3A_291 : i32 to index
        %parallel_loop3A_303 = arith.constant 0 : index
        %parallel_loop3A_304 = tpu.vector_load %arg4[%parallel_loop3A_302, %parallel_loop3A_303] {strides = array<i32>} : memref<256x256xf32, #tpu.memory_space<vmem>>, vector<1x16xf32>,
        %parallel_loop3A_305 = vector.shape_cast %parallel_loop3A_304 : vector<1x16xf32> to vector<16xf32>
        %parallel_loop3A_306 = vector.shape_cast %parallel_loop3A_301 : vector<16xf32> to vector<1x16xf32>
        tpu.vector_store %arg4[%parallel_loop3A_302, %parallel_loop3A_303], %parallel_loop3A_306 {strides = array<i32>} : memref<256x256xf32, #tpu.memory_space<vmem>>, vector<1x16xf32>,
      } {sc.loop_unroll_factor = 8 : i64, sc.parallel_access}
      %parallel_loop3A_250 = arith.constant 32 : i32
      %parallel_loop3A_251 = arith.constant 128 : i32
      %parallel_loop3A_252 = arith.constant 1 : i32
      scf.for %parallel_loop3A_291 = %parallel_loop3A_250 to %parallel_loop3A_251 step %parallel_loop3A_252  : i32 {
        %parallel_loop3A_292 = arith.constant 1 : i32
        %parallel_loop3A_293 = arith.addi %parallel_loop3A_291, %parallel_loop3A_292 : i32
        %parallel_loop3A_294 = arith.muli %parallel_loop3A_291, %parallel_loop3A_293 : i32
        %parallel_loop3A_295 = arith.constant 1 : i32
        %parallel_loop3A_296 = arith.shrsi %parallel_loop3A_294, %parallel_loop3A_295 : i32
        %parallel_loop3A_297 = arith.constant 16 : i32
        %parallel_loop3A_298 = arith.addi %parallel_loop3A_296, %parallel_loop3A_297 : i32
        %parallel_loop3A_299 = arith.index_cast %parallel_loop3A_298 : i32 to index
        %parallel_loop3A_300 = tpu.vector_load %arg5[%parallel_loop3A_299] {strides = array<i32>} : memref<32896xf32, #tpu.memory_space<vmem>>, vector<16xf32>,
        %parallel_loop3A_301 = vector.shape_cast %parallel_loop3A_300 : vector<16xf32> to vector<16xf32>
        %parallel_loop3A_302 = arith.index_cast %parallel_loop3A_291 : i32 to index
        %parallel_loop3A_303 = arith.constant 16 : index
        %parallel_loop3A_304 = tpu.vector_load %arg4[%parallel_loop3A_302, %parallel_loop3A_303] {strides = array<i32>} : memref<256x256xf32, #tpu.memory_space<vmem>>, vector<1x16xf32>,
        %parallel_loop3A_305 = vector.shape_cast %parallel_loop3A_304 : vector<1x16xf32> to vector<16xf32>
        %parallel_loop3A_306 = vector.shape_cast %parallel_loop3A_301 : vector<16xf32> to vector<1x16xf32>
        tpu.vector_store %arg4[%parallel_loop3A_302, %parallel_loop3A_303], %parallel_loop3A_306 {strides = array<i32>} : memref<256x256xf32, #tpu.memory_space<vmem>>, vector<1x16xf32>,
      } {sc.loop_unroll_factor = 8 : i64, sc.parallel_access}
      %parallel_loop3A_253 = arith.constant 48 : i32
      %parallel_loop3A_254 = arith.constant 128 : i32
      %parallel_loop3A_255 = arith.constant 1 : i32
      scf.for %parallel_loop3A_291 = %parallel_loop3A_253 to %parallel_loop3A_254 step %parallel_loop3A_255  : i32 {
        %parallel_loop3A_292 = arith.constant 1 : i32
        %parallel_loop3A_293 = arith.addi %parallel_loop3A_291, %parallel_loop3A_292 : i32
        %parallel_loop3A_294 = arith.muli %parallel_loop3A_291, %parallel_loop3A_293 : i32
        %parallel_loop3A_295 = arith.constant 1 : i32
        %parallel_loop3A_296 = arith.shrsi %parallel_loop3A_294, %parallel_loop3A_295 : i32
        %parallel_loop3A_297 = arith.constant 32 : i32
        %parallel_loop3A_298 = arith.addi %parallel_loop3A_296, %parallel_loop3A_297 : i32
        %parallel_loop3A_299 = arith.index_cast %parallel_loop3A_298 : i32 to index
        %parallel_loop3A_300 = tpu.vector_load %arg5[%parallel_loop3A_299] {strides = array<i32>} : memref<32896xf32, #tpu.memory_space<vmem>>, vector<16xf32>,
        %parallel_loop3A_301 = vector.shape_cast %parallel_loop3A_300 : vector<16xf32> to vector<16xf32>
        %parallel_loop3A_302 = arith.index_cast %parallel_loop3A_291 : i32 to index
        %parallel_loop3A_303 = arith.constant 32 : index
        %parallel_loop3A_304 = tpu.vector_load %arg4[%parallel_loop3A_302, %parallel_loop3A_303] {strides = array<i32>} : memref<256x256xf32, #tpu.memory_space<vmem>>, vector<1x16xf32>,
        %parallel_loop3A_305 = vector.shape_cast %parallel_loop3A_304 : vector<1x16xf32> to vector<16xf32>
        %parallel_loop3A_306 = vector.shape_cast %parallel_loop3A_301 : vector<16xf32> to vector<1x16xf32>
        tpu.vector_store %arg4[%parallel_loop3A_302, %parallel_loop3A_303], %parallel_loop3A_306 {strides = array<i32>} : memref<256x256xf32, #tpu.memory_space<vmem>>, vector<1x16xf32>,
      } {sc.loop_unroll_factor = 8 : i64, sc.parallel_access}
      %parallel_loop3A_256 = arith.constant 64 : i32
      %parallel_loop3A_257 = arith.constant 128 : i32
      %parallel_loop3A_258 = arith.constant 1 : i32
      scf.for %parallel_loop3A_291 = %parallel_loop3A_256 to %parallel_loop3A_257 step %parallel_loop3A_258  : i32 {
        %parallel_loop3A_292 = arith.constant 1 : i32
        %parallel_loop3A_293 = arith.addi %parallel_loop3A_291, %parallel_loop3A_292 : i32
        %parallel_loop3A_294 = arith.muli %parallel_loop3A_291, %parallel_loop3A_293 : i32
        %parallel_loop3A_295 = arith.constant 1 : i32
        %parallel_loop3A_296 = arith.shrsi %parallel_loop3A_294, %parallel_loop3A_295 : i32
        %parallel_loop3A_297 = arith.constant 48 : i32
        %parallel_loop3A_298 = arith.addi %parallel_loop3A_296, %parallel_loop3A_297 : i32
        %parallel_loop3A_299 = arith.index_cast %parallel_loop3A_298 : i32 to index
        %parallel_loop3A_300 = tpu.vector_load %arg5[%parallel_loop3A_299] {strides = array<i32>} : memref<32896xf32, #tpu.memory_space<vmem>>, vector<16xf32>,
        %parallel_loop3A_301 = vector.shape_cast %parallel_loop3A_300 : vector<16xf32> to vector<16xf32>
        %parallel_loop3A_302 = arith.index_cast %parallel_loop3A_291 : i32 to index
        %parallel_loop3A_303 = arith.constant 48 : index
        %parallel_loop3A_304 = tpu.vector_load %arg4[%parallel_loop3A_302, %parallel_loop3A_303] {strides = array<i32>} : memref<256x256xf32, #tpu.memory_space<vmem>>, vector<1x16xf32>,
        %parallel_loop3A_305 = vector.shape_cast %parallel_loop3A_304 : vector<1x16xf32> to vector<16xf32>
        %parallel_loop3A_306 = vector.shape_cast %parallel_loop3A_301 : vector<16xf32> to vector<1x16xf32>
        tpu.vector_store %arg4[%parallel_loop3A_302, %parallel_loop3A_303], %parallel_loop3A_306 {strides = array<i32>} : memref<256x256xf32, #tpu.memory_space<vmem>>, vector<1x16xf32>,
      } {sc.loop_unroll_factor = 8 : i64, sc.parallel_access}
      %parallel_loop3A_259 = arith.constant 80 : i32
      %parallel_loop3A_260 = arith.constant 128 : i32
      %parallel_loop3A_261 = arith.constant 1 : i32
      scf.for %parallel_loop3A_291 = %parallel_loop3A_259 to %parallel_loop3A_260 step %parallel_loop3A_261  : i32 {
        %parallel_loop3A_292 = arith.constant 1 : i32
        %parallel_loop3A_293 = arith.addi %parallel_loop3A_291, %parallel_loop3A_292 : i32
        %parallel_loop3A_294 = arith.muli %parallel_loop3A_291, %parallel_loop3A_293 : i32
        %parallel_loop3A_295 = arith.constant 1 : i32
        %parallel_loop3A_296 = arith.shrsi %parallel_loop3A_294, %parallel_loop3A_295 : i32
        %parallel_loop3A_297 = arith.constant 64 : i32
        %parallel_loop3A_298 = arith.addi %parallel_loop3A_296, %parallel_loop3A_297 : i32
        %parallel_loop3A_299 = arith.index_cast %parallel_loop3A_298 : i32 to index
        %parallel_loop3A_300 = tpu.vector_load %arg5[%parallel_loop3A_299] {strides = array<i32>} : memref<32896xf32, #tpu.memory_space<vmem>>, vector<16xf32>,
        %parallel_loop3A_301 = vector.shape_cast %parallel_loop3A_300 : vector<16xf32> to vector<16xf32>
        %parallel_loop3A_302 = arith.index_cast %parallel_loop3A_291 : i32 to index
        %parallel_loop3A_303 = arith.constant 64 : index
        %parallel_loop3A_304 = tpu.vector_load %arg4[%parallel_loop3A_302, %parallel_loop3A_303] {strides = array<i32>} : memref<256x256xf32, #tpu.memory_space<vmem>>, vector<1x16xf32>,
        %parallel_loop3A_305 = vector.shape_cast %parallel_loop3A_304 : vector<1x16xf32> to vector<16xf32>
        %parallel_loop3A_306 = vector.shape_cast %parallel_loop3A_301 : vector<16xf32> to vector<1x16xf32>
        tpu.vector_store %arg4[%parallel_loop3A_302, %parallel_loop3A_303], %parallel_loop3A_306 {strides = array<i32>} : memref<256x256xf32, #tpu.memory_space<vmem>>, vector<1x16xf32>,
      } {sc.loop_unroll_factor = 8 : i64, sc.parallel_access}
      %parallel_loop3A_262 = arith.constant 96 : i32
      %parallel_loop3A_263 = arith.constant 128 : i32
      %parallel_loop3A_264 = arith.constant 1 : i32
      scf.for %parallel_loop3A_291 = %parallel_loop3A_262 to %parallel_loop3A_263 step %parallel_loop3A_264  : i32 {
        %parallel_loop3A_292 = arith.constant 1 : i32
        %parallel_loop3A_293 = arith.addi %parallel_loop3A_291, %parallel_loop3A_292 : i32
        %parallel_loop3A_294 = arith.muli %parallel_loop3A_291, %parallel_loop3A_293 : i32
        %parallel_loop3A_295 = arith.constant 1 : i32
        %parallel_loop3A_296 = arith.shrsi %parallel_loop3A_294, %parallel_loop3A_295 : i32
        %parallel_loop3A_297 = arith.constant 80 : i32
        %parallel_loop3A_298 = arith.addi %parallel_loop3A_296, %parallel_loop3A_297 : i32
        %parallel_loop3A_299 = arith.index_cast %parallel_loop3A_298 : i32 to index
        %parallel_loop3A_300 = tpu.vector_load %arg5[%parallel_loop3A_299] {strides = array<i32>} : memref<32896xf32, #tpu.memory_space<vmem>>, vector<16xf32>,
        %parallel_loop3A_301 = vector.shape_cast %parallel_loop3A_300 : vector<16xf32> to vector<16xf32>
        %parallel_loop3A_302 = arith.index_cast %parallel_loop3A_291 : i32 to index
        %parallel_loop3A_303 = arith.constant 80 : index
        %parallel_loop3A_304 = tpu.vector_load %arg4[%parallel_loop3A_302, %parallel_loop3A_303] {strides = array<i32>} : memref<256x256xf32, #tpu.memory_space<vmem>>, vector<1x16xf32>,
        %parallel_loop3A_305 = vector.shape_cast %parallel_loop3A_304 : vector<1x16xf32> to vector<16xf32>
        %parallel_loop3A_306 = vector.shape_cast %parallel_loop3A_301 : vector<16xf32> to vector<1x16xf32>
        tpu.vector_store %arg4[%parallel_loop3A_302, %parallel_loop3A_303], %parallel_loop3A_306 {strides = array<i32>} : memref<256x256xf32, #tpu.memory_space<vmem>>, vector<1x16xf32>,
      } {sc.loop_unroll_factor = 8 : i64, sc.parallel_access}
      %parallel_loop3A_265 = arith.constant 112 : i32
      %parallel_loop3A_266 = arith.constant 128 : i32
      %parallel_loop3A_267 = arith.constant 1 : i32
      scf.for %parallel_loop3A_291 = %parallel_loop3A_265 to %parallel_loop3A_266 step %parallel_loop3A_267  : i32 {
        %parallel_loop3A_292 = arith.constant 1 : i32
        %parallel_loop3A_293 = arith.addi %parallel_loop3A_291, %parallel_loop3A_292 : i32
        %parallel_loop3A_294 = arith.muli %parallel_loop3A_291, %parallel_loop3A_293 : i32
        %parallel_loop3A_295 = arith.constant 1 : i32
        %parallel_loop3A_296 = arith.shrsi %parallel_loop3A_294, %parallel_loop3A_295 : i32
        %parallel_loop3A_297 = arith.constant 96 : i32
        %parallel_loop3A_298 = arith.addi %parallel_loop3A_296, %parallel_loop3A_297 : i32
        %parallel_loop3A_299 = arith.index_cast %parallel_loop3A_298 : i32 to index
        %parallel_loop3A_300 = tpu.vector_load %arg5[%parallel_loop3A_299] {strides = array<i32>} : memref<32896xf32, #tpu.memory_space<vmem>>, vector<16xf32>,
        %parallel_loop3A_301 = vector.shape_cast %parallel_loop3A_300 : vector<16xf32> to vector<16xf32>
        %parallel_loop3A_302 = arith.index_cast %parallel_loop3A_291 : i32 to index
        %parallel_loop3A_303 = arith.constant 96 : index
        %parallel_loop3A_304 = tpu.vector_load %arg4[%parallel_loop3A_302, %parallel_loop3A_303] {strides = array<i32>} : memref<256x256xf32, #tpu.memory_space<vmem>>, vector<1x16xf32>,
        %parallel_loop3A_305 = vector.shape_cast %parallel_loop3A_304 : vector<1x16xf32> to vector<16xf32>
        %parallel_loop3A_306 = vector.shape_cast %parallel_loop3A_301 : vector<16xf32> to vector<1x16xf32>
        tpu.vector_store %arg4[%parallel_loop3A_302, %parallel_loop3A_303], %parallel_loop3A_306 {strides = array<i32>} : memref<256x256xf32, #tpu.memory_space<vmem>>, vector<1x16xf32>,
      } {sc.loop_unroll_factor = 8 : i64, sc.parallel_access}
      %parallel_loop3A_268 = arith.constant 0 : i32
      %parallel_loop3A_269 = arith.constant 128 : i32
      %parallel_loop3A_270 = arith.constant 1 : i32
      scf.for %parallel_loop3A_291 = %parallel_loop3A_268 to %parallel_loop3A_269 step %parallel_loop3A_270  : i32 {
        %parallel_loop3A_292 = arith.constant 1 : i32
        %parallel_loop3A_293 = arith.addi %parallel_loop3A_291, %parallel_loop3A_292 : i32
        %parallel_loop3A_294 = arith.muli %parallel_loop3A_291, %parallel_loop3A_293 : i32
        %parallel_loop3A_295 = arith.constant 1 : i32
        %parallel_loop3A_296 = arith.shrsi %parallel_loop3A_294, %parallel_loop3A_295 : i32
        %parallel_loop3A_297 = arith.constant 4 : i32
        %parallel_loop3A_298 = arith.shrsi %parallel_loop3A_291, %parallel_loop3A_297 : i32
        %parallel_loop3A_299 = arith.constant 16 : i32
        %parallel_loop3A_300 = arith.muli %parallel_loop3A_298, %parallel_loop3A_299 : i32
        %parallel_loop3A_301 = vector.broadcast %parallel_loop3A_300 : i32 to vector<16xi32>
        %parallel_loop3A_302 = arith.addi %parallel_loop3A_301, %iota3A : vector<16xi32>
        %parallel_loop3A_303 = arith.addi %parallel_loop3A_296, %parallel_loop3A_300 : i32
        %parallel_loop3A_304 = arith.index_cast %parallel_loop3A_303 : i32 to index
        %parallel_loop3A_305 = tpu.vector_load %arg5[%parallel_loop3A_304] {strides = array<i32>} : memref<32896xf32, #tpu.memory_space<vmem>>, vector<16xf32>,
        %parallel_loop3A_306 = vector.shape_cast %parallel_loop3A_305 : vector<16xf32> to vector<16xf32>
        %parallel_loop3A_307 = arith.constant 5.000000e-01 : f32
        %parallel_loop3A_308 = vector.broadcast %parallel_loop3A_307 : f32 to vector<16xf32>
        %parallel_loop3A_309 = arith.addf %parallel_loop3A_308, %parallel_loop3A_306 : vector<16xf32>
        %parallel_loop3A_310 = math.absf %parallel_loop3A_309 : vector<16xf32>
        %parallel_loop3A_311 = arith.constant 9.99999971E-10 : f32
        %parallel_loop3A_312 = vector.broadcast %parallel_loop3A_311 : f32 to vector<16xf32>
        %parallel_loop3A_313 = arith.addf %parallel_loop3A_310, %parallel_loop3A_312 : vector<16xf32>
        %parallel_loop3A_314 = vector.broadcast %parallel_loop3A_291 : i32 to vector<16xi32>
        %parallel_loop3A_315 = arith.cmpi slt, %parallel_loop3A_302, %parallel_loop3A_314 : vector<16xi32>
        %parallel_loop3A_316 = vector.broadcast %parallel_loop3A_291 : i32 to vector<16xi32>
        %parallel_loop3A_317 = arith.cmpi eq, %parallel_loop3A_302, %parallel_loop3A_316 : vector<16xi32>
        %parallel_loop3A_318 = arith.select %parallel_loop3A_317, %parallel_loop3A_313, %broadcast_in_dim3A_3 : vector<16xi1>, vector<16xf32>
        %parallel_loop3A_319 = arith.select %parallel_loop3A_315, %parallel_loop3A_306, %parallel_loop3A_318 : vector<16xi1>, vector<16xf32>
        %parallel_loop3A_320 = arith.index_cast %parallel_loop3A_291 : i32 to index
        %parallel_loop3A_321 = arith.index_cast %parallel_loop3A_300 : i32 to index
        %parallel_loop3A_322 = tpu.vector_load %arg4[%parallel_loop3A_320, %parallel_loop3A_321] {strides = array<i32>} : memref<256x256xf32, #tpu.memory_space<vmem>>, vector<1x16xf32>,
        %parallel_loop3A_323 = vector.shape_cast %parallel_loop3A_322 : vector<1x16xf32> to vector<16xf32>
        %parallel_loop3A_324 = vector.shape_cast %parallel_loop3A_319 : vector<16xf32> to vector<1x16xf32>
        tpu.vector_store %arg4[%parallel_loop3A_320, %parallel_loop3A_321], %parallel_loop3A_324 {strides = array<i32>} : memref<256x256xf32, #tpu.memory_space<vmem>>, vector<1x16xf32>,
      } {sc.loop_unroll_factor = 4 : i64, sc.parallel_access}
      %dma_start3A_271 = arith.constant 0 : i32
      %dma_start3A_272 = arith.constant 0 : i32
      %dma_start3A_273 = tpu.memref_slice %arg4[%dma_start3A_271, %dma_start3A_272] : memref<256x256xf32, #tpu.memory_space<vmem>> -> memref<128x256xf32, #tpu.memory_space<vmem>>
      %dma_start3A_274 = arith.constant 0 : i32
      %dma_start3A_275 = arith.constant 0 : i32
      %dma_start3A_276 = tpu.memref_slice %arg3[%add3A_132, %dma_start3A_274, %dma_start3A_275] : memref<1024x256x256xf32, #tpu.memory_space<hbm>> -> memref<1x128x256xf32, #tpu.memory_space<hbm>>
      %dma_start3A_277 = tpu.memref_squeeze %dma_start3A_276 : memref<1x128x256xf32, #tpu.memory_space<hbm>> -> memref<128x256xf32, #tpu.memory_space<hbm>>
      %dma_start3A_278 = arith.constant 0 : i32
      %dma_start3A_279 = arith.constant 0 : i32
      %dma_start3A_280 = tpu.memref_slice %arg3[%add3A_132, %dma_start3A_278, %dma_start3A_279] : memref<1024x256x256xf32, #tpu.memory_space<hbm>> -> memref<1x128x256xf32, #tpu.memory_space<hbm>>
      %dma_start3A_281 = tpu.memref_squeeze %dma_start3A_280 : memref<1x128x256xf32, #tpu.memory_space<hbm>> -> memref<128x256xf32, #tpu.memory_space<hbm>>
      %dma_start3A_282 = arith.constant 0 : i32
      %dma_start3A_283 = arith.constant 0 : i32
      %dma_start3A_284 = tpu.memref_slice %arg4[%dma_start3A_282, %dma_start3A_283] : memref<256x256xf32, #tpu.memory_space<vmem>> -> memref<128x256xf32, #tpu.memory_space<vmem>>
      tpu.enqueue_dma source(%dma_start3A_284 : memref<128x256xf32, #tpu.memory_space<vmem>>) target(%dma_start3A_281 : memref<128x256xf32, #tpu.memory_space<hbm>>) target_semaphore(%arg9 : memref<!tpu.dma_semaphore, #tpu.memory_space<semaphore_mem>>)
      %lt3A_285 = arith.constant 31 : i32
      %lt3A_286 = arith.cmpi slt, %scan3A_130, %lt3A_285 : i32
      %convert_element_type3A_287 = arith.extui %lt3A_286 : i1 to i32
      %cond3A_288 = arith.constant 0 : i32
      %cond3A_289 = arith.cmpi ne, %convert_element_type3A_287, %cond3A_288 : i32
      scf.if %cond3A_289 {
        %add3A_291 = arith.constant 1 : i32
        %add3A_292 = arith.addi %add3A_132, %add3A_291 : i32
        %dma_start3A_293 = arith.constant 0 : i32
        %dma_start3A_294 = tpu.memref_slice %arg5[%dma_start3A_293] : memref<32896xf32, #tpu.memory_space<vmem>> -> memref<16384xf32, #tpu.memory_space<vmem>>
        %dma_start3A_295 = arith.constant 0 : i32
        %dma_start3A_296 = tpu.memref_slice %arg2[%add3A_292, %dma_start3A_295] : memref<1024x32896xf32, #tpu.memory_space<hbm>> -> memref<1x16384xf32, #tpu.memory_space<hbm>>
        %dma_start3A_297 = tpu.memref_squeeze %dma_start3A_296 : memref<1x16384xf32, #tpu.memory_space<hbm>> -> memref<16384xf32, #tpu.memory_space<hbm>>
        %dma_start3A_298 = arith.constant 0 : i32
        %dma_start3A_299 = tpu.memref_slice %arg5[%dma_start3A_298] : memref<32896xf32, #tpu.memory_space<vmem>> -> memref<16384xf32, #tpu.memory_space<vmem>>
        %dma_start3A_300 = arith.constant 0 : i32
        %dma_start3A_301 = tpu.memref_slice %arg2[%add3A_292, %dma_start3A_300] : memref<1024x32896xf32, #tpu.memory_space<hbm>> -> memref<1x16384xf32, #tpu.memory_space<hbm>>
        %dma_start3A_302 = tpu.memref_squeeze %dma_start3A_301 : memref<1x16384xf32, #tpu.memory_space<hbm>> -> memref<16384xf32, #tpu.memory_space<hbm>>
        tpu.enqueue_dma source(%dma_start3A_302 : memref<16384xf32, #tpu.memory_space<hbm>>) target(%dma_start3A_299 : memref<16384xf32, #tpu.memory_space<vmem>>) target_semaphore(%arg6 : memref<!tpu.dma_semaphore, #tpu.memory_space<semaphore_mem>>)
      } else {
      }
      %scan3A_290 = arith.constant 0 : i32
      scf.yield %scan3A_290 : i32
    }
    %scan3A_94 = arith.constant 32 : i32
    %add3A_95 = arith.constant 32 : i32
    %add3A_96 = arith.addi %mul3A_2, %add3A_95 : i32
    %sub3A = arith.constant 1 : i32
    %sub3A_97 = arith.subi %add3A_96, %sub3A : i32
    %dma_wait3A_98 = arith.constant 128 : i32
    %dma_wait3A_99 = arith.constant 0 : i32
    %dma_wait3A_100 = tpu.memref_slice %arg4[%dma_wait3A_98, %dma_wait3A_99] : memref<256x256xf32, #tpu.memory_space<vmem>> -> memref<128x256xf32, #tpu.memory_space<vmem>>
    %dma_wait3A_101 = arith.constant 128 : i32
    %dma_wait3A_102 = arith.constant 0 : i32
    %dma_wait3A_103 = tpu.memref_slice %arg3[%sub3A_97, %dma_wait3A_101, %dma_wait3A_102] : memref<1024x256x256xf32, #tpu.memory_space<hbm>> -> memref<1x128x256xf32, #tpu.memory_space<hbm>>
    %dma_wait3A_104 = tpu.memref_squeeze %dma_wait3A_103 : memref<1x128x256xf32, #tpu.memory_space<hbm>> -> memref<128x256xf32, #tpu.memory_space<hbm>>
    %dma_wait3A_105 = arith.constant 128 : i32
    %dma_wait3A_106 = arith.constant 0 : i32
    %dma_wait3A_107 = tpu.memref_slice %arg3[%sub3A_97, %dma_wait3A_105, %dma_wait3A_106] : memref<1024x256x256xf32, #tpu.memory_space<hbm>> -> memref<1x128x256xf32, #tpu.memory_space<hbm>>
    %dma_wait3A_108 = tpu.memref_squeeze %dma_wait3A_107 : memref<1x128x256xf32, #tpu.memory_space<hbm>> -> memref<128x256xf32, #tpu.memory_space<hbm>>
    %dma_wait3A_109 = arith.constant 128 : i32
    %dma_wait3A_110 = arith.constant 0 : i32
    %dma_wait3A_111 = tpu.memref_slice %arg4[%dma_wait3A_109, %dma_wait3A_110] : memref<256x256xf32, #tpu.memory_space<vmem>> -> memref<128x256xf32, #tpu.memory_space<vmem>>
    tpu.wait_dma2 semaphore(%arg8 : memref<!tpu.dma_semaphore, #tpu.memory_space<semaphore_mem>>) src(%dma_wait3A_111 : memref<128x256xf32, #tpu.memory_space<vmem>>) dst(%dma_wait3A_108 : memref<128x256xf32, #tpu.memory_space<hbm>>)
    %add3A_112 = arith.constant 32 : i32
    %add3A_113 = arith.addi %mul3A_2, %add3A_112 : i32
    %sub3A_114 = arith.constant 1 : i32
    %sub3A_115 = arith.subi %add3A_113, %sub3A_114 : i32
    %dma_wait3A_116 = arith.constant 0 : i32
    %dma_wait3A_117 = arith.constant 0 : i32
    %dma_wait3A_118 = tpu.memref_slice %arg4[%dma_wait3A_116, %dma_wait3A_117] : memref<256x256xf32, #tpu.memory_space<vmem>> -> memref<128x256xf32, #tpu.memory_space<vmem>>
    %dma_wait3A_119 = arith.constant 0 : i32
    %dma_wait3A_120 = arith.constant 0 : i32
    %dma_wait3A_121 = tpu.memref_slice %arg3[%sub3A_115, %dma_wait3A_119, %dma_wait3A_120] : memref<1024x256x256xf32, #tpu.memory_space<hbm>> -> memref<1x128x256xf32, #tpu.memory_space<hbm>>
    %dma_wait3A_122 = tpu.memref_squeeze %dma_wait3A_121 : memref<1x128x256xf32, #tpu.memory_space<hbm>> -> memref<128x256xf32, #tpu.memory_space<hbm>>
    %dma_wait3A_123 = arith.constant 0 : i32
    %dma_wait3A_124 = arith.constant 0 : i32
    %dma_wait3A_125 = tpu.memref_slice %arg3[%sub3A_115, %dma_wait3A_123, %dma_wait3A_124] : memref<1024x256x256xf32, #tpu.memory_space<hbm>> -> memref<1x128x256xf32, #tpu.memory_space<hbm>>
    %dma_wait3A_126 = tpu.memref_squeeze %dma_wait3A_125 : memref<1x128x256xf32, #tpu.memory_space<hbm>> -> memref<128x256xf32, #tpu.memory_space<hbm>>
    %dma_wait3A_127 = arith.constant 0 : i32
    %dma_wait3A_128 = arith.constant 0 : i32
    %dma_wait3A_129 = tpu.memref_slice %arg4[%dma_wait3A_127, %dma_wait3A_128] : memref<256x256xf32, #tpu.memory_space<vmem>> -> memref<128x256xf32, #tpu.memory_space<vmem>>
    tpu.wait_dma2 semaphore(%arg9 : memref<!tpu.dma_semaphore, #tpu.memory_space<semaphore_mem>>) src(%dma_wait3A_129 : memref<128x256xf32, #tpu.memory_space<vmem>>) dst(%dma_wait3A_126 : memref<128x256xf32, #tpu.memory_space<hbm>>)
    return
  }
}

</mosaic_0001>

<sc_bundles>
// kernel: kernel.3.cloned.1.call-start
scs
__scs_entry_jumppad:
0x0: {  	(pc) =	sbr.rel $0x88, $3  }
0x1: {  	(tag) =	ssettag $0x0;
	lr =	simm.s32 $0x1  }
0x2: {  	[smem:$0x3FA0] =	sst lr;
	_ =	strace $0xD0000000  }
0x3: {  	_ = 	snop  }
0x4: {  	_ = 	snop  }
0x5: {  	_ = 	snop  }
0x6: {  	_ = 	snop  }
0x7: {  	_ = 	snop  }
__scs_overlays_trampoline_lowered:
0x8: {  	[smem:$0x3FAF] =	sst s0  }
0x9: {  	[smem:$0x3FB0] =	sst s1  }
0xa: {  	[smem:$0x3FB1] =	sst s2  }
0xb: {  	[smem:$0x3FB2] =	sst s3  }
0xc: {  	[smem:$0x3FB3] =	sst s4  }
0xd: {  	[smem:$0x3FB4] =	sst s5  }
0xe: {  	[smem:$0x3FB5] =	sst s6  }
0xf: {  	[smem:$0x3FB6] =	sst s7  }
0x10: {  	[smem:$0x3FB7] =	sst s8  }
0x11: {  	[smem:$0x3FB8] =	sst s9;
	s0 =	simm.s32 @!p0 $0x0  }
0x12: {  	s1 =	sld [smem:$0x3F9E];
	s0 =	simm.s32 @p0 $0x1  }
0x13: {  	[smem:$0x3FB9] =	sst s0;
	s0 =	simm.s32 @!p1 $0x0  }
0x14: {  	s2 =	sld [smem:$0x3F9D];
	s0 =	simm.s32 @p1 $0x1  }
0x15: {  	[smem:$0x3FBA] =	sst s0;
	s0 =	simm.s32 @!p2 $0x0  }
0x16: {  	s3 =	sld [smem:$0x3FDB];
	s0 =	simm.s32 @p2 $0x1  }
0x17: {  	s4 =	simm.s32 $0x1BF5;
	[smem:$0x3FBC] =	sst s0  }
0x18: {  	s0 =	sld [smem:$0x3F9F];
	_ =	swait.ge [sflag:s4], $0x0  }
0x19: {  	s7 =	sld [smem:$0x3FA0]  }
0x1a: {  	s8 =	sadd.s32 $0xFFFFE003, lr  }
0x1b: {  	s9 =	sadd.s32 $0xFFFFFEF7, lr;
	s5 =	simm.s32 $0xFFFFFFFF;
	p2 =	slt.u32 s8, $0xFFFFF086  }
0x1c: {  	p1 =	slt.u32 s9, $0xF7A;
	s5 =	simm.s32 @!p2 $0x0  }
0x1d: {  	s5 =	simm.s32 @p1 $0x1;
	p0 =	seq.s32 s7, s2  }
0x1e: {  	s7 =	smul.u32 @!p0 $0xF7A, s2;
	p2 =	seq.s32 @!p0 s5, $0x0  }
0x1f: {  	s9 =	smul.u32 $0xF7A, s1;
	s8 =	simm.s32 @!p0 $0x1BF5;
	p2 =	por !p2, p0  }
0x20: {  	[sflag:s8] =	ssyncset.s32 @!p0 $0xFFFFF086;
	s6 =	sadd.s32 @!p0 s3, s7;
	s7 =	simm.s32 @!p0 $0x108  }
0x21: {  	s3 =	sadd.s32 s3, s9;
	s6 =	sadd.s32 @!p0 $0x88, s6;
	s7 =	simm.s32 @p2 $0x1082  }
0x22: {  	[simem:s7], [sflag:s8] =	dma.local @!p0 [hbm:s6], $0xF7A  }
0x23: {  	s9 =	sor.u32 $0xD0000000, s2;
	s6 =	simm.s32 $0x108;
	_ =	swait.ge @!p0 [sflag:s8], $0x0  }
0x24: {  	s3 =	sadd.s32 $0x88, s3;
	s6 =	simm.s32 @!p1 $0x1082;
	[sflag:s4] =	ssyncset.s32 $0xFFFFF086  }
0x25: {  	[simem:s6], [sflag:s4] =	dma.local [hbm:s3], $0xF7A  }
0x26: {  	[smem:$0x3FA0] =	sst s1;
	(tag) =	ssettag s2;
	_ =	strace s9  }
0x27: {  	s1 =	sld [smem:$0x3FB0]  }
0x28: {  	s2 =	sld [smem:$0x3FB1]  }
0x29: {  	s4 =	sld [smem:$0x3FB3]  }
0x2a: {  	p0 =	seq.s32 s5, $0x0;
	s5 =	sld [smem:$0x3FB4]  }
0x2b: {  	s6 =	sld [smem:$0x3FB5]  }
0x2c: {  	s7 =	sld [smem:$0x3FB6]  }
0x2d: {  	s3 =	simm.s32 $0x108;
	s8 =	sld [smem:$0x3FB7]  }
0x2e: {  	s3 =	simm.s32 @!p0 $0x1082;
	s9 =	sld [smem:$0x3FB8]  }
0x2f: {  	lr =	sadd.s32 s0, s3;
	s0 =	sld [smem:$0x3FAF]  }
0x30: {  	s3 =	sld [smem:$0x3FB2]  }
0x31: {  	[smem:$0x3FBB] =	sst s10  }
0x32: {  	s10 =	sld [smem:$0x3FB9];
	_ =	sdelay $0x3  }
0x33: {  	p0 =	seq.s32 s10, $0x1;
	s10 =	sld [smem:$0x3FBB];
	_ =	sdelay $0x3  }
0x34: {  	[smem:$0x3FBB] =	sst s10  }
0x35: {  	s10 =	sld [smem:$0x3FBA];
	_ =	sdelay $0x3  }
0x36: {  	p1 =	seq.s32 s10, $0x1;
	s10 =	sld [smem:$0x3FBB];
	_ =	sdelay $0x3  }
0x37: {  	[smem:$0x3FBB] =	sst s10  }
0x38: {  	s10 =	sld [smem:$0x3FBC]  }
0x39: {  	_ = 	snop;
	(pc) =	sbr.ind lr, $3  }
0x3a: {  	_ = 	snop  }
0x3b: {  	_ = 	snop  }
0x3c: {  	p2 =	seq.s32 s10, $0x1;
	s10 =	sld [smem:$0x3FBB]  }
0x3d: {  	_ =	shalt  }
0x3e: {  	_ =	shalt  }
0x3f: {  	_ =	shalt  }
0x40: {  	_ =	shalt  }
0x41: {  	_ =	shalt  }
0x42: {  	_ =	shalt  }
0x43: {  	_ =	shalt  }
0x44: {  	_ =	shalt  }
0x45: {  	_ =	shalt  }
0x46: {  	_ =	shalt  }
0x47: {  	_ =	shalt  }
0x48: {  	_ =	shalt  }
0x49: {  	_ =	shalt  }
0x4a: {  	_ =	shalt  }
0x4b: {  	_ =	shalt  }
0x4c: {  	_ =	shalt  }
0x4d: {  	_ =	shalt  }
0x4e: {  	_ =	shalt  }
0x4f: {  	_ =	shalt  }
0x50: {  	_ =	shalt  }
0x51: {  	_ =	shalt  }
0x52: {  	_ =	shalt  }
0x53: {  	_ =	shalt  }
0x54: {  	_ =	shalt  }
0x55: {  	_ =	shalt  }
0x56: {  	_ =	shalt  }
0x57: {  	_ =	shalt  }
0x58: {  	_ =	shalt  }
0x59: {  	_ =	shalt  }
0x5a: {  	_ =	shalt  }
0x5b: {  	_ =	shalt  }
0x5c: {  	_ =	shalt  }
0x5d: {  	_ =	shalt  }
0x5e: {  	_ =	shalt  }
0x5f: {  	_ =	shalt  }
0x60: {  	_ =	shalt  }
0x61: {  	_ =	shalt  }
0x62: {  	_ =	shalt  }
0x63: {  	_ =	shalt  }
0x64: {  	_ =	shalt  }
0x65: {  	_ =	shalt  }
0x66: {  	_ =	shalt  }
0x67: {  	_ =	shalt  }
0x68: {  	_ =	shalt  }
0x69: {  	_ =	shalt  }
0x6a: {  	_ =	shalt  }
0x6b: {  	_ =	shalt  }
0x6c: {  	_ =	shalt  }
0x6d: {  	_ =	shalt  }
0x6e: {  	_ =	shalt  }
0x6f: {  	_ =	shalt  }
0x70: {  	_ =	shalt  }
0x71: {  	_ =	shalt  }
0x72: {  	_ =	shalt  }
0x73: {  	_ =	shalt  }
0x74: {  	_ =	shalt  }
0x75: {  	_ =	shalt  }
0x76: {  	_ =	shalt  }
0x77: {  	_ =	shalt  }
0x78: {  	_ =	shalt  }
0x79: {  	_ =	shalt  }
0x7a: {  	_ =	shalt  }
0x7b: {  	_ =	shalt  }
0x7c: {  	_ =	shalt  }
0x7d: {  	_ =	shalt  }
0x7e: {  	_ =	shalt  }
0x7f: {  	_ =	shalt  }
0x80: {  	_ =	shalt  }
0x81: {  	_ =	shalt  }
0x82: {  	_ =	shalt  }
0x83: {  	_ =	shalt  }
0x84: {  	_ =	shalt  }
0x85: {  	_ =	shalt  }
0x86: {  	_ =	shalt  }
0x87: {  	_ =	shalt  }
.Lfunc_end0:
.L_simem_size_0:
called_computation_lowered:
.L_overlay_start_0:
0x88: {  	s2 =	sld [smem:$0x3FD9]  }
0x89: {  	s3 =	sld [smem:$0x3FFE];
	_ =	sdelay $0x1  }
0x8a: {  	s1 =	srdreg.scid  }
0x8b: {  	s0 =	sand.u32 $0x1, s1  }
0x8c: {  	s18 =	sshll.u32 s0, $0xA;
	s2 =	sadd.s32 s3, s2  }
0x8d: {  	s2 =	sadd.s32 s2, s18  }
0x8e: {  	[smem:$0x3FC7] =	sst s2  }
0x8f: {  	_ = 	snop  }
0x90: {  	s2 =	sld [smem:$0x3FC9]  }
0x91: {  	s19 =	sld [smem:$0x3FD0];
	(tm) =	ssettm $0x1  }
0x92: {  	s4 =	sld [smem:$0x3FFB];
	_ =	sdelay $0x3  }
0x93: {  	_ =	strace s4  }
0x94: {  	s4 =	sld [smem:$0x3FFC];
	_ =	sdelay $0x3  }
0x95: {  	_ =	strace s4  }
0x96: {  	s4 =	sld [smem:$0x3FFD];
	_ =	sdelay $0x3  }
0x97: {  	_ =	strace s4  }
0x98: {  	_ =	strace $0x8FFFFFFF  }
0x99: {  	s20 =	sld [smem:$0x3FDB];
	_ =	sdelay $0x1  }
0x9a: {  	s5 =	simm.s32 $_scs_section_size  }
0x9b: {  	s6 =	simm.s32 $_size__tile_overlayer_lowered;
	s7 =	simm.s32 $_tile_overlayer_lowered  }
0x9c: {  	s23 =	simm.s32 $0x1BFF;
	s22 =	sshll.u32 s7, $0x1;
	s4 =	sadd.s32 s5, s20  }
0x9d: {  	s8 =	simm.s32 $0x0;
	s21 =	sshll.u32 s6, $0x1;
	s6 =	sadd.s32 s22, s4  }
0x9e: {  	[timem:s8], [sflag:s23] =	dma.local [hbm:s6], s21  }
0x9f: {  	_ =	swait.ge [sflag:s23], s21  }
0xa0: {  	s5 =	ssub.s32 $0x0, s21;
	[sflag:s23] =	ssyncset.done $0x0  }
0xa1: {  	[sflag:s23] =	ssyncadd.s32 s5;
	_ =	sdelay $0x1  }
0xa2: {  	s24 =	simm.s32 $0x1B8B  }
0xa3: {  	_ =	swait.ge [sflag:s24], $0x1  }
0xa4: {  	[sflag:s24] =	ssyncset.done $0x0  }
0xa5: {  	s25 =	simm.s32 $0x1B8E;
	[sflag:s24] =	ssyncadd.s32 $0xFFFFFFFF  }
0xa6: {  	s26 =	simm.s32 $execute0_lowered;
	[smem:$0x3FD2] =	sst s25  }
0xa7: {  	s5 =	sshll.u32 s26, $0x1;
	_ =	strace $0x80000046;
	[dreg:$0x1] =	wrdreg $0xFFFFFFFF  }
0xa8: {  	s28 =	simm.s32 $_size_execute0_lowered;
	s4 =	sadd.s32 s4, s5;
	[dreg:$0x0] =	wrdreg $0x0  }
0xa9: {  	s5 =	sshll.u32 s28, $0x1;
	[dreg:$0x2] =	wrdreg s4  }
0xaa: {  	[dreg:$0x3] =	wrdreg s5  }
0xab: {  	[dreg:$0x4] =	wrdreg $0xC0  }
0xac: {  	_ =	task [dreg:s8], $0x5FFFF  }
0xad: {  	[dreg:$0x1] =	wrdreg $0xFFFFFFFF  }
0xae: {  	[dreg:$0x0] =	wrdreg $0x60  }
0xaf: {  	[dreg:$0x2] =	wrdreg s2  }
0xb0: {  	[dreg:$0x3] =	wrdreg s19  }
0xb1: {  	[dreg:$0x4] =	wrdreg $0x9  }
0xb2: {  	_ =	task.clear_ibuf [dreg:s8], $0x5FFFF;
	_ =	strace $0x90000046  }
0xb3: {  	s29 =	simm.s32 $0x9;
	_ =	strace $0x80000048  }
0xb4: {  	_ =	swait.ge [sflag:s29], $0x1  }
0xb5: {  	[sflag:s29] =	ssyncadd.s32 $0xFFFFFFFF  }
0xb6: {  	_ =	strace $0x90000048  }
0xb7: {  	_ =	sfence  }
0xb8: {  	s30 =	sld [smem:$0x0];
	_ =	sdelay $0x2  }
0xb9: {  	s31 =	sshll.u32 s1, $0xD;
	s1 =	sshrl.u32 s1, $0x2  }
0xba: {  	s3 =	sand.u32 $0x4000, s31;
	s1 =	sadd.s32 s1, s30  }
0xbb: {  	s0 =	sor.u32 s3, s0;
	s1 =	sshll.u32 s1, $0x11  }
0xbc: {  	s0 =	sor.u32 s1, s0  }
0xbd: {  	s0 =	sadd.s32 $0x8F2B, s0  }
0xbe: {  	[sflag:s0] =	ssyncadd.remote.s32 $0x1  }
0xbf: {  	_ =	sfence.sel $0xFFFF  }
0xc0: {  	[dreg:$0x0] =	wrdreg $0xFFFFFFFF;
	(pc) =	sbr.abs _section_cstart, $3  }
0xc1: {  	[dreg:$0x1] =	wrdreg $0xFFFFFFFF  }
0xc2: {  	_ =	task.clear_ibuf [dreg:s8], $0x2FFFF;
	_ =	strace $0x9FFFFFFF  }
0xc3: {  	(tm) =	ssettm $0x7FFFFFFF  }
tec
execute0_lowered:
.L_overlay_start_1:
0x0: {  	(tag) =	ssettag $0x1  }
0x1: {  	s0 =	srdreg.scid;
	s29 =	rddreg [dreg:$0x0]  }
0x2: {  	s1 =	stileid.u32;
	s3 =	rddreg [dreg:$0x1];
	s0 =	sand.u32 $0x1, s0  }
0x3: {  	s4 =	simm.s32 $0x0;
	s1 =	sshll.u32 s1, $0x6;
	s2 =	sshll.u32 s0, $0x5  }
0x4: {  	[smem:$0x7FF] =	sst s4;
	s1 =	sor.u32 s2, s1  }
0x5: {  	s0 =	ssub.s32 $0x2, s0;
	[dreg:$0x3] =	wrdreg s1;
	s1 =	sshrl.u32 s1, $0x3  }
0x6: {  	s31 =	sadd.s32 $0x1000, s3;
	s30 =	sshrl.u32 s0, $0x1;
	s1 =	smul.u32 $0x40400, s1  }
.Ltmp0:
0x7: {  	s0 =	ssub.s32 s0, s30;
	_ =	strace $0x80000047;
	(pc) =	sbr.rel .LBB2_1-.Ltmp0, $4  }
0x8: {  	[dreg:$0x6] =	wrdreg s31;
	s0 =	smax.u32 s0, $0x1;
	s1 =	sshrl.u32 s1, $0x3  }
0x9: {  	[dreg:$0x7] =	wrdreg s0;
	s1 =	sadd.s32 s29, s1  }
0xa: {  	v0 =	vimm.f32 $0.0e+00;
	[dreg:$0x4] =	wrdreg s1;
	s1 =	sadd.s32 $0x4000, s1  }
0xb: {  	v1 =	vlaneseq.u32;
	vm0 =	vcmask $0x3F14;
	vm1 =	vmmov $0xf;
	s2 =	simm.s32 $0x0;
	[dreg:$0x5] =	wrdreg s1  }
.LBB2_158:
0xc: {  	s0 =	simm.s32 $0x3  }
0xd: {  	_ =	swait.ge [sflag:s0], $0x8000  }
0xe: {  	[sflag:s0] =	ssyncset.done $0x0  }
0xf: {  	s1 =	simm.s32 $0x4;
	[sflag:s0] =	ssyncadd.s32 $0xFFFF8000  }
0x10: {  	_ =	swait.ge [sflag:s1], $0x8000  }
0x11: {  	s2 =	rddreg [dreg:$0x8]  }
0x12: {  	s31 =	rddreg [dreg:$0x7];
	s2 =	sadd.s32 $0x1, s2  }
0x13: {  	p0 =	sne.s32 s2, s31  }
.Ltmp1:
0x14: {  	_ = 	snop;
	(pc) =	sbr.rel @!p0 .LBB2_159-.Ltmp1, $3  }
0x15: {  	_ =	sdelay $0x1  }
0x16: {  	[sflag:s1] =	ssyncset.done $0x0  }
0x17: {  	[sflag:s1] =	ssyncadd.s32 $0xFFFF8000  }
.LBB2_1:
0x18: {  	[dreg:$0x8] =	wrdreg s2  }
0x19: {  	s0 =	rddreg [dreg:$0x4]  }
0x1a: {  	s1 =	simm.s32 $0x80;
	s29 =	simm.s32 $0x400;
	s3 =	simm.s32 $0x10000  }
0x1b: {  	[tilespmem:s3], [sflag:$0x1] =	stream.strided.gather [hbm4b:s0+s1], $0x4000, s29, s1, $0x38;
	[tilespmem:$0x18080] =	vst v63  }
0x1c: {  	s30 =	rddreg [dreg:$0x5];
	s31 =	simm.s32 $0x14000;
	s0 =	simm.s32 $0x200  }
0x1d: {  	[tilespmem:s31], [sflag:$0x2] =	stream.strided.gather [hbm4b:s30+s1], $0x4080, s29, s1, $0x38;
	[tilespmem:$0x18080] =	vst v63  }
0x1e: {  	[tilespmem:s0+$0xFFFFFE00] =	vst v0  }
0x1f: {  	[tilespmem:s0+$0x180] =	vst v0  }
0x20: {  	[tilespmem:s0+$0x100] =	vst v0  }
0x21: {  	[tilespmem:s0+$0x80] =	vst v0  }
0x22: {  	[tilespmem:s0+$0x0] =	vst v0  }
0x23: {  	[tilespmem:s0+$0xFFFFFF80] =	vst v0  }
0x24: {  	s4 =	simm.s32 $0x0;
	[tilespmem:s0+$0xFFFFFF00] =	vst v0  }
.LBB2_2:
0x25: {  	s4 =	sadd.s32 $0x8, s4;
	[tilespmem:s0+$0xFFFFFE80] =	vst v0;
	s0 =	sadd.s32 $0x800, s0;
	s1 =	simm.s32 $0x210  }
0x26: {  	[tilespmem:s0+$0xFFFFFE00] =	vst v0;
	p0 =	slt.u32 s4, $0xF8  }
0x27: {  	[tilespmem:s0+$0x180] =	vst v0  }
.Ltmp2:
0x28: {  	[tilespmem:s0+$0x100] =	vst v0;
	(pc) =	sbr.rel @p0 .LBB2_2-.Ltmp2, $4  }
0x29: {  	[tilespmem:s0+$0x80] =	vst v0  }
0x2a: {  	[tilespmem:s0+$0x0] =	vst v0  }
0x2b: {  	[tilespmem:s0+$0xFFFFFF80] =	vst v0  }
0x2c: {  	[tilespmem:s0+$0xFFFFFF00] =	vst v0  }
0x2d: {  	[tilespmem:s0+$0xFFFFFE80] =	vst v0  }
0x2e: {  	[tilespmem:s1+$0xFFFFFE00] =	vst v0  }
0x2f: {  	[tilespmem:s1+$0x180] =	vst v0  }
0x30: {  	[tilespmem:s1+$0x100] =	vst v0  }
0x31: {  	[tilespmem:s1+$0x80] =	vst v0  }
0x32: {  	[tilespmem:s1+$0x0] =	vst v0  }
0x33: {  	[tilespmem:s1+$0xFFFFFF80] =	vst v0  }
0x34: {  	s4 =	simm.s32 $0x0;
	s0 =	simm.s32 $0x220;
	[tilespmem:s1+$0xFFFFFF00] =	vst v0  }
.LBB2_4:
0x35: {  	s4 =	sadd.s32 $0x8, s4;
	[tilespmem:s1+$0xFFFFFE80] =	vst v0;
	s1 =	sadd.s32 $0x800, s1  }
0x36: {  	[tilespmem:s1+$0xFFFFFE00] =	vst v0;
	p0 =	slt.u32 s4, $0xF8  }
0x37: {  	[tilespmem:s1+$0x180] =	vst v0  }
.Ltmp3:
0x38: {  	[tilespmem:s1+$0x100] =	vst v0;
	(pc) =	sbr.rel @p0 .LBB2_4-.Ltmp3, $4  }
0x39: {  	[tilespmem:s1+$0x80] =	vst v0  }
0x3a: {  	[tilespmem:s1+$0x0] =	vst v0  }
0x3b: {  	[tilespmem:s1+$0xFFFFFF80] =	vst v0  }
0x3c: {  	[tilespmem:s1+$0xFFFFFF00] =	vst v0  }
0x3d: {  	[tilespmem:s1+$0xFFFFFE80] =	vst v0  }
0x3e: {  	[tilespmem:s0+$0xFFFFFE00] =	vst v0  }
0x3f: {  	[tilespmem:s0+$0x180] =	vst v0  }
0x40: {  	[tilespmem:s0+$0x100] =	vst v0  }
0x41: {  	[tilespmem:s0+$0x80] =	vst v0  }
0x42: {  	[tilespmem:s0+$0x0] =	vst v0  }
0x43: {  	[tilespmem:s0+$0xFFFFFF80] =	vst v0  }
0x44: {  	s4 =	simm.s32 $0x0;
	[tilespmem:s0+$0xFFFFFF00] =	vst v0  }
.LBB2_6:
0x45: {  	s4 =	sadd.s32 $0x8, s4;
	[tilespmem:s0+$0xFFFFFE80] =	vst v0;
	s0 =	sadd.s32 $0x800, s0;
	s1 =	simm.s32 $0x230  }
0x46: {  	[tilespmem:s0+$0xFFFFFE00] =	vst v0;
	p0 =	slt.u32 s4, $0xF8  }
0x47: {  	[tilespmem:s0+$0x180] =	vst v0  }
.Ltmp4:
0x48: {  	[tilespmem:s0+$0x100] =	vst v0;
	(pc) =	sbr.rel @p0 .LBB2_6-.Ltmp4, $4  }
0x49: {  	[tilespmem:s0+$0x80] =	vst v0  }
0x4a: {  	[tilespmem:s0+$0x0] =	vst v0  }
0x4b: {  	[tilespmem:s0+$0xFFFFFF80] =	vst v0  }
0x4c: {  	[tilespmem:s0+$0xFFFFFF00] =	vst v0  }
0x4d: {  	[tilespmem:s0+$0xFFFFFE80] =	vst v0  }
0x4e: {  	[tilespmem:s1+$0xFFFFFE00] =	vst v0  }
0x4f: {  	[tilespmem:s1+$0x180] =	vst v0  }
0x50: {  	[tilespmem:s1+$0x100] =	vst v0  }
0x51: {  	[tilespmem:s1+$0x80] =	vst v0  }
0x52: {  	[tilespmem:s1+$0x0] =	vst v0  }
0x53: {  	[tilespmem:s1+$0xFFFFFF80] =	vst v0  }
0x54: {  	s4 =	simm.s32 $0x0;
	s0 =	simm.s32 $0x240;
	[tilespmem:s1+$0xFFFFFF00] =	vst v0  }
.LBB2_8:
0x55: {  	s4 =	sadd.s32 $0x8, s4;
	[tilespmem:s1+$0xFFFFFE80] =	vst v0;
	s1 =	sadd.s32 $0x800, s1  }
0x56: {  	[tilespmem:s1+$0xFFFFFE00] =	vst v0;
	p0 =	slt.u32 s4, $0xF8  }
0x57: {  	[tilespmem:s1+$0x180] =	vst v0  }
.Ltmp5:
0x58: {  	[tilespmem:s1+$0x100] =	vst v0;
	(pc) =	sbr.rel @p0 .LBB2_8-.Ltmp5, $4  }
0x59: {  	[tilespmem:s1+$0x80] =	vst v0  }
0x5a: {  	[tilespmem:s1+$0x0] =	vst v0  }
0x5b: {  	[tilespmem:s1+$0xFFFFFF80] =	vst v0  }
0x5c: {  	[tilespmem:s1+$0xFFFFFF00] =	vst v0  }
0x5d: {  	[tilespmem:s1+$0xFFFFFE80] =	vst v0  }
0x5e: {  	[tilespmem:s0+$0xFFFFFE00] =	vst v0  }
0x5f: {  	[tilespmem:s0+$0x180] =	vst v0  }
0x60: {  	[tilespmem:s0+$0x100] =	vst v0  }
0x61: {  	[tilespmem:s0+$0x80] =	vst v0  }
0x62: {  	[tilespmem:s0+$0x0] =	vst v0  }
0x63: {  	[tilespmem:s0+$0xFFFFFF80] =	vst v0  }
0x64: {  	s4 =	simm.s32 $0x0;
	[tilespmem:s0+$0xFFFFFF00] =	vst v0  }
.LBB2_10:
0x65: {  	s4 =	sadd.s32 $0x8, s4;
	[tilespmem:s0+$0xFFFFFE80] =	vst v0;
	s0 =	sadd.s32 $0x800, s0;
	s1 =	simm.s32 $0x250  }
0x66: {  	[tilespmem:s0+$0xFFFFFE00] =	vst v0;
	p0 =	slt.u32 s4, $0xF8  }
0x67: {  	[tilespmem:s0+$0x180] =	vst v0  }
.Ltmp6:
0x68: {  	[tilespmem:s0+$0x100] =	vst v0;
	(pc) =	sbr.rel @p0 .LBB2_10-.Ltmp6, $4  }
0x69: {  	[tilespmem:s0+$0x80] =	vst v0  }
0x6a: {  	[tilespmem:s0+$0x0] =	vst v0  }
0x6b: {  	[tilespmem:s0+$0xFFFFFF80] =	vst v0  }
0x6c: {  	[tilespmem:s0+$0xFFFFFF00] =	vst v0  }
0x6d: {  	[tilespmem:s0+$0xFFFFFE80] =	vst v0  }
0x6e: {  	[tilespmem:s1+$0xFFFFFE00] =	vst v0  }
0x6f: {  	[tilespmem:s1+$0x180] =	vst v0  }
0x70: {  	[tilespmem:s1+$0x100] =	vst v0  }
0x71: {  	[tilespmem:s1+$0x80] =	vst v0  }
0x72: {  	[tilespmem:s1+$0x0] =	vst v0  }
0x73: {  	[tilespmem:s1+$0xFFFFFF80] =	vst v0  }
0x74: {  	s4 =	simm.s32 $0x0;
	s0 =	simm.s32 $0x260;
	[tilespmem:s1+$0xFFFFFF00] =	vst v0  }
.LBB2_12:
0x75: {  	s4 =	sadd.s32 $0x8, s4;
	[tilespmem:s1+$0xFFFFFE80] =	vst v0;
	s1 =	sadd.s32 $0x800, s1  }
0x76: {  	[tilespmem:s1+$0xFFFFFE00] =	vst v0;
	p0 =	slt.u32 s4, $0xF8  }
0x77: {  	[tilespmem:s1+$0x180] =	vst v0  }
.Ltmp7:
0x78: {  	[tilespmem:s1+$0x100] =	vst v0;
	(pc) =	sbr.rel @p0 .LBB2_12-.Ltmp7, $4  }
0x79: {  	[tilespmem:s1+$0x80] =	vst v0  }
0x7a: {  	[tilespmem:s1+$0x0] =	vst v0  }
0x7b: {  	[tilespmem:s1+$0xFFFFFF80] =	vst v0  }
0x7c: {  	[tilespmem:s1+$0xFFFFFF00] =	vst v0  }
0x7d: {  	[tilespmem:s1+$0xFFFFFE80] =	vst v0  }
0x7e: {  	[tilespmem:s0+$0xFFFFFE00] =	vst v0  }
0x7f: {  	[tilespmem:s0+$0x180] =	vst v0  }
0x80: {  	[tilespmem:s0+$0x100] =	vst v0  }
0x81: {  	[tilespmem:s0+$0x80] =	vst v0  }
0x82: {  	[tilespmem:s0+$0x0] =	vst v0  }
0x83: {  	[tilespmem:s0+$0xFFFFFF80] =	vst v0  }
0x84: {  	s4 =	simm.s32 $0x0;
	[tilespmem:s0+$0xFFFFFF00] =	vst v0  }
.LBB2_14:
0x85: {  	s4 =	sadd.s32 $0x8, s4;
	[tilespmem:s0+$0xFFFFFE80] =	vst v0;
	s0 =	sadd.s32 $0x800, s0;
	s1 =	simm.s32 $0x270  }
0x86: {  	[tilespmem:s0+$0xFFFFFE00] =	vst v0;
	p0 =	slt.u32 s4, $0xF8  }
0x87: {  	[tilespmem:s0+$0x180] =	vst v0  }
.Ltmp8:
0x88: {  	[tilespmem:s0+$0x100] =	vst v0;
	(pc) =	sbr.rel @p0 .LBB2_14-.Ltmp8, $4  }
0x89: {  	[tilespmem:s0+$0x80] =	vst v0  }
0x8a: {  	[tilespmem:s0+$0x0] =	vst v0  }
0x8b: {  	[tilespmem:s0+$0xFFFFFF80] =	vst v0  }
0x8c: {  	[tilespmem:s0+$0xFFFFFF00] =	vst v0  }
0x8d: {  	[tilespmem:s0+$0xFFFFFE80] =	vst v0  }
0x8e: {  	[tilespmem:s1+$0xFFFFFE00] =	vst v0  }
0x8f: {  	[tilespmem:s1+$0x180] =	vst v0  }
0x90: {  	[tilespmem:s1+$0x100] =	vst v0  }
0x91: {  	[tilespmem:s1+$0x80] =	vst v0  }
0x92: {  	[tilespmem:s1+$0x0] =	vst v0  }
0x93: {  	[tilespmem:s1+$0xFFFFFF80] =	vst v0  }
0x94: {  	s4 =	simm.s32 $0x0;
	s0 =	simm.s32 $0x780;
	[tilespmem:s1+$0xFFFFFF00] =	vst v0  }
.LBB2_16:
0x95: {  	s4 =	sadd.s32 $0x8, s4;
	[tilespmem:s1+$0xFFFFFE80] =	vst v0;
	s1 =	sadd.s32 $0x800, s1  }
0x96: {  	[tilespmem:s1+$0xFFFFFE00] =	vst v0;
	p0 =	slt.u32 s4, $0xF8  }
0x97: {  	[tilespmem:s1+$0x180] =	vst v0  }
.Ltmp9:
0x98: {  	[tilespmem:s1+$0x100] =	vst v0;
	(pc) =	sbr.rel @p0 .LBB2_16-.Ltmp9, $4  }
0x99: {  	[tilespmem:s1+$0x80] =	vst v0  }
0x9a: {  	[tilespmem:s1+$0x0] =	vst v0  }
0x9b: {  	[tilespmem:s1+$0xFFFFFF80] =	vst v0  }
0x9c: {  	[tilespmem:s1+$0xFFFFFF00] =	vst v0  }
0x9d: {  	[tilespmem:s1+$0xFFFFFE80] =	vst v0  }
0x9e: {  	[tilespmem:s0+$0xFFFFFC80] =	vst v0  }
0x9f: {  	[tilespmem:s0+$0x0] =	vst v0  }
0xa0: {  	[tilespmem:s0+$0xFFFFFF80] =	vst v0  }
0xa1: {  	[tilespmem:s0+$0xFFFFFF00] =	vst v0  }
0xa2: {  	[tilespmem:s0+$0xFFFFFE80] =	vst v0  }
0xa3: {  	[tilespmem:s0+$0xFFFFFE00] =	vst v0  }
0xa4: {  	s4 =	simm.s32 $0x0;
	[tilespmem:s0+$0xFFFFFD80] =	vst v0  }
.LBB2_18:
0xa5: {  	s4 =	sadd.s32 $0x8, s4;
	[tilespmem:s0+$0xFFFFFD00] =	vst v0;
	s0 =	sadd.s32 $0x800, s0;
	s1 =	simm.s32 $0x790  }
0xa6: {  	[tilespmem:s0+$0xFFFFFC80] =	vst v0;
	p0 =	slt.u32 s4, $0xF8  }
0xa7: {  	[tilespmem:s0+$0x0] =	vst v0  }
.Ltmp10:
0xa8: {  	[tilespmem:s0+$0xFFFFFF80] =	vst v0;
	(pc) =	sbr.rel @p0 .LBB2_18-.Ltmp10, $4  }
0xa9: {  	[tilespmem:s0+$0xFFFFFF00] =	vst v0  }
0xaa: {  	[tilespmem:s0+$0xFFFFFE80] =	vst v0  }
0xab: {  	[tilespmem:s0+$0xFFFFFE00] =	vst v0  }
0xac: {  	[tilespmem:s0+$0xFFFFFD80] =	vst v0  }
0xad: {  	[tilespmem:s0+$0xFFFFFD00] =	vst v0  }
0xae: {  	[tilespmem:s1+$0xFFFFFC80] =	vst v0  }
0xaf: {  	[tilespmem:s1+$0x0] =	vst v0  }
0xb0: {  	[tilespmem:s1+$0xFFFFFF80] =	vst v0  }
0xb1: {  	[tilespmem:s1+$0xFFFFFF00] =	vst v0  }
0xb2: {  	[tilespmem:s1+$0xFFFFFE80] =	vst v0  }
0xb3: {  	[tilespmem:s1+$0xFFFFFE00] =	vst v0  }
0xb4: {  	s4 =	simm.s32 $0x0;
	s0 =	simm.s32 $0x7A0;
	[tilespmem:s1+$0xFFFFFD80] =	vst v0  }
.LBB2_20:
0xb5: {  	s4 =	sadd.s32 $0x8, s4;
	[tilespmem:s1+$0xFFFFFD00] =	vst v0;
	s1 =	sadd.s32 $0x800, s1  }
0xb6: {  	[tilespmem:s1+$0xFFFFFC80] =	vst v0;
	p0 =	slt.u32 s4, $0xF8  }
0xb7: {  	[tilespmem:s1+$0x0] =	vst v0  }
.Ltmp11:
0xb8: {  	[tilespmem:s1+$0xFFFFFF80] =	vst v0;
	(pc) =	sbr.rel @p0 .LBB2_20-.Ltmp11, $4  }
0xb9: {  	[tilespmem:s1+$0xFFFFFF00] =	vst v0  }
0xba: {  	[tilespmem:s1+$0xFFFFFE80] =	vst v0  }
0xbb: {  	[tilespmem:s1+$0xFFFFFE00] =	vst v0  }
0xbc: {  	[tilespmem:s1+$0xFFFFFD80] =	vst v0  }
0xbd: {  	[tilespmem:s1+$0xFFFFFD00] =	vst v0  }
0xbe: {  	[tilespmem:s0+$0xFFFFFC80] =	vst v0  }
0xbf: {  	[tilespmem:s0+$0x0] =	vst v0  }
0xc0: {  	[tilespmem:s0+$0xFFFFFF80] =	vst v0  }
0xc1: {  	[tilespmem:s0+$0xFFFFFF00] =	vst v0  }
0xc2: {  	[tilespmem:s0+$0xFFFFFE80] =	vst v0  }
0xc3: {  	[tilespmem:s0+$0xFFFFFE00] =	vst v0  }
0xc4: {  	s4 =	simm.s32 $0x0;
	[tilespmem:s0+$0xFFFFFD80] =	vst v0  }
.LBB2_22:
0xc5: {  	s4 =	sadd.s32 $0x8, s4;
	[tilespmem:s0+$0xFFFFFD00] =	vst v0;
	s0 =	sadd.s32 $0x800, s0;
	s1 =	simm.s32 $0x7B0  }
0xc6: {  	[tilespmem:s0+$0xFFFFFC80] =	vst v0;
	p0 =	slt.u32 s4, $0xF8  }
0xc7: {  	[tilespmem:s0+$0x0] =	vst v0  }
.Ltmp12:
0xc8: {  	[tilespmem:s0+$0xFFFFFF80] =	vst v0;
	(pc) =	sbr.rel @p0 .LBB2_22-.Ltmp12, $4  }
0xc9: {  	[tilespmem:s0+$0xFFFFFF00] =	vst v0  }
0xca: {  	[tilespmem:s0+$0xFFFFFE80] =	vst v0  }
0xcb: {  	[tilespmem:s0+$0xFFFFFE00] =	vst v0  }
0xcc: {  	[tilespmem:s0+$0xFFFFFD80] =	vst v0  }
0xcd: {  	[tilespmem:s0+$0xFFFFFD00] =	vst v0  }
0xce: {  	[tilespmem:s1+$0xFFFFFC80] =	vst v0  }
0xcf: {  	[tilespmem:s1+$0x0] =	vst v0  }
0xd0: {  	[tilespmem:s1+$0xFFFFFF80] =	vst v0  }
0xd1: {  	[tilespmem:s1+$0xFFFFFF00] =	vst v0  }
0xd2: {  	[tilespmem:s1+$0xFFFFFE80] =	vst v0  }
0xd3: {  	[tilespmem:s1+$0xFFFFFE00] =	vst v0  }
0xd4: {  	s4 =	simm.s32 $0x0;
	s0 =	simm.s32 $0x7C0;
	[tilespmem:s1+$0xFFFFFD80] =	vst v0  }
.LBB2_24:
0xd5: {  	s4 =	sadd.s32 $0x8, s4;
	[tilespmem:s1+$0xFFFFFD00] =	vst v0;
	s1 =	sadd.s32 $0x800, s1  }
0xd6: {  	[tilespmem:s1+$0xFFFFFC80] =	vst v0;
	p0 =	slt.u32 s4, $0xF8  }
0xd7: {  	[tilespmem:s1+$0x0] =	vst v0  }
.Ltmp13:
0xd8: {  	[tilespmem:s1+$0xFFFFFF80] =	vst v0;
	(pc) =	sbr.rel @p0 .LBB2_24-.Ltmp13, $4  }
0xd9: {  	[tilespmem:s1+$0xFFFFFF00] =	vst v0  }
0xda: {  	[tilespmem:s1+$0xFFFFFE80] =	vst v0  }
0xdb: {  	[tilespmem:s1+$0xFFFFFE00] =	vst v0  }
0xdc: {  	[tilespmem:s1+$0xFFFFFD80] =	vst v0  }
0xdd: {  	[tilespmem:s1+$0xFFFFFD00] =	vst v0  }
0xde: {  	[tilespmem:s0+$0xFFFFFC80] =	vst v0  }
0xdf: {  	[tilespmem:s0+$0x0] =	vst v0  }
0xe0: {  	[tilespmem:s0+$0xFFFFFF80] =	vst v0  }
0xe1: {  	[tilespmem:s0+$0xFFFFFF00] =	vst v0  }
0xe2: {  	[tilespmem:s0+$0xFFFFFE80] =	vst v0  }
0xe3: {  	[tilespmem:s0+$0xFFFFFE00] =	vst v0  }
0xe4: {  	s4 =	simm.s32 $0x0;
	[tilespmem:s0+$0xFFFFFD80] =	vst v0  }
.LBB2_26:
0xe5: {  	s4 =	sadd.s32 $0x8, s4;
	[tilespmem:s0+$0xFFFFFD00] =	vst v0;
	s0 =	sadd.s32 $0x800, s0;
	s1 =	simm.s32 $0x7D0  }
0xe6: {  	[tilespmem:s0+$0xFFFFFC80] =	vst v0;
	p0 =	slt.u32 s4, $0xF8  }
0xe7: {  	[tilespmem:s0+$0x0] =	vst v0  }
.Ltmp14:
0xe8: {  	[tilespmem:s0+$0xFFFFFF80] =	vst v0;
	(pc) =	sbr.rel @p0 .LBB2_26-.Ltmp14, $4  }
0xe9: {  	[tilespmem:s0+$0xFFFFFF00] =	vst v0  }
0xea: {  	[tilespmem:s0+$0xFFFFFE80] =	vst v0  }
0xeb: {  	[tilespmem:s0+$0xFFFFFE00] =	vst v0  }
0xec: {  	[tilespmem:s0+$0xFFFFFD80] =	vst v0  }
0xed: {  	[tilespmem:s0+$0xFFFFFD00] =	vst v0  }
0xee: {  	[tilespmem:s1+$0xFFFFFC80] =	vst v0  }
0xef: {  	[tilespmem:s1+$0x0] =	vst v0  }
0xf0: {  	[tilespmem:s1+$0xFFFFFF80] =	vst v0  }
0xf1: {  	[tilespmem:s1+$0xFFFFFF00] =	vst v0  }
0xf2: {  	[tilespmem:s1+$0xFFFFFE80] =	vst v0  }
0xf3: {  	[tilespmem:s1+$0xFFFFFE00] =	vst v0  }
0xf4: {  	s4 =	simm.s32 $0x0;
	s0 =	simm.s32 $0x7E0;
	[tilespmem:s1+$0xFFFFFD80] =	vst v0  }
.LBB2_28:
0xf5: {  	s4 =	sadd.s32 $0x8, s4;
	[tilespmem:s1+$0xFFFFFD00] =	vst v0;
	s1 =	sadd.s32 $0x800, s1  }
0xf6: {  	[tilespmem:s1+$0xFFFFFC80] =	vst v0;
	p0 =	slt.u32 s4, $0xF8  }
0xf7: {  	[tilespmem:s1+$0x0] =	vst v0  }
.Ltmp15:
0xf8: {  	[tilespmem:s1+$0xFFFFFF80] =	vst v0;
	(pc) =	sbr.rel @p0 .LBB2_28-.Ltmp15, $4  }
0xf9: {  	[tilespmem:s1+$0xFFFFFF00] =	vst v0  }
0xfa: {  	[tilespmem:s1+$0xFFFFFE80] =	vst v0  }
0xfb: {  	[tilespmem:s1+$0xFFFFFE00] =	vst v0  }
0xfc: {  	[tilespmem:s1+$0xFFFFFD80] =	vst v0  }
0xfd: {  	[tilespmem:s1+$0xFFFFFD00] =	vst v0  }
0xfe: {  	[tilespmem:s0+$0xFFFFFC80] =	vst v0  }
0xff: {  	[tilespmem:s0+$0x0] =	vst v0  }
0x100: {  	[tilespmem:s0+$0xFFFFFF80] =	vst v0  }
0x101: {  	[tilespmem:s0+$0xFFFFFF00] =	vst v0  }
0x102: {  	[tilespmem:s0+$0xFFFFFE80] =	vst v0  }
0x103: {  	[tilespmem:s0+$0xFFFFFE00] =	vst v0  }
0x104: {  	s4 =	simm.s32 $0x0;
	[tilespmem:s0+$0xFFFFFD80] =	vst v0  }
.LBB2_30:
0x105: {  	s4 =	sadd.s32 $0x8, s4;
	[tilespmem:s0+$0xFFFFFD00] =	vst v0;
	s0 =	sadd.s32 $0x800, s0;
	s1 =	simm.s32 $0x7F0  }
0x106: {  	[tilespmem:s0+$0xFFFFFC80] =	vst v0;
	p0 =	slt.u32 s4, $0xF8  }
0x107: {  	[tilespmem:s0+$0x0] =	vst v0  }
.Ltmp16:
0x108: {  	[tilespmem:s0+$0xFFFFFF80] =	vst v0;
	(pc) =	sbr.rel @p0 .LBB2_30-.Ltmp16, $4  }
0x109: {  	[tilespmem:s0+$0xFFFFFF00] =	vst v0  }
0x10a: {  	[tilespmem:s0+$0xFFFFFE80] =	vst v0  }
0x10b: {  	[tilespmem:s0+$0xFFFFFE00] =	vst v0  }
0x10c: {  	[tilespmem:s0+$0xFFFFFD80] =	vst v0  }
0x10d: {  	[tilespmem:s0+$0xFFFFFD00] =	vst v0  }
0x10e: {  	[tilespmem:s1+$0xFFFFFC80] =	vst v0  }
0x10f: {  	[tilespmem:s1+$0x0] =	vst v0  }
0x110: {  	[tilespmem:s1+$0xFFFFFF80] =	vst v0  }
0x111: {  	[tilespmem:s1+$0xFFFFFF00] =	vst v0  }
0x112: {  	[tilespmem:s1+$0xFFFFFE80] =	vst v0  }
0x113: {  	[tilespmem:s1+$0xFFFFFE00] =	vst v0  }
0x114: {  	s0 =	simm.s32 $0x0;
	[tilespmem:s1+$0xFFFFFD80] =	vst v0  }
.LBB2_32:
0x115: {  	s0 =	sadd.s32 $0x8, s0;
	[tilespmem:s1+$0xFFFFFD00] =	vst v0;
	s1 =	sadd.s32 $0x800, s1  }
0x116: {  	[tilespmem:s1+$0xFFFFFC80] =	vst v0;
	p0 =	slt.u32 s0, $0xF8  }
0x117: {  	[tilespmem:s1+$0x0] =	vst v0  }
.Ltmp17:
0x118: {  	[tilespmem:s1+$0xFFFFFF80] =	vst v0;
	(pc) =	sbr.rel @p0 .LBB2_32-.Ltmp17, $4  }
0x119: {  	[tilespmem:s1+$0xFFFFFF00] =	vst v0  }
0x11a: {  	[tilespmem:s1+$0xFFFFFE80] =	vst v0  }
0x11b: {  	[tilespmem:s1+$0xFFFFFE00] =	vst v0  }
0x11c: {  	[tilespmem:s1+$0xFFFFFD80] =	vst v0  }
0x11d: {  	[tilespmem:s1+$0xFFFFFD00] =	vst v0;
	s0 =	simm.s32 $0x1  }
0x11e: {  	_ =	swait.ge [sflag:s0], $0x4000  }
0x11f: {  	[sflag:s0] =	ssyncset.done $0x0  }
0x120: {  	s31 =	simm.s32 $0x2;
	[sflag:s0] =	ssyncadd.s32 $0xFFFFC000  }
0x121: {  	_ =	swait.ge [sflag:s31], $0x4080  }
0x122: {  	[sflag:s31] =	ssyncset.done $0x0  }
0x123: {  	s20 =	simm.s32 $0x0;
	[sflag:s31] =	ssyncadd.s32 $0xFFFFBF80  }
.LBB2_34:
0x124: {  	p0 =	seq.s32 s20, $0x0  }
0x125: {  	s4 =	simm.s32 $0xB6;
	s7 =	simm.s32 $0xBC;
	s0 =	simm.s32 @!p0 $0x2  }
0x126: {  	s9 =	simm.s32 $0xBD;
	s23 =	simm.s32 $0xBB;
	_ =	swait.ge @!p0 [sflag:s0], $0x4080  }
0x127: {  	s13 =	simm.s32 $0xB7;
	s1 =	simm.s32 @!p0 $0x3;
	[sflag:s0] =	ssyncset.done @!p0 $0x0  }
0x128: {  	s9 =	smul.u32 s9, s7;
	[sflag:s0] =	ssyncadd.s32 @!p0 $0xFFFFBF80;
	s0 =	simm.s32 $0xB5  }
0x129: {  	s14 =	simm.s32 $0xB9;
	_ =	swait.ge @!p0 [sflag:s1], $0x8000;
	s6 =	smul.u32 s0, s4  }
0x12a: {  	s25 =	simm.s32 $0xBA;
	s7 =	smul.u32 s7, s23;
	[sflag:s1] =	ssyncset.done @!p0 $0x0  }
0x12b: {  	s28 =	smul.u32 s25, s14;
	[sflag:s1] =	ssyncadd.s32 @!p0 $0xFFFF8000;
	s6 =	sshrl.u32 s6, $0x1  }
0x12c: {  	s24 =	simm.s32 $0xB8;
	s9 =	sshrl.u32 s9, $0x1;
	s4 =	smul.u32 s13, s4;
	v3 =	vld [tilespmem:s6+$0x10000]  }
0x12d: {  	s7 =	sshrl.u32 s7, $0x1;
	s13 =	smul.u32 s24, s13;
	v8 =	vld [tilespmem:s9+$0x10000]  }
0x12e: {  	s4 =	sshrl.u32 s4, $0x1;
	s6 =	smul.u32 s14, s24;
	v2 =	vld [tilespmem:s7+$0x10000]  }
0x12f: {  	s30 =	smul.u32 s23, s25;
	s26 =	sshrl.u32 s13, $0x1;
	v4 =	vld [tilespmem:s4+$0x10000]  }
0x130: {  	s31 =	sshrl.u32 s28, $0x1;
	s2 =	rddreg [dreg:$0x3];
	v5 =	vld [tilespmem:s26+$0x10000];
	s29 =	sshrl.u32 s6, $0x1  }
0x131: {  	s21 =	sor.u32 s2, s20;
	s1 =	simm.s32 $0xFD00;
	s9 =	simm.s32 $0xBA00;
	v6 =	vld [tilespmem:s29+$0x10000]  }
0x132: {  	v7 =	vld [tilespmem:s31+$0x10000];
	s4 =	sshrl.u32 s30, $0x1;
	s7 =	simm.s32 $0xFD;
	s6 =	simm.s32 $0x280;
	[tilespmem:s9+$0x0] =	vst v8  }
.LBB2_35:
0x133: {  	s13 =	sadd.s32 $0x9, s0;
	[tilespmem:s9+$0xFFFFF880] =	vst v3;
	v8 =	vld [tilespmem:s4+$0x10000];
	s4 =	smov.u32 s0;
	s0 =	sadd.s32 $0x8, s0  }
0x134: {  	s14 =	smul.u32 s0, s13;
	s15 =	sadd.s32 $0xF, s4;
	s17 =	sadd.s32 $0x10, s4;
	[tilespmem:s9+$0xFFFFF900] =	vst v4  }
0x135: {  	s19 =	sadd.s32 $0xE, s4;
	p1 =	slt.u32 s0, $0xF5;
	s17 =	smul.u32 s17, s15;
	[tilespmem:s9+$0xFFFFF980] =	vst v5  }
0x136: {  	s22 =	sadd.s32 $0xA, s4;
	s15 =	smul.u32 s15, s19;
	s14 =	sshrl.u32 s14, $0x1;
	[tilespmem:s9+$0xFFFFFE00] =	vst v6  }
0x137: {  	s13 =	smul.u32 s22, s13;
	v3 =	vld [tilespmem:s14+$0x10000];
	s14 =	sadd.s32 $0xB, s4  }
0x138: {  	s23 =	sadd.s32 $0xC, s4;
	s17 =	sshrl.u32 s17, $0x1;
	[tilespmem:s9+$0xFFFFFE80] =	vst v7;
	s22 =	smul.u32 s14, s22  }
0x139: {  	s15 =	sshrl.u32 s15, $0x1;
	v9 =	vld [tilespmem:s17+$0x10000];
	[tilespmem:s9+$0xFFFFFF00] =	vst v8;
	s14 =	smul.u32 s23, s14  }
.Ltmp18:
0x13a: {  	s13 =	sshrl.u32 s13, $0x1;
	s4 =	sadd.s32 $0xD, s4;
	[tilespmem:s9+$0xFFFFFF80] =	vst v2;
	v2 =	vld [tilespmem:s15+$0x10000];
	(pc) =	sbr.rel @p1 .LBB2_35-.Ltmp18, $4  }
0x13b: {  	s15 =	smul.u32 s4, s23;
	v4 =	vld [tilespmem:s13+$0x10000];
	s13 =	sshrl.u32 s22, $0x1  }
0x13c: {  	s4 =	smul.u32 s19, s4;
	v5 =	vld [tilespmem:s13+$0x10000];
	s13 =	sshrl.u32 s14, $0x1  }
0x13d: {  	s9 =	sadd.s32 $0x800, s9;
	v6 =	vld [tilespmem:s13+$0x10000];
	s13 =	sshrl.u32 s15, $0x1  }
0x13e: {  	s4 =	sshrl.u32 s4, $0x1;
	v7 =	vld [tilespmem:s13+$0x10000];
	[tilespmem:s9+$0x0] =	vst v9  }
0x13f: {  	[tilespmem:s9+$0xFFFFF880] =	vst v3  }
0x140: {  	v3 =	vld [tilespmem:s4+$0x10000];
	[tilespmem:s9+$0xFFFFFF80] =	vst v2  }
0x141: {  	[tilespmem:s9+$0xFFFFF900] =	vst v4  }
0x142: {  	[tilespmem:s9+$0xFFFFF980] =	vst v5  }
0x143: {  	[tilespmem:s9+$0xFFFFFE00] =	vst v6  }
0x144: {  	[tilespmem:s9+$0xFFFFFE80] =	vst v7  }
0x145: {  	[tilespmem:s9+$0xFFFFFF00] =	vst v3  }
.LBB2_37:
0x146: {  	s0 =	sadd.s32 $0x1, s7  }
0x147: {  	s4 =	smul.u32 s7, s0;
	_ =	sdelay $0x1  }
0x148: {  	s4 =	sshrl.u32 s4, $0x1  }
0x149: {  	p1 =	sne.s32 s7, $0xFF;
	v2 =	vld [tilespmem:s4+$0x10000]  }
.Ltmp19:
0x14a: {  	_ = 	snop;
	(pc) =	sbr.rel @p1 .LBB2_37-.Ltmp19, $4  }
0x14b: {  	_ = 	snop  }
0x14c: {  	s31 =	sand.u32 $0x3FFFF800, s1  }
0x14d: {  	s4 =	sadd.s32 s31, s6  }
0x14e: {  	s1 =	sadd.s32 $0x100, s1;
	s7 =	smov.u32 s0;
	s6 =	sadd.s32 $0x80, s6;
	[tilespmem:s4+$0x0] =	vst v2  }
0x14f: {  	s0 =	simm.s32 $0xB5;
	s1 =	simm.s32 $0xB6  }
0x150: {  	s6 =	simm.s32 $0xBC;
	s7 =	simm.s32 $0xBD;
	s4 =	smul.u32 s0, s1  }
0x151: {  	s9 =	simm.s32 $0xBB;
	s7 =	smul.u32 s7, s6  }
0x152: {  	s13 =	simm.s32 $0xB7;
	s6 =	smul.u32 s6, s9;
	s4 =	sshrl.u32 s4, $0x1  }
0x153: {  	s24 =	simm.s32 $0xB8;
	s1 =	smul.u32 s13, s1;
	s7 =	sshrl.u32 s7, $0x1;
	v3 =	vld [tilespmem:s4+$0x10010]  }
0x154: {  	s14 =	simm.s32 $0xB9;
	s13 =	smul.u32 s24, s13;
	s6 =	sshrl.u32 s6, $0x1;
	v8 =	vld [tilespmem:s7+$0x10010]  }
0x155: {  	s25 =	simm.s32 $0xBA;
	s1 =	sshrl.u32 s1, $0x1;
	s4 =	smul.u32 s14, s24;
	v2 =	vld [tilespmem:s6+$0x10010]  }
0x156: {  	s28 =	smul.u32 s25, s14;
	s26 =	sshrl.u32 s13, $0x1;
	v4 =	vld [tilespmem:s1+$0x10010]  }
0x157: {  	s30 =	smul.u32 s9, s25;
	v5 =	vld [tilespmem:s26+$0x10010];
	s29 =	sshrl.u32 s4, $0x1  }
0x158: {  	s31 =	sshrl.u32 s28, $0x1;
	s6 =	simm.s32 $0xBA10;
	v6 =	vld [tilespmem:s29+$0x10010]  }
0x159: {  	s9 =	sshrl.u32 s30, $0x1;
	v7 =	vld [tilespmem:s31+$0x10010];
	s1 =	simm.s32 $0x290;
	[tilespmem:s6+$0x0] =	vst v8  }
.LBB2_39:
0x15a: {  	s4 =	sadd.s32 $0x9, s0;
	[tilespmem:s6+$0xFFFFF880] =	vst v3;
	v8 =	vld [tilespmem:s9+$0x10010];
	s7 =	smov.u32 s0;
	s0 =	sadd.s32 $0x8, s0  }
0x15b: {  	s9 =	smul.u32 s0, s4;
	s13 =	sadd.s32 $0xF, s7;
	s14 =	sadd.s32 $0x10, s7;
	[tilespmem:s6+$0xFFFFF900] =	vst v4  }
0x15c: {  	s15 =	sadd.s32 $0xE, s7;
	p1 =	slt.u32 s0, $0xF5;
	s14 =	smul.u32 s14, s13;
	[tilespmem:s6+$0xFFFFF980] =	vst v5  }
0x15d: {  	s17 =	sadd.s32 $0xA, s7;
	s13 =	smul.u32 s13, s15;
	s9 =	sshrl.u32 s9, $0x1;
	[tilespmem:s6+$0xFFFFFE00] =	vst v6  }
0x15e: {  	s4 =	smul.u32 s17, s4;
	v3 =	vld [tilespmem:s9+$0x10010];
	s9 =	sadd.s32 $0xB, s7  }
0x15f: {  	s19 =	sadd.s32 $0xC, s7;
	s14 =	sshrl.u32 s14, $0x1;
	[tilespmem:s6+$0xFFFFFE80] =	vst v7;
	s17 =	smul.u32 s9, s17  }
0x160: {  	s13 =	sshrl.u32 s13, $0x1;
	v9 =	vld [tilespmem:s14+$0x10010];
	[tilespmem:s6+$0xFFFFFF00] =	vst v8;
	s9 =	smul.u32 s19, s9  }
.Ltmp20:
0x161: {  	s4 =	sshrl.u32 s4, $0x1;
	s7 =	sadd.s32 $0xD, s7;
	[tilespmem:s6+$0xFFFFFF80] =	vst v2;
	v2 =	vld [tilespmem:s13+$0x10010];
	(pc) =	sbr.rel @p1 .LBB2_39-.Ltmp20, $4  }
0x162: {  	s13 =	smul.u32 s7, s19;
	v4 =	vld [tilespmem:s4+$0x10010];
	s4 =	sshrl.u32 s17, $0x1  }
0x163: {  	s7 =	smul.u32 s15, s7;
	v5 =	vld [tilespmem:s4+$0x10010];
	s4 =	sshrl.u32 s9, $0x1  }
0x164: {  	s6 =	sadd.s32 $0x800, s6;
	s9 =	sshrl.u32 s13, $0x1;
	v6 =	vld [tilespmem:s4+$0x10010];
	s4 =	simm.s32 $0xFD00  }
0x165: {  	v7 =	vld [tilespmem:s9+$0x10010];
	s9 =	sshrl.u32 s7, $0x1;
	[tilespmem:s6+$0x0] =	vst v9;
	s7 =	simm.s32 $0xFD  }
0x166: {  	[tilespmem:s6+$0xFFFFF880] =	vst v3  }
0x167: {  	v3 =	vld [tilespmem:s9+$0x10010];
	[tilespmem:s6+$0xFFFFFF80] =	vst v2  }
0x168: {  	[tilespmem:s6+$0xFFFFF900] =	vst v4  }
0x169: {  	[tilespmem:s6+$0xFFFFF980] =	vst v5  }
0x16a: {  	[tilespmem:s6+$0xFFFFFE00] =	vst v6  }
0x16b: {  	[tilespmem:s6+$0xFFFFFE80] =	vst v7  }
0x16c: {  	[tilespmem:s6+$0xFFFFFF00] =	vst v3  }
.LBB2_41:
0x16d: {  	s0 =	sadd.s32 $0x1, s7  }
0x16e: {  	s6 =	smul.u32 s7, s0;
	_ =	sdelay $0x1  }
0x16f: {  	s6 =	sshrl.u32 s6, $0x1  }
0x170: {  	p1 =	sne.s32 s7, $0xFF;
	v2 =	vld [tilespmem:s6+$0x10010]  }
.Ltmp21:
0x171: {  	_ = 	snop;
	(pc) =	sbr.rel @p1 .LBB2_41-.Ltmp21, $4  }
0x172: {  	_ = 	snop  }
0x173: {  	s31 =	sand.u32 $0x3FFFF800, s4  }
0x174: {  	s6 =	sadd.s32 s31, s1  }
0x175: {  	s4 =	sadd.s32 $0x100, s4;
	s7 =	smov.u32 s0;
	s1 =	sadd.s32 $0x80, s1;
	[tilespmem:s6+$0x0] =	vst v2  }
0x176: {  	s0 =	simm.s32 $0xB5;
	s1 =	simm.s32 $0xB6  }
0x177: {  	s6 =	simm.s32 $0xBC;
	s7 =	simm.s32 $0xBD;
	s4 =	smul.u32 s0, s1  }
0x178: {  	s9 =	simm.s32 $0xBB;
	s7 =	smul.u32 s7, s6  }
0x179: {  	s13 =	simm.s32 $0xB7;
	s6 =	smul.u32 s6, s9;
	s4 =	sshrl.u32 s4, $0x1  }
0x17a: {  	s24 =	simm.s32 $0xB8;
	s1 =	smul.u32 s13, s1;
	s7 =	sshrl.u32 s7, $0x1;
	v3 =	vld [tilespmem:s4+$0x10020]  }
0x17b: {  	s14 =	simm.s32 $0xB9;
	s13 =	smul.u32 s24, s13;
	s6 =	sshrl.u32 s6, $0x1;
	v8 =	vld [tilespmem:s7+$0x10020]  }
0x17c: {  	s25 =	simm.s32 $0xBA;
	s1 =	sshrl.u32 s1, $0x1;
	s4 =	smul.u32 s14, s24;
	v2 =	vld [tilespmem:s6+$0x10020]  }
0x17d: {  	s28 =	smul.u32 s25, s14;
	s26 =	sshrl.u32 s13, $0x1;
	v4 =	vld [tilespmem:s1+$0x10020]  }
0x17e: {  	s30 =	smul.u32 s9, s25;
	v5 =	vld [tilespmem:s26+$0x10020];
	s29 =	sshrl.u32 s4, $0x1  }
0x17f: {  	s31 =	sshrl.u32 s28, $0x1;
	s6 =	simm.s32 $0xBA20;
	v6 =	vld [tilespmem:s29+$0x10020]  }
0x180: {  	s9 =	sshrl.u32 s30, $0x1;
	v7 =	vld [tilespmem:s31+$0x10020];
	s1 =	simm.s32 $0x2A0;
	[tilespmem:s6+$0x0] =	vst v8  }
.LBB2_43:
0x181: {  	s4 =	sadd.s32 $0x9, s0;
	[tilespmem:s6+$0xFFFFF880] =	vst v3;
	v8 =	vld [tilespmem:s9+$0x10020];
	s7 =	smov.u32 s0;
	s0 =	sadd.s32 $0x8, s0  }
0x182: {  	s9 =	smul.u32 s0, s4;
	s13 =	sadd.s32 $0xF, s7;
	s14 =	sadd.s32 $0x10, s7;
	[tilespmem:s6+$0xFFFFF900] =	vst v4  }
0x183: {  	s15 =	sadd.s32 $0xE, s7;
	p1 =	slt.u32 s0, $0xF5;
	s14 =	smul.u32 s14, s13;
	[tilespmem:s6+$0xFFFFF980] =	vst v5  }
0x184: {  	s17 =	sadd.s32 $0xA, s7;
	s13 =	smul.u32 s13, s15;
	s9 =	sshrl.u32 s9, $0x1;
	[tilespmem:s6+$0xFFFFFE00] =	vst v6  }
0x185: {  	s4 =	smul.u32 s17, s4;
	v3 =	vld [tilespmem:s9+$0x10020];
	s9 =	sadd.s32 $0xB, s7  }
0x186: {  	s19 =	sadd.s32 $0xC, s7;
	s14 =	sshrl.u32 s14, $0x1;
	[tilespmem:s6+$0xFFFFFE80] =	vst v7;
	s17 =	smul.u32 s9, s17  }
0x187: {  	s13 =	sshrl.u32 s13, $0x1;
	v9 =	vld [tilespmem:s14+$0x10020];
	[tilespmem:s6+$0xFFFFFF00] =	vst v8;
	s9 =	smul.u32 s19, s9  }
.Ltmp22:
0x188: {  	s4 =	sshrl.u32 s4, $0x1;
	s7 =	sadd.s32 $0xD, s7;
	[tilespmem:s6+$0xFFFFFF80] =	vst v2;
	v2 =	vld [tilespmem:s13+$0x10020];
	(pc) =	sbr.rel @p1 .LBB2_43-.Ltmp22, $4  }
0x189: {  	s13 =	smul.u32 s7, s19;
	v4 =	vld [tilespmem:s4+$0x10020];
	s4 =	sshrl.u32 s17, $0x1  }
0x18a: {  	s7 =	smul.u32 s15, s7;
	v5 =	vld [tilespmem:s4+$0x10020];
	s4 =	sshrl.u32 s9, $0x1  }
0x18b: {  	s6 =	sadd.s32 $0x800, s6;
	s9 =	sshrl.u32 s13, $0x1;
	v6 =	vld [tilespmem:s4+$0x10020];
	s4 =	simm.s32 $0xFD00  }
0x18c: {  	v7 =	vld [tilespmem:s9+$0x10020];
	s9 =	sshrl.u32 s7, $0x1;
	[tilespmem:s6+$0x0] =	vst v9;
	s7 =	simm.s32 $0xFD  }
0x18d: {  	[tilespmem:s6+$0xFFFFF880] =	vst v3  }
0x18e: {  	v3 =	vld [tilespmem:s9+$0x10020];
	[tilespmem:s6+$0xFFFFFF80] =	vst v2  }
0x18f: {  	[tilespmem:s6+$0xFFFFF900] =	vst v4  }
0x190: {  	[tilespmem:s6+$0xFFFFF980] =	vst v5  }
0x191: {  	[tilespmem:s6+$0xFFFFFE00] =	vst v6  }
0x192: {  	[tilespmem:s6+$0xFFFFFE80] =	vst v7  }
0x193: {  	[tilespmem:s6+$0xFFFFFF00] =	vst v3  }
.LBB2_45:
0x194: {  	s0 =	sadd.s32 $0x1, s7  }
0x195: {  	s6 =	smul.u32 s7, s0;
	_ =	sdelay $0x1  }
0x196: {  	s6 =	sshrl.u32 s6, $0x1  }
0x197: {  	p1 =	sne.s32 s7, $0xFF;
	v2 =	vld [tilespmem:s6+$0x10020]  }
.Ltmp23:
0x198: {  	_ = 	snop;
	(pc) =	sbr.rel @p1 .LBB2_45-.Ltmp23, $4  }
0x199: {  	_ = 	snop  }
0x19a: {  	s31 =	sand.u32 $0x3FFFF800, s4  }
0x19b: {  	s6 =	sadd.s32 s31, s1  }
0x19c: {  	s4 =	sadd.s32 $0x100, s4;
	s7 =	smov.u32 s0;
	s1 =	sadd.s32 $0x80, s1;
	[tilespmem:s6+$0x0] =	vst v2  }
0x19d: {  	s0 =	simm.s32 $0xB5;
	s1 =	simm.s32 $0xB6  }
0x19e: {  	s6 =	simm.s32 $0xBC;
	s7 =	simm.s32 $0xBD;
	s4 =	smul.u32 s0, s1  }
0x19f: {  	s9 =	simm.s32 $0xBB;
	s7 =	smul.u32 s7, s6  }
0x1a0: {  	s13 =	simm.s32 $0xB7;
	s6 =	smul.u32 s6, s9;
	s4 =	sshrl.u32 s4, $0x1  }
0x1a1: {  	s24 =	simm.s32 $0xB8;
	s1 =	smul.u32 s13, s1;
	s7 =	sshrl.u32 s7, $0x1;
	v3 =	vld [tilespmem:s4+$0x10030]  }
0x1a2: {  	s14 =	simm.s32 $0xB9;
	s13 =	smul.u32 s24, s13;
	s6 =	sshrl.u32 s6, $0x1;
	v8 =	vld [tilespmem:s7+$0x10030]  }
0x1a3: {  	s25 =	simm.s32 $0xBA;
	s1 =	sshrl.u32 s1, $0x1;
	s4 =	smul.u32 s14, s24;
	v2 =	vld [tilespmem:s6+$0x10030]  }
0x1a4: {  	s28 =	smul.u32 s25, s14;
	s26 =	sshrl.u32 s13, $0x1;
	v4 =	vld [tilespmem:s1+$0x10030]  }
0x1a5: {  	s30 =	smul.u32 s9, s25;
	v5 =	vld [tilespmem:s26+$0x10030];
	s29 =	sshrl.u32 s4, $0x1  }
0x1a6: {  	s31 =	sshrl.u32 s28, $0x1;
	s6 =	simm.s32 $0xBA30;
	v6 =	vld [tilespmem:s29+$0x10030]  }
0x1a7: {  	s9 =	sshrl.u32 s30, $0x1;
	v7 =	vld [tilespmem:s31+$0x10030];
	s1 =	simm.s32 $0x2B0;
	[tilespmem:s6+$0x0] =	vst v8  }
.LBB2_47:
0x1a8: {  	s4 =	sadd.s32 $0x9, s0;
	[tilespmem:s6+$0xFFFFF880] =	vst v3;
	v8 =	vld [tilespmem:s9+$0x10030];
	s7 =	smov.u32 s0;
	s0 =	sadd.s32 $0x8, s0  }
0x1a9: {  	s9 =	smul.u32 s0, s4;
	s13 =	sadd.s32 $0xF, s7;
	s14 =	sadd.s32 $0x10, s7;
	[tilespmem:s6+$0xFFFFF900] =	vst v4  }
0x1aa: {  	s15 =	sadd.s32 $0xE, s7;
	p1 =	slt.u32 s0, $0xF5;
	s14 =	smul.u32 s14, s13;
	[tilespmem:s6+$0xFFFFF980] =	vst v5  }
0x1ab: {  	s17 =	sadd.s32 $0xA, s7;
	s13 =	smul.u32 s13, s15;
	s9 =	sshrl.u32 s9, $0x1;
	[tilespmem:s6+$0xFFFFFE00] =	vst v6  }
0x1ac: {  	s4 =	smul.u32 s17, s4;
	v3 =	vld [tilespmem:s9+$0x10030];
	s9 =	sadd.s32 $0xB, s7  }
0x1ad: {  	s19 =	sadd.s32 $0xC, s7;
	s14 =	sshrl.u32 s14, $0x1;
	[tilespmem:s6+$0xFFFFFE80] =	vst v7;
	s17 =	smul.u32 s9, s17  }
0x1ae: {  	s13 =	sshrl.u32 s13, $0x1;
	v9 =	vld [tilespmem:s14+$0x10030];
	[tilespmem:s6+$0xFFFFFF00] =	vst v8;
	s9 =	smul.u32 s19, s9  }
.Ltmp24:
0x1af: {  	s4 =	sshrl.u32 s4, $0x1;
	s7 =	sadd.s32 $0xD, s7;
	[tilespmem:s6+$0xFFFFFF80] =	vst v2;
	v2 =	vld [tilespmem:s13+$0x10030];
	(pc) =	sbr.rel @p1 .LBB2_47-.Ltmp24, $4  }
0x1b0: {  	s13 =	smul.u32 s7, s19;
	v4 =	vld [tilespmem:s4+$0x10030];
	s4 =	sshrl.u32 s17, $0x1  }
0x1b1: {  	s7 =	smul.u32 s15, s7;
	v5 =	vld [tilespmem:s4+$0x10030];
	s4 =	sshrl.u32 s9, $0x1  }
0x1b2: {  	s6 =	sadd.s32 $0x800, s6;
	s9 =	sshrl.u32 s13, $0x1;
	v6 =	vld [tilespmem:s4+$0x10030];
	s4 =	simm.s32 $0xFD00  }
0x1b3: {  	v7 =	vld [tilespmem:s9+$0x10030];
	s9 =	sshrl.u32 s7, $0x1;
	[tilespmem:s6+$0x0] =	vst v9;
	s7 =	simm.s32 $0xFD  }
0x1b4: {  	[tilespmem:s6+$0xFFFFF880] =	vst v3  }
0x1b5: {  	v3 =	vld [tilespmem:s9+$0x10030];
	[tilespmem:s6+$0xFFFFFF80] =	vst v2  }
0x1b6: {  	[tilespmem:s6+$0xFFFFF900] =	vst v4  }
0x1b7: {  	[tilespmem:s6+$0xFFFFF980] =	vst v5  }
0x1b8: {  	[tilespmem:s6+$0xFFFFFE00] =	vst v6  }
0x1b9: {  	[tilespmem:s6+$0xFFFFFE80] =	vst v7  }
0x1ba: {  	[tilespmem:s6+$0xFFFFFF00] =	vst v3  }
.LBB2_49:
0x1bb: {  	s0 =	sadd.s32 $0x1, s7  }
0x1bc: {  	s6 =	smul.u32 s7, s0;
	_ =	sdelay $0x1  }
0x1bd: {  	s6 =	sshrl.u32 s6, $0x1  }
0x1be: {  	p1 =	sne.s32 s7, $0xFF;
	v2 =	vld [tilespmem:s6+$0x10030]  }
.Ltmp25:
0x1bf: {  	_ = 	snop;
	(pc) =	sbr.rel @p1 .LBB2_49-.Ltmp25, $4  }
0x1c0: {  	_ = 	snop  }
0x1c1: {  	s31 =	sand.u32 $0x3FFFF800, s4  }
0x1c2: {  	s6 =	sadd.s32 s31, s1  }
0x1c3: {  	s4 =	sadd.s32 $0x100, s4;
	s7 =	smov.u32 s0;
	s1 =	sadd.s32 $0x80, s1;
	[tilespmem:s6+$0x0] =	vst v2  }
0x1c4: {  	s0 =	simm.s32 $0xB5;
	s1 =	simm.s32 $0xB6  }
0x1c5: {  	s6 =	simm.s32 $0xBC;
	s7 =	simm.s32 $0xBD;
	s4 =	smul.u32 s0, s1  }
0x1c6: {  	s9 =	simm.s32 $0xBB;
	s7 =	smul.u32 s7, s6  }
0x1c7: {  	s13 =	simm.s32 $0xB7;
	s6 =	smul.u32 s6, s9;
	s4 =	sshrl.u32 s4, $0x1  }
0x1c8: {  	s24 =	simm.s32 $0xB8;
	s1 =	smul.u32 s13, s1;
	s7 =	sshrl.u32 s7, $0x1;
	v3 =	vld [tilespmem:s4+$0x10040]  }
0x1c9: {  	s14 =	simm.s32 $0xB9;
	s13 =	smul.u32 s24, s13;
	s6 =	sshrl.u32 s6, $0x1;
	v8 =	vld [tilespmem:s7+$0x10040]  }
0x1ca: {  	s25 =	simm.s32 $0xBA;
	s1 =	sshrl.u32 s1, $0x1;
	s4 =	smul.u32 s14, s24;
	v2 =	vld [tilespmem:s6+$0x10040]  }
0x1cb: {  	s28 =	smul.u32 s25, s14;
	s26 =	sshrl.u32 s13, $0x1;
	v4 =	vld [tilespmem:s1+$0x10040]  }
0x1cc: {  	s30 =	smul.u32 s9, s25;
	v5 =	vld [tilespmem:s26+$0x10040];
	s29 =	sshrl.u32 s4, $0x1  }
0x1cd: {  	s31 =	sshrl.u32 s28, $0x1;
	s6 =	simm.s32 $0xBA40;
	v6 =	vld [tilespmem:s29+$0x10040]  }
0x1ce: {  	s9 =	sshrl.u32 s30, $0x1;
	v7 =	vld [tilespmem:s31+$0x10040];
	s1 =	simm.s32 $0x2C0;
	[tilespmem:s6+$0x0] =	vst v8  }
.LBB2_51:
0x1cf: {  	s4 =	sadd.s32 $0x9, s0;
	[tilespmem:s6+$0xFFFFF880] =	vst v3;
	v8 =	vld [tilespmem:s9+$0x10040];
	s7 =	smov.u32 s0;
	s0 =	sadd.s32 $0x8, s0  }
0x1d0: {  	s9 =	smul.u32 s0, s4;
	s13 =	sadd.s32 $0xF, s7;
	s14 =	sadd.s32 $0x10, s7;
	[tilespmem:s6+$0xFFFFF900] =	vst v4  }
0x1d1: {  	s15 =	sadd.s32 $0xE, s7;
	p1 =	slt.u32 s0, $0xF5;
	s14 =	smul.u32 s14, s13;
	[tilespmem:s6+$0xFFFFF980] =	vst v5  }
0x1d2: {  	s17 =	sadd.s32 $0xA, s7;
	s13 =	smul.u32 s13, s15;
	s9 =	sshrl.u32 s9, $0x1;
	[tilespmem:s6+$0xFFFFFE00] =	vst v6  }
0x1d3: {  	s4 =	smul.u32 s17, s4;
	v3 =	vld [tilespmem:s9+$0x10040];
	s9 =	sadd.s32 $0xB, s7  }
0x1d4: {  	s19 =	sadd.s32 $0xC, s7;
	s14 =	sshrl.u32 s14, $0x1;
	[tilespmem:s6+$0xFFFFFE80] =	vst v7;
	s17 =	smul.u32 s9, s17  }
0x1d5: {  	s13 =	sshrl.u32 s13, $0x1;
	v9 =	vld [tilespmem:s14+$0x10040];
	[tilespmem:s6+$0xFFFFFF00] =	vst v8;
	s9 =	smul.u32 s19, s9  }
.Ltmp26:
0x1d6: {  	s4 =	sshrl.u32 s4, $0x1;
	s7 =	sadd.s32 $0xD, s7;
	[tilespmem:s6+$0xFFFFFF80] =	vst v2;
	v2 =	vld [tilespmem:s13+$0x10040];
	(pc) =	sbr.rel @p1 .LBB2_51-.Ltmp26, $4  }
0x1d7: {  	s13 =	smul.u32 s7, s19;
	v4 =	vld [tilespmem:s4+$0x10040];
	s4 =	sshrl.u32 s17, $0x1  }
0x1d8: {  	s7 =	smul.u32 s15, s7;
	v5 =	vld [tilespmem:s4+$0x10040];
	s4 =	sshrl.u32 s9, $0x1  }
0x1d9: {  	s6 =	sadd.s32 $0x800, s6;
	s9 =	sshrl.u32 s13, $0x1;
	v6 =	vld [tilespmem:s4+$0x10040];
	s4 =	simm.s32 $0xFD00  }
0x1da: {  	v7 =	vld [tilespmem:s9+$0x10040];
	s9 =	sshrl.u32 s7, $0x1;
	[tilespmem:s6+$0x0] =	vst v9;
	s7 =	simm.s32 $0xFD  }
0x1db: {  	[tilespmem:s6+$0xFFFFF880] =	vst v3  }
0x1dc: {  	v3 =	vld [tilespmem:s9+$0x10040];
	[tilespmem:s6+$0xFFFFFF80] =	vst v2  }
0x1dd: {  	[tilespmem:s6+$0xFFFFF900] =	vst v4  }
0x1de: {  	[tilespmem:s6+$0xFFFFF980] =	vst v5  }
0x1df: {  	[tilespmem:s6+$0xFFFFFE00] =	vst v6  }
0x1e0: {  	[tilespmem:s6+$0xFFFFFE80] =	vst v7  }
0x1e1: {  	[tilespmem:s6+$0xFFFFFF00] =	vst v3  }
.LBB2_53:
0x1e2: {  	s0 =	sadd.s32 $0x1, s7  }
0x1e3: {  	s6 =	smul.u32 s7, s0;
	_ =	sdelay $0x1  }
0x1e4: {  	s6 =	sshrl.u32 s6, $0x1  }
0x1e5: {  	p1 =	sne.s32 s7, $0xFF;
	v2 =	vld [tilespmem:s6+$0x10040]  }
.Ltmp27:
0x1e6: {  	_ = 	snop;
	(pc) =	sbr.rel @p1 .LBB2_53-.Ltmp27, $4  }
0x1e7: {  	_ = 	snop  }
0x1e8: {  	s31 =	sand.u32 $0x3FFFF800, s4  }
0x1e9: {  	s6 =	sadd.s32 s31, s1  }
0x1ea: {  	s4 =	sadd.s32 $0x100, s4;
	s7 =	smov.u32 s0;
	s1 =	sadd.s32 $0x80, s1;
	[tilespmem:s6+$0x0] =	vst v2  }
0x1eb: {  	s0 =	simm.s32 $0xB5;
	s1 =	simm.s32 $0xB6  }
0x1ec: {  	s6 =	simm.s32 $0xBC;
	s7 =	simm.s32 $0xBD;
	s4 =	smul.u32 s0, s1  }
0x1ed: {  	s9 =	simm.s32 $0xBB;
	s7 =	smul.u32 s7, s6  }
0x1ee: {  	s13 =	simm.s32 $0xB7;
	s6 =	smul.u32 s6, s9;
	s4 =	sshrl.u32 s4, $0x1  }
0x1ef: {  	s24 =	simm.s32 $0xB8;
	s1 =	smul.u32 s13, s1;
	s7 =	sshrl.u32 s7, $0x1;
	v3 =	vld [tilespmem:s4+$0x10050]  }
0x1f0: {  	s14 =	simm.s32 $0xB9;
	s13 =	smul.u32 s24, s13;
	s6 =	sshrl.u32 s6, $0x1;
	v8 =	vld [tilespmem:s7+$0x10050]  }
0x1f1: {  	s25 =	simm.s32 $0xBA;
	s1 =	sshrl.u32 s1, $0x1;
	s4 =	smul.u32 s14, s24;
	v2 =	vld [tilespmem:s6+$0x10050]  }
0x1f2: {  	s28 =	smul.u32 s25, s14;
	s26 =	sshrl.u32 s13, $0x1;
	v4 =	vld [tilespmem:s1+$0x10050]  }
0x1f3: {  	s30 =	smul.u32 s9, s25;
	v5 =	vld [tilespmem:s26+$0x10050];
	s29 =	sshrl.u32 s4, $0x1  }
0x1f4: {  	s31 =	sshrl.u32 s28, $0x1;
	s6 =	simm.s32 $0xBA50;
	v6 =	vld [tilespmem:s29+$0x10050]  }
0x1f5: {  	s9 =	sshrl.u32 s30, $0x1;
	v7 =	vld [tilespmem:s31+$0x10050];
	s1 =	simm.s32 $0x2D0;
	[tilespmem:s6+$0x0] =	vst v8  }
.LBB2_55:
0x1f6: {  	s4 =	sadd.s32 $0x9, s0;
	[tilespmem:s6+$0xFFFFF880] =	vst v3;
	v8 =	vld [tilespmem:s9+$0x10050];
	s7 =	smov.u32 s0;
	s0 =	sadd.s32 $0x8, s0  }
0x1f7: {  	s9 =	smul.u32 s0, s4;
	s13 =	sadd.s32 $0xF, s7;
	s14 =	sadd.s32 $0x10, s7;
	[tilespmem:s6+$0xFFFFF900] =	vst v4  }
0x1f8: {  	s15 =	sadd.s32 $0xE, s7;
	p1 =	slt.u32 s0, $0xF5;
	s14 =	smul.u32 s14, s13;
	[tilespmem:s6+$0xFFFFF980] =	vst v5  }
0x1f9: {  	s17 =	sadd.s32 $0xA, s7;
	s13 =	smul.u32 s13, s15;
	s9 =	sshrl.u32 s9, $0x1;
	[tilespmem:s6+$0xFFFFFE00] =	vst v6  }
0x1fa: {  	s4 =	smul.u32 s17, s4;
	v3 =	vld [tilespmem:s9+$0x10050];
	s9 =	sadd.s32 $0xB, s7  }
0x1fb: {  	s19 =	sadd.s32 $0xC, s7;
	s14 =	sshrl.u32 s14, $0x1;
	[tilespmem:s6+$0xFFFFFE80] =	vst v7;
	s17 =	smul.u32 s9, s17  }
0x1fc: {  	s13 =	sshrl.u32 s13, $0x1;
	v9 =	vld [tilespmem:s14+$0x10050];
	[tilespmem:s6+$0xFFFFFF00] =	vst v8;
	s9 =	smul.u32 s19, s9  }
.Ltmp28:
0x1fd: {  	s4 =	sshrl.u32 s4, $0x1;
	s7 =	sadd.s32 $0xD, s7;
	[tilespmem:s6+$0xFFFFFF80] =	vst v2;
	v2 =	vld [tilespmem:s13+$0x10050];
	(pc) =	sbr.rel @p1 .LBB2_55-.Ltmp28, $4  }
0x1fe: {  	s13 =	smul.u32 s7, s19;
	v4 =	vld [tilespmem:s4+$0x10050];
	s4 =	sshrl.u32 s17, $0x1  }
0x1ff: {  	s7 =	smul.u32 s15, s7;
	v5 =	vld [tilespmem:s4+$0x10050];
	s4 =	sshrl.u32 s9, $0x1  }
0x200: {  	s6 =	sadd.s32 $0x800, s6;
	s9 =	sshrl.u32 s13, $0x1;
	v6 =	vld [tilespmem:s4+$0x10050];
	s4 =	simm.s32 $0xFD00  }
0x201: {  	v7 =	vld [tilespmem:s9+$0x10050];
	s9 =	sshrl.u32 s7, $0x1;
	[tilespmem:s6+$0x0] =	vst v9;
	s7 =	simm.s32 $0xFD  }
0x202: {  	[tilespmem:s6+$0xFFFFF880] =	vst v3  }
0x203: {  	v3 =	vld [tilespmem:s9+$0x10050];
	[tilespmem:s6+$0xFFFFFF80] =	vst v2  }
0x204: {  	[tilespmem:s6+$0xFFFFF900] =	vst v4  }
0x205: {  	[tilespmem:s6+$0xFFFFF980] =	vst v5  }
0x206: {  	[tilespmem:s6+$0xFFFFFE00] =	vst v6  }
0x207: {  	[tilespmem:s6+$0xFFFFFE80] =	vst v7  }
0x208: {  	[tilespmem:s6+$0xFFFFFF00] =	vst v3  }
.LBB2_57:
0x209: {  	s0 =	sadd.s32 $0x1, s7  }
0x20a: {  	s6 =	smul.u32 s7, s0;
	_ =	sdelay $0x1  }
0x20b: {  	s6 =	sshrl.u32 s6, $0x1  }
0x20c: {  	p1 =	sne.s32 s7, $0xFF;
	v2 =	vld [tilespmem:s6+$0x10050]  }
.Ltmp29:
0x20d: {  	_ = 	snop;
	(pc) =	sbr.rel @p1 .LBB2_57-.Ltmp29, $4  }
0x20e: {  	_ = 	snop  }
0x20f: {  	s31 =	sand.u32 $0x3FFFF800, s4  }
0x210: {  	s6 =	sadd.s32 s31, s1  }
0x211: {  	s4 =	sadd.s32 $0x100, s4;
	s7 =	smov.u32 s0;
	s1 =	sadd.s32 $0x80, s1;
	[tilespmem:s6+$0x0] =	vst v2  }
0x212: {  	s0 =	simm.s32 $0xB5;
	s1 =	simm.s32 $0xB6  }
0x213: {  	s6 =	simm.s32 $0xBC;
	s7 =	simm.s32 $0xBD;
	s4 =	smul.u32 s0, s1  }
0x214: {  	s9 =	simm.s32 $0xBB;
	s7 =	smul.u32 s7, s6  }
0x215: {  	s13 =	simm.s32 $0xB7;
	s6 =	smul.u32 s6, s9;
	s4 =	sshrl.u32 s4, $0x1  }
0x216: {  	s24 =	simm.s32 $0xB8;
	s1 =	smul.u32 s13, s1;
	s7 =	sshrl.u32 s7, $0x1;
	v3 =	vld [tilespmem:s4+$0x10060]  }
0x217: {  	s14 =	simm.s32 $0xB9;
	s13 =	smul.u32 s24, s13;
	s6 =	sshrl.u32 s6, $0x1;
	v8 =	vld [tilespmem:s7+$0x10060]  }
0x218: {  	s25 =	simm.s32 $0xBA;
	s1 =	sshrl.u32 s1, $0x1;
	s4 =	smul.u32 s14, s24;
	v2 =	vld [tilespmem:s6+$0x10060]  }
0x219: {  	s28 =	smul.u32 s25, s14;
	s26 =	sshrl.u32 s13, $0x1;
	v4 =	vld [tilespmem:s1+$0x10060]  }
0x21a: {  	s30 =	smul.u32 s9, s25;
	v5 =	vld [tilespmem:s26+$0x10060];
	s29 =	sshrl.u32 s4, $0x1  }
0x21b: {  	s31 =	sshrl.u32 s28, $0x1;
	s6 =	simm.s32 $0xBA60;
	v6 =	vld [tilespmem:s29+$0x10060]  }
0x21c: {  	s9 =	sshrl.u32 s30, $0x1;
	v7 =	vld [tilespmem:s31+$0x10060];
	s1 =	simm.s32 $0x2E0;
	[tilespmem:s6+$0x0] =	vst v8  }
.LBB2_59:
0x21d: {  	s4 =	sadd.s32 $0x9, s0;
	[tilespmem:s6+$0xFFFFF880] =	vst v3;
	v8 =	vld [tilespmem:s9+$0x10060];
	s7 =	smov.u32 s0;
	s0 =	sadd.s32 $0x8, s0  }
0x21e: {  	s9 =	smul.u32 s0, s4;
	s13 =	sadd.s32 $0xF, s7;
	s14 =	sadd.s32 $0x10, s7;
	[tilespmem:s6+$0xFFFFF900] =	vst v4  }
0x21f: {  	s15 =	sadd.s32 $0xE, s7;
	p1 =	slt.u32 s0, $0xF5;
	s14 =	smul.u32 s14, s13;
	[tilespmem:s6+$0xFFFFF980] =	vst v5  }
0x220: {  	s17 =	sadd.s32 $0xA, s7;
	s13 =	smul.u32 s13, s15;
	s9 =	sshrl.u32 s9, $0x1;
	[tilespmem:s6+$0xFFFFFE00] =	vst v6  }
0x221: {  	s4 =	smul.u32 s17, s4;
	v3 =	vld [tilespmem:s9+$0x10060];
	s9 =	sadd.s32 $0xB, s7  }
0x222: {  	s19 =	sadd.s32 $0xC, s7;
	s14 =	sshrl.u32 s14, $0x1;
	[tilespmem:s6+$0xFFFFFE80] =	vst v7;
	s17 =	smul.u32 s9, s17  }
0x223: {  	s13 =	sshrl.u32 s13, $0x1;
	v9 =	vld [tilespmem:s14+$0x10060];
	[tilespmem:s6+$0xFFFFFF00] =	vst v8;
	s9 =	smul.u32 s19, s9  }
.Ltmp30:
0x224: {  	s4 =	sshrl.u32 s4, $0x1;
	s7 =	sadd.s32 $0xD, s7;
	[tilespmem:s6+$0xFFFFFF80] =	vst v2;
	v2 =	vld [tilespmem:s13+$0x10060];
	(pc) =	sbr.rel @p1 .LBB2_59-.Ltmp30, $4  }
0x225: {  	s13 =	smul.u32 s7, s19;
	v4 =	vld [tilespmem:s4+$0x10060];
	s4 =	sshrl.u32 s17, $0x1  }
0x226: {  	s7 =	smul.u32 s15, s7;
	v5 =	vld [tilespmem:s4+$0x10060];
	s4 =	sshrl.u32 s9, $0x1  }
0x227: {  	s6 =	sadd.s32 $0x800, s6;
	s9 =	sshrl.u32 s13, $0x1;
	v6 =	vld [tilespmem:s4+$0x10060];
	s4 =	simm.s32 $0xFD00  }
0x228: {  	v7 =	vld [tilespmem:s9+$0x10060];
	s9 =	sshrl.u32 s7, $0x1;
	[tilespmem:s6+$0x0] =	vst v9;
	s7 =	simm.s32 $0xFD  }
0x229: {  	[tilespmem:s6+$0xFFFFF880] =	vst v3  }
0x22a: {  	v3 =	vld [tilespmem:s9+$0x10060];
	[tilespmem:s6+$0xFFFFFF80] =	vst v2  }
0x22b: {  	[tilespmem:s6+$0xFFFFF900] =	vst v4  }
0x22c: {  	[tilespmem:s6+$0xFFFFF980] =	vst v5  }
0x22d: {  	[tilespmem:s6+$0xFFFFFE00] =	vst v6  }
0x22e: {  	[tilespmem:s6+$0xFFFFFE80] =	vst v7  }
0x22f: {  	[tilespmem:s6+$0xFFFFFF00] =	vst v3  }
.LBB2_61:
0x230: {  	s0 =	sadd.s32 $0x1, s7  }
0x231: {  	s6 =	smul.u32 s7, s0;
	_ =	sdelay $0x1  }
0x232: {  	s6 =	sshrl.u32 s6, $0x1  }
0x233: {  	p1 =	sne.s32 s7, $0xFF;
	v2 =	vld [tilespmem:s6+$0x10060]  }
.Ltmp31:
0x234: {  	_ = 	snop;
	(pc) =	sbr.rel @p1 .LBB2_61-.Ltmp31, $4  }
0x235: {  	_ = 	snop  }
0x236: {  	s31 =	sand.u32 $0x3FFFF800, s4  }
0x237: {  	s6 =	sadd.s32 s31, s1  }
0x238: {  	s4 =	sadd.s32 $0x100, s4;
	s7 =	smov.u32 s0;
	s1 =	sadd.s32 $0x80, s1;
	[tilespmem:s6+$0x0] =	vst v2  }
0x239: {  	s0 =	simm.s32 $0xB5;
	s1 =	simm.s32 $0xB6  }
0x23a: {  	s6 =	simm.s32 $0xBC;
	s7 =	simm.s32 $0xBD;
	s4 =	smul.u32 s0, s1  }
0x23b: {  	s9 =	simm.s32 $0xBB;
	s7 =	smul.u32 s7, s6  }
0x23c: {  	s13 =	simm.s32 $0xB7;
	s6 =	smul.u32 s6, s9;
	s4 =	sshrl.u32 s4, $0x1  }
0x23d: {  	s24 =	simm.s32 $0xB8;
	s1 =	smul.u32 s13, s1;
	s7 =	sshrl.u32 s7, $0x1;
	v3 =	vld [tilespmem:s4+$0x10070]  }
0x23e: {  	s14 =	simm.s32 $0xB9;
	s13 =	smul.u32 s24, s13;
	s6 =	sshrl.u32 s6, $0x1;
	v8 =	vld [tilespmem:s7+$0x10070]  }
0x23f: {  	s25 =	simm.s32 $0xBA;
	s1 =	sshrl.u32 s1, $0x1;
	s4 =	smul.u32 s14, s24;
	v2 =	vld [tilespmem:s6+$0x10070]  }
0x240: {  	s28 =	smul.u32 s25, s14;
	s26 =	sshrl.u32 s13, $0x1;
	v4 =	vld [tilespmem:s1+$0x10070]  }
0x241: {  	s30 =	smul.u32 s9, s25;
	v5 =	vld [tilespmem:s26+$0x10070];
	s29 =	sshrl.u32 s4, $0x1  }
0x242: {  	s31 =	sshrl.u32 s28, $0x1;
	s6 =	simm.s32 $0xBA70;
	v6 =	vld [tilespmem:s29+$0x10070]  }
0x243: {  	s9 =	sshrl.u32 s30, $0x1;
	v7 =	vld [tilespmem:s31+$0x10070];
	s1 =	simm.s32 $0x2F0;
	[tilespmem:s6+$0x0] =	vst v8  }
.LBB2_63:
0x244: {  	s4 =	sadd.s32 $0x9, s0;
	[tilespmem:s6+$0xFFFFF880] =	vst v3;
	v8 =	vld [tilespmem:s9+$0x10070];
	s7 =	smov.u32 s0;
	s0 =	sadd.s32 $0x8, s0  }
0x245: {  	s9 =	smul.u32 s0, s4;
	s13 =	sadd.s32 $0xF, s7;
	s14 =	sadd.s32 $0x10, s7;
	[tilespmem:s6+$0xFFFFF900] =	vst v4  }
0x246: {  	s15 =	sadd.s32 $0xE, s7;
	p1 =	slt.u32 s0, $0xF5;
	s14 =	smul.u32 s14, s13;
	[tilespmem:s6+$0xFFFFF980] =	vst v5  }
0x247: {  	s17 =	sadd.s32 $0xA, s7;
	s13 =	smul.u32 s13, s15;
	s9 =	sshrl.u32 s9, $0x1;
	[tilespmem:s6+$0xFFFFFE00] =	vst v6  }
0x248: {  	s4 =	smul.u32 s17, s4;
	v3 =	vld [tilespmem:s9+$0x10070];
	s9 =	sadd.s32 $0xB, s7  }
0x249: {  	s19 =	sadd.s32 $0xC, s7;
	s14 =	sshrl.u32 s14, $0x1;
	[tilespmem:s6+$0xFFFFFE80] =	vst v7;
	s17 =	smul.u32 s9, s17  }
0x24a: {  	s13 =	sshrl.u32 s13, $0x1;
	v9 =	vld [tilespmem:s14+$0x10070];
	[tilespmem:s6+$0xFFFFFF00] =	vst v8;
	s9 =	smul.u32 s19, s9  }
.Ltmp32:
0x24b: {  	s4 =	sshrl.u32 s4, $0x1;
	s7 =	sadd.s32 $0xD, s7;
	[tilespmem:s6+$0xFFFFFF80] =	vst v2;
	v2 =	vld [tilespmem:s13+$0x10070];
	(pc) =	sbr.rel @p1 .LBB2_63-.Ltmp32, $4  }
0x24c: {  	s13 =	smul.u32 s7, s19;
	v4 =	vld [tilespmem:s4+$0x10070];
	s4 =	sshrl.u32 s17, $0x1  }
0x24d: {  	s7 =	smul.u32 s15, s7;
	v5 =	vld [tilespmem:s4+$0x10070];
	s4 =	sshrl.u32 s9, $0x1  }
0x24e: {  	s6 =	sadd.s32 $0x800, s6;
	s9 =	sshrl.u32 s13, $0x1;
	v6 =	vld [tilespmem:s4+$0x10070];
	s4 =	simm.s32 $0xFD00  }
0x24f: {  	v7 =	vld [tilespmem:s9+$0x10070];
	s9 =	sshrl.u32 s7, $0x1;
	[tilespmem:s6+$0x0] =	vst v9;
	s7 =	simm.s32 $0xFD  }
0x250: {  	[tilespmem:s6+$0xFFFFF880] =	vst v3  }
0x251: {  	v3 =	vld [tilespmem:s9+$0x10070];
	[tilespmem:s6+$0xFFFFFF80] =	vst v2  }
0x252: {  	[tilespmem:s6+$0xFFFFF900] =	vst v4  }
0x253: {  	[tilespmem:s6+$0xFFFFF980] =	vst v5  }
0x254: {  	[tilespmem:s6+$0xFFFFFE00] =	vst v6  }
0x255: {  	[tilespmem:s6+$0xFFFFFE80] =	vst v7  }
0x256: {  	[tilespmem:s6+$0xFFFFFF00] =	vst v3  }
.LBB2_65:
0x257: {  	s0 =	sadd.s32 $0x1, s7  }
0x258: {  	s6 =	smul.u32 s7, s0;
	_ =	sdelay $0x1  }
0x259: {  	s6 =	sshrl.u32 s6, $0x1  }
0x25a: {  	p1 =	sne.s32 s7, $0xFF;
	v2 =	vld [tilespmem:s6+$0x10070]  }
.Ltmp33:
0x25b: {  	_ = 	snop;
	(pc) =	sbr.rel @p1 .LBB2_65-.Ltmp33, $4  }
0x25c: {  	_ = 	snop  }
0x25d: {  	s31 =	sand.u32 $0x3FFFF800, s4  }
0x25e: {  	s6 =	sadd.s32 s31, s1  }
0x25f: {  	s4 =	sadd.s32 $0x100, s4;
	s7 =	smov.u32 s0;
	s1 =	sadd.s32 $0x80, s1;
	[tilespmem:s6+$0x0] =	vst v2  }
0x260: {  	s0 =	simm.s32 $0xB5  }
0x261: {  	s1 =	simm.s32 $0xB6;
	s4 =	simm.s32 $0xB7;
	s6 =	simm.s32 $0xB8  }
0x262: {  	s9 =	simm.s32 $0xBC;
	s13 =	simm.s32 $0xBD;
	s7 =	smul.u32 s0, s1  }
0x263: {  	s14 =	simm.s32 $0xB9;
	s15 =	simm.s32 $0xBB;
	s13 =	smul.u32 s13, s9  }
0x264: {  	s17 =	simm.s32 $0xBA;
	s1 =	smul.u32 s4, s1;
	s7 =	sshrl.u32 s7, $0x1  }
0x265: {  	s4 =	smul.u32 s6, s4;
	s13 =	sshrl.u32 s13, $0x1;
	s7 =	sand.u32 $0xFFFF, s7  }
0x266: {  	s6 =	smul.u32 s14, s6;
	s1 =	sshrl.u32 s1, $0x1;
	s22 =	sand.u32 $0x1FFFF, s13;
	v7 =	vld [tilespmem:s7+$0x10080]  }
0x267: {  	s9 =	smul.u32 s9, s15;
	s4 =	sshrl.u32 s4, $0x1;
	s1 =	sand.u32 $0x1FFFF, s1;
	v8 =	vld [tilespmem:s22+$0x10080]  }
0x268: {  	s23 =	smul.u32 s17, s14;
	s25 =	sshrl.u32 s6, $0x1;
	s24 =	sand.u32 $0x1FFFF, s4;
	v3 =	vld [tilespmem:s1+$0x10080]  }
0x269: {  	s26 =	smul.u32 s15, s17;
	s19 =	sshrl.u32 s9, $0x1;
	s28 =	sand.u32 $0x1FFFF, s25;
	v4 =	vld [tilespmem:s24+$0x10080]  }
0x26a: {  	s29 =	sshrl.u32 s23, $0x1;
	s7 =	sand.u32 $0x1FFFF, s19;
	v5 =	vld [tilespmem:s28+$0x10080]  }
0x26b: {  	s31 =	sshrl.u32 s26, $0x1;
	s30 =	sand.u32 $0x1FFFF, s29;
	v2 =	vld [tilespmem:s7+$0x10080];
	s7 =	simm.s32 $0xBE00  }
0x26c: {  	s4 =	sand.u32 $0x1FFFF, s31;
	v6 =	vld [tilespmem:s30+$0x10080];
	[tilespmem:s7+$0x0] =	vst v8  }
0x26d: {  	s1 =	simm.s32 $0x680;
	[tilespmem:s7+$0xFFFFF880] =	vst v7;
	v7 =	vld [tilespmem:s4+$0x10080]  }
.LBB2_67:
0x26e: {  	s6 =	simm.s32 $0xFD00;
	s4 =	smov.u32 s0;
	s0 =	sadd.s32 $0x8, s0  }
0x26f: {  	[tilespmem:s7+$0xFFFFF900] =	vst v3;
	s9 =	sadd.s32 $0x9, s4;
	s13 =	sadd.s32 $0xA, s4;
	s14 =	sadd.s32 $0xB, s4  }
0x270: {  	[tilespmem:s7+$0xFFFFF980] =	vst v4;
	s17 =	sadd.s32 $0xF, s4;
	s19 =	sadd.s32 $0x10, s4;
	s15 =	smul.u32 s0, s9  }
0x271: {  	s23 =	sadd.s32 $0xE, s4;
	[tilespmem:s7+$0xFFFFFE00] =	vst v5;
	s19 =	smul.u32 s19, s17  }
0x272: {  	s22 =	sadd.s32 $0xC, s4;
	s4 =	sadd.s32 $0xD, s4;
	s17 =	smul.u32 s17, s23;
	[tilespmem:s7+$0xFFFFFE80] =	vst v6  }
0x273: {  	p1 =	slt.u32 s0, $0xF5;
	s9 =	smul.u32 s13, s9;
	s15 =	sshrl.u32 s15, $0x1;
	[tilespmem:s7+$0xFFFFFF00] =	vst v7  }
0x274: {  	s13 =	smul.u32 s14, s13;
	s19 =	sshrl.u32 s19, $0x1;
	s15 =	sand.u32 $0xFFFF, s15;
	[tilespmem:s7+$0xFFFFFF80] =	vst v2  }
0x275: {  	s14 =	smul.u32 s22, s14;
	v7 =	vld [tilespmem:s15+$0x10080];
	s15 =	sshrl.u32 s17, $0x1;
	s17 =	sand.u32 $0x1FFFF, s19  }
0x276: {  	s9 =	sshrl.u32 s9, $0x1;
	s15 =	sand.u32 $0x1FFFF, s15;
	v8 =	vld [tilespmem:s17+$0x10080];
	s17 =	smul.u32 s4, s22  }
0x277: {  	s13 =	sshrl.u32 s13, $0x1;
	s9 =	sand.u32 $0x1FFFF, s9;
	s4 =	smul.u32 s23, s4;
	v2 =	vld [tilespmem:s15+$0x10080]  }
.Ltmp34:
0x278: {  	v3 =	vld [tilespmem:s9+$0x10080];
	s9 =	sand.u32 $0x1FFFF, s13;
	s13 =	sshrl.u32 s14, $0x1;
	(pc) =	sbr.rel @p1 .LBB2_67-.Ltmp34, $4  }
0x279: {  	v4 =	vld [tilespmem:s9+$0x10080];
	s9 =	sand.u32 $0x1FFFF, s13;
	s13 =	sshrl.u32 s17, $0x1  }
0x27a: {  	s7 =	sadd.s32 $0x800, s7;
	s4 =	sshrl.u32 s4, $0x1;
	v5 =	vld [tilespmem:s9+$0x10080];
	s9 =	sand.u32 $0x1FFFF, s13  }
0x27b: {  	v6 =	vld [tilespmem:s9+$0x10080];
	s9 =	sand.u32 $0x1FFFF, s4;
	[tilespmem:s7+$0x0] =	vst v8;
	s4 =	simm.s32 $0xFD  }
0x27c: {  	[tilespmem:s7+$0xFFFFF880] =	vst v7;
	v7 =	vld [tilespmem:s9+$0x10080]  }
0x27d: {  	[tilespmem:s7+$0xFFFFF900] =	vst v3  }
0x27e: {  	[tilespmem:s7+$0xFFFFFF80] =	vst v2  }
0x27f: {  	[tilespmem:s7+$0xFFFFF980] =	vst v4  }
0x280: {  	[tilespmem:s7+$0xFFFFFE00] =	vst v5  }
0x281: {  	[tilespmem:s7+$0xFFFFFE80] =	vst v6  }
0x282: {  	[tilespmem:s7+$0xFFFFFF00] =	vst v7  }
.LBB2_69:
0x283: {  	s0 =	sadd.s32 $0x1, s4  }
0x284: {  	s7 =	smul.u32 s4, s0;
	_ =	sdelay $0x1  }
0x285: {  	s7 =	sshrl.u32 s7, $0x1  }
0x286: {  	s7 =	sand.u32 $0xFFFF, s7  }
0x287: {  	p1 =	sne.s32 s4, $0xFF;
	v2 =	vld [tilespmem:s7+$0x10080]  }
.Ltmp35:
0x288: {  	_ = 	snop;
	(pc) =	sbr.rel @p1 .LBB2_69-.Ltmp35, $4  }
0x289: {  	_ = 	snop  }
0x28a: {  	s31 =	sand.u32 $0x3FFFF800, s6  }
0x28b: {  	s7 =	sadd.s32 s31, s1  }
0x28c: {  	s6 =	sadd.s32 $0x100, s6;
	s4 =	smov.u32 s0;
	s1 =	sadd.s32 $0x80, s1;
	[tilespmem:s7+$0x0] =	vst v2  }
0x28d: {  	s0 =	simm.s32 $0xB5;
	s1 =	simm.s32 $0xB6  }
0x28e: {  	s6 =	simm.s32 $0xBC;
	s7 =	simm.s32 $0xBD;
	s4 =	smul.u32 s0, s1  }
0x28f: {  	s9 =	simm.s32 $0xBB;
	s7 =	smul.u32 s7, s6  }
0x290: {  	s13 =	simm.s32 $0xB7;
	s6 =	smul.u32 s6, s9;
	s4 =	sshrl.u32 s4, $0x1  }
0x291: {  	s24 =	simm.s32 $0xB8;
	s1 =	smul.u32 s13, s1;
	s7 =	sshrl.u32 s7, $0x1;
	v3 =	vld [tilespmem:s4+$0x10090]  }
0x292: {  	s14 =	simm.s32 $0xB9;
	s13 =	smul.u32 s24, s13;
	s6 =	sshrl.u32 s6, $0x1;
	v8 =	vld [tilespmem:s7+$0x10090]  }
0x293: {  	s25 =	simm.s32 $0xBA;
	s1 =	sshrl.u32 s1, $0x1;
	s4 =	smul.u32 s14, s24;
	v2 =	vld [tilespmem:s6+$0x10090]  }
0x294: {  	s28 =	smul.u32 s25, s14;
	s26 =	sshrl.u32 s13, $0x1;
	v4 =	vld [tilespmem:s1+$0x10090]  }
0x295: {  	s30 =	smul.u32 s9, s25;
	v5 =	vld [tilespmem:s26+$0x10090];
	s29 =	sshrl.u32 s4, $0x1  }
0x296: {  	s31 =	sshrl.u32 s28, $0x1;
	s6 =	simm.s32 $0xBE10;
	v6 =	vld [tilespmem:s29+$0x10090]  }
0x297: {  	s9 =	sshrl.u32 s30, $0x1;
	v7 =	vld [tilespmem:s31+$0x10090];
	s1 =	simm.s32 $0x690;
	[tilespmem:s6+$0x0] =	vst v8  }
.LBB2_71:
0x298: {  	s4 =	sadd.s32 $0x9, s0;
	[tilespmem:s6+$0xFFFFF880] =	vst v3;
	v8 =	vld [tilespmem:s9+$0x10090];
	s7 =	smov.u32 s0;
	s0 =	sadd.s32 $0x8, s0  }
0x299: {  	s9 =	smul.u32 s0, s4;
	s13 =	sadd.s32 $0xF, s7;
	s14 =	sadd.s32 $0x10, s7;
	[tilespmem:s6+$0xFFFFF900] =	vst v4  }
0x29a: {  	s15 =	sadd.s32 $0xE, s7;
	p1 =	slt.u32 s0, $0xF5;
	s14 =	smul.u32 s14, s13;
	[tilespmem:s6+$0xFFFFF980] =	vst v5  }
0x29b: {  	s17 =	sadd.s32 $0xA, s7;
	s13 =	smul.u32 s13, s15;
	s9 =	sshrl.u32 s9, $0x1;
	[tilespmem:s6+$0xFFFFFE00] =	vst v6  }
0x29c: {  	s4 =	smul.u32 s17, s4;
	v3 =	vld [tilespmem:s9+$0x10090];
	s9 =	sadd.s32 $0xB, s7  }
0x29d: {  	s19 =	sadd.s32 $0xC, s7;
	s14 =	sshrl.u32 s14, $0x1;
	[tilespmem:s6+$0xFFFFFE80] =	vst v7;
	s17 =	smul.u32 s9, s17  }
0x29e: {  	s13 =	sshrl.u32 s13, $0x1;
	v9 =	vld [tilespmem:s14+$0x10090];
	[tilespmem:s6+$0xFFFFFF00] =	vst v8;
	s9 =	smul.u32 s19, s9  }
.Ltmp36:
0x29f: {  	s4 =	sshrl.u32 s4, $0x1;
	s7 =	sadd.s32 $0xD, s7;
	[tilespmem:s6+$0xFFFFFF80] =	vst v2;
	v2 =	vld [tilespmem:s13+$0x10090];
	(pc) =	sbr.rel @p1 .LBB2_71-.Ltmp36, $4  }
0x2a0: {  	s13 =	smul.u32 s7, s19;
	v4 =	vld [tilespmem:s4+$0x10090];
	s4 =	sshrl.u32 s17, $0x1  }
0x2a1: {  	s7 =	smul.u32 s15, s7;
	v5 =	vld [tilespmem:s4+$0x10090];
	s4 =	sshrl.u32 s9, $0x1  }
0x2a2: {  	s6 =	sadd.s32 $0x800, s6;
	s9 =	sshrl.u32 s13, $0x1;
	v6 =	vld [tilespmem:s4+$0x10090];
	s4 =	simm.s32 $0xFD00  }
0x2a3: {  	v7 =	vld [tilespmem:s9+$0x10090];
	s9 =	sshrl.u32 s7, $0x1;
	[tilespmem:s6+$0x0] =	vst v9;
	s7 =	simm.s32 $0xFD  }
0x2a4: {  	[tilespmem:s6+$0xFFFFF880] =	vst v3  }
0x2a5: {  	v3 =	vld [tilespmem:s9+$0x10090];
	[tilespmem:s6+$0xFFFFFF80] =	vst v2  }
0x2a6: {  	[tilespmem:s6+$0xFFFFF900] =	vst v4  }
0x2a7: {  	[tilespmem:s6+$0xFFFFF980] =	vst v5  }
0x2a8: {  	[tilespmem:s6+$0xFFFFFE00] =	vst v6  }
0x2a9: {  	[tilespmem:s6+$0xFFFFFE80] =	vst v7  }
0x2aa: {  	[tilespmem:s6+$0xFFFFFF00] =	vst v3  }
.LBB2_73:
0x2ab: {  	s0 =	sadd.s32 $0x1, s7  }
0x2ac: {  	s6 =	smul.u32 s7, s0;
	_ =	sdelay $0x1  }
0x2ad: {  	s6 =	sshrl.u32 s6, $0x1  }
0x2ae: {  	p1 =	sne.s32 s7, $0xFF;
	v2 =	vld [tilespmem:s6+$0x10090]  }
.Ltmp37:
0x2af: {  	_ = 	snop;
	(pc) =	sbr.rel @p1 .LBB2_73-.Ltmp37, $4  }
0x2b0: {  	_ = 	snop  }
0x2b1: {  	s31 =	sand.u32 $0x3FFFF800, s4  }
0x2b2: {  	s6 =	sadd.s32 s31, s1  }
0x2b3: {  	s4 =	sadd.s32 $0x100, s4;
	s7 =	smov.u32 s0;
	s1 =	sadd.s32 $0x80, s1;
	[tilespmem:s6+$0x0] =	vst v2  }
0x2b4: {  	s0 =	simm.s32 $0xB5;
	s1 =	simm.s32 $0xB6  }
0x2b5: {  	s6 =	simm.s32 $0xBC;
	s7 =	simm.s32 $0xBD;
	s4 =	smul.u32 s0, s1  }
0x2b6: {  	s9 =	simm.s32 $0xBB;
	s7 =	smul.u32 s7, s6  }
0x2b7: {  	s13 =	simm.s32 $0xB7;
	s6 =	smul.u32 s6, s9;
	s4 =	sshrl.u32 s4, $0x1  }
0x2b8: {  	s24 =	simm.s32 $0xB8;
	s1 =	smul.u32 s13, s1;
	s7 =	sshrl.u32 s7, $0x1;
	v3 =	vld [tilespmem:s4+$0x100A0]  }
0x2b9: {  	s14 =	simm.s32 $0xB9;
	s13 =	smul.u32 s24, s13;
	s6 =	sshrl.u32 s6, $0x1;
	v8 =	vld [tilespmem:s7+$0x100A0]  }
0x2ba: {  	s25 =	simm.s32 $0xBA;
	s1 =	sshrl.u32 s1, $0x1;
	s4 =	smul.u32 s14, s24;
	v2 =	vld [tilespmem:s6+$0x100A0]  }
0x2bb: {  	s28 =	smul.u32 s25, s14;
	s26 =	sshrl.u32 s13, $0x1;
	v4 =	vld [tilespmem:s1+$0x100A0]  }
0x2bc: {  	s30 =	smul.u32 s9, s25;
	v5 =	vld [tilespmem:s26+$0x100A0];
	s29 =	sshrl.u32 s4, $0x1  }
0x2bd: {  	s31 =	sshrl.u32 s28, $0x1;
	s6 =	simm.s32 $0xBE20;
	v6 =	vld [tilespmem:s29+$0x100A0]  }
0x2be: {  	s9 =	sshrl.u32 s30, $0x1;
	v7 =	vld [tilespmem:s31+$0x100A0];
	s1 =	simm.s32 $0x6A0;
	[tilespmem:s6+$0x0] =	vst v8  }
.LBB2_75:
0x2bf: {  	s4 =	sadd.s32 $0x9, s0;
	[tilespmem:s6+$0xFFFFF880] =	vst v3;
	v8 =	vld [tilespmem:s9+$0x100A0];
	s7 =	smov.u32 s0;
	s0 =	sadd.s32 $0x8, s0  }
0x2c0: {  	s9 =	smul.u32 s0, s4;
	s13 =	sadd.s32 $0xF, s7;
	s14 =	sadd.s32 $0x10, s7;
	[tilespmem:s6+$0xFFFFF900] =	vst v4  }
0x2c1: {  	s15 =	sadd.s32 $0xE, s7;
	p1 =	slt.u32 s0, $0xF5;
	s14 =	smul.u32 s14, s13;
	[tilespmem:s6+$0xFFFFF980] =	vst v5  }
0x2c2: {  	s17 =	sadd.s32 $0xA, s7;
	s13 =	smul.u32 s13, s15;
	s9 =	sshrl.u32 s9, $0x1;
	[tilespmem:s6+$0xFFFFFE00] =	vst v6  }
0x2c3: {  	s4 =	smul.u32 s17, s4;
	v3 =	vld [tilespmem:s9+$0x100A0];
	s9 =	sadd.s32 $0xB, s7  }
0x2c4: {  	s19 =	sadd.s32 $0xC, s7;
	s14 =	sshrl.u32 s14, $0x1;
	[tilespmem:s6+$0xFFFFFE80] =	vst v7;
	s17 =	smul.u32 s9, s17  }
0x2c5: {  	s13 =	sshrl.u32 s13, $0x1;
	v9 =	vld [tilespmem:s14+$0x100A0];
	[tilespmem:s6+$0xFFFFFF00] =	vst v8;
	s9 =	smul.u32 s19, s9  }
.Ltmp38:
0x2c6: {  	s4 =	sshrl.u32 s4, $0x1;
	s7 =	sadd.s32 $0xD, s7;
	[tilespmem:s6+$0xFFFFFF80] =	vst v2;
	v2 =	vld [tilespmem:s13+$0x100A0];
	(pc) =	sbr.rel @p1 .LBB2_75-.Ltmp38, $4  }
0x2c7: {  	s13 =	smul.u32 s7, s19;
	v4 =	vld [tilespmem:s4+$0x100A0];
	s4 =	sshrl.u32 s17, $0x1  }
0x2c8: {  	s7 =	smul.u32 s15, s7;
	v5 =	vld [tilespmem:s4+$0x100A0];
	s4 =	sshrl.u32 s9, $0x1  }
0x2c9: {  	s6 =	sadd.s32 $0x800, s6;
	s9 =	sshrl.u32 s13, $0x1;
	v6 =	vld [tilespmem:s4+$0x100A0];
	s4 =	simm.s32 $0xFD00  }
0x2ca: {  	v7 =	vld [tilespmem:s9+$0x100A0];
	s9 =	sshrl.u32 s7, $0x1;
	[tilespmem:s6+$0x0] =	vst v9;
	s7 =	simm.s32 $0xFD  }
0x2cb: {  	[tilespmem:s6+$0xFFFFF880] =	vst v3  }
0x2cc: {  	v3 =	vld [tilespmem:s9+$0x100A0];
	[tilespmem:s6+$0xFFFFFF80] =	vst v2  }
0x2cd: {  	[tilespmem:s6+$0xFFFFF900] =	vst v4  }
0x2ce: {  	[tilespmem:s6+$0xFFFFF980] =	vst v5  }
0x2cf: {  	[tilespmem:s6+$0xFFFFFE00] =	vst v6  }
0x2d0: {  	[tilespmem:s6+$0xFFFFFE80] =	vst v7  }
0x2d1: {  	[tilespmem:s6+$0xFFFFFF00] =	vst v3  }
.LBB2_77:
0x2d2: {  	s0 =	sadd.s32 $0x1, s7  }
0x2d3: {  	s6 =	smul.u32 s7, s0;
	_ =	sdelay $0x1  }
0x2d4: {  	s6 =	sshrl.u32 s6, $0x1  }
0x2d5: {  	p1 =	sne.s32 s7, $0xFF;
	v2 =	vld [tilespmem:s6+$0x100A0]  }
.Ltmp39:
0x2d6: {  	_ = 	snop;
	(pc) =	sbr.rel @p1 .LBB2_77-.Ltmp39, $4  }
0x2d7: {  	_ = 	snop  }
0x2d8: {  	s31 =	sand.u32 $0x3FFFF800, s4  }
0x2d9: {  	s6 =	sadd.s32 s31, s1  }
0x2da: {  	s4 =	sadd.s32 $0x100, s4;
	s7 =	smov.u32 s0;
	s1 =	sadd.s32 $0x80, s1;
	[tilespmem:s6+$0x0] =	vst v2  }
0x2db: {  	s0 =	simm.s32 $0xC0;
	s1 =	simm.s32 $0xC1  }
0x2dc: {  	s6 =	simm.s32 $0xC7;
	s7 =	simm.s32 $0xC8;
	s4 =	smul.u32 s0, s1  }
0x2dd: {  	s9 =	simm.s32 $0xC6;
	s7 =	smul.u32 s7, s6  }
0x2de: {  	s13 =	simm.s32 $0xC2;
	s6 =	smul.u32 s6, s9;
	s4 =	sshrl.u32 s4, $0x1  }
0x2df: {  	s26 =	simm.s32 $0xC3;
	s1 =	smul.u32 s13, s1;
	s7 =	sshrl.u32 s7, $0x1;
	v2 =	vld [tilespmem:s4+$0x100B0]  }
0x2e0: {  	s14 =	simm.s32 $0xC4;
	s13 =	smul.u32 s26, s13;
	s6 =	sshrl.u32 s6, $0x1;
	v5 =	vld [tilespmem:s7+$0x100B0]  }
0x2e1: {  	s28 =	simm.s32 $0xC5;
	s1 =	sshrl.u32 s1, $0x1;
	s4 =	smul.u32 s14, s26;
	v3 =	vld [tilespmem:s6+$0x100B0]  }
0x2e2: {  	s30 =	smul.u32 s28, s14;
	s29 =	sshrl.u32 s13, $0x1;
	v4 =	vld [tilespmem:s1+$0x100B0]  }
0x2e3: {  	s6 =	simm.s32 $0xC7B0;
	v6 =	vld [tilespmem:s29+$0x100B0];
	s31 =	sshrl.u32 s4, $0x1  }
0x2e4: {  	s1 =	simm.s32 $0xD7C0;
	s7 =	sshrl.u32 s30, $0x1;
	s4 =	smul.u32 s9, s28;
	v7 =	vld [tilespmem:s31+$0x100B0]  }
.LBB2_79:
0x2e5: {  	s9 =	sadd.s32 $0x9, s0  }
0x2e6: {  	v8 =	vld [tilespmem:s7+$0x100B0];
	s4 =	sshrl.u32 s4, $0x1;
	[tilespmem:s6+$0x0] =	vst v5;
	s7 =	smov.u32 s0;
	s0 =	sadd.s32 $0x8, s0  }
0x2e7: {  	s13 =	smul.u32 s0, s9;
	s14 =	sadd.s32 $0xF, s7;
	s15 =	sadd.s32 $0x10, s7;
	[tilespmem:s6+$0xFFFFFC80] =	vst v2;
	v9 =	vld [tilespmem:s4+$0x100B0];
	v10 =	vmov v3  }
0x2e8: {  	s4 =	sadd.s32 $0xE, s7;
	p1 =	slt.u32 s0, $0xF8;
	s15 =	smul.u32 s15, s14;
	[tilespmem:s6+$0xFFFFFD00] =	vst v4  }
0x2e9: {  	s17 =	sadd.s32 $0xA, s7;
	s14 =	smul.u32 s14, s4;
	s13 =	sshrl.u32 s13, $0x1;
	[tilespmem:s6+$0xFFFFFD80] =	vst v6  }
0x2ea: {  	s9 =	smul.u32 s17, s9;
	v2 =	vld [tilespmem:s13+$0x100B0];
	s13 =	sadd.s32 $0xB, s7  }
0x2eb: {  	s15 =	sshrl.u32 s15, $0x1;
	[tilespmem:s6+$0xFFFFFE00] =	vst v7;
	s17 =	smul.u32 s13, s17  }
.Ltmp40:
0x2ec: {  	s19 =	sadd.s32 $0xC, s7;
	s14 =	sshrl.u32 s14, $0x1;
	v5 =	vld [tilespmem:s15+$0x100B0];
	[tilespmem:s6+$0xFFFFFE80] =	vst v8;
	(pc) =	sbr.rel @p1 .LBB2_79-.Ltmp40, $4  }
0x2ed: {  	s9 =	sshrl.u32 s9, $0x1;
	s7 =	sadd.s32 $0xD, s7;
	s13 =	smul.u32 s19, s13;
	v3 =	vld [tilespmem:s14+$0x100B0];
	[tilespmem:s6+$0xFFFFFF00] =	vst v9  }
0x2ee: {  	s14 =	smul.u32 s7, s19;
	v4 =	vld [tilespmem:s9+$0x100B0];
	s9 =	sshrl.u32 s17, $0x1;
	[tilespmem:s6+$0xFFFFFF80] =	vst v10  }
0x2ef: {  	s4 =	smul.u32 s4, s7;
	v6 =	vld [tilespmem:s9+$0x100B0];
	s9 =	sshrl.u32 s13, $0x1  }
0x2f0: {  	s6 =	sadd.s32 $0x800, s6;
	s7 =	sshrl.u32 s14, $0x1;
	v7 =	vld [tilespmem:s9+$0x100B0]  }
0x2f1: {  	[tilespmem:s6+$0x0] =	vst v5  }
0x2f2: {  	v8 =	vld [tilespmem:s7+$0x100B0];
	s0 =	sshrl.u32 s4, $0x1;
	[tilespmem:s6+$0xFFFFFC80] =	vst v2  }
0x2f3: {  	v2 =	vld [tilespmem:s0+$0x100B0];
	[tilespmem:s6+$0xFFFFFF80] =	vst v3  }
0x2f4: {  	[tilespmem:s6+$0xFFFFFD00] =	vst v4  }
0x2f5: {  	s23 =	simm.s32 $0xD1;
	s0 =	simm.s32 $0xD0;
	[tilespmem:s6+$0xFFFFFD80] =	vst v6  }
0x2f6: {  	s9 =	simm.s32 $0xD7;
	s13 =	simm.s32 $0xD8;
	s24 =	smul.u32 s0, s23;
	[tilespmem:s6+$0xFFFFFE00] =	vst v7  }
0x2f7: {  	s14 =	simm.s32 $0xD6;
	s13 =	smul.u32 s13, s9;
	[tilespmem:s6+$0xFFFFFE80] =	vst v8  }
0x2f8: {  	s26 =	simm.s32 $0xD2;
	s9 =	smul.u32 s9, s14;
	s25 =	sshrl.u32 s24, $0x1;
	[tilespmem:s6+$0xFFFFFF00] =	vst v2  }
0x2f9: {  	s28 =	simm.s32 $0xD3;
	s4 =	smul.u32 s26, s23;
	s13 =	sshrl.u32 s13, $0x1;
	v2 =	vld [tilespmem:s25+$0x100C0]  }
0x2fa: {  	s15 =	simm.s32 $0xD4;
	s7 =	smul.u32 s28, s26;
	s9 =	sshrl.u32 s9, $0x1;
	v6 =	vld [tilespmem:s13+$0x100C0]  }
0x2fb: {  	s29 =	simm.s32 $0xD5;
	s4 =	sshrl.u32 s4, $0x1;
	s6 =	smul.u32 s15, s28;
	v3 =	vld [tilespmem:s9+$0x100C0]  }
0x2fc: {  	s31 =	smul.u32 s29, s15;
	s30 =	sshrl.u32 s7, $0x1;
	v4 =	vld [tilespmem:s4+$0x100C0]  }
0x2fd: {  	v5 =	vld [tilespmem:s30+$0x100C0];
	s6 =	sshrl.u32 s6, $0x1  }
0x2fe: {  	s22 =	simm.s32 $0xE7D0;
	s4 =	smul.u32 s14, s29;
	v7 =	vld [tilespmem:s6+$0x100C0];
	s6 =	sshrl.u32 s31, $0x1  }
.LBB2_81:
0x2ff: {  	s7 =	sadd.s32 $0x9, s0  }
0x300: {  	v8 =	vld [tilespmem:s6+$0x100C0];
	s4 =	sshrl.u32 s4, $0x1;
	[tilespmem:s1+$0x0] =	vst v6;
	s6 =	smov.u32 s0;
	s0 =	sadd.s32 $0x8, s0  }
0x301: {  	s9 =	smul.u32 s0, s7;
	s13 =	sadd.s32 $0xF, s6;
	s14 =	sadd.s32 $0x10, s6;
	[tilespmem:s1+$0xFFFFFC80] =	vst v2;
	v9 =	vld [tilespmem:s4+$0x100C0];
	v10 =	vmov v3  }
0x302: {  	s4 =	sadd.s32 $0xE, s6;
	p1 =	slt.u32 s0, $0xF8;
	s14 =	smul.u32 s14, s13;
	[tilespmem:s1+$0xFFFFFD00] =	vst v4  }
0x303: {  	s15 =	sadd.s32 $0xA, s6;
	s13 =	smul.u32 s13, s4;
	s9 =	sshrl.u32 s9, $0x1;
	[tilespmem:s1+$0xFFFFFD80] =	vst v5  }
0x304: {  	s7 =	smul.u32 s15, s7;
	v2 =	vld [tilespmem:s9+$0x100C0];
	s9 =	sadd.s32 $0xB, s6  }
0x305: {  	s14 =	sshrl.u32 s14, $0x1;
	[tilespmem:s1+$0xFFFFFE00] =	vst v7;
	s15 =	smul.u32 s9, s15  }
.Ltmp41:
0x306: {  	s17 =	sadd.s32 $0xC, s6;
	s13 =	sshrl.u32 s13, $0x1;
	v6 =	vld [tilespmem:s14+$0x100C0];
	[tilespmem:s1+$0xFFFFFE80] =	vst v8;
	(pc) =	sbr.rel @p1 .LBB2_81-.Ltmp41, $4  }
0x307: {  	s7 =	sshrl.u32 s7, $0x1;
	s6 =	sadd.s32 $0xD, s6;
	s9 =	smul.u32 s17, s9;
	v3 =	vld [tilespmem:s13+$0x100C0];
	[tilespmem:s1+$0xFFFFFF00] =	vst v9  }
0x308: {  	s13 =	smul.u32 s6, s17;
	v4 =	vld [tilespmem:s7+$0x100C0];
	s7 =	sshrl.u32 s15, $0x1;
	[tilespmem:s1+$0xFFFFFF80] =	vst v10  }
0x309: {  	s4 =	smul.u32 s4, s6;
	v5 =	vld [tilespmem:s7+$0x100C0];
	s7 =	sshrl.u32 s9, $0x1  }
0x30a: {  	s1 =	sadd.s32 $0x800, s1;
	s6 =	sshrl.u32 s13, $0x1;
	v7 =	vld [tilespmem:s7+$0x100C0]  }
0x30b: {  	[tilespmem:s1+$0x0] =	vst v6  }
0x30c: {  	v8 =	vld [tilespmem:s6+$0x100C0];
	s0 =	sshrl.u32 s4, $0x1;
	[tilespmem:s1+$0xFFFFFC80] =	vst v2  }
0x30d: {  	v2 =	vld [tilespmem:s0+$0x100C0];
	[tilespmem:s1+$0xFFFFFF80] =	vst v3  }
0x30e: {  	[tilespmem:s1+$0xFFFFFD00] =	vst v4  }
0x30f: {  	s18 =	simm.s32 $0xE1;
	s0 =	simm.s32 $0xE0;
	[tilespmem:s1+$0xFFFFFD80] =	vst v5  }
0x310: {  	s7 =	simm.s32 $0xE7;
	s9 =	simm.s32 $0xE8;
	s19 =	smul.u32 s0, s18;
	[tilespmem:s1+$0xFFFFFE00] =	vst v7  }
0x311: {  	s13 =	simm.s32 $0xE6;
	s9 =	smul.u32 s9, s7;
	[tilespmem:s1+$0xFFFFFE80] =	vst v8  }
0x312: {  	s24 =	simm.s32 $0xE2;
	s7 =	smul.u32 s7, s13;
	s23 =	sshrl.u32 s19, $0x1;
	[tilespmem:s1+$0xFFFFFF00] =	vst v2  }
0x313: {  	s26 =	simm.s32 $0xE3;
	s25 =	smul.u32 s24, s18;
	s9 =	sshrl.u32 s9, $0x1;
	v2 =	vld [tilespmem:s23+$0x100D0]  }
0x314: {  	s14 =	simm.s32 $0xE4;
	s6 =	smul.u32 s26, s24;
	s7 =	sshrl.u32 s7, $0x1;
	v6 =	vld [tilespmem:s9+$0x100D0]  }
0x315: {  	s28 =	simm.s32 $0xE5;
	s4 =	smul.u32 s14, s26;
	s1 =	sshrl.u32 s25, $0x1;
	v3 =	vld [tilespmem:s7+$0x100D0]  }
0x316: {  	s30 =	smul.u32 s28, s14;
	s29 =	sshrl.u32 s6, $0x1;
	v4 =	vld [tilespmem:s1+$0x100D0]  }
0x317: {  	s31 =	sshrl.u32 s4, $0x1;
	v5 =	vld [tilespmem:s29+$0x100D0]  }
0x318: {  	s4 =	smul.u32 s13, s28;
	s6 =	sshrl.u32 s30, $0x1;
	s1 =	simm.s32 $0xF7E0;
	v7 =	vld [tilespmem:s31+$0x100D0]  }
.LBB2_83:
0x319: {  	s7 =	sadd.s32 $0x9, s0  }
0x31a: {  	v8 =	vld [tilespmem:s6+$0x100D0];
	s4 =	sshrl.u32 s4, $0x1;
	[tilespmem:s22+$0x0] =	vst v6;
	s6 =	smov.u32 s0;
	s0 =	sadd.s32 $0x8, s0  }
0x31b: {  	s9 =	smul.u32 s0, s7;
	s13 =	sadd.s32 $0xF, s6;
	s14 =	sadd.s32 $0x10, s6;
	[tilespmem:s22+$0xFFFFFC80] =	vst v2;
	v9 =	vld [tilespmem:s4+$0x100D0];
	v10 =	vmov v3  }
0x31c: {  	s4 =	sadd.s32 $0xE, s6;
	p1 =	slt.u32 s0, $0xF8;
	s14 =	smul.u32 s14, s13;
	[tilespmem:s22+$0xFFFFFD00] =	vst v4  }
0x31d: {  	s15 =	sadd.s32 $0xA, s6;
	s13 =	smul.u32 s13, s4;
	s9 =	sshrl.u32 s9, $0x1;
	[tilespmem:s22+$0xFFFFFD80] =	vst v5  }
0x31e: {  	s7 =	smul.u32 s15, s7;
	v2 =	vld [tilespmem:s9+$0x100D0];
	s9 =	sadd.s32 $0xB, s6  }
0x31f: {  	s14 =	sshrl.u32 s14, $0x1;
	[tilespmem:s22+$0xFFFFFE00] =	vst v7;
	s15 =	smul.u32 s9, s15  }
.Ltmp42:
0x320: {  	s17 =	sadd.s32 $0xC, s6;
	s13 =	sshrl.u32 s13, $0x1;
	v6 =	vld [tilespmem:s14+$0x100D0];
	[tilespmem:s22+$0xFFFFFE80] =	vst v8;
	(pc) =	sbr.rel @p1 .LBB2_83-.Ltmp42, $4  }
0x321: {  	s7 =	sshrl.u32 s7, $0x1;
	s6 =	sadd.s32 $0xD, s6;
	s9 =	smul.u32 s17, s9;
	v3 =	vld [tilespmem:s13+$0x100D0];
	[tilespmem:s22+$0xFFFFFF00] =	vst v9  }
0x322: {  	s13 =	smul.u32 s6, s17;
	v4 =	vld [tilespmem:s7+$0x100D0];
	s7 =	sshrl.u32 s15, $0x1;
	[tilespmem:s22+$0xFFFFFF80] =	vst v10  }
0x323: {  	s4 =	smul.u32 s4, s6;
	v5 =	vld [tilespmem:s7+$0x100D0];
	s7 =	sshrl.u32 s9, $0x1  }
0x324: {  	s22 =	sadd.s32 $0x800, s22;
	s6 =	sshrl.u32 s13, $0x1;
	v7 =	vld [tilespmem:s7+$0x100D0]  }
0x325: {  	[tilespmem:s22+$0x0] =	vst v6  }
0x326: {  	v8 =	vld [tilespmem:s6+$0x100D0];
	s0 =	sshrl.u32 s4, $0x1;
	[tilespmem:s22+$0xFFFFFC80] =	vst v2  }
0x327: {  	v2 =	vld [tilespmem:s0+$0x100D0];
	[tilespmem:s22+$0xFFFFFF80] =	vst v3  }
0x328: {  	[tilespmem:s22+$0xFFFFFD00] =	vst v4  }
0x329: {  	s19 =	simm.s32 $0xF1;
	s0 =	simm.s32 $0xF0;
	[tilespmem:s22+$0xFFFFFD80] =	vst v5  }
0x32a: {  	s7 =	simm.s32 $0xF7;
	s9 =	simm.s32 $0xF8;
	s23 =	smul.u32 s0, s19;
	[tilespmem:s22+$0xFFFFFE00] =	vst v7  }
0x32b: {  	s13 =	simm.s32 $0xF6;
	s9 =	smul.u32 s9, s7;
	[tilespmem:s22+$0xFFFFFE80] =	vst v8  }
0x32c: {  	s14 =	simm.s32 $0xF2;
	s7 =	smul.u32 s7, s13;
	s6 =	sshrl.u32 s23, $0x1;
	[tilespmem:s22+$0xFFFFFF00] =	vst v2  }
0x32d: {  	s24 =	simm.s32 $0xF3;
	s4 =	smul.u32 s14, s19;
	s9 =	sshrl.u32 s9, $0x1;
	v3 =	vld [tilespmem:s6+$0x100E0]  }
0x32e: {  	s15 =	simm.s32 $0xF4;
	s14 =	smul.u32 s24, s14;
	s7 =	sshrl.u32 s7, $0x1;
	v8 =	vld [tilespmem:s9+$0x100E0]  }
0x32f: {  	s25 =	simm.s32 $0xF5;
	s4 =	sshrl.u32 s4, $0x1;
	s6 =	smul.u32 s15, s24;
	v2 =	vld [tilespmem:s7+$0x100E0]  }
0x330: {  	s28 =	smul.u32 s25, s15;
	s26 =	sshrl.u32 s14, $0x1;
	v5 =	vld [tilespmem:s4+$0x100E0]  }
0x331: {  	s30 =	smul.u32 s13, s25;
	v6 =	vld [tilespmem:s26+$0x100E0];
	s29 =	sshrl.u32 s6, $0x1  }
0x332: {  	s31 =	sshrl.u32 s28, $0x1;
	s23 =	simm.s32 $0x5C0;
	s22 =	simm.s32 $0x5C00;
	v7 =	vld [tilespmem:s29+$0x100E0]  }
0x333: {  	v4 =	vld [tilespmem:s31+$0x100E0];
	s4 =	sshrl.u32 s30, $0x1;
	s24 =	simm.s32 $0xB800;
	s6 =	simm.s32 $0xB9;
	[tilespmem:s1+$0x0] =	vst v8  }
.LBB2_85:
0x334: {  	s7 =	sadd.s32 $0x9, s0;
	[tilespmem:s1+$0xFFFFFC80] =	vst v3;
	v8 =	vld [tilespmem:s4+$0x100E0];
	s4 =	smov.u32 s0;
	s0 =	sadd.s32 $0x8, s0  }
0x335: {  	s9 =	smul.u32 s0, s7;
	s13 =	sadd.s32 $0xF, s4;
	s14 =	sadd.s32 $0x10, s4;
	[tilespmem:s1+$0xFFFFFD00] =	vst v5  }
0x336: {  	s15 =	sadd.s32 $0xE, s4;
	p1 =	slt.u32 s0, $0xF8;
	s14 =	smul.u32 s14, s13;
	[tilespmem:s1+$0xFFFFFD80] =	vst v6  }
0x337: {  	s17 =	sadd.s32 $0xA, s4;
	s13 =	smul.u32 s13, s15;
	s9 =	sshrl.u32 s9, $0x1;
	[tilespmem:s1+$0xFFFFFE00] =	vst v7  }
0x338: {  	s7 =	smul.u32 s17, s7;
	v3 =	vld [tilespmem:s9+$0x100E0];
	s9 =	sadd.s32 $0xB, s4  }
0x339: {  	s19 =	sadd.s32 $0xC, s4;
	s14 =	sshrl.u32 s14, $0x1;
	[tilespmem:s1+$0xFFFFFE80] =	vst v4;
	s17 =	smul.u32 s9, s17  }
0x33a: {  	s13 =	sshrl.u32 s13, $0x1;
	v9 =	vld [tilespmem:s14+$0x100E0];
	[tilespmem:s1+$0xFFFFFF00] =	vst v8;
	s9 =	smul.u32 s19, s9  }
.Ltmp43:
0x33b: {  	s7 =	sshrl.u32 s7, $0x1;
	s4 =	sadd.s32 $0xD, s4;
	[tilespmem:s1+$0xFFFFFF80] =	vst v2;
	v2 =	vld [tilespmem:s13+$0x100E0];
	(pc) =	sbr.rel @p1 .LBB2_85-.Ltmp43, $4  }
0x33c: {  	s13 =	smul.u32 s4, s19;
	v5 =	vld [tilespmem:s7+$0x100E0];
	s7 =	sshrl.u32 s17, $0x1  }
0x33d: {  	s4 =	smul.u32 s15, s4;
	v6 =	vld [tilespmem:s7+$0x100E0];
	s7 =	sshrl.u32 s9, $0x1  }
0x33e: {  	s1 =	sadd.s32 $0x800, s1;
	v7 =	vld [tilespmem:s7+$0x100E0];
	s7 =	sshrl.u32 s13, $0x1  }
0x33f: {  	s4 =	sshrl.u32 s4, $0x1;
	v4 =	vld [tilespmem:s7+$0x100E0];
	[tilespmem:s1+$0x0] =	vst v9  }
0x340: {  	[tilespmem:s1+$0xFFFFFC80] =	vst v3  }
0x341: {  	v3 =	vld [tilespmem:s4+$0x100E0];
	[tilespmem:s1+$0xFFFFFF80] =	vst v2  }
0x342: {  	s7 =	simm.s32 $0xB8;
	[tilespmem:s1+$0xFFFFFD00] =	vst v5  }
0x343: {  	s18 =	simm.s32 $0xB6;
	s9 =	simm.s32 $0xB5;
	s6 =	smul.u32 s6, s7;
	[tilespmem:s1+$0xFFFFFD80] =	vst v6  }
0x344: {  	s0 =	simm.s32 $0xB7;
	s13 =	smul.u32 s9, s18;
	s14 =	sand.u32 $0xF0, s9;
	[tilespmem:s1+$0xFFFFFE00] =	vst v7  }
0x345: {  	s15 =	smul.u32 s0, s18;
	s17 =	sand.u32 $0x1F0, s7;
	s6 =	sshrl.u32 s6, $0x1;
	[tilespmem:s1+$0xFFFFFE80] =	vst v4  }
0x346: {  	s2 =	smul.u32 s7, s0;
	s26 =	sshrl.u32 s13, $0x1;
	s6 =	sadd.s32 s17, s6;
	[tilespmem:s1+$0xFFFFFF00] =	vst v3  }
0x347: {  	s19 =	sand.u32 $0x1F0, s18;
	s15 =	sshrl.u32 s15, $0x1;
	s1 =	sadd.s32 s14, s26;
	v2 =	vld [tilespmem:s6+$0x10000]  }
0x348: {  	s13 =	sshrl.u32 s2, $0x1;
	s3 =	sadd.s32 s19, s15;
	s6 =	sand.u32 $0x1F0, s0;
	v3 =	vld [tilespmem:s1+$0x10000]  }
0x349: {  	p1 =	por $0x1, $0x1;
	s25 =	simm.s32 $0x280;
	v5 =	vld [tilespmem:s3+$0x10000];
	s13 =	sadd.s32 s6, s13  }
0x34a: {  	s28 =	simm.s32 $0x7E8;
	s29 =	simm.s32 $0xFD;
	s5 =	sand.u32 $0x1F800, s24;
	v10 =	vor.u32 s17, v1;
	v6 =	vld [tilespmem:s13+$0x10000]  }
0x34b: {  	s8 =	sand.u32 $0xC00, s23;
	s10 =	simm.s32 $0xB500;
	s11 =	sand.u32 $0x380, s22;
	v7 =	vor.u32 s14, v1;
	vm6 =	veq.s32 v10, s7;
	vm7 =	vlt.u32 v10, s7  }
0x34c: {  	s12 =	simm.s32 $0x5A8;
	s30 =	sand.u32 $0x70, s18;
	s31 =	sand.u32 $0x70, s0;
	v4 =	vor.u32 s19, v1;
	vm2 =	vlt.u32 v7, s9;
	vm5 =	veq.s32 v7, s9  }
0x34d: {  	s16 =	sand.u32 $0x70, s7;
	s4 =	sand.u32 $0xF800, s10;
	s7 =	sand.u32 $0x400, s12;
	vm3 =	veq.s32 v4, s18;
	vm4 =	vlt.u32 v4, s18;
	v8 =	vadd.f32 $5.000000000e-01, v2  }
0x34e: {  	s10 =	simm.s32 $0x5A80;
	s19 =	simm.s32 $0x5B0;
	s7 =	sor.u32 s7, s4;
	v62 =	vor.u32 s6, v1;
	v4 =	vadd.f32 $5.000000000e-01, v3;
	v7 =	vadd.f32 $5.000000000e-01, v5  }
0x34f: {  	s15 =	sand.u32 $0x380, s10;
	s26 =	simm.s32 $0xFD00;
	s3 =	simm.s32 $0xB700;
	vm15 =	veq.s32 v62, s0;
	v9 =	vadd.f32 $5.000000000e-01, v6  }
0x350: {  	s18 =	simm.s32 $0xB600;
	s1 =	sand.u32 $0x70, s9;
	s12 =	sand.u32 $0x1F800, s3;
	v8 =	vand.u32 $0x7FFFFFFF, v8;
	v4 =	vand.u32 $0x7FFFFFFF, v4;
	v7 =	vand.u32 $0x7FFFFFFF, v7  }
.Ltmp44:
0x351: {  	s13 =	sadd.s32 s8, s5;
	s5 =	simm.s32 $0x5B8;
	v8 =	vadd.f32 $9.999999710e-10, v8;
	v4 =	vadd.f32 $9.999999710e-10, v4;
	v9 =	vand.u32 $0x7FFFFFFF, v9;
	(pc) =	sbr.rel @!p1 .LBB2_88-.Ltmp44, $4  }
0x352: {  	s8 =	sand.u32 $0xC00, s19;
	vm8 =	vlt.u32 v62, s0;
	s0 =	simm.s32 $0xBD;
	s9 =	sor.u32 s11, s13;
	v7 =	vadd.f32 $9.999999710e-10, v7;
	v9 =	vadd.f32 $9.999999710e-10, v9  }
0x353: {  	s13 =	sand.u32 $0x1F800, s18;
	s11 =	simm.s32 $0x5B00;
	s18 =	simm.s32 $0x5B80;
	v8 =	vnsel vm6, $0x0, v8;
	v4 =	vnsel vm5, $0x0, v4  }
0x354: {  	s2 =	sor.u32 s16, s9;
	s16 =	sand.u32 $0xC00, s5;
	s9 =	sadd.s32 s8, s13;
	v7 =	vnsel vm3, $0x0, v7;
	v2 =	vsel vm7, v2, v8;
	v63 =	vnsel vm15, $0x0, v9  }
0x355: {  	s17 =	sand.u32 $0x380, s11;
	s14 =	sand.u32 $0x380, s18;
	s13 =	sadd.s32 s16, s12;
	v4 =	vsel vm2, v3, v4;
	[tilespmem:s2+$0x0] =	vst v2;
	v2 =	vsel vm4, v5, v7;
	v3 =	vsel vm8, v6, v63  }
.LBB2_87:
0x356: {  	s4 =	sadd.s32 $0xFFFFFFFD, s0;
	s12 =	sadd.s32 $0xFFFFFFFE, s0;
	s6 =	sadd.s32 $0xFFFFFFFF, s0  }
0x357: {  	s16 =	sadd.s32 $0xFFFFFFFC, s0;
	s19 =	sand.u32 $0x1F0, s4;
	s10 =	smul.u32 s0, s6  }
0x358: {  	s11 =	smul.u32 s16, s4;
	s3 =	sand.u32 $0xF0, s16;
	s18 =	sand.u32 $0x1F0, s12;
	v5 =	vor.u32 s19, v1  }
0x359: {  	s2 =	smul.u32 s12, s4;
	s5 =	sand.u32 $0x1F0, s6;
	v6 =	vor.u32 s3, v1;
	v7 =	vor.u32 s18, v1;
	vm2 =	veq.s32 v5, s4;
	s10 =	sshrl.u32 s10, $0x1  }
0x35a: {  	s8 =	smul.u32 s6, s12;
	s11 =	sshrl.u32 s11, $0x1;
	vm3 =	vlt.u32 v6, s16;
	vm7 =	veq.s32 v6, s16;
	vm5 =	veq.s32 v7, s12;
	s10 =	sadd.s32 s5, s10  }
0x35b: {  	s7 =	sor.u32 s15, s7;
	s2 =	sshrl.u32 s2, $0x1;
	vm6 =	vlt.u32 v5, s4;
	vm4 =	vlt.u32 v7, s12;
	s3 =	sadd.s32 s3, s11;
	v5 =	vld [tilespmem:s10+$0x10000]  }
0x35c: {  	s2 =	sadd.s32 s19, s2;
	v6 =	vld [tilespmem:s3+$0x10000];
	s3 =	sshrl.u32 s8, $0x1;
	s8 =	sor.u32 s17, s9  }
0x35d: {  	s9 =	sand.u32 $0x70, s16;
	v7 =	vld [tilespmem:s2+$0x10000];
	s2 =	sadd.s32 s18, s3;
	s3 =	sor.u32 s14, s13  }
0x35e: {  	s1 =	sor.u32 s1, s7;
	s4 =	sand.u32 $0x70, s4;
	v8 =	vld [tilespmem:s2+$0x10000];
	s2 =	sand.u32 $0x70, s12  }
0x35f: {  	p1 =	slt.u32 s16, $0xF9;
	s3 =	sor.u32 s31, s3;
	[tilespmem:s1+$0x0] =	vst v4;
	s1 =	sor.u32 s30, s8  }
0x360: {  	s30 =	smov.u32 s4;
	s31 =	smov.u32 s2;
	v4 =	vadd.f32 $5.000000000e-01, v5;
	[tilespmem:s1+$0x0] =	vst v2;
	s1 =	smov.u32 s9  }
0x361: {  	v2 =	vadd.f32 $5.000000000e-01, v6;
	[tilespmem:s3+$0x0] =	vst v3  }
0x362: {  	s24 =	sadd.s32 $0x400, s24;
	s23 =	sadd.s32 $0x20, s23;
	s22 =	sadd.s32 $0x200, s22;
	v3 =	vadd.f32 $5.000000000e-01, v7;
	v4 =	vand.u32 $0x7FFFFFFF, v4  }
0x363: {  	s7 =	sadd.s32 $0xFFFFFFF0, s23;
	v10 =	vor.u32 s5, v1;
	s2 =	sand.u32 $0x1F800, s24;
	s3 =	sand.u32 $0xC00, s23;
	v9 =	vadd.f32 $5.000000000e-01, v8;
	v4 =	vadd.f32 $9.999999710e-10, v4  }
0x364: {  	vm8 =	veq.s32 v10, s6;
	s5 =	sand.u32 $0x380, s22;
	s4 =	sadd.s32 $0xFFFFFD00, s24;
	s2 =	sadd.s32 s3, s2;
	v2 =	vand.u32 $0x7FFFFFFF, v2;
	v3 =	vand.u32 $0x7FFFFFFF, v3  }
0x365: {  	vm9 =	vlt.u32 v10, s6;
	s6 =	sand.u32 $0x70, s6;
	s3 =	sadd.s32 $0xFFFFFFE8, s23;
	s2 =	sor.u32 s5, s2;
	v9 =	vand.u32 $0x7FFFFFFF, v9;
	v4 =	vnsel vm8, $0x0, v4  }
0x366: {  	s8 =	sadd.s32 $0xFFFFFFF8, s23;
	s5 =	sadd.s32 $0xFFFFFE00, s24;
	v2 =	vadd.f32 $9.999999710e-10, v2;
	s2 =	sor.u32 s6, s2;
	v3 =	vadd.f32 $9.999999710e-10, v3;
	v4 =	vsel vm9, v5, v4  }
0x367: {  	s4 =	sand.u32 $0xF800, s4;
	s6 =	sadd.s32 $0xFFFFFF00, s24;
	v5 =	vadd.f32 $9.999999710e-10, v9;
	[tilespmem:s2+$0x0] =	vst v4;
	s2 =	sand.u32 $0x400, s3  }
.Ltmp45:
0x368: {  	v2 =	vnsel vm7, $0x0, v2;
	v3 =	vnsel vm2, $0x0, v3;
	s3 =	sand.u32 $0x1F800, s5;
	s5 =	sand.u32 $0xC00, s7;
	(pc) =	sbr.rel @p1 .LBB2_87-.Ltmp45, $4  }
0x369: {  	s9 =	sadd.s32 $0xFFFFFE80, s22;
	s8 =	sand.u32 $0xC00, s8;
	s6 =	sand.u32 $0x1F800, s6;
	v4 =	vsel vm3, v6, v2;
	v2 =	vsel vm6, v7, v3;
	v3 =	vnsel vm5, $0x0, v5  }
0x36a: {  	s7 =	sor.u32 s2, s4;
	s2 =	sadd.s32 $0xFFFFFF00, s22;
	s4 =	sadd.s32 $0xFFFFFF80, s22;
	v3 =	vsel vm4, v8, v3  }
0x36b: {  	s15 =	sand.u32 $0x380, s9;
	s13 =	sadd.s32 s8, s6;
	s9 =	sadd.s32 s5, s3  }
0x36c: {  	s0 =	sadd.s32 $0x4, s0;
	s17 =	sand.u32 $0x380, s2;
	s14 =	sand.u32 $0x380, s4  }
.LBB2_88:
0x36d: {  	s0 =	sor.u32 s15, s7  }
0x36e: {  	s2 =	sor.u32 s17, s9;
	s0 =	sor.u32 s1, s0  }
0x36f: {  	s24 =	sor.u32 s14, s13;
	s30 =	sor.u32 s30, s2;
	[tilespmem:s0+$0x0] =	vst v4  }
0x370: {  	s1 =	sor.u32 s31, s24;
	[tilespmem:s30+$0x0] =	vst v2  }
0x371: {  	s16 =	simm.s32 $0x0;
	[tilespmem:s1+$0x0] =	vst v3  }
.LBB2_89:
0x372: {  	s0 =	sadd.s32 $0x1, s29  }
0x373: {  	s1 =	smul.u32 s29, s0;
	_ =	sdelay $0x1  }
0x374: {  	s2 =	sand.u32 $0xF0, s29;
	s1 =	sshrl.u32 s1, $0x1  }
0x375: {  	s1 =	sadd.s32 s2, s1  }
0x376: {  	v2 =	vld [tilespmem:s1+$0x10000];
	_ =	sdelay $0x4  }
0x377: {  	v3 =	vadd.f32 $5.000000000e-01, v2  }
0x378: {  	s30 =	sshll.u32 s26, $0x2;
	s3 =	sshll.u32 s28, $0x2;
	s4 =	sshll.u32 s29, $0x2  }
0x379: {  	p1 =	sne.s32 s29, $0xFF;
	s3 =	sand.u32 $0xFFFFF000, s3;
	s1 =	sand.u32 $0xFFFFE000, s30;
	v3 =	vand.u32 $0x7FFFFFFF, v3  }
.Ltmp46:
0x37a: {  	s31 =	sand.u32 $0x1C0, s4;
	v4 =	vor.u32 s2, v1;
	s1 =	sadd.s32 s3, s1;
	v3 =	vadd.f32 $9.999999710e-10, v3;
	(pc) =	sbr.rel @p1 .LBB2_89-.Ltmp46, $4  }
0x37b: {  	vm2 =	veq.s32 v4, s29;
	s1 =	sor.u32 s31, s1  }
0x37c: {  	vm3 =	vlt.u32 v4, s29;
	s1 =	sshra.s32 s1, $0x2;
	v3 =	vnsel vm2, $0x0, v3  }
0x37d: {  	s26 =	sadd.s32 $0x100, s26;
	s1 =	sadd.s32 s1, s25;
	v2 =	vsel vm3, v2, v3  }
0x37e: {  	s28 =	sadd.s32 $0x8, s28;
	s29 =	smov.u32 s0;
	s25 =	sadd.s32 $0x80, s25;
	[tilespmem:s1+$0x0] =	vst v2  }
0x37f: {  	s1 =	simm.s32 @!p0 $0x1;
	s0 =	simm.s32 $0x80  }
0x380: {  	s2 =	simm.s32 $0x81;
	s4 =	simm.s32 $0x87;
	s5 =	simm.s32 $0x88  }
0x381: {  	s23 =	simm.s32 $0x86;
	_ =	swait.ge @!p0 [sflag:s1], $0x4000;
	s3 =	smul.u32 s0, s2  }
0x382: {  	s6 =	simm.s32 $0x82;
	s5 =	smul.u32 s5, s4;
	[sflag:s1] =	ssyncset.done @!p0 $0x0  }
0x383: {  	s4 =	smul.u32 s4, s23;
	[sflag:s1] =	ssyncadd.s32 @!p0 $0xFFFFC000;
	s3 =	sshrl.u32 s3, $0x1  }
0x384: {  	s24 =	simm.s32 $0x83;
	s2 =	smul.u32 s6, s2;
	s5 =	sshrl.u32 s5, $0x1;
	v3 =	vld [tilespmem:s3+$0x10000]  }
0x385: {  	s7 =	simm.s32 $0x84;
	s6 =	smul.u32 s24, s6;
	s4 =	sshrl.u32 s4, $0x1;
	v8 =	vld [tilespmem:s5+$0x10000]  }
0x386: {  	s25 =	simm.s32 $0x85;
	s2 =	sshrl.u32 s2, $0x1;
	s3 =	smul.u32 s7, s24;
	v2 =	vld [tilespmem:s4+$0x10000]  }
0x387: {  	s28 =	smul.u32 s25, s7;
	s26 =	sshrl.u32 s6, $0x1;
	v4 =	vld [tilespmem:s2+$0x10000]  }
0x388: {  	s30 =	smul.u32 s23, s25;
	v5 =	vld [tilespmem:s26+$0x10000];
	s29 =	sshrl.u32 s3, $0x1  }
0x389: {  	s31 =	sshrl.u32 s28, $0x1;
	s7 =	simm.s32 $0x8380;
	v6 =	vld [tilespmem:s29+$0x10000]  }
0x38a: {  	s1 =	simm.s32 $0xB000;
	s9 =	sshrl.u32 s30, $0x1;
	s6 =	simm.s32 $0xB0;
	v7 =	vld [tilespmem:s31+$0x10000];
	[tilespmem:s7+$0x0] =	vst v8  }
.LBB2_91:
0x38b: {  	s2 =	sadd.s32 $0x9, s0;
	[tilespmem:s7+$0xFFFFFC80] =	vst v3;
	v8 =	vld [tilespmem:s9+$0x10000];
	s3 =	smov.u32 s0;
	s0 =	sadd.s32 $0x8, s0  }
0x38c: {  	s4 =	smul.u32 s0, s2;
	s5 =	sadd.s32 $0xF, s3;
	s8 =	sadd.s32 $0x10, s3;
	[tilespmem:s7+$0xFFFFFD00] =	vst v4  }
0x38d: {  	s9 =	sadd.s32 $0xE, s3;
	p0 =	slt.u32 s0, $0xA8;
	s8 =	smul.u32 s8, s5;
	[tilespmem:s7+$0xFFFFFD80] =	vst v5  }
0x38e: {  	s10 =	sadd.s32 $0xA, s3;
	s5 =	smul.u32 s5, s9;
	s4 =	sshrl.u32 s4, $0x1;
	[tilespmem:s7+$0xFFFFFE00] =	vst v6  }
0x38f: {  	s2 =	smul.u32 s10, s2;
	v3 =	vld [tilespmem:s4+$0x10000];
	s4 =	sadd.s32 $0xB, s3  }
0x390: {  	s11 =	sadd.s32 $0xC, s3;
	s8 =	sshrl.u32 s8, $0x1;
	[tilespmem:s7+$0xFFFFFE80] =	vst v7;
	s10 =	smul.u32 s4, s10  }
0x391: {  	s5 =	sshrl.u32 s5, $0x1;
	v9 =	vld [tilespmem:s8+$0x10000];
	[tilespmem:s7+$0xFFFFFF00] =	vst v8;
	s4 =	smul.u32 s11, s4  }
.Ltmp47:
0x392: {  	s2 =	sshrl.u32 s2, $0x1;
	s3 =	sadd.s32 $0xD, s3;
	[tilespmem:s7+$0xFFFFFF80] =	vst v2;
	v2 =	vld [tilespmem:s5+$0x10000];
	(pc) =	sbr.rel @p0 .LBB2_91-.Ltmp47, $4  }
0x393: {  	s5 =	smul.u32 s3, s11;
	v4 =	vld [tilespmem:s2+$0x10000];
	s2 =	sshrl.u32 s10, $0x1  }
0x394: {  	s3 =	smul.u32 s9, s3;
	v5 =	vld [tilespmem:s2+$0x10000];
	s2 =	sshrl.u32 s4, $0x1  }
0x395: {  	s7 =	sadd.s32 $0x800, s7;
	v6 =	vld [tilespmem:s2+$0x10000];
	s2 =	sshrl.u32 s5, $0x1  }
0x396: {  	s9 =	sshrl.u32 s3, $0x1;
	s4 =	simm.s32 $0x0;
	v7 =	vld [tilespmem:s2+$0x10000];
	[tilespmem:s7+$0x0] =	vst v9  }
0x397: {  	[tilespmem:s7+$0xFFFFFC80] =	vst v3  }
0x398: {  	v3 =	vld [tilespmem:s9+$0x10000];
	[tilespmem:s7+$0xFFFFFF80] =	vst v2  }
0x399: {  	[tilespmem:s7+$0xFFFFFD00] =	vst v4  }
0x39a: {  	[tilespmem:s7+$0xFFFFFD80] =	vst v5  }
0x39b: {  	[tilespmem:s7+$0xFFFFFE00] =	vst v6  }
0x39c: {  	[tilespmem:s7+$0xFFFFFE80] =	vst v7  }
0x39d: {  	[tilespmem:s7+$0xFFFFFF00] =	vst v3  }
.LBB2_93:
0x39e: {  	s0 =	sadd.s32 $0x1, s6  }
0x39f: {  	s2 =	smul.u32 s6, s0;
	_ =	sdelay $0x1  }
0x3a0: {  	s2 =	sshrl.u32 s2, $0x1  }
0x3a1: {  	p0 =	sne.s32 s6, $0xB4;
	v2 =	vld [tilespmem:s2+$0x10000]  }
.Ltmp48:
0x3a2: {  	_ = 	snop;
	(pc) =	sbr.rel @p0 .LBB2_93-.Ltmp48, $4  }
0x3a3: {  	_ = 	snop  }
0x3a4: {  	s31 =	sand.u32 $0x3FFFF800, s1  }
0x3a5: {  	s2 =	sadd.s32 s31, s4  }
0x3a6: {  	s1 =	sadd.s32 $0x100, s1;
	s6 =	smov.u32 s0;
	s4 =	sadd.s32 $0x80, s4;
	[tilespmem:s2+$0x0] =	vst v2  }
0x3a7: {  	s0 =	simm.s32 $0x80;
	s1 =	simm.s32 $0x81  }
0x3a8: {  	s3 =	simm.s32 $0x87;
	s4 =	simm.s32 $0x88;
	s2 =	smul.u32 s0, s1  }
0x3a9: {  	s5 =	simm.s32 $0x86;
	s4 =	smul.u32 s4, s3  }
0x3aa: {  	s6 =	simm.s32 $0x82;
	s3 =	smul.u32 s3, s5;
	s2 =	sshrl.u32 s2, $0x1  }
0x3ab: {  	s24 =	simm.s32 $0x83;
	s1 =	smul.u32 s6, s1;
	s4 =	sshrl.u32 s4, $0x1;
	v3 =	vld [tilespmem:s2+$0x10010]  }
0x3ac: {  	s7 =	simm.s32 $0x84;
	s6 =	smul.u32 s24, s6;
	s3 =	sshrl.u32 s3, $0x1;
	v8 =	vld [tilespmem:s4+$0x10010]  }
0x3ad: {  	s25 =	simm.s32 $0x85;
	s1 =	sshrl.u32 s1, $0x1;
	s2 =	smul.u32 s7, s24;
	v2 =	vld [tilespmem:s3+$0x10010]  }
0x3ae: {  	s28 =	smul.u32 s25, s7;
	s26 =	sshrl.u32 s6, $0x1;
	v4 =	vld [tilespmem:s1+$0x10010]  }
0x3af: {  	s30 =	smul.u32 s5, s25;
	v5 =	vld [tilespmem:s26+$0x10010];
	s29 =	sshrl.u32 s2, $0x1  }
0x3b0: {  	s6 =	simm.s32 $0x8390;
	s31 =	sshrl.u32 s28, $0x1;
	v6 =	vld [tilespmem:s29+$0x10010]  }
0x3b1: {  	s9 =	sshrl.u32 s30, $0x1;
	v7 =	vld [tilespmem:s31+$0x10010];
	s1 =	simm.s32 $0x10;
	[tilespmem:s6+$0x0] =	vst v8  }
.LBB2_95:
0x3b2: {  	s2 =	sadd.s32 $0x9, s0;
	[tilespmem:s6+$0xFFFFFC80] =	vst v3;
	v8 =	vld [tilespmem:s9+$0x10010];
	s3 =	smov.u32 s0;
	s0 =	sadd.s32 $0x8, s0  }
0x3b3: {  	s4 =	smul.u32 s0, s2;
	s5 =	sadd.s32 $0xF, s3;
	s7 =	sadd.s32 $0x10, s3;
	[tilespmem:s6+$0xFFFFFD00] =	vst v4  }
0x3b4: {  	s8 =	sadd.s32 $0xE, s3;
	p0 =	slt.u32 s0, $0xA8;
	s7 =	smul.u32 s7, s5;
	[tilespmem:s6+$0xFFFFFD80] =	vst v5  }
0x3b5: {  	s9 =	sadd.s32 $0xA, s3;
	s5 =	smul.u32 s5, s8;
	s4 =	sshrl.u32 s4, $0x1;
	[tilespmem:s6+$0xFFFFFE00] =	vst v6  }
0x3b6: {  	s2 =	smul.u32 s9, s2;
	v3 =	vld [tilespmem:s4+$0x10010];
	s4 =	sadd.s32 $0xB, s3  }
0x3b7: {  	s10 =	sadd.s32 $0xC, s3;
	s7 =	sshrl.u32 s7, $0x1;
	[tilespmem:s6+$0xFFFFFE80] =	vst v7;
	s9 =	smul.u32 s4, s9  }
0x3b8: {  	s5 =	sshrl.u32 s5, $0x1;
	v9 =	vld [tilespmem:s7+$0x10010];
	[tilespmem:s6+$0xFFFFFF00] =	vst v8;
	s4 =	smul.u32 s10, s4  }
.Ltmp49:
0x3b9: {  	s2 =	sshrl.u32 s2, $0x1;
	s3 =	sadd.s32 $0xD, s3;
	[tilespmem:s6+$0xFFFFFF80] =	vst v2;
	v2 =	vld [tilespmem:s5+$0x10010];
	(pc) =	sbr.rel @p0 .LBB2_95-.Ltmp49, $4  }
0x3ba: {  	s5 =	smul.u32 s3, s10;
	v4 =	vld [tilespmem:s2+$0x10010];
	s2 =	sshrl.u32 s9, $0x1  }
0x3bb: {  	s3 =	smul.u32 s8, s3;
	v5 =	vld [tilespmem:s2+$0x10010];
	s2 =	sshrl.u32 s4, $0x1  }
0x3bc: {  	s6 =	sadd.s32 $0x800, s6;
	s4 =	simm.s32 $0xB000;
	v6 =	vld [tilespmem:s2+$0x10010];
	s2 =	sshrl.u32 s5, $0x1  }
0x3bd: {  	s7 =	simm.s32 $0xB0;
	s9 =	sshrl.u32 s3, $0x1;
	v7 =	vld [tilespmem:s2+$0x10010];
	[tilespmem:s6+$0x0] =	vst v9  }
0x3be: {  	[tilespmem:s6+$0xFFFFFC80] =	vst v3  }
0x3bf: {  	v3 =	vld [tilespmem:s9+$0x10010];
	[tilespmem:s6+$0xFFFFFF80] =	vst v2  }
0x3c0: {  	[tilespmem:s6+$0xFFFFFD00] =	vst v4  }
0x3c1: {  	[tilespmem:s6+$0xFFFFFD80] =	vst v5  }
0x3c2: {  	[tilespmem:s6+$0xFFFFFE00] =	vst v6  }
0x3c3: {  	[tilespmem:s6+$0xFFFFFE80] =	vst v7  }
0x3c4: {  	[tilespmem:s6+$0xFFFFFF00] =	vst v3  }
.LBB2_97:
0x3c5: {  	s0 =	sadd.s32 $0x1, s7  }
0x3c6: {  	s2 =	smul.u32 s7, s0;
	_ =	sdelay $0x1  }
0x3c7: {  	s2 =	sshrl.u32 s2, $0x1  }
0x3c8: {  	p0 =	sne.s32 s7, $0xB4;
	v2 =	vld [tilespmem:s2+$0x10010]  }
.Ltmp50:
0x3c9: {  	_ = 	snop;
	(pc) =	sbr.rel @p0 .LBB2_97-.Ltmp50, $4  }
0x3ca: {  	_ = 	snop  }
0x3cb: {  	s31 =	sand.u32 $0x3FFFF800, s4  }
0x3cc: {  	s2 =	sadd.s32 s31, s1  }
0x3cd: {  	s4 =	sadd.s32 $0x100, s4;
	s7 =	smov.u32 s0;
	s1 =	sadd.s32 $0x80, s1;
	[tilespmem:s2+$0x0] =	vst v2  }
0x3ce: {  	s0 =	simm.s32 $0x80;
	s1 =	simm.s32 $0x81  }
0x3cf: {  	s3 =	simm.s32 $0x87;
	s4 =	simm.s32 $0x88;
	s2 =	smul.u32 s0, s1  }
0x3d0: {  	s5 =	simm.s32 $0x86;
	s4 =	smul.u32 s4, s3  }
0x3d1: {  	s6 =	simm.s32 $0x82;
	s3 =	smul.u32 s3, s5;
	s2 =	sshrl.u32 s2, $0x1  }
0x3d2: {  	s24 =	simm.s32 $0x83;
	s1 =	smul.u32 s6, s1;
	s4 =	sshrl.u32 s4, $0x1;
	v3 =	vld [tilespmem:s2+$0x10020]  }
0x3d3: {  	s7 =	simm.s32 $0x84;
	s6 =	smul.u32 s24, s6;
	s3 =	sshrl.u32 s3, $0x1;
	v8 =	vld [tilespmem:s4+$0x10020]  }
0x3d4: {  	s25 =	simm.s32 $0x85;
	s1 =	sshrl.u32 s1, $0x1;
	s2 =	smul.u32 s7, s24;
	v2 =	vld [tilespmem:s3+$0x10020]  }
0x3d5: {  	s28 =	smul.u32 s25, s7;
	s26 =	sshrl.u32 s6, $0x1;
	v4 =	vld [tilespmem:s1+$0x10020]  }
0x3d6: {  	s30 =	smul.u32 s5, s25;
	v5 =	vld [tilespmem:s26+$0x10020];
	s29 =	sshrl.u32 s2, $0x1  }
0x3d7: {  	s6 =	simm.s32 $0x83A0;
	s31 =	sshrl.u32 s28, $0x1;
	v6 =	vld [tilespmem:s29+$0x10020]  }
0x3d8: {  	s9 =	sshrl.u32 s30, $0x1;
	v7 =	vld [tilespmem:s31+$0x10020];
	s1 =	simm.s32 $0x20;
	[tilespmem:s6+$0x0] =	vst v8  }
.LBB2_99:
0x3d9: {  	s2 =	sadd.s32 $0x9, s0;
	[tilespmem:s6+$0xFFFFFC80] =	vst v3;
	v8 =	vld [tilespmem:s9+$0x10020];
	s3 =	smov.u32 s0;
	s0 =	sadd.s32 $0x8, s0  }
0x3da: {  	s4 =	smul.u32 s0, s2;
	s5 =	sadd.s32 $0xF, s3;
	s7 =	sadd.s32 $0x10, s3;
	[tilespmem:s6+$0xFFFFFD00] =	vst v4  }
0x3db: {  	s8 =	sadd.s32 $0xE, s3;
	p0 =	slt.u32 s0, $0xA8;
	s7 =	smul.u32 s7, s5;
	[tilespmem:s6+$0xFFFFFD80] =	vst v5  }
0x3dc: {  	s9 =	sadd.s32 $0xA, s3;
	s5 =	smul.u32 s5, s8;
	s4 =	sshrl.u32 s4, $0x1;
	[tilespmem:s6+$0xFFFFFE00] =	vst v6  }
0x3dd: {  	s2 =	smul.u32 s9, s2;
	v3 =	vld [tilespmem:s4+$0x10020];
	s4 =	sadd.s32 $0xB, s3  }
0x3de: {  	s10 =	sadd.s32 $0xC, s3;
	s7 =	sshrl.u32 s7, $0x1;
	[tilespmem:s6+$0xFFFFFE80] =	vst v7;
	s9 =	smul.u32 s4, s9  }
0x3df: {  	s5 =	sshrl.u32 s5, $0x1;
	v9 =	vld [tilespmem:s7+$0x10020];
	[tilespmem:s6+$0xFFFFFF00] =	vst v8;
	s4 =	smul.u32 s10, s4  }
.Ltmp51:
0x3e0: {  	s2 =	sshrl.u32 s2, $0x1;
	s3 =	sadd.s32 $0xD, s3;
	[tilespmem:s6+$0xFFFFFF80] =	vst v2;
	v2 =	vld [tilespmem:s5+$0x10020];
	(pc) =	sbr.rel @p0 .LBB2_99-.Ltmp51, $4  }
0x3e1: {  	s5 =	smul.u32 s3, s10;
	v4 =	vld [tilespmem:s2+$0x10020];
	s2 =	sshrl.u32 s9, $0x1  }
0x3e2: {  	s3 =	smul.u32 s8, s3;
	v5 =	vld [tilespmem:s2+$0x10020];
	s2 =	sshrl.u32 s4, $0x1  }
0x3e3: {  	s6 =	sadd.s32 $0x800, s6;
	s4 =	simm.s32 $0xB000;
	v6 =	vld [tilespmem:s2+$0x10020];
	s2 =	sshrl.u32 s5, $0x1  }
0x3e4: {  	s7 =	simm.s32 $0xB0;
	s9 =	sshrl.u32 s3, $0x1;
	v7 =	vld [tilespmem:s2+$0x10020];
	[tilespmem:s6+$0x0] =	vst v9  }
0x3e5: {  	[tilespmem:s6+$0xFFFFFC80] =	vst v3  }
0x3e6: {  	v3 =	vld [tilespmem:s9+$0x10020];
	[tilespmem:s6+$0xFFFFFF80] =	vst v2  }
0x3e7: {  	[tilespmem:s6+$0xFFFFFD00] =	vst v4  }
0x3e8: {  	[tilespmem:s6+$0xFFFFFD80] =	vst v5  }
0x3e9: {  	[tilespmem:s6+$0xFFFFFE00] =	vst v6  }
0x3ea: {  	[tilespmem:s6+$0xFFFFFE80] =	vst v7  }
0x3eb: {  	[tilespmem:s6+$0xFFFFFF00] =	vst v3  }
.LBB2_101:
0x3ec: {  	s0 =	sadd.s32 $0x1, s7  }
0x3ed: {  	s2 =	smul.u32 s7, s0;
	_ =	sdelay $0x1  }
0x3ee: {  	s2 =	sshrl.u32 s2, $0x1  }
0x3ef: {  	p0 =	sne.s32 s7, $0xB4;
	v2 =	vld [tilespmem:s2+$0x10020]  }
.Ltmp52:
0x3f0: {  	_ = 	snop;
	(pc) =	sbr.rel @p0 .LBB2_101-.Ltmp52, $4  }
0x3f1: {  	_ = 	snop  }
0x3f2: {  	s31 =	sand.u32 $0x3FFFF800, s4  }
0x3f3: {  	s2 =	sadd.s32 s31, s1  }
0x3f4: {  	s4 =	sadd.s32 $0x100, s4;
	s7 =	smov.u32 s0;
	s1 =	sadd.s32 $0x80, s1;
	[tilespmem:s2+$0x0] =	vst v2  }
0x3f5: {  	s0 =	simm.s32 $0x80;
	s1 =	simm.s32 $0x81  }
0x3f6: {  	s3 =	simm.s32 $0x87;
	s4 =	simm.s32 $0x88;
	s2 =	smul.u32 s0, s1  }
0x3f7: {  	s5 =	simm.s32 $0x86;
	s4 =	smul.u32 s4, s3  }
0x3f8: {  	s6 =	simm.s32 $0x82;
	s3 =	smul.u32 s3, s5;
	s2 =	sshrl.u32 s2, $0x1  }
0x3f9: {  	s24 =	simm.s32 $0x83;
	s1 =	smul.u32 s6, s1;
	s4 =	sshrl.u32 s4, $0x1;
	v3 =	vld [tilespmem:s2+$0x10030]  }
0x3fa: {  	s7 =	simm.s32 $0x84;
	s6 =	smul.u32 s24, s6;
	s3 =	sshrl.u32 s3, $0x1;
	v8 =	vld [tilespmem:s4+$0x10030]  }
0x3fb: {  	s25 =	simm.s32 $0x85;
	s1 =	sshrl.u32 s1, $0x1;
	s2 =	smul.u32 s7, s24;
	v2 =	vld [tilespmem:s3+$0x10030]  }
0x3fc: {  	s28 =	smul.u32 s25, s7;
	s26 =	sshrl.u32 s6, $0x1;
	v4 =	vld [tilespmem:s1+$0x10030]  }
0x3fd: {  	s30 =	smul.u32 s5, s25;
	v5 =	vld [tilespmem:s26+$0x10030];
	s29 =	sshrl.u32 s2, $0x1  }
0x3fe: {  	s6 =	simm.s32 $0x83B0;
	s31 =	sshrl.u32 s28, $0x1;
	v6 =	vld [tilespmem:s29+$0x10030]  }
0x3ff: {  	s9 =	sshrl.u32 s30, $0x1;
	v7 =	vld [tilespmem:s31+$0x10030];
	s1 =	simm.s32 $0x30;
	[tilespmem:s6+$0x0] =	vst v8  }
.LBB2_103:
0x400: {  	s2 =	sadd.s32 $0x9, s0;
	[tilespmem:s6+$0xFFFFFC80] =	vst v3;
	v8 =	vld [tilespmem:s9+$0x10030];
	s3 =	smov.u32 s0;
	s0 =	sadd.s32 $0x8, s0  }
0x401: {  	s4 =	smul.u32 s0, s2;
	s5 =	sadd.s32 $0xF, s3;
	s7 =	sadd.s32 $0x10, s3;
	[tilespmem:s6+$0xFFFFFD00] =	vst v4  }
0x402: {  	s8 =	sadd.s32 $0xE, s3;
	p0 =	slt.u32 s0, $0xA8;
	s7 =	smul.u32 s7, s5;
	[tilespmem:s6+$0xFFFFFD80] =	vst v5  }
0x403: {  	s9 =	sadd.s32 $0xA, s3;
	s5 =	smul.u32 s5, s8;
	s4 =	sshrl.u32 s4, $0x1;
	[tilespmem:s6+$0xFFFFFE00] =	vst v6  }
0x404: {  	s2 =	smul.u32 s9, s2;
	v3 =	vld [tilespmem:s4+$0x10030];
	s4 =	sadd.s32 $0xB, s3  }
0x405: {  	s10 =	sadd.s32 $0xC, s3;
	s7 =	sshrl.u32 s7, $0x1;
	[tilespmem:s6+$0xFFFFFE80] =	vst v7;
	s9 =	smul.u32 s4, s9  }
0x406: {  	s5 =	sshrl.u32 s5, $0x1;
	v9 =	vld [tilespmem:s7+$0x10030];
	[tilespmem:s6+$0xFFFFFF00] =	vst v8;
	s4 =	smul.u32 s10, s4  }
.Ltmp53:
0x407: {  	s2 =	sshrl.u32 s2, $0x1;
	s3 =	sadd.s32 $0xD, s3;
	[tilespmem:s6+$0xFFFFFF80] =	vst v2;
	v2 =	vld [tilespmem:s5+$0x10030];
	(pc) =	sbr.rel @p0 .LBB2_103-.Ltmp53, $4  }
0x408: {  	s5 =	smul.u32 s3, s10;
	v4 =	vld [tilespmem:s2+$0x10030];
	s2 =	sshrl.u32 s9, $0x1  }
0x409: {  	s3 =	smul.u32 s8, s3;
	v5 =	vld [tilespmem:s2+$0x10030];
	s2 =	sshrl.u32 s4, $0x1  }
0x40a: {  	s6 =	sadd.s32 $0x800, s6;
	s4 =	simm.s32 $0xB000;
	v6 =	vld [tilespmem:s2+$0x10030];
	s2 =	sshrl.u32 s5, $0x1  }
0x40b: {  	s7 =	simm.s32 $0xB0;
	s9 =	sshrl.u32 s3, $0x1;
	v7 =	vld [tilespmem:s2+$0x10030];
	[tilespmem:s6+$0x0] =	vst v9  }
0x40c: {  	[tilespmem:s6+$0xFFFFFC80] =	vst v3  }
0x40d: {  	v3 =	vld [tilespmem:s9+$0x10030];
	[tilespmem:s6+$0xFFFFFF80] =	vst v2  }
0x40e: {  	[tilespmem:s6+$0xFFFFFD00] =	vst v4  }
0x40f: {  	[tilespmem:s6+$0xFFFFFD80] =	vst v5  }
0x410: {  	[tilespmem:s6+$0xFFFFFE00] =	vst v6  }
0x411: {  	[tilespmem:s6+$0xFFFFFE80] =	vst v7  }
0x412: {  	[tilespmem:s6+$0xFFFFFF00] =	vst v3  }
.LBB2_105:
0x413: {  	s0 =	sadd.s32 $0x1, s7  }
0x414: {  	s2 =	smul.u32 s7, s0;
	_ =	sdelay $0x1  }
0x415: {  	s2 =	sshrl.u32 s2, $0x1  }
0x416: {  	p0 =	sne.s32 s7, $0xB4;
	v2 =	vld [tilespmem:s2+$0x10030]  }
.Ltmp54:
0x417: {  	_ = 	snop;
	(pc) =	sbr.rel @p0 .LBB2_105-.Ltmp54, $4  }
0x418: {  	_ = 	snop  }
0x419: {  	s31 =	sand.u32 $0x3FFFF800, s4  }
0x41a: {  	s2 =	sadd.s32 s31, s1  }
0x41b: {  	s4 =	sadd.s32 $0x100, s4;
	s7 =	smov.u32 s0;
	s1 =	sadd.s32 $0x80, s1;
	[tilespmem:s2+$0x0] =	vst v2  }
0x41c: {  	s0 =	simm.s32 $0x80;
	s1 =	simm.s32 $0x81  }
0x41d: {  	s3 =	simm.s32 $0x87;
	s4 =	simm.s32 $0x88;
	s2 =	smul.u32 s0, s1  }
0x41e: {  	s5 =	simm.s32 $0x86;
	s4 =	smul.u32 s4, s3  }
0x41f: {  	s6 =	simm.s32 $0x82;
	s3 =	smul.u32 s3, s5;
	s2 =	sshrl.u32 s2, $0x1  }
0x420: {  	s24 =	simm.s32 $0x83;
	s1 =	smul.u32 s6, s1;
	s4 =	sshrl.u32 s4, $0x1;
	v3 =	vld [tilespmem:s2+$0x10040]  }
0x421: {  	s7 =	simm.s32 $0x84;
	s6 =	smul.u32 s24, s6;
	s3 =	sshrl.u32 s3, $0x1;
	v8 =	vld [tilespmem:s4+$0x10040]  }
0x422: {  	s25 =	simm.s32 $0x85;
	s1 =	sshrl.u32 s1, $0x1;
	s2 =	smul.u32 s7, s24;
	v2 =	vld [tilespmem:s3+$0x10040]  }
0x423: {  	s28 =	smul.u32 s25, s7;
	s26 =	sshrl.u32 s6, $0x1;
	v4 =	vld [tilespmem:s1+$0x10040]  }
0x424: {  	s30 =	smul.u32 s5, s25;
	v5 =	vld [tilespmem:s26+$0x10040];
	s29 =	sshrl.u32 s2, $0x1  }
0x425: {  	s6 =	simm.s32 $0x83C0;
	s31 =	sshrl.u32 s28, $0x1;
	v6 =	vld [tilespmem:s29+$0x10040]  }
0x426: {  	s9 =	sshrl.u32 s30, $0x1;
	v7 =	vld [tilespmem:s31+$0x10040];
	s1 =	simm.s32 $0x40;
	[tilespmem:s6+$0x0] =	vst v8  }
.LBB2_107:
0x427: {  	s2 =	sadd.s32 $0x9, s0;
	[tilespmem:s6+$0xFFFFFC80] =	vst v3;
	v8 =	vld [tilespmem:s9+$0x10040];
	s3 =	smov.u32 s0;
	s0 =	sadd.s32 $0x8, s0  }
0x428: {  	s4 =	smul.u32 s0, s2;
	s5 =	sadd.s32 $0xF, s3;
	s7 =	sadd.s32 $0x10, s3;
	[tilespmem:s6+$0xFFFFFD00] =	vst v4  }
0x429: {  	s8 =	sadd.s32 $0xE, s3;
	p0 =	slt.u32 s0, $0xA8;
	s7 =	smul.u32 s7, s5;
	[tilespmem:s6+$0xFFFFFD80] =	vst v5  }
0x42a: {  	s9 =	sadd.s32 $0xA, s3;
	s5 =	smul.u32 s5, s8;
	s4 =	sshrl.u32 s4, $0x1;
	[tilespmem:s6+$0xFFFFFE00] =	vst v6  }
0x42b: {  	s2 =	smul.u32 s9, s2;
	v3 =	vld [tilespmem:s4+$0x10040];
	s4 =	sadd.s32 $0xB, s3  }
0x42c: {  	s10 =	sadd.s32 $0xC, s3;
	s7 =	sshrl.u32 s7, $0x1;
	[tilespmem:s6+$0xFFFFFE80] =	vst v7;
	s9 =	smul.u32 s4, s9  }
0x42d: {  	s5 =	sshrl.u32 s5, $0x1;
	v9 =	vld [tilespmem:s7+$0x10040];
	[tilespmem:s6+$0xFFFFFF00] =	vst v8;
	s4 =	smul.u32 s10, s4  }
.Ltmp55:
0x42e: {  	s2 =	sshrl.u32 s2, $0x1;
	s3 =	sadd.s32 $0xD, s3;
	[tilespmem:s6+$0xFFFFFF80] =	vst v2;
	v2 =	vld [tilespmem:s5+$0x10040];
	(pc) =	sbr.rel @p0 .LBB2_107-.Ltmp55, $4  }
0x42f: {  	s5 =	smul.u32 s3, s10;
	v4 =	vld [tilespmem:s2+$0x10040];
	s2 =	sshrl.u32 s9, $0x1  }
0x430: {  	s3 =	smul.u32 s8, s3;
	v5 =	vld [tilespmem:s2+$0x10040];
	s2 =	sshrl.u32 s4, $0x1  }
0x431: {  	s6 =	sadd.s32 $0x800, s6;
	s4 =	simm.s32 $0xB000;
	v6 =	vld [tilespmem:s2+$0x10040];
	s2 =	sshrl.u32 s5, $0x1  }
0x432: {  	s7 =	simm.s32 $0xB0;
	s9 =	sshrl.u32 s3, $0x1;
	v7 =	vld [tilespmem:s2+$0x10040];
	[tilespmem:s6+$0x0] =	vst v9  }
0x433: {  	[tilespmem:s6+$0xFFFFFC80] =	vst v3  }
0x434: {  	v3 =	vld [tilespmem:s9+$0x10040];
	[tilespmem:s6+$0xFFFFFF80] =	vst v2  }
0x435: {  	[tilespmem:s6+$0xFFFFFD00] =	vst v4  }
0x436: {  	[tilespmem:s6+$0xFFFFFD80] =	vst v5  }
0x437: {  	[tilespmem:s6+$0xFFFFFE00] =	vst v6  }
0x438: {  	[tilespmem:s6+$0xFFFFFE80] =	vst v7  }
0x439: {  	[tilespmem:s6+$0xFFFFFF00] =	vst v3  }
.LBB2_109:
0x43a: {  	s0 =	sadd.s32 $0x1, s7  }
0x43b: {  	s2 =	smul.u32 s7, s0;
	_ =	sdelay $0x1  }
0x43c: {  	s2 =	sshrl.u32 s2, $0x1  }
0x43d: {  	p0 =	sne.s32 s7, $0xB4;
	v2 =	vld [tilespmem:s2+$0x10040]  }
.Ltmp56:
0x43e: {  	_ = 	snop;
	(pc) =	sbr.rel @p0 .LBB2_109-.Ltmp56, $4  }
0x43f: {  	_ = 	snop  }
0x440: {  	s31 =	sand.u32 $0x3FFFF800, s4  }
0x441: {  	s2 =	sadd.s32 s31, s1  }
0x442: {  	s4 =	sadd.s32 $0x100, s4;
	s7 =	smov.u32 s0;
	s1 =	sadd.s32 $0x80, s1;
	[tilespmem:s2+$0x0] =	vst v2  }
0x443: {  	s0 =	simm.s32 $0x80;
	s1 =	simm.s32 $0x81  }
0x444: {  	s3 =	simm.s32 $0x87;
	s4 =	simm.s32 $0x88;
	s2 =	smul.u32 s0, s1  }
0x445: {  	s5 =	simm.s32 $0x86;
	s4 =	smul.u32 s4, s3  }
0x446: {  	s6 =	simm.s32 $0x82;
	s3 =	smul.u32 s3, s5;
	s2 =	sshrl.u32 s2, $0x1  }
0x447: {  	s24 =	simm.s32 $0x83;
	s1 =	smul.u32 s6, s1;
	s4 =	sshrl.u32 s4, $0x1;
	v3 =	vld [tilespmem:s2+$0x10050]  }
0x448: {  	s7 =	simm.s32 $0x84;
	s6 =	smul.u32 s24, s6;
	s3 =	sshrl.u32 s3, $0x1;
	v8 =	vld [tilespmem:s4+$0x10050]  }
0x449: {  	s25 =	simm.s32 $0x85;
	s1 =	sshrl.u32 s1, $0x1;
	s2 =	smul.u32 s7, s24;
	v2 =	vld [tilespmem:s3+$0x10050]  }
0x44a: {  	s28 =	smul.u32 s25, s7;
	s26 =	sshrl.u32 s6, $0x1;
	v4 =	vld [tilespmem:s1+$0x10050]  }
0x44b: {  	s30 =	smul.u32 s5, s25;
	v5 =	vld [tilespmem:s26+$0x10050];
	s29 =	sshrl.u32 s2, $0x1  }
0x44c: {  	s6 =	simm.s32 $0x83D0;
	s31 =	sshrl.u32 s28, $0x1;
	v6 =	vld [tilespmem:s29+$0x10050]  }
0x44d: {  	s9 =	sshrl.u32 s30, $0x1;
	v7 =	vld [tilespmem:s31+$0x10050];
	s1 =	simm.s32 $0x50;
	[tilespmem:s6+$0x0] =	vst v8  }
.LBB2_111:
0x44e: {  	s2 =	sadd.s32 $0x9, s0;
	[tilespmem:s6+$0xFFFFFC80] =	vst v3;
	v8 =	vld [tilespmem:s9+$0x10050];
	s3 =	smov.u32 s0;
	s0 =	sadd.s32 $0x8, s0  }
0x44f: {  	s4 =	smul.u32 s0, s2;
	s5 =	sadd.s32 $0xF, s3;
	s7 =	sadd.s32 $0x10, s3;
	[tilespmem:s6+$0xFFFFFD00] =	vst v4  }
0x450: {  	s8 =	sadd.s32 $0xE, s3;
	p0 =	slt.u32 s0, $0xA8;
	s7 =	smul.u32 s7, s5;
	[tilespmem:s6+$0xFFFFFD80] =	vst v5  }
0x451: {  	s9 =	sadd.s32 $0xA, s3;
	s5 =	smul.u32 s5, s8;
	s4 =	sshrl.u32 s4, $0x1;
	[tilespmem:s6+$0xFFFFFE00] =	vst v6  }
0x452: {  	s2 =	smul.u32 s9, s2;
	v3 =	vld [tilespmem:s4+$0x10050];
	s4 =	sadd.s32 $0xB, s3  }
0x453: {  	s10 =	sadd.s32 $0xC, s3;
	s7 =	sshrl.u32 s7, $0x1;
	[tilespmem:s6+$0xFFFFFE80] =	vst v7;
	s9 =	smul.u32 s4, s9  }
0x454: {  	s5 =	sshrl.u32 s5, $0x1;
	v9 =	vld [tilespmem:s7+$0x10050];
	[tilespmem:s6+$0xFFFFFF00] =	vst v8;
	s4 =	smul.u32 s10, s4  }
.Ltmp57:
0x455: {  	s2 =	sshrl.u32 s2, $0x1;
	s3 =	sadd.s32 $0xD, s3;
	[tilespmem:s6+$0xFFFFFF80] =	vst v2;
	v2 =	vld [tilespmem:s5+$0x10050];
	(pc) =	sbr.rel @p0 .LBB2_111-.Ltmp57, $4  }
0x456: {  	s5 =	smul.u32 s3, s10;
	v4 =	vld [tilespmem:s2+$0x10050];
	s2 =	sshrl.u32 s9, $0x1  }
0x457: {  	s3 =	smul.u32 s8, s3;
	v5 =	vld [tilespmem:s2+$0x10050];
	s2 =	sshrl.u32 s4, $0x1  }
0x458: {  	s6 =	sadd.s32 $0x800, s6;
	s4 =	simm.s32 $0xB000;
	v6 =	vld [tilespmem:s2+$0x10050];
	s2 =	sshrl.u32 s5, $0x1  }
0x459: {  	s7 =	simm.s32 $0xB0;
	s9 =	sshrl.u32 s3, $0x1;
	v7 =	vld [tilespmem:s2+$0x10050];
	[tilespmem:s6+$0x0] =	vst v9  }
0x45a: {  	[tilespmem:s6+$0xFFFFFC80] =	vst v3  }
0x45b: {  	v3 =	vld [tilespmem:s9+$0x10050];
	[tilespmem:s6+$0xFFFFFF80] =	vst v2  }
0x45c: {  	[tilespmem:s6+$0xFFFFFD00] =	vst v4  }
0x45d: {  	[tilespmem:s6+$0xFFFFFD80] =	vst v5  }
0x45e: {  	[tilespmem:s6+$0xFFFFFE00] =	vst v6  }
0x45f: {  	[tilespmem:s6+$0xFFFFFE80] =	vst v7  }
0x460: {  	[tilespmem:s6+$0xFFFFFF00] =	vst v3  }
.LBB2_113:
0x461: {  	s0 =	sadd.s32 $0x1, s7  }
0x462: {  	s2 =	smul.u32 s7, s0;
	_ =	sdelay $0x1  }
0x463: {  	s2 =	sshrl.u32 s2, $0x1  }
0x464: {  	p0 =	sne.s32 s7, $0xB4;
	v2 =	vld [tilespmem:s2+$0x10050]  }
.Ltmp58:
0x465: {  	_ = 	snop;
	(pc) =	sbr.rel @p0 .LBB2_113-.Ltmp58, $4  }
0x466: {  	_ = 	snop  }
0x467: {  	s31 =	sand.u32 $0x3FFFF800, s4  }
0x468: {  	s2 =	sadd.s32 s31, s1  }
0x469: {  	s4 =	sadd.s32 $0x100, s4;
	s7 =	smov.u32 s0;
	s1 =	sadd.s32 $0x80, s1;
	[tilespmem:s2+$0x0] =	vst v2  }
0x46a: {  	s0 =	simm.s32 $0x80;
	s1 =	simm.s32 $0x81  }
0x46b: {  	s3 =	simm.s32 $0x87;
	s4 =	simm.s32 $0x88;
	s2 =	smul.u32 s0, s1  }
0x46c: {  	s5 =	simm.s32 $0x86;
	s4 =	smul.u32 s4, s3  }
0x46d: {  	s6 =	simm.s32 $0x82;
	s3 =	smul.u32 s3, s5;
	s2 =	sshrl.u32 s2, $0x1  }
0x46e: {  	s24 =	simm.s32 $0x83;
	s1 =	smul.u32 s6, s1;
	s4 =	sshrl.u32 s4, $0x1;
	v3 =	vld [tilespmem:s2+$0x10060]  }
0x46f: {  	s7 =	simm.s32 $0x84;
	s6 =	smul.u32 s24, s6;
	s3 =	sshrl.u32 s3, $0x1;
	v8 =	vld [tilespmem:s4+$0x10060]  }
0x470: {  	s25 =	simm.s32 $0x85;
	s1 =	sshrl.u32 s1, $0x1;
	s2 =	smul.u32 s7, s24;
	v2 =	vld [tilespmem:s3+$0x10060]  }
0x471: {  	s28 =	smul.u32 s25, s7;
	s26 =	sshrl.u32 s6, $0x1;
	v4 =	vld [tilespmem:s1+$0x10060]  }
0x472: {  	s30 =	smul.u32 s5, s25;
	v5 =	vld [tilespmem:s26+$0x10060];
	s29 =	sshrl.u32 s2, $0x1  }
0x473: {  	s6 =	simm.s32 $0x83E0;
	s31 =	sshrl.u32 s28, $0x1;
	v6 =	vld [tilespmem:s29+$0x10060]  }
0x474: {  	s9 =	sshrl.u32 s30, $0x1;
	v7 =	vld [tilespmem:s31+$0x10060];
	s1 =	simm.s32 $0x60;
	[tilespmem:s6+$0x0] =	vst v8  }
.LBB2_115:
0x475: {  	s2 =	sadd.s32 $0x9, s0;
	[tilespmem:s6+$0xFFFFFC80] =	vst v3;
	v8 =	vld [tilespmem:s9+$0x10060];
	s3 =	smov.u32 s0;
	s0 =	sadd.s32 $0x8, s0  }
0x476: {  	s4 =	smul.u32 s0, s2;
	s5 =	sadd.s32 $0xF, s3;
	s7 =	sadd.s32 $0x10, s3;
	[tilespmem:s6+$0xFFFFFD00] =	vst v4  }
0x477: {  	s8 =	sadd.s32 $0xE, s3;
	p0 =	slt.u32 s0, $0xA8;
	s7 =	smul.u32 s7, s5;
	[tilespmem:s6+$0xFFFFFD80] =	vst v5  }
0x478: {  	s9 =	sadd.s32 $0xA, s3;
	s5 =	smul.u32 s5, s8;
	s4 =	sshrl.u32 s4, $0x1;
	[tilespmem:s6+$0xFFFFFE00] =	vst v6  }
0x479: {  	s2 =	smul.u32 s9, s2;
	v3 =	vld [tilespmem:s4+$0x10060];
	s4 =	sadd.s32 $0xB, s3  }
0x47a: {  	s10 =	sadd.s32 $0xC, s3;
	s7 =	sshrl.u32 s7, $0x1;
	[tilespmem:s6+$0xFFFFFE80] =	vst v7;
	s9 =	smul.u32 s4, s9  }
0x47b: {  	s5 =	sshrl.u32 s5, $0x1;
	v9 =	vld [tilespmem:s7+$0x10060];
	[tilespmem:s6+$0xFFFFFF00] =	vst v8;
	s4 =	smul.u32 s10, s4  }
.Ltmp59:
0x47c: {  	s2 =	sshrl.u32 s2, $0x1;
	s3 =	sadd.s32 $0xD, s3;
	[tilespmem:s6+$0xFFFFFF80] =	vst v2;
	v2 =	vld [tilespmem:s5+$0x10060];
	(pc) =	sbr.rel @p0 .LBB2_115-.Ltmp59, $4  }
0x47d: {  	s5 =	smul.u32 s3, s10;
	v4 =	vld [tilespmem:s2+$0x10060];
	s2 =	sshrl.u32 s9, $0x1  }
0x47e: {  	s3 =	smul.u32 s8, s3;
	v5 =	vld [tilespmem:s2+$0x10060];
	s2 =	sshrl.u32 s4, $0x1  }
0x47f: {  	s6 =	sadd.s32 $0x800, s6;
	s4 =	simm.s32 $0xB000;
	v6 =	vld [tilespmem:s2+$0x10060];
	s2 =	sshrl.u32 s5, $0x1  }
0x480: {  	s7 =	simm.s32 $0xB0;
	s9 =	sshrl.u32 s3, $0x1;
	v7 =	vld [tilespmem:s2+$0x10060];
	[tilespmem:s6+$0x0] =	vst v9  }
0x481: {  	[tilespmem:s6+$0xFFFFFC80] =	vst v3  }
0x482: {  	v3 =	vld [tilespmem:s9+$0x10060];
	[tilespmem:s6+$0xFFFFFF80] =	vst v2  }
0x483: {  	[tilespmem:s6+$0xFFFFFD00] =	vst v4  }
0x484: {  	[tilespmem:s6+$0xFFFFFD80] =	vst v5  }
0x485: {  	[tilespmem:s6+$0xFFFFFE00] =	vst v6  }
0x486: {  	[tilespmem:s6+$0xFFFFFE80] =	vst v7  }
0x487: {  	[tilespmem:s6+$0xFFFFFF00] =	vst v3  }
.LBB2_117:
0x488: {  	s0 =	sadd.s32 $0x1, s7  }
0x489: {  	s2 =	smul.u32 s7, s0;
	_ =	sdelay $0x1  }
0x48a: {  	s2 =	sshrl.u32 s2, $0x1  }
0x48b: {  	p0 =	sne.s32 s7, $0xB4;
	v2 =	vld [tilespmem:s2+$0x10060]  }
.Ltmp60:
0x48c: {  	_ = 	snop;
	(pc) =	sbr.rel @p0 .LBB2_117-.Ltmp60, $4  }
0x48d: {  	_ = 	snop  }
0x48e: {  	s31 =	sand.u32 $0x3FFFF800, s4  }
0x48f: {  	s2 =	sadd.s32 s31, s1  }
0x490: {  	s4 =	sadd.s32 $0x100, s4;
	s7 =	smov.u32 s0;
	s1 =	sadd.s32 $0x80, s1;
	[tilespmem:s2+$0x0] =	vst v2  }
0x491: {  	s0 =	simm.s32 $0x80;
	s1 =	simm.s32 $0x81  }
0x492: {  	s3 =	simm.s32 $0x87;
	s4 =	simm.s32 $0x88;
	s2 =	smul.u32 s0, s1  }
0x493: {  	s5 =	simm.s32 $0x86;
	s4 =	smul.u32 s4, s3  }
0x494: {  	s6 =	simm.s32 $0x82;
	s3 =	smul.u32 s3, s5;
	s2 =	sshrl.u32 s2, $0x1  }
0x495: {  	s24 =	simm.s32 $0x83;
	s1 =	smul.u32 s6, s1;
	s4 =	sshrl.u32 s4, $0x1;
	v3 =	vld [tilespmem:s2+$0x10070]  }
0x496: {  	s7 =	simm.s32 $0x84;
	s6 =	smul.u32 s24, s6;
	s3 =	sshrl.u32 s3, $0x1;
	v8 =	vld [tilespmem:s4+$0x10070]  }
0x497: {  	s25 =	simm.s32 $0x85;
	s1 =	sshrl.u32 s1, $0x1;
	s2 =	smul.u32 s7, s24;
	v2 =	vld [tilespmem:s3+$0x10070]  }
0x498: {  	s28 =	smul.u32 s25, s7;
	s26 =	sshrl.u32 s6, $0x1;
	v4 =	vld [tilespmem:s1+$0x10070]  }
0x499: {  	s30 =	smul.u32 s5, s25;
	v5 =	vld [tilespmem:s26+$0x10070];
	s29 =	sshrl.u32 s2, $0x1  }
0x49a: {  	s6 =	simm.s32 $0x83F0;
	s31 =	sshrl.u32 s28, $0x1;
	v6 =	vld [tilespmem:s29+$0x10070]  }
0x49b: {  	s9 =	sshrl.u32 s30, $0x1;
	v7 =	vld [tilespmem:s31+$0x10070];
	s1 =	simm.s32 $0x70;
	[tilespmem:s6+$0x0] =	vst v8  }
.LBB2_119:
0x49c: {  	s2 =	sadd.s32 $0x9, s0;
	[tilespmem:s6+$0xFFFFFC80] =	vst v3;
	v8 =	vld [tilespmem:s9+$0x10070];
	s3 =	smov.u32 s0;
	s0 =	sadd.s32 $0x8, s0  }
0x49d: {  	s4 =	smul.u32 s0, s2;
	s5 =	sadd.s32 $0xF, s3;
	s7 =	sadd.s32 $0x10, s3;
	[tilespmem:s6+$0xFFFFFD00] =	vst v4  }
0x49e: {  	s8 =	sadd.s32 $0xE, s3;
	p0 =	slt.u32 s0, $0xA8;
	s7 =	smul.u32 s7, s5;
	[tilespmem:s6+$0xFFFFFD80] =	vst v5  }
0x49f: {  	s9 =	sadd.s32 $0xA, s3;
	s5 =	smul.u32 s5, s8;
	s4 =	sshrl.u32 s4, $0x1;
	[tilespmem:s6+$0xFFFFFE00] =	vst v6  }
0x4a0: {  	s2 =	smul.u32 s9, s2;
	v3 =	vld [tilespmem:s4+$0x10070];
	s4 =	sadd.s32 $0xB, s3  }
0x4a1: {  	s10 =	sadd.s32 $0xC, s3;
	s7 =	sshrl.u32 s7, $0x1;
	[tilespmem:s6+$0xFFFFFE80] =	vst v7;
	s9 =	smul.u32 s4, s9  }
0x4a2: {  	s5 =	sshrl.u32 s5, $0x1;
	v9 =	vld [tilespmem:s7+$0x10070];
	[tilespmem:s6+$0xFFFFFF00] =	vst v8;
	s4 =	smul.u32 s10, s4  }
.Ltmp61:
0x4a3: {  	s2 =	sshrl.u32 s2, $0x1;
	s3 =	sadd.s32 $0xD, s3;
	[tilespmem:s6+$0xFFFFFF80] =	vst v2;
	v2 =	vld [tilespmem:s5+$0x10070];
	(pc) =	sbr.rel @p0 .LBB2_119-.Ltmp61, $4  }
0x4a4: {  	s5 =	smul.u32 s3, s10;
	v4 =	vld [tilespmem:s2+$0x10070];
	s2 =	sshrl.u32 s9, $0x1  }
0x4a5: {  	s3 =	smul.u32 s8, s3;
	v5 =	vld [tilespmem:s2+$0x10070];
	s2 =	sshrl.u32 s4, $0x1  }
0x4a6: {  	s6 =	sadd.s32 $0x800, s6;
	s4 =	simm.s32 $0xB000;
	v6 =	vld [tilespmem:s2+$0x10070];
	s2 =	sshrl.u32 s5, $0x1  }
0x4a7: {  	s7 =	simm.s32 $0xB0;
	s9 =	sshrl.u32 s3, $0x1;
	v7 =	vld [tilespmem:s2+$0x10070];
	[tilespmem:s6+$0x0] =	vst v9  }
0x4a8: {  	[tilespmem:s6+$0xFFFFFC80] =	vst v3  }
0x4a9: {  	v3 =	vld [tilespmem:s9+$0x10070];
	[tilespmem:s6+$0xFFFFFF80] =	vst v2  }
0x4aa: {  	[tilespmem:s6+$0xFFFFFD00] =	vst v4  }
0x4ab: {  	[tilespmem:s6+$0xFFFFFD80] =	vst v5  }
0x4ac: {  	[tilespmem:s6+$0xFFFFFE00] =	vst v6  }
0x4ad: {  	[tilespmem:s6+$0xFFFFFE80] =	vst v7  }
0x4ae: {  	[tilespmem:s6+$0xFFFFFF00] =	vst v3  }
.LBB2_121:
0x4af: {  	s0 =	sadd.s32 $0x1, s7  }
0x4b0: {  	s2 =	smul.u32 s7, s0;
	_ =	sdelay $0x1  }
0x4b1: {  	s2 =	sshrl.u32 s2, $0x1  }
0x4b2: {  	p0 =	sne.s32 s7, $0xB4;
	v2 =	vld [tilespmem:s2+$0x10070]  }
.Ltmp62:
0x4b3: {  	_ = 	snop;
	(pc) =	sbr.rel @p0 .LBB2_121-.Ltmp62, $4  }
0x4b4: {  	_ = 	snop  }
0x4b5: {  	s31 =	sand.u32 $0x3FFFF800, s4  }
0x4b6: {  	s2 =	sadd.s32 s31, s1  }
0x4b7: {  	s4 =	sadd.s32 $0x100, s4;
	s7 =	smov.u32 s0;
	s1 =	sadd.s32 $0x80, s1;
	[tilespmem:s2+$0x0] =	vst v2  }
0x4b8: {  	s0 =	simm.s32 $0x90  }
0x4b9: {  	s1 =	simm.s32 $0x91;
	s2 =	simm.s32 $0x92;
	s3 =	simm.s32 $0x93  }
0x4ba: {  	s5 =	simm.s32 $0x97;
	s6 =	simm.s32 $0x98;
	s4 =	smul.u32 s0, s1  }
0x4bb: {  	s7 =	simm.s32 $0x94;
	s8 =	simm.s32 $0x96;
	s6 =	smul.u32 s6, s5  }
0x4bc: {  	s9 =	simm.s32 $0x95;
	s1 =	smul.u32 s2, s1;
	s4 =	sshrl.u32 s4, $0x1  }
0x4bd: {  	s2 =	smul.u32 s3, s2;
	s6 =	sshrl.u32 s6, $0x1;
	s4 =	sand.u32 $0x7FFC, s4  }
0x4be: {  	s3 =	smul.u32 s7, s3;
	s1 =	sshrl.u32 s1, $0x1;
	s19 =	sand.u32 $0xFFFC, s6;
	v7 =	vld [tilespmem:s4+$0x10080]  }
0x4bf: {  	s22 =	smul.u32 s9, s7;
	s2 =	sshrl.u32 s2, $0x1;
	s1 =	sand.u32 $0x7FFD, s1;
	v8 =	vld [tilespmem:s19+$0x10080]  }
0x4c0: {  	s5 =	smul.u32 s5, s8;
	s24 =	sshrl.u32 s3, $0x1;
	s23 =	sand.u32 $0x7FFF, s2;
	v3 =	vld [tilespmem:s1+$0x10080]  }
0x4c1: {  	s25 =	smul.u32 s8, s9;
	s28 =	sshrl.u32 s22, $0x1;
	s26 =	sand.u32 $0x7FFE, s24;
	v4 =	vld [tilespmem:s23+$0x10080]  }
0x4c2: {  	s18 =	sshrl.u32 s5, $0x1;
	s29 =	sand.u32 $0x7FFE, s28;
	v5 =	vld [tilespmem:s26+$0x10080]  }
0x4c3: {  	s30 =	sshrl.u32 s25, $0x1;
	s6 =	simm.s32 $0x9780;
	s4 =	sand.u32 $0x7FFD, s18;
	v6 =	vld [tilespmem:s29+$0x10080]  }
0x4c4: {  	s31 =	sand.u32 $0x7FFF, s30;
	v2 =	vld [tilespmem:s4+$0x10080];
	[tilespmem:s6+$0x0] =	vst v8  }
0x4c5: {  	[tilespmem:s6+$0xFFFFFC80] =	vst v7;
	v7 =	vld [tilespmem:s31+$0x10080]  }
.LBB2_123:
0x4c6: {  	s1 =	simm.s32 $0xB000;
	s2 =	smov.u32 s0;
	s0 =	sadd.s32 $0x8, s0  }
0x4c7: {  	[tilespmem:s6+$0xFFFFFD00] =	vst v3;
	s3 =	sadd.s32 $0x9, s2;
	s4 =	sadd.s32 $0xA, s2;
	s5 =	sadd.s32 $0xB, s2  }
0x4c8: {  	[tilespmem:s6+$0xFFFFFD80] =	vst v4;
	s8 =	sadd.s32 $0xF, s2;
	s9 =	sadd.s32 $0x10, s2;
	s7 =	smul.u32 s0, s3  }
0x4c9: {  	s11 =	sadd.s32 $0xE, s2;
	[tilespmem:s6+$0xFFFFFE00] =	vst v5;
	s9 =	smul.u32 s9, s8  }
0x4ca: {  	s10 =	sadd.s32 $0xC, s2;
	s2 =	sadd.s32 $0xD, s2;
	s8 =	smul.u32 s8, s11;
	[tilespmem:s6+$0xFFFFFE80] =	vst v6  }
0x4cb: {  	p0 =	slt.u32 s0, $0xA8;
	s3 =	smul.u32 s4, s3;
	s7 =	sshrl.u32 s7, $0x1;
	[tilespmem:s6+$0xFFFFFF00] =	vst v7  }
0x4cc: {  	s4 =	smul.u32 s5, s4;
	s9 =	sshrl.u32 s9, $0x1;
	s7 =	sand.u32 $0x7FFC, s7;
	[tilespmem:s6+$0xFFFFFF80] =	vst v2  }
0x4cd: {  	s5 =	smul.u32 s10, s5;
	v7 =	vld [tilespmem:s7+$0x10080];
	s7 =	sshrl.u32 s8, $0x1;
	s8 =	sand.u32 $0xFFFC, s9  }
0x4ce: {  	s3 =	sshrl.u32 s3, $0x1;
	s7 =	sand.u32 $0x7FFD, s7;
	v8 =	vld [tilespmem:s8+$0x10080];
	s8 =	smul.u32 s2, s10  }
0x4cf: {  	s4 =	sshrl.u32 s4, $0x1;
	s3 =	sand.u32 $0x7FFD, s3;
	s2 =	smul.u32 s11, s2;
	v2 =	vld [tilespmem:s7+$0x10080]  }
.Ltmp63:
0x4d0: {  	v3 =	vld [tilespmem:s3+$0x10080];
	s3 =	sand.u32 $0x7FFF, s4;
	s4 =	sshrl.u32 s5, $0x1;
	(pc) =	sbr.rel @p0 .LBB2_123-.Ltmp63, $4  }
0x4d1: {  	v4 =	vld [tilespmem:s3+$0x10080];
	s3 =	sand.u32 $0x7FFE, s4;
	s4 =	sshrl.u32 s8, $0x1  }
0x4d2: {  	s6 =	sadd.s32 $0x800, s6;
	s2 =	sshrl.u32 s2, $0x1;
	v5 =	vld [tilespmem:s3+$0x10080];
	s3 =	sand.u32 $0x7FFE, s4  }
0x4d3: {  	s7 =	simm.s32 $0xB0;
	s2 =	sand.u32 $0x7FFF, s2;
	s4 =	simm.s32 $0x400;
	v6 =	vld [tilespmem:s3+$0x10080];
	[tilespmem:s6+$0x0] =	vst v8  }
0x4d4: {  	[tilespmem:s6+$0xFFFFFC80] =	vst v7;
	v7 =	vld [tilespmem:s2+$0x10080]  }
0x4d5: {  	[tilespmem:s6+$0xFFFFFD00] =	vst v3  }
0x4d6: {  	[tilespmem:s6+$0xFFFFFF80] =	vst v2  }
0x4d7: {  	[tilespmem:s6+$0xFFFFFD80] =	vst v4  }
0x4d8: {  	[tilespmem:s6+$0xFFFFFE00] =	vst v5  }
0x4d9: {  	[tilespmem:s6+$0xFFFFFE80] =	vst v6  }
0x4da: {  	[tilespmem:s6+$0xFFFFFF00] =	vst v7  }
.LBB2_125:
0x4db: {  	s0 =	sadd.s32 $0x1, s7  }
0x4dc: {  	s2 =	smul.u32 s7, s0;
	_ =	sdelay $0x1  }
0x4dd: {  	s2 =	sshrl.u32 s2, $0x1  }
0x4de: {  	s2 =	sand.u32 $0xFFFF, s2  }
0x4df: {  	p0 =	sne.s32 s7, $0xB4;
	v2 =	vld [tilespmem:s2+$0x10080]  }
.Ltmp64:
0x4e0: {  	_ = 	snop;
	(pc) =	sbr.rel @p0 .LBB2_125-.Ltmp64, $4  }
0x4e1: {  	_ = 	snop  }
0x4e2: {  	s31 =	sand.u32 $0x3FFFF800, s1  }
0x4e3: {  	s2 =	sadd.s32 s31, s4  }
0x4e4: {  	s1 =	sadd.s32 $0x100, s1;
	s7 =	smov.u32 s0;
	s4 =	sadd.s32 $0x80, s4;
	[tilespmem:s2+$0x0] =	vst v2  }
0x4e5: {  	s0 =	simm.s32 $0xA0;
	s1 =	simm.s32 $0xA1  }
0x4e6: {  	s3 =	simm.s32 $0xA7;
	s4 =	simm.s32 $0xA8;
	s2 =	smul.u32 s0, s1  }
0x4e7: {  	s5 =	simm.s32 $0xA6;
	s4 =	smul.u32 s4, s3  }
0x4e8: {  	s6 =	simm.s32 $0xA2;
	s3 =	smul.u32 s3, s5;
	s2 =	sshrl.u32 s2, $0x1  }
0x4e9: {  	s24 =	simm.s32 $0xA3;
	s1 =	smul.u32 s6, s1;
	s4 =	sshrl.u32 s4, $0x1;
	v3 =	vld [tilespmem:s2+$0x10090]  }
0x4ea: {  	s7 =	simm.s32 $0xA4;
	s6 =	smul.u32 s24, s6;
	s3 =	sshrl.u32 s3, $0x1;
	v8 =	vld [tilespmem:s4+$0x10090]  }
0x4eb: {  	s25 =	simm.s32 $0xA5;
	s1 =	sshrl.u32 s1, $0x1;
	s2 =	smul.u32 s7, s24;
	v2 =	vld [tilespmem:s3+$0x10090]  }
0x4ec: {  	s28 =	smul.u32 s25, s7;
	s26 =	sshrl.u32 s6, $0x1;
	v4 =	vld [tilespmem:s1+$0x10090]  }
0x4ed: {  	s30 =	smul.u32 s5, s25;
	v5 =	vld [tilespmem:s26+$0x10090];
	s29 =	sshrl.u32 s2, $0x1  }
0x4ee: {  	s6 =	simm.s32 $0xA790;
	s31 =	sshrl.u32 s28, $0x1;
	v6 =	vld [tilespmem:s29+$0x10090]  }
0x4ef: {  	s9 =	sshrl.u32 s30, $0x1;
	v7 =	vld [tilespmem:s31+$0x10090];
	s1 =	simm.s32 $0x410;
	[tilespmem:s6+$0x0] =	vst v8  }
.LBB2_127:
0x4f0: {  	s2 =	sadd.s32 $0x9, s0;
	[tilespmem:s6+$0xFFFFFC80] =	vst v3;
	v8 =	vld [tilespmem:s9+$0x10090];
	s3 =	smov.u32 s0;
	s0 =	sadd.s32 $0x8, s0  }
0x4f1: {  	s4 =	smul.u32 s0, s2;
	s5 =	sadd.s32 $0xF, s3;
	s7 =	sadd.s32 $0x10, s3;
	[tilespmem:s6+$0xFFFFFD00] =	vst v4  }
0x4f2: {  	s8 =	sadd.s32 $0xE, s3;
	p0 =	slt.u32 s0, $0xA8;
	s7 =	smul.u32 s7, s5;
	[tilespmem:s6+$0xFFFFFD80] =	vst v5  }
0x4f3: {  	s9 =	sadd.s32 $0xA, s3;
	s5 =	smul.u32 s5, s8;
	s4 =	sshrl.u32 s4, $0x1;
	[tilespmem:s6+$0xFFFFFE00] =	vst v6  }
0x4f4: {  	s2 =	smul.u32 s9, s2;
	v3 =	vld [tilespmem:s4+$0x10090];
	s4 =	sadd.s32 $0xB, s3  }
0x4f5: {  	s10 =	sadd.s32 $0xC, s3;
	s7 =	sshrl.u32 s7, $0x1;
	[tilespmem:s6+$0xFFFFFE80] =	vst v7;
	s9 =	smul.u32 s4, s9  }
0x4f6: {  	s5 =	sshrl.u32 s5, $0x1;
	v9 =	vld [tilespmem:s7+$0x10090];
	[tilespmem:s6+$0xFFFFFF00] =	vst v8;
	s4 =	smul.u32 s10, s4  }
.Ltmp65:
0x4f7: {  	s2 =	sshrl.u32 s2, $0x1;
	s3 =	sadd.s32 $0xD, s3;
	[tilespmem:s6+$0xFFFFFF80] =	vst v2;
	v2 =	vld [tilespmem:s5+$0x10090];
	(pc) =	sbr.rel @p0 .LBB2_127-.Ltmp65, $4  }
0x4f8: {  	s5 =	smul.u32 s3, s10;
	v4 =	vld [tilespmem:s2+$0x10090];
	s2 =	sshrl.u32 s9, $0x1  }
0x4f9: {  	s3 =	smul.u32 s8, s3;
	v5 =	vld [tilespmem:s2+$0x10090];
	s2 =	sshrl.u32 s4, $0x1  }
0x4fa: {  	s6 =	sadd.s32 $0x800, s6;
	s4 =	simm.s32 $0xB000;
	v6 =	vld [tilespmem:s2+$0x10090];
	s2 =	sshrl.u32 s5, $0x1  }
0x4fb: {  	s7 =	simm.s32 $0xB0;
	s9 =	sshrl.u32 s3, $0x1;
	v7 =	vld [tilespmem:s2+$0x10090];
	[tilespmem:s6+$0x0] =	vst v9  }
0x4fc: {  	[tilespmem:s6+$0xFFFFFC80] =	vst v3  }
0x4fd: {  	v3 =	vld [tilespmem:s9+$0x10090];
	[tilespmem:s6+$0xFFFFFF80] =	vst v2  }
0x4fe: {  	[tilespmem:s6+$0xFFFFFD00] =	vst v4  }
0x4ff: {  	[tilespmem:s6+$0xFFFFFD80] =	vst v5  }
0x500: {  	[tilespmem:s6+$0xFFFFFE00] =	vst v6  }
0x501: {  	[tilespmem:s6+$0xFFFFFE80] =	vst v7  }
0x502: {  	[tilespmem:s6+$0xFFFFFF00] =	vst v3  }
.LBB2_129:
0x503: {  	s0 =	sadd.s32 $0x1, s7  }
0x504: {  	s2 =	smul.u32 s7, s0;
	_ =	sdelay $0x1  }
0x505: {  	s2 =	sshrl.u32 s2, $0x1  }
0x506: {  	p0 =	sne.s32 s7, $0xB4;
	v2 =	vld [tilespmem:s2+$0x10090]  }
.Ltmp66:
0x507: {  	_ = 	snop;
	(pc) =	sbr.rel @p0 .LBB2_129-.Ltmp66, $4  }
0x508: {  	_ = 	snop  }
0x509: {  	s31 =	sand.u32 $0x3FFFF800, s4  }
0x50a: {  	s2 =	sadd.s32 s31, s1  }
0x50b: {  	s4 =	sadd.s32 $0x100, s4;
	s7 =	smov.u32 s0;
	s1 =	sadd.s32 $0x80, s1;
	[tilespmem:s2+$0x0] =	vst v2  }
0x50c: {  	v2 =	vld [tilespmem:$0x13D78]  }
0x50d: {  	v3 =	vld [tilespmem:$0x13E29]  }
0x50e: {  	v4 =	vld [tilespmem:$0x13EDB]  }
0x50f: {  	v5 =	vld [tilespmem:$0x13F8E]  }
0x510: {  	v6 =	vld [tilespmem:$0x14042]  }
0x511: {  	s0 =	simm.s32 $0x84;
	s2 =	simm.s32 $0x83;
	[tilespmem:$0xB420] =	vst v2  }
0x512: {  	s7 =	simm.s32 $0x81;
	s1 =	simm.s32 $0x82;
	s0 =	smul.u32 s0, s2;
	[tilespmem:$0xB4A0] =	vst v3  }
0x513: {  	s6 =	simm.s32 $0x80;
	s3 =	smul.u32 s1, s7;
	[tilespmem:$0xB520] =	vst v4  }
0x514: {  	s4 =	smul.u32 s6, s7;
	s5 =	sand.u32 $0xF0, s6;
	s0 =	sshrl.u32 s0, $0x1;
	[tilespmem:$0xB5A0] =	vst v5  }
0x515: {  	s8 =	smul.u32 s2, s1;
	s3 =	sshrl.u32 s3, $0x1;
	s0 =	sadd.s32 s5, s0;
	[tilespmem:$0xB620] =	vst v6  }
0x516: {  	s4 =	sshrl.u32 s4, $0x1;
	s3 =	sadd.s32 s5, s3;
	v5 =	vld [tilespmem:s0+$0x10000]  }
0x517: {  	s26 =	sshrl.u32 s8, $0x1;
	s25 =	sadd.s32 s5, s4;
	v2 =	vld [tilespmem:s3+$0x10000]  }
0x518: {  	s28 =	sadd.s32 s5, s26;
	v4 =	vld [tilespmem:s25+$0x10000]  }
0x519: {  	v3 =	vld [tilespmem:s28+$0x10000];
	_ =	sdelay $0x1  }
0x51a: {  	p0 =	por $0x1, $0x1;
	v6 =	vadd.f32 $5.000000000e-01, v5  }
.Ltmp67:
0x51b: {  	_ = 	snop;
	(pc) =	sbr.rel @!p0 .LBB2_132-.Ltmp67, $4  }
0x51c: {  	s13 =	simm.s32 $0x400;
	s9 =	simm.s32 $0x8000;
	v7 =	vadd.f32 $5.000000000e-01, v2;
	v8 =	vadd.f32 $5.000000000e-01, v4;
	v9 =	vand.u32 $0x7FFFFFFF, v6  }
0x51d: {  	s29 =	sand.u32 $0xF800, s9;
	s30 =	sand.u32 $0x400, s13;
	s0 =	simm.s32 $0x4180;
	v10 =	vadd.f32 $5.000000000e-01, v3;
	v6 =	vor.u32 s5, v1;
	v11 =	vadd.f32 $9.999999710e-10, v9  }
0x51e: {  	s17 =	simm.s32 $0x4000;
	s15 =	sor.u32 s30, s29;
	s31 =	sand.u32 $0x380, s0;
	v8 =	vand.u32 $0x7FFFFFFF, v8;
	v9 =	vand.u32 $0x7FFFFFFF, v7;
	vm3 =	veq.s32 v6, s2  }
0x51f: {  	s22 =	simm.s32 $0x88;
	s14 =	sand.u32 $0x70, s6;
	s4 =	sor.u32 s31, s15;
	v7 =	vand.u32 $0x7FFFFFFF, v10;
	vm2 =	vlt.u32 v6, s2;
	v10 =	vnsel vm3, $0x0, v11  }
.LBB2_131:
0x520: {  	s19 =	sadd.s32 $0xFFFFFFFD, s22;
	s23 =	sadd.s32 $0xFFFFFFFF, s22;
	v8 =	vadd.f32 $9.999999710e-10, v8;
	v9 =	vadd.f32 $9.999999710e-10, v9;
	v5 =	vsel vm2, v5, v10;
	s2 =	sor.u32 s14, s4  }
0x521: {  	s3 =	sadd.s32 $0xFFFFFFFE, s22;
	vm2 =	veq.s32 v6, s6;
	vm3 =	veq.s32 v6, s7;
	s5 =	sadd.s32 $0xFFFFFF00, s0;
	v7 =	vadd.f32 $9.999999710e-10, v7;
	s4 =	smul.u32 s22, s23;
	[tilespmem:s2+$0x0] =	vst v5  }
0x522: {  	s10 =	sadd.s32 $0xFFFFFF80, s0;
	s2 =	sadd.s32 $0xFFFFFFFC, s22;
	s8 =	smul.u32 s3, s19;
	v5 =	vnsel vm2, $0x0, v8;
	v8 =	vnsel vm3, $0x0, v9;
	vm2 =	veq.s32 v6, s1  }
0x523: {  	vm4 =	vlt.u32 v6, s7;
	s11 =	smul.u32 s2, s19;
	s12 =	sand.u32 $0xF0, s2;
	vm3 =	vlt.u32 v6, s6;
	s4 =	sshrl.u32 s4, $0x1;
	v7 =	vnsel vm2, $0x0, v7  }
0x524: {  	s7 =	smul.u32 s23, s3;
	s6 =	sshrl.u32 s8, $0x1;
	v9 =	vsel vm3, v4, v5;
	v8 =	vsel vm4, v2, v8;
	vm2 =	vlt.u32 v6, s1;
	s4 =	sadd.s32 s12, s4  }
0x525: {  	s1 =	sshrl.u32 s11, $0x1;
	s6 =	sadd.s32 s12, s6;
	v6 =	vsel vm2, v3, v7;
	v5 =	vld [tilespmem:s4+$0x10000];
	s4 =	sand.u32 $0x200, s17  }
0x526: {  	s5 =	sand.u32 $0x280, s5;
	s1 =	sadd.s32 s12, s1;
	v2 =	vld [tilespmem:s6+$0x10000];
	s6 =	sshrl.u32 s7, $0x1  }
0x527: {  	s4 =	sor.u32 s4, s15;
	v4 =	vld [tilespmem:s1+$0x10000];
	s1 =	sadd.s32 s12, s6;
	s6 =	sand.u32 $0x300, s10  }
0x528: {  	v3 =	vld [tilespmem:s1+$0x10000];
	s1 =	sor.u32 s14, s4;
	s4 =	sor.u32 s5, s15;
	s5 =	sor.u32 s6, s15  }
0x529: {  	p0 =	slt.u32 s2, $0xB0;
	[tilespmem:s1+$0x0] =	vst v9;
	s1 =	sor.u32 s14, s4;
	s4 =	sor.u32 s14, s5  }
0x52a: {  	s7 =	smov.u32 s19;
	s6 =	smov.u32 s2;
	v7 =	vadd.f32 $5.000000000e-01, v5;
	[tilespmem:s1+$0x0] =	vst v8;
	s1 =	smov.u32 s3  }
.Ltmp68:
0x52b: {  	v9 =	vadd.f32 $5.000000000e-01, v2;
	[tilespmem:s4+$0x0] =	vst v6;
	(pc) =	sbr.rel @p0 .LBB2_131-.Ltmp68, $4  }
0x52c: {  	s13 =	sadd.s32 $0x20, s13;
	s9 =	sadd.s32 $0x400, s9;
	v8 =	vadd.f32 $5.000000000e-01, v4;
	v7 =	vand.u32 $0x7FFFFFFF, v7  }
0x52d: {  	s0 =	sadd.s32 $0x200, s0;
	s2 =	sand.u32 $0xF800, s9;
	s3 =	sand.u32 $0x400, s13;
	v6 =	vor.u32 s12, v1;
	v10 =	vadd.f32 $5.000000000e-01, v3;
	v11 =	vadd.f32 $9.999999710e-10, v7  }
0x52e: {  	s17 =	sadd.s32 $0xFFFFFE80, s0;
	s15 =	sor.u32 s3, s2;
	s2 =	sand.u32 $0x380, s0;
	vm3 =	veq.s32 v6, s23;
	v9 =	vand.u32 $0x7FFFFFFF, v9;
	v8 =	vand.u32 $0x7FFFFFFF, v8  }
0x52f: {  	s22 =	sadd.s32 $0x4, s22;
	s14 =	sand.u32 $0x70, s6;
	vm2 =	vlt.u32 v6, s23;
	s4 =	sor.u32 s2, s15;
	v7 =	vand.u32 $0x7FFFFFFF, v10;
	v10 =	vnsel vm3, $0x0, v11  }
.LBB2_132:
0x530: {  	v8 =	vadd.f32 $9.999999710e-10, v8;
	v9 =	vadd.f32 $9.999999710e-10, v9;
	v5 =	vsel vm2, v5, v10  }
0x531: {  	s2 =	sor.u32 s14, s4;
	vm2 =	veq.s32 v6, s6;
	vm3 =	veq.s32 v6, s7;
	s3 =	sadd.s32 $0xFFFFFF00, s0;
	v7 =	vadd.f32 $9.999999710e-10, v7;
	s10 =	sand.u32 $0x200, s17  }
0x532: {  	s11 =	sadd.s32 $0xFFFFFF80, s0;
	vm4 =	vlt.u32 v6, s7;
	s3 =	sand.u32 $0x280, s3;
	s4 =	sor.u32 s10, s15;
	v8 =	vnsel vm2, $0x0, v8;
	vm2 =	vlt.u32 v6, s6  }
0x533: {  	[tilespmem:s2+$0x0] =	vst v5;
	s0 =	sand.u32 $0x300, s11;
	v9 =	vnsel vm3, $0x0, v9;
	vm3 =	veq.s32 v6, s1;
	s12 =	sor.u32 s14, s4;
	s3 =	sor.u32 s3, s15;
	v4 =	vsel vm2, v4, v8  }
0x534: {  	s0 =	sor.u32 s0, s15;
	v5 =	vnsel vm3, $0x0, v7;
	v2 =	vsel vm4, v2, v9;
	vm2 =	vlt.u32 v6, s1;
	s13 =	sor.u32 s14, s3;
	[tilespmem:s12+$0x0] =	vst v4  }
0x535: {  	s0 =	sor.u32 s14, s0;
	v3 =	vsel vm2, v3, v5;
	[tilespmem:s13+$0x0] =	vst v2  }
0x536: {  	[tilespmem:s0+$0x0] =	vst v3  }
0x537: {  	v2 =	vld [tilespmem:$0x14052];
	_ =	sdelay $0x4  }
0x538: {  	v3 =	vadd.f32 $5.000000000e-01, v2;
	_ =	sdelay $0x1  }
0x539: {  	v3 =	vand.u32 $0x7FFFFFFF, v3  }
0x53a: {  	v3 =	vadd.f32 $9.999999710e-10, v3;
	_ =	sdelay $0x1  }
0x53b: {  	v3 =	vsel vm0, $0x0, v3  }
0x53c: {  	s22 =	sshll.u32 s21, $0xD;
	s0 =	rddreg [dreg:$0x6];
	v2 =	vsel vm1, v2, v3  }
0x53d: {  	p0 =	seq.s32 s20, $0x1F;
	s15 =	simm.s32 $0x8000;
	s0 =	sadd.s32 s22, s0;
	[tilespmem:$0xB630] =	vst v2  }
0x53e: {  	[hbm4b:s0+s16] =	stream.linear.scatter [tilespmem:s15], [sflag:$0x3], $0x8000, $0x38;
	[tilespmem:$0x18080] =	vst v63  }
0x53f: {  	s0 =	sadd.s32 @!p0 $0x1, s21  }
0x540: {  	s1 =	sshrl.u32 @!p0 s0, $0x3  }
0x541: {  	s0 =	sshll.u32 @!p0 s0, $0x7;
	s1 =	smul.u32 @!p0 $0x40400, s1  }
0x542: {  	s0 =	sand.u32 @!p0 $0x380, s0  }
0x543: {  	s0 =	sor.u32 @!p0 s0, s1  }
0x544: {  	p1 =	seq.s32 @!p0 s20, $0x0;
	s2 =	simm.s32 @!p0 $0x400;
	s0 =	sadd.s32 @!p0 $0x20000, s0  }
0x545: {  	p1 =	por p0, !p1;
	s1 =	rddreg [dreg:$0x0];
	s0 =	sshrl.u32 @!p0 s0, $0x3  }
0x546: {  	s3 =	simm.s32 @!p0 $0x14000;
	s0 =	sadd.s32 @!p0 s1, s0;
	s1 =	simm.s32 @!p0 $0x80  }
0x547: {  	[tilespmem:s3], [sflag:$0x2] =	stream.strided.gather @!p0 [hbm4b:s0+s1], $0x4080, s2, s1, $0x38;
	[tilespmem:$0x18080] =	vst v63  }
0x548: {  	s17 =	simm.s32 $0x18;
	s0 =	simm.s32 @p1 $0x4  }
0x549: {  	s19 =	simm.s32 $0x11;
	s24 =	simm.s32 $0x12;
	_ =	swait.ge @p1 [sflag:s0], $0x8000  }
0x54a: {  	s18 =	simm.s32 $0x17;
	s25 =	smul.u32 s24, s19;
	[sflag:s0] =	ssyncset.done @p1 $0x0  }
0x54b: {  	s5 =	simm.s32 $0x13;
	[sflag:s0] =	ssyncadd.s32 @p1 $0xFFFF8000;
	s0 =	smul.u32 s17, s18  }
0x54c: {  	s23 =	simm.s32 $0x10;
	s28 =	smul.u32 s5, s24  }
0x54d: {  	s26 =	simm.s32 $0x14;
	s3 =	smul.u32 s23, s19;
	s0 =	sshrl.u32 s0, $0x1  }
0x54e: {  	p2 =	por $0x1, $0x1;
	s5 =	smul.u32 s26, s5;
	v6 =	vld [tilespmem:s0+$0x10000]  }
.Ltmp69:
0x54f: {  	s29 =	simm.s32 $0x15;
	s3 =	sshrl.u32 s3, $0x1;
	(pc) =	sbr.rel @!p2 .LBB2_133-.Ltmp69, $4  }
0x550: {  	s8 =	simm.s32 $0x16;
	s7 =	smul.u32 s29, s26;
	s30 =	sshrl.u32 s25, $0x1;
	v2 =	vld [tilespmem:s3+$0x10000]  }
0x551: {  	s24 =	simm.s32 $0x20;
	s6 =	smul.u32 s8, s29;
	s31 =	sshrl.u32 s5, $0x1;
	v3 =	vld [tilespmem:s30+$0x10000]  }
0x552: {  	s4 =	sshrl.u32 s7, $0x1;
	s1 =	simm.s32 $0x1380;
	v5 =	vld [tilespmem:s31+$0x10000];
	s0 =	sshrl.u32 s28, $0x1  }
0x553: {  	s23 =	simm.s32 $0x2390;
	p1 =	por $0x0, $0x0;
	v4 =	vld [tilespmem:s0+$0x10000];
	s0 =	smul.u32 s18, s8;
	[tilespmem:s1+$0x0] =	vst v6  }
0x554: {  	s2 =	simm.s32 $0x1F;
	s3 =	simm.s32 $0x19  }
0x555: {  	s7 =	simm.s32 $0x18;
	s8 =	simm.s32 $0x1A;
	s5 =	smul.u32 s24, s2  }
0x556: {  	s9 =	simm.s32 $0x1B;
	s25 =	simm.s32 $0x1C;
	s7 =	smul.u32 s7, s3  }
0x557: {  	v7 =	vld [tilespmem:s4+$0x10000];
	s10 =	simm.s32 $0x1D;
	s3 =	smul.u32 s8, s3;
	s5 =	sshrl.u32 s5, $0x1  }
0x558: {  	s6 =	sshrl.u32 s6, $0x1;
	p2 =	por $0x1, $0x1;
	[tilespmem:s1+$0xFFFFFC80] =	vst v2;
	s26 =	smul.u32 s9, s8;
	v8 =	vld [tilespmem:s5+$0x10000]  }
.Ltmp70:
0x559: {  	s28 =	simm.s32 $0x1E;
	v6 =	vld [tilespmem:s6+$0x10000];
	[tilespmem:s1+$0xFFFFFD00] =	vst v3;
	s7 =	sshrl.u32 s7, $0x1;
	(pc) =	sbr.rel @!p2 .LBB2_135-.Ltmp70, $4  }
0x55a: {  	s13 =	simm.s32 $0x28;
	s29 =	smul.u32 s25, s9;
	s3 =	sshrl.u32 s3, $0x1;
	[tilespmem:s1+$0xFFFFFE00] =	vst v5;
	v2 =	vld [tilespmem:s7+$0x10000]  }
0x55b: {  	p1 =	por $0x1, $0x1;
	s4 =	smul.u32 s10, s25;
	s30 =	sshrl.u32 s26, $0x1;
	[tilespmem:s1+$0xFFFFFD80] =	vst v4;
	v3 =	vld [tilespmem:s3+$0x10000]  }
0x55c: {  	s6 =	smul.u32 s28, s10;
	s9 =	simm.s32 $0x1B80;
	s31 =	sshrl.u32 s29, $0x1;
	v4 =	vld [tilespmem:s30+$0x10000];
	[tilespmem:s1+$0xFFFFFE80] =	vst v7  }
0x55d: {  	s4 =	sshrl.u32 s4, $0x1;
	s7 =	sshrl.u32 s0, $0x1;
	v5 =	vld [tilespmem:s31+$0x10000];
	s0 =	smul.u32 s2, s28;
	[tilespmem:s9+$0x0] =	vst v8  }
.LBB2_136:
0x55e: {  	s2 =	sadd.s32 $0xFFFFFFF9, s13  }
0x55f: {  	s3 =	sadd.s32 $0xFFFFFFFA, s13;
	s5 =	sadd.s32 $0xFFFFFFFF, s13;
	v7 =	vld [tilespmem:s4+$0x10000];
	[tilespmem:s1+$0xFFFFFF00] =	vst v6;
	s4 =	sadd.s32 $0xFFFFFFFB, s13  }
0x560: {  	s8 =	sadd.s32 $0xFFFFFFFC, s13;
	s10 =	smul.u32 s13, s5;
	[tilespmem:s9+$0xFFFFFC80] =	vst v2;
	v8 =	vld [tilespmem:s7+$0x10000];
	s7 =	sadd.s32 $0xFFFFFFF8, s13  }
0x561: {  	s11 =	sadd.s32 $0xFFFFFFFD, s13;
	s12 =	sadd.s32 $0xFFFFFFFE, s13;
	[tilespmem:s9+$0xFFFFFD00] =	vst v3;
	s14 =	smul.u32 s7, s2  }
0x562: {  	s6 =	sshrl.u32 s6, $0x1;
	s2 =	smul.u32 s3, s2;
	s10 =	sshrl.u32 s10, $0x1;
	[tilespmem:s9+$0xFFFFFD80] =	vst v4  }
0x563: {  	p2 =	slt.u32 s7, $0x78;
	s7 =	sshrl.u32 s0, $0x1;
	s3 =	smul.u32 s4, s3;
	v9 =	vld [tilespmem:s10+$0x10000];
	[tilespmem:s9+$0xFFFFFE00] =	vst v5  }
.Ltmp71:
0x564: {  	s0 =	sshrl.u32 s14, $0x1;
	[tilespmem:s9+$0xFFFFFE80] =	vst v7;
	v6 =	vld [tilespmem:s6+$0x10000];
	(pc) =	sbr.rel @p2 .LBB2_136-.Ltmp71, $4  }
0x565: {  	v2 =	vld [tilespmem:s0+$0x10000];
	s0 =	sshrl.u32 s2, $0x1;
	s2 =	smul.u32 s8, s4;
	[tilespmem:s1+$0xFFFFFF80] =	vst v8;
	s1 =	smov.u32 s9  }
0x566: {  	v3 =	vld [tilespmem:s0+$0x10000];
	s0 =	sshrl.u32 s3, $0x1;
	s3 =	smul.u32 s11, s8  }
0x567: {  	s6 =	smul.u32 s12, s11;
	s9 =	sadd.s32 $0x800, s9;
	v4 =	vld [tilespmem:s0+$0x10000];
	s0 =	sshrl.u32 s2, $0x1  }
0x568: {  	s13 =	sadd.s32 $0x8, s13;
	v5 =	vld [tilespmem:s0+$0x10000];
	s4 =	sshrl.u32 s3, $0x1;
	s0 =	smul.u32 s5, s12;
	[tilespmem:s9+$0x0] =	vst v9  }
0x569: {  	s13 =	smov.u32 s1;
	s1 =	smov.u32 s9  }
.LBB2_138:
0x56a: {  	v7 =	vld [tilespmem:s4+$0x10000];
	[tilespmem:s13+$0xFFFFFF00] =	vst @p1 v6  }
0x56b: {  	[tilespmem:s1+$0xFFFFFC80] =	vst v2;
	v2 =	vld @p1 [tilespmem:s7+$0x10000];
	s2 =	sshrl.u32 s6, $0x1  }
0x56c: {  	s0 =	sshrl.u32 s0, $0x1;
	[tilespmem:s1+$0xFFFFFD00] =	vst v3;
	v3 =	vld [tilespmem:s2+$0x10000]  }
0x56d: {  	[tilespmem:s1+$0xFFFFFD80] =	vst v4;
	v4 =	vld [tilespmem:s0+$0x10000]  }
0x56e: {  	[tilespmem:s1+$0xFFFFFE00] =	vst v5  }
0x56f: {  	s14 =	simm.s32 $0x21;
	[tilespmem:s1+$0xFFFFFE80] =	vst v7  }
0x570: {  	s3 =	simm.s32 $0x27;
	s17 =	simm.s32 $0x28;
	s15 =	smul.u32 s24, s14;
	[tilespmem:s13+$0xFFFFFF80] =	vst @p1 v2  }
0x571: {  	s5 =	simm.s32 $0x26;
	s4 =	smul.u32 s17, s3;
	[tilespmem:s1+$0xFFFFFF00] =	vst v3  }
0x572: {  	s19 =	simm.s32 $0x22;
	s3 =	smul.u32 s3, s5;
	s18 =	sshrl.u32 s15, $0x1;
	[tilespmem:s1+$0xFFFFFF80] =	vst v4  }
0x573: {  	s25 =	simm.s32 $0x23;
	s0 =	smul.u32 s19, s14;
	s4 =	sshrl.u32 s4, $0x1;
	v2 =	vld [tilespmem:s18+$0x10010]  }
0x574: {  	s26 =	simm.s32 $0x24;
	s2 =	smul.u32 s25, s19;
	s3 =	sshrl.u32 s3, $0x1;
	v6 =	vld [tilespmem:s4+$0x10010]  }
0x575: {  	s28 =	simm.s32 $0x25;
	s0 =	sshrl.u32 s0, $0x1;
	s1 =	smul.u32 s26, s25;
	v3 =	vld [tilespmem:s3+$0x10010]  }
0x576: {  	s30 =	smul.u32 s28, s26;
	s29 =	sshrl.u32 s2, $0x1;
	v4 =	vld [tilespmem:s0+$0x10010]  }
0x577: {  	v5 =	vld [tilespmem:s29+$0x10010];
	s31 =	sshrl.u32 s1, $0x1  }
0x578: {  	s0 =	smul.u32 s5, s28;
	s4 =	sshrl.u32 s30, $0x1;
	s1 =	simm.s32 $0x33A0;
	v7 =	vld [tilespmem:s31+$0x10010]  }
.LBB2_139:
0x579: {  	s2 =	sadd.s32 $0x9, s24  }
0x57a: {  	v8 =	vld [tilespmem:s4+$0x10010];
	s0 =	sshrl.u32 s0, $0x1;
	[tilespmem:s23+$0x0] =	vst v6;
	s3 =	smov.u32 s24;
	s24 =	sadd.s32 $0x8, s24  }
0x57b: {  	s4 =	smul.u32 s24, s2;
	s5 =	sadd.s32 $0xF, s3;
	s6 =	sadd.s32 $0x10, s3;
	[tilespmem:s23+$0xFFFFFC80] =	vst v2;
	v9 =	vld [tilespmem:s0+$0x10010];
	v10 =	vmov v3  }
0x57c: {  	s0 =	sadd.s32 $0xE, s3;
	p1 =	slt.u32 s24, $0x78;
	s6 =	smul.u32 s6, s5;
	[tilespmem:s23+$0xFFFFFD00] =	vst v4  }
0x57d: {  	s7 =	sadd.s32 $0xA, s3;
	s5 =	smul.u32 s5, s0;
	s4 =	sshrl.u32 s4, $0x1;
	[tilespmem:s23+$0xFFFFFD80] =	vst v5  }
0x57e: {  	s2 =	smul.u32 s7, s2;
	v2 =	vld [tilespmem:s4+$0x10010];
	s4 =	sadd.s32 $0xB, s3  }
0x57f: {  	s6 =	sshrl.u32 s6, $0x1;
	[tilespmem:s23+$0xFFFFFE00] =	vst v7;
	s7 =	smul.u32 s4, s7  }
.Ltmp72:
0x580: {  	s8 =	sadd.s32 $0xC, s3;
	s5 =	sshrl.u32 s5, $0x1;
	v6 =	vld [tilespmem:s6+$0x10010];
	[tilespmem:s23+$0xFFFFFE80] =	vst v8;
	(pc) =	sbr.rel @p1 .LBB2_139-.Ltmp72, $4  }
0x581: {  	s2 =	sshrl.u32 s2, $0x1;
	s3 =	sadd.s32 $0xD, s3;
	s4 =	smul.u32 s8, s4;
	v3 =	vld [tilespmem:s5+$0x10010];
	[tilespmem:s23+$0xFFFFFF00] =	vst v9  }
0x582: {  	s5 =	smul.u32 s3, s8;
	v4 =	vld [tilespmem:s2+$0x10010];
	s2 =	sshrl.u32 s7, $0x1;
	[tilespmem:s23+$0xFFFFFF80] =	vst v10  }
0x583: {  	s0 =	smul.u32 s0, s3;
	v5 =	vld [tilespmem:s2+$0x10010];
	s2 =	sshrl.u32 s4, $0x1  }
0x584: {  	s23 =	sadd.s32 $0x800, s23;
	s4 =	sshrl.u32 s5, $0x1;
	v7 =	vld [tilespmem:s2+$0x10010]  }
0x585: {  	[tilespmem:s23+$0x0] =	vst v6  }
0x586: {  	v8 =	vld [tilespmem:s4+$0x10010];
	s0 =	sshrl.u32 s0, $0x1;
	[tilespmem:s23+$0xFFFFFC80] =	vst v2  }
0x587: {  	v2 =	vld [tilespmem:s0+$0x10010];
	[tilespmem:s23+$0xFFFFFF80] =	vst v3  }
0x588: {  	[tilespmem:s23+$0xFFFFFD00] =	vst v4  }
0x589: {  	s2 =	simm.s32 $0x31;
	s0 =	simm.s32 $0x30;
	[tilespmem:s23+$0xFFFFFD80] =	vst v5  }
0x58a: {  	s25 =	simm.s32 $0x37;
	s5 =	simm.s32 $0x38;
	s3 =	smul.u32 s0, s2;
	[tilespmem:s23+$0xFFFFFE00] =	vst v7  }
0x58b: {  	s6 =	simm.s32 $0x36;
	s5 =	smul.u32 s5, s25;
	[tilespmem:s23+$0xFFFFFE80] =	vst v8  }
0x58c: {  	s7 =	simm.s32 $0x32;
	s4 =	smul.u32 s25, s6;
	s3 =	sshrl.u32 s3, $0x1;
	[tilespmem:s23+$0xFFFFFF00] =	vst v2  }
0x58d: {  	s26 =	simm.s32 $0x33;
	s2 =	smul.u32 s7, s2;
	s5 =	sshrl.u32 s5, $0x1;
	v2 =	vld [tilespmem:s3+$0x10020]  }
0x58e: {  	s8 =	simm.s32 $0x34;
	s7 =	smul.u32 s26, s7;
	s4 =	sshrl.u32 s4, $0x1;
	v6 =	vld [tilespmem:s5+$0x10020]  }
0x58f: {  	s28 =	simm.s32 $0x35;
	s2 =	sshrl.u32 s2, $0x1;
	s3 =	smul.u32 s8, s26;
	v3 =	vld [tilespmem:s4+$0x10020]  }
0x590: {  	s30 =	smul.u32 s28, s8;
	s29 =	sshrl.u32 s7, $0x1;
	v4 =	vld [tilespmem:s2+$0x10020]  }
0x591: {  	v5 =	vld [tilespmem:s29+$0x10020];
	s31 =	sshrl.u32 s3, $0x1  }
0x592: {  	s23 =	simm.s32 $0x43B0;
	s4 =	smul.u32 s6, s28;
	s6 =	sshrl.u32 s30, $0x1;
	v7 =	vld [tilespmem:s31+$0x10020]  }
.LBB2_141:
0x593: {  	s2 =	sadd.s32 $0x9, s0  }
0x594: {  	v8 =	vld [tilespmem:s6+$0x10020];
	s3 =	sshrl.u32 s4, $0x1;
	[tilespmem:s1+$0x0] =	vst v6;
	s4 =	smov.u32 s0;
	s0 =	sadd.s32 $0x8, s0  }
0x595: {  	s5 =	smul.u32 s0, s2;
	s6 =	sadd.s32 $0xF, s4;
	s7 =	sadd.s32 $0x10, s4;
	[tilespmem:s1+$0xFFFFFC80] =	vst v2;
	v9 =	vld [tilespmem:s3+$0x10020];
	v10 =	vmov v3  }
0x596: {  	s3 =	sadd.s32 $0xE, s4;
	p1 =	slt.u32 s0, $0x78;
	s7 =	smul.u32 s7, s6;
	[tilespmem:s1+$0xFFFFFD00] =	vst v4  }
0x597: {  	s8 =	sadd.s32 $0xA, s4;
	s6 =	smul.u32 s6, s3;
	s5 =	sshrl.u32 s5, $0x1;
	[tilespmem:s1+$0xFFFFFD80] =	vst v5  }
0x598: {  	s2 =	smul.u32 s8, s2;
	v2 =	vld [tilespmem:s5+$0x10020];
	s5 =	sadd.s32 $0xB, s4  }
0x599: {  	s7 =	sshrl.u32 s7, $0x1;
	[tilespmem:s1+$0xFFFFFE00] =	vst v7;
	s8 =	smul.u32 s5, s8  }
.Ltmp73:
0x59a: {  	s9 =	sadd.s32 $0xC, s4;
	s6 =	sshrl.u32 s6, $0x1;
	v6 =	vld [tilespmem:s7+$0x10020];
	[tilespmem:s1+$0xFFFFFE80] =	vst v8;
	(pc) =	sbr.rel @p1 .LBB2_141-.Ltmp73, $4  }
0x59b: {  	s2 =	sshrl.u32 s2, $0x1;
	s4 =	sadd.s32 $0xD, s4;
	s5 =	smul.u32 s9, s5;
	v3 =	vld [tilespmem:s6+$0x10020];
	[tilespmem:s1+$0xFFFFFF00] =	vst v9  }
0x59c: {  	s6 =	smul.u32 s4, s9;
	v4 =	vld [tilespmem:s2+$0x10020];
	s2 =	sshrl.u32 s8, $0x1;
	[tilespmem:s1+$0xFFFFFF80] =	vst v10  }
0x59d: {  	s4 =	smul.u32 s3, s4;
	v5 =	vld [tilespmem:s2+$0x10020];
	s2 =	sshrl.u32 s5, $0x1  }
0x59e: {  	s1 =	sadd.s32 $0x800, s1;
	s6 =	sshrl.u32 s6, $0x1;
	v7 =	vld [tilespmem:s2+$0x10020]  }
0x59f: {  	[tilespmem:s1+$0x0] =	vst v6  }
0x5a0: {  	v8 =	vld [tilespmem:s6+$0x10020];
	s0 =	sshrl.u32 s4, $0x1;
	[tilespmem:s1+$0xFFFFFC80] =	vst v2  }
0x5a1: {  	v2 =	vld [tilespmem:s0+$0x10020];
	[tilespmem:s1+$0xFFFFFF80] =	vst v3  }
0x5a2: {  	[tilespmem:s1+$0xFFFFFD00] =	vst v4  }
0x5a3: {  	s2 =	simm.s32 $0x41;
	s0 =	simm.s32 $0x40;
	[tilespmem:s1+$0xFFFFFD80] =	vst v5  }
0x5a4: {  	s18 =	simm.s32 $0x47;
	s5 =	simm.s32 $0x48;
	s3 =	smul.u32 s0, s2;
	[tilespmem:s1+$0xFFFFFE00] =	vst v7  }
0x5a5: {  	s19 =	simm.s32 $0x46;
	s5 =	smul.u32 s5, s18;
	[tilespmem:s1+$0xFFFFFE80] =	vst v8  }
0x5a6: {  	s25 =	simm.s32 $0x42;
	s4 =	smul.u32 s18, s19;
	s24 =	sshrl.u32 s3, $0x1;
	[tilespmem:s1+$0xFFFFFF00] =	vst v2  }
0x5a7: {  	s28 =	simm.s32 $0x43;
	s26 =	smul.u32 s25, s2;
	s5 =	sshrl.u32 s5, $0x1;
	v2 =	vld [tilespmem:s24+$0x10030]  }
0x5a8: {  	s7 =	simm.s32 $0x44;
	s4 =	sshrl.u32 s4, $0x1;
	s3 =	smul.u32 s28, s25;
	v6 =	vld [tilespmem:s5+$0x10030]  }
0x5a9: {  	s29 =	simm.s32 $0x45;
	s2 =	smul.u32 s7, s28;
	s1 =	sshrl.u32 s26, $0x1;
	v3 =	vld [tilespmem:s4+$0x10030]  }
0x5aa: {  	s31 =	smul.u32 s29, s7;
	s30 =	sshrl.u32 s3, $0x1;
	v4 =	vld [tilespmem:s1+$0x10030]  }
0x5ab: {  	s2 =	sshrl.u32 s2, $0x1;
	v5 =	vld [tilespmem:s30+$0x10030]  }
0x5ac: {  	s6 =	sshrl.u32 s31, $0x1;
	s4 =	smul.u32 s19, s29;
	s1 =	simm.s32 $0x53C0;
	v7 =	vld [tilespmem:s2+$0x10030]  }
.LBB2_143:
0x5ad: {  	s2 =	sadd.s32 $0x9, s0  }
0x5ae: {  	v8 =	vld [tilespmem:s6+$0x10030];
	s3 =	sshrl.u32 s4, $0x1;
	[tilespmem:s23+$0x0] =	vst v6;
	s4 =	smov.u32 s0;
	s0 =	sadd.s32 $0x8, s0  }
0x5af: {  	s5 =	smul.u32 s0, s2;
	s6 =	sadd.s32 $0xF, s4;
	s7 =	sadd.s32 $0x10, s4;
	[tilespmem:s23+$0xFFFFFC80] =	vst v2;
	v9 =	vld [tilespmem:s3+$0x10030];
	v10 =	vmov v3  }
0x5b0: {  	s3 =	sadd.s32 $0xE, s4;
	p1 =	slt.u32 s0, $0x78;
	s7 =	smul.u32 s7, s6;
	[tilespmem:s23+$0xFFFFFD00] =	vst v4  }
0x5b1: {  	s8 =	sadd.s32 $0xA, s4;
	s6 =	smul.u32 s6, s3;
	s5 =	sshrl.u32 s5, $0x1;
	[tilespmem:s23+$0xFFFFFD80] =	vst v5  }
0x5b2: {  	s2 =	smul.u32 s8, s2;
	v2 =	vld [tilespmem:s5+$0x10030];
	s5 =	sadd.s32 $0xB, s4  }
0x5b3: {  	s7 =	sshrl.u32 s7, $0x1;
	[tilespmem:s23+$0xFFFFFE00] =	vst v7;
	s8 =	smul.u32 s5, s8  }
.Ltmp74:
0x5b4: {  	s9 =	sadd.s32 $0xC, s4;
	s6 =	sshrl.u32 s6, $0x1;
	v6 =	vld [tilespmem:s7+$0x10030];
	[tilespmem:s23+$0xFFFFFE80] =	vst v8;
	(pc) =	sbr.rel @p1 .LBB2_143-.Ltmp74, $4  }
0x5b5: {  	s2 =	sshrl.u32 s2, $0x1;
	s4 =	sadd.s32 $0xD, s4;
	s5 =	smul.u32 s9, s5;
	v3 =	vld [tilespmem:s6+$0x10030];
	[tilespmem:s23+$0xFFFFFF00] =	vst v9  }
0x5b6: {  	s6 =	smul.u32 s4, s9;
	v4 =	vld [tilespmem:s2+$0x10030];
	s2 =	sshrl.u32 s8, $0x1;
	[tilespmem:s23+$0xFFFFFF80] =	vst v10  }
0x5b7: {  	s4 =	smul.u32 s3, s4;
	v5 =	vld [tilespmem:s2+$0x10030];
	s2 =	sshrl.u32 s5, $0x1  }
0x5b8: {  	s23 =	sadd.s32 $0x800, s23;
	s6 =	sshrl.u32 s6, $0x1;
	v7 =	vld [tilespmem:s2+$0x10030]  }
0x5b9: {  	[tilespmem:s23+$0x0] =	vst v6  }
0x5ba: {  	v8 =	vld [tilespmem:s6+$0x10030];
	s0 =	sshrl.u32 s4, $0x1;
	[tilespmem:s23+$0xFFFFFC80] =	vst v2  }
0x5bb: {  	v2 =	vld [tilespmem:s0+$0x10030];
	[tilespmem:s23+$0xFFFFFF80] =	vst v3  }
0x5bc: {  	[tilespmem:s23+$0xFFFFFD00] =	vst v4  }
0x5bd: {  	s2 =	simm.s32 $0x51;
	s0 =	simm.s32 $0x50;
	[tilespmem:s23+$0xFFFFFD80] =	vst v5  }
0x5be: {  	s24 =	simm.s32 $0x57;
	s5 =	simm.s32 $0x58;
	s3 =	smul.u32 s0, s2;
	[tilespmem:s23+$0xFFFFFE00] =	vst v7  }
0x5bf: {  	s25 =	simm.s32 $0x56;
	s5 =	smul.u32 s5, s24;
	[tilespmem:s23+$0xFFFFFE80] =	vst v8  }
0x5c0: {  	s7 =	simm.s32 $0x52;
	s4 =	smul.u32 s24, s25;
	s3 =	sshrl.u32 s3, $0x1;
	[tilespmem:s23+$0xFFFFFF00] =	vst v2  }
0x5c1: {  	s26 =	simm.s32 $0x53;
	s2 =	smul.u32 s7, s2;
	s5 =	sshrl.u32 s5, $0x1;
	v2 =	vld [tilespmem:s3+$0x10040]  }
0x5c2: {  	s8 =	simm.s32 $0x54;
	s7 =	smul.u32 s26, s7;
	s4 =	sshrl.u32 s4, $0x1;
	v6 =	vld [tilespmem:s5+$0x10040]  }
0x5c3: {  	s28 =	simm.s32 $0x55;
	s2 =	sshrl.u32 s2, $0x1;
	s3 =	smul.u32 s8, s26;
	v3 =	vld [tilespmem:s4+$0x10040]  }
0x5c4: {  	s30 =	smul.u32 s28, s8;
	s29 =	sshrl.u32 s7, $0x1;
	v4 =	vld [tilespmem:s2+$0x10040]  }
0x5c5: {  	v5 =	vld [tilespmem:s29+$0x10040];
	s31 =	sshrl.u32 s3, $0x1  }
0x5c6: {  	s6 =	sshrl.u32 s30, $0x1;
	s23 =	simm.s32 $0x63D0;
	s4 =	smul.u32 s25, s28;
	v7 =	vld [tilespmem:s31+$0x10040]  }
.LBB2_145:
0x5c7: {  	s2 =	sadd.s32 $0x9, s0  }
0x5c8: {  	v8 =	vld [tilespmem:s6+$0x10040];
	s3 =	sshrl.u32 s4, $0x1;
	[tilespmem:s1+$0x0] =	vst v6;
	s4 =	smov.u32 s0;
	s0 =	sadd.s32 $0x8, s0  }
0x5c9: {  	s5 =	smul.u32 s0, s2;
	s6 =	sadd.s32 $0xF, s4;
	s7 =	sadd.s32 $0x10, s4;
	[tilespmem:s1+$0xFFFFFC80] =	vst v2;
	v9 =	vld [tilespmem:s3+$0x10040];
	v10 =	vmov v3  }
0x5ca: {  	s3 =	sadd.s32 $0xE, s4;
	p1 =	slt.u32 s0, $0x78;
	s7 =	smul.u32 s7, s6;
	[tilespmem:s1+$0xFFFFFD00] =	vst v4  }
0x5cb: {  	s8 =	sadd.s32 $0xA, s4;
	s6 =	smul.u32 s6, s3;
	s5 =	sshrl.u32 s5, $0x1;
	[tilespmem:s1+$0xFFFFFD80] =	vst v5  }
0x5cc: {  	s2 =	smul.u32 s8, s2;
	v2 =	vld [tilespmem:s5+$0x10040];
	s5 =	sadd.s32 $0xB, s4  }
0x5cd: {  	s7 =	sshrl.u32 s7, $0x1;
	[tilespmem:s1+$0xFFFFFE00] =	vst v7;
	s8 =	smul.u32 s5, s8  }
.Ltmp75:
0x5ce: {  	s9 =	sadd.s32 $0xC, s4;
	s6 =	sshrl.u32 s6, $0x1;
	v6 =	vld [tilespmem:s7+$0x10040];
	[tilespmem:s1+$0xFFFFFE80] =	vst v8;
	(pc) =	sbr.rel @p1 .LBB2_145-.Ltmp75, $4  }
0x5cf: {  	s2 =	sshrl.u32 s2, $0x1;
	s4 =	sadd.s32 $0xD, s4;
	s5 =	smul.u32 s9, s5;
	v3 =	vld [tilespmem:s6+$0x10040];
	[tilespmem:s1+$0xFFFFFF00] =	vst v9  }
0x5d0: {  	s6 =	smul.u32 s4, s9;
	v4 =	vld [tilespmem:s2+$0x10040];
	s2 =	sshrl.u32 s8, $0x1;
	[tilespmem:s1+$0xFFFFFF80] =	vst v10  }
0x5d1: {  	s4 =	smul.u32 s3, s4;
	v5 =	vld [tilespmem:s2+$0x10040];
	s2 =	sshrl.u32 s5, $0x1  }
0x5d2: {  	s1 =	sadd.s32 $0x800, s1;
	s6 =	sshrl.u32 s6, $0x1;
	v7 =	vld [tilespmem:s2+$0x10040]  }
0x5d3: {  	[tilespmem:s1+$0x0] =	vst v6  }
0x5d4: {  	v8 =	vld [tilespmem:s6+$0x10040];
	s0 =	sshrl.u32 s4, $0x1;
	[tilespmem:s1+$0xFFFFFC80] =	vst v2  }
0x5d5: {  	v2 =	vld [tilespmem:s0+$0x10040];
	[tilespmem:s1+$0xFFFFFF80] =	vst v3  }
0x5d6: {  	[tilespmem:s1+$0xFFFFFD00] =	vst v4  }
0x5d7: {  	s2 =	simm.s32 $0x61;
	s0 =	simm.s32 $0x60;
	[tilespmem:s1+$0xFFFFFD80] =	vst v5  }
0x5d8: {  	s18 =	simm.s32 $0x67;
	s5 =	simm.s32 $0x68;
	s3 =	smul.u32 s0, s2;
	[tilespmem:s1+$0xFFFFFE00] =	vst v7  }
0x5d9: {  	s19 =	simm.s32 $0x66;
	s5 =	smul.u32 s5, s18;
	[tilespmem:s1+$0xFFFFFE80] =	vst v8  }
0x5da: {  	s25 =	simm.s32 $0x62;
	s4 =	smul.u32 s18, s19;
	s24 =	sshrl.u32 s3, $0x1;
	[tilespmem:s1+$0xFFFFFF00] =	vst v2  }
0x5db: {  	s28 =	simm.s32 $0x63;
	s26 =	smul.u32 s25, s2;
	s5 =	sshrl.u32 s5, $0x1;
	v2 =	vld [tilespmem:s24+$0x10050]  }
0x5dc: {  	s7 =	simm.s32 $0x64;
	s4 =	sshrl.u32 s4, $0x1;
	s3 =	smul.u32 s28, s25;
	v6 =	vld [tilespmem:s5+$0x10050]  }
0x5dd: {  	s29 =	simm.s32 $0x65;
	s2 =	smul.u32 s7, s28;
	s1 =	sshrl.u32 s26, $0x1;
	v3 =	vld [tilespmem:s4+$0x10050]  }
0x5de: {  	s31 =	smul.u32 s29, s7;
	s30 =	sshrl.u32 s3, $0x1;
	v4 =	vld [tilespmem:s1+$0x10050]  }
0x5df: {  	s2 =	sshrl.u32 s2, $0x1;
	v5 =	vld [tilespmem:s30+$0x10050]  }
0x5e0: {  	s25 =	simm.s32 $0x73E0;
	s1 =	smul.u32 s19, s29;
	v7 =	vld [tilespmem:s2+$0x10050];
	s4 =	sshrl.u32 s31, $0x1  }
.LBB2_147:
0x5e1: {  	s2 =	sadd.s32 $0x9, s0  }
0x5e2: {  	v8 =	vld [tilespmem:s4+$0x10050];
	s1 =	sshrl.u32 s1, $0x1;
	[tilespmem:s23+$0x0] =	vst v6;
	s3 =	smov.u32 s0;
	s0 =	sadd.s32 $0x8, s0  }
0x5e3: {  	s4 =	smul.u32 s0, s2;
	s5 =	sadd.s32 $0xF, s3;
	s6 =	sadd.s32 $0x10, s3;
	[tilespmem:s23+$0xFFFFFC80] =	vst v2;
	v9 =	vld [tilespmem:s1+$0x10050];
	v10 =	vmov v3  }
0x5e4: {  	s1 =	sadd.s32 $0xE, s3;
	p1 =	slt.u32 s0, $0x78;
	s6 =	smul.u32 s6, s5;
	[tilespmem:s23+$0xFFFFFD00] =	vst v4  }
0x5e5: {  	s7 =	sadd.s32 $0xA, s3;
	s5 =	smul.u32 s5, s1;
	s4 =	sshrl.u32 s4, $0x1;
	[tilespmem:s23+$0xFFFFFD80] =	vst v5  }
0x5e6: {  	s2 =	smul.u32 s7, s2;
	v2 =	vld [tilespmem:s4+$0x10050];
	s4 =	sadd.s32 $0xB, s3  }
0x5e7: {  	s6 =	sshrl.u32 s6, $0x1;
	[tilespmem:s23+$0xFFFFFE00] =	vst v7;
	s7 =	smul.u32 s4, s7  }
.Ltmp76:
0x5e8: {  	s8 =	sadd.s32 $0xC, s3;
	s5 =	sshrl.u32 s5, $0x1;
	v6 =	vld [tilespmem:s6+$0x10050];
	[tilespmem:s23+$0xFFFFFE80] =	vst v8;
	(pc) =	sbr.rel @p1 .LBB2_147-.Ltmp76, $4  }
0x5e9: {  	s2 =	sshrl.u32 s2, $0x1;
	s3 =	sadd.s32 $0xD, s3;
	s4 =	smul.u32 s8, s4;
	v3 =	vld [tilespmem:s5+$0x10050];
	[tilespmem:s23+$0xFFFFFF00] =	vst v9  }
0x5ea: {  	s5 =	smul.u32 s3, s8;
	v4 =	vld [tilespmem:s2+$0x10050];
	s2 =	sshrl.u32 s7, $0x1;
	[tilespmem:s23+$0xFFFFFF80] =	vst v10  }
0x5eb: {  	s1 =	smul.u32 s1, s3;
	v5 =	vld [tilespmem:s2+$0x10050];
	s2 =	sshrl.u32 s4, $0x1  }
0x5ec: {  	s23 =	sadd.s32 $0x800, s23;
	s4 =	sshrl.u32 s5, $0x1;
	v7 =	vld [tilespmem:s2+$0x10050]  }
0x5ed: {  	[tilespmem:s23+$0x0] =	vst v6  }
0x5ee: {  	v8 =	vld [tilespmem:s4+$0x10050];
	s0 =	sshrl.u32 s1, $0x1;
	[tilespmem:s23+$0xFFFFFC80] =	vst v2  }
0x5ef: {  	v2 =	vld [tilespmem:s0+$0x10050];
	[tilespmem:s23+$0xFFFFFF80] =	vst v3  }
0x5f0: {  	[tilespmem:s23+$0xFFFFFD00] =	vst v4  }
0x5f1: {  	s1 =	simm.s32 $0x70;
	s18 =	simm.s32 $0x71;
	[tilespmem:s23+$0xFFFFFD80] =	vst v5  }
0x5f2: {  	s3 =	simm.s32 $0x77;
	s19 =	simm.s32 $0x78;
	s2 =	smul.u32 s1, s18;
	[tilespmem:s23+$0xFFFFFE00] =	vst v7  }
0x5f3: {  	s5 =	simm.s32 $0x76;
	s4 =	smul.u32 s19, s3;
	[tilespmem:s23+$0xFFFFFE80] =	vst v8  }
0x5f4: {  	s6 =	simm.s32 $0x72;
	s3 =	smul.u32 s3, s5;
	s2 =	sshrl.u32 s2, $0x1;
	[tilespmem:s23+$0xFFFFFF00] =	vst v2  }
0x5f5: {  	s0 =	smul.u32 s6, s18;
	s4 =	sshrl.u32 s4, $0x1;
	s23 =	simm.s32 $0x73;
	v2 =	vld [tilespmem:s2+$0x10060]  }
0x5f6: {  	s7 =	simm.s32 $0x74;
	s3 =	sshrl.u32 s3, $0x1;
	s6 =	smul.u32 s23, s6;
	v8 =	vld [tilespmem:s4+$0x10060]  }
0x5f7: {  	s24 =	simm.s32 $0x75;
	s0 =	sshrl.u32 s0, $0x1;
	s2 =	smul.u32 s7, s23;
	v3 =	vld [tilespmem:s3+$0x10060]  }
0x5f8: {  	s28 =	smul.u32 s24, s7;
	v4 =	vld [tilespmem:s0+$0x10060];
	s26 =	sshrl.u32 s6, $0x1  }
0x5f9: {  	s30 =	smul.u32 s5, s24;
	s29 =	sshrl.u32 s2, $0x1;
	v5 =	vld [tilespmem:s26+$0x10060]  }
0x5fa: {  	s31 =	sshrl.u32 s28, $0x1;
	v7 =	vld [tilespmem:s29+$0x10060]  }
0x5fb: {  	v6 =	vld [tilespmem:s31+$0x10060];
	s23 =	simm.s32 $0x180;
	s6 =	sshrl.u32 s30, $0x1;
	[tilespmem:s25+$0x0] =	vst v8  }
.LBB2_149:
0x5fc: {  	s0 =	sadd.s32 $0x9, s1;
	[tilespmem:s25+$0xFFFFFC80] =	vst v2;
	v8 =	vld [tilespmem:s6+$0x10060];
	s2 =	smov.u32 s1;
	s1 =	sadd.s32 $0x8, s1  }
0x5fd: {  	s3 =	smul.u32 s1, s0;
	s4 =	sadd.s32 $0xF, s2;
	s5 =	sadd.s32 $0x10, s2;
	[tilespmem:s25+$0xFFFFFD00] =	vst v4  }
0x5fe: {  	s6 =	sadd.s32 $0xE, s2;
	p1 =	slt.u32 s1, $0x78;
	s5 =	smul.u32 s5, s4;
	[tilespmem:s25+$0xFFFFFD80] =	vst v5  }
0x5ff: {  	s7 =	sadd.s32 $0xA, s2;
	s4 =	smul.u32 s4, s6;
	s3 =	sshrl.u32 s3, $0x1;
	[tilespmem:s25+$0xFFFFFE00] =	vst v7  }
0x600: {  	s0 =	smul.u32 s7, s0;
	v2 =	vld [tilespmem:s3+$0x10060];
	s3 =	sadd.s32 $0xB, s2  }
0x601: {  	s8 =	sadd.s32 $0xC, s2;
	s5 =	sshrl.u32 s5, $0x1;
	[tilespmem:s25+$0xFFFFFE80] =	vst v6;
	s7 =	smul.u32 s3, s7  }
0x602: {  	s4 =	sshrl.u32 s4, $0x1;
	v9 =	vld [tilespmem:s5+$0x10060];
	[tilespmem:s25+$0xFFFFFF00] =	vst v8;
	s3 =	smul.u32 s8, s3  }
.Ltmp77:
0x603: {  	s0 =	sshrl.u32 s0, $0x1;
	s2 =	sadd.s32 $0xD, s2;
	[tilespmem:s25+$0xFFFFFF80] =	vst v3;
	v3 =	vld [tilespmem:s4+$0x10060];
	(pc) =	sbr.rel @p1 .LBB2_149-.Ltmp77, $4  }
0x604: {  	s4 =	smul.u32 s2, s8;
	v4 =	vld [tilespmem:s0+$0x10060];
	s0 =	sshrl.u32 s7, $0x1  }
0x605: {  	s2 =	smul.u32 s6, s2;
	v5 =	vld [tilespmem:s0+$0x10060];
	s0 =	sshrl.u32 s3, $0x1  }
0x606: {  	s25 =	sadd.s32 $0x800, s25;
	s3 =	sshrl.u32 s4, $0x1;
	v7 =	vld [tilespmem:s0+$0x10060];
	s0 =	simm.s32 $0x0  }
0x607: {  	s6 =	sshrl.u32 s2, $0x1;
	s4 =	simm.s32 $0x4;
	v6 =	vld [tilespmem:s3+$0x10060];
	[tilespmem:s25+$0x0] =	vst v9  }
0x608: {  	[tilespmem:s25+$0xFFFFFC80] =	vst v2;
	v2 =	vld [tilespmem:s6+$0x10060]  }
0x609: {  	p2 =	por $0x1, $0x1;
	[tilespmem:s25+$0xFFFFFF80] =	vst v3  }
.Ltmp78:
0x60a: {  	[tilespmem:s25+$0xFFFFFD00] =	vst v4;
	(pc) =	sbr.rel @!p2 .LBB2_151-.Ltmp78, $4  }
0x60b: {  	s30 =	simm.s32 $0x0;
	[tilespmem:s25+$0xFFFFFD80] =	vst v5  }
0x60c: {  	s19 =	simm.s32 $0x3;
	s1 =	simm.s32 $0x2;
	s26 =	sand.u32 $0x70, s30;
	[tilespmem:s25+$0xFFFFFE00] =	vst v7  }
0x60d: {  	s13 =	simm.s32 $0x1;
	s15 =	smul.u32 s19, s1;
	[tilespmem:s25+$0xFFFFFF00] =	vst v2;
	v2 =	vor.u32 s26, v1  }
0x60e: {  	s9 =	simm.s32 $0x8;
	p1 =	por $0x0, $0x0;
	s17 =	smul.u32 s4, s19;
	[tilespmem:s25+$0xFFFFFE80] =	vst v6;
	vm2 =	veq.s32 v2, s30;
	vm5 =	veq.s32 v2, s19;
	vm8 =	vlt.u32 v2, s1  }
0x60f: {  	s2 =	smul.u32 s1, s13  }
0x610: {  	s3 =	sshrl.u32 s17, $0x1  }
0x611: {  	s2 =	sshrl.u32 s2, $0x1;
	s3 =	sadd.s32 s26, s3  }
0x612: {  	s4 =	smul.u32 s30, s13;
	s2 =	sadd.s32 s26, s2;
	v4 =	vld [tilespmem:s3+$0x10000]  }
0x613: {  	s7 =	simm.s32 $0x4;
	s10 =	sshrl.u32 s15, $0x1;
	p2 =	por $0x1, $0x1;
	v5 =	vld [tilespmem:s2+$0x10000]  }
0x614: {  	s12 =	sand.u32 $0x380, s23;
	s11 =	sshrl.u32 s4, $0x1;
	s2 =	sadd.s32 s26, s10  }
0x615: {  	vm6 =	vlt.u32 v2, s30;
	s23 =	simm.s32 $0x380;
	s30 =	simm.s32 $0x400;
	s3 =	sadd.s32 s26, s11;
	v6 =	vld [tilespmem:s2+$0x10000]  }
0x616: {  	vm7 =	vmmov vm5;
	vm3 =	vmmov vm8;
	vm4 =	vmmov vm2;
	s24 =	simm.s32 $0x7;
	s29 =	sand.u32 $0x7800, s0;
	s15 =	simm.s32 $0x100;
	v3 =	vld [tilespmem:s3+$0x10000]  }
.Ltmp79:
0x617: {  	s6 =	simm.s32 $0x80;
	vm9 =	vlt.u32 v2, s13;
	vm10 =	veq.s32 v2, s13;
	s25 =	sand.u32 $0x70, s7;
	v11 =	vadd.f32 $5.000000000e-01, v4;
	(pc) =	sbr.rel @!p2 .LBB2_153-.Ltmp79, $4  }
0x618: {  	s28 =	simm.s32 $0x6;
	s0 =	simm.s32 $0x5;
	s13 =	simm.s32 $0xC;
	vm6 =	vmmov vm6;
	v7 =	vor.u32 s25, v1;
	v8 =	vadd.f32 $5.000000000e-01, v5  }
0x619: {  	p1 =	por $0x1, $0x1;
	s17 =	simm.s32 $0x0;
	s18 =	sand.u32 $0x300, s15;
	vm2 =	veq.s32 v7, s7;
	vm5 =	veq.s32 v7, s24;
	v11 =	vand.u32 $0x7FFFFFFF, v11  }
0x61a: {  	s15 =	smul.u32 s24, s28;
	s4 =	sor.u32 s18, s29;
	s14 =	sand.u32 $0x200, s17;
	v9 =	vadd.f32 $5.000000000e-01, v6;
	v8 =	vand.u32 $0x7FFFFFFF, v8;
	v11 =	vadd.f32 $9.999999710e-10, v11  }
0x61b: {  	s17 =	smul.u32 s9, s24;
	s9 =	sor.u32 s12, s29;
	s31 =	sor.u32 s26, s4;
	vm8 =	vlt.u32 v7, s28;
	v10 =	vadd.f32 $9.999999710e-10, v8;
	v8 =	vadd.f32 $5.000000000e-01, v3  }
.LBB2_154:
0x61c: {  	s2 =	sadd.s32 $0xFFFFFFFC, s13;
	s3 =	smul.u32 s28, s0;
	s4 =	sand.u32 $0x280, s6  }
0x61d: {  	v10 =	vnsel vm10, $0x0, v10;
	v9 =	vand.u32 $0x7FFFFFFF, v9;
	vm10 =	vlt.u32 v2, s19;
	s6 =	smov.u32 s23;
	s5 =	smov.u32 s30;
	s19 =	smov.u32 s24  }
0x61e: {  	s8 =	sshrl.u32 s15, $0x1;
	s11 =	sor.u32 s14, s29;
	s10 =	sshrl.u32 s17, $0x1;
	v10 =	vsel vm9, v5, v10;
	v5 =	vadd.f32 $9.999999710e-10, v9;
	v9 =	vnsel vm7, $0x0, v11  }
0x61f: {  	s12 =	sand.u32 $0x70, s2;
	v8 =	vand.u32 $0x7FFFFFFF, v8;
	s4 =	sor.u32 s4, s29;
	vm7 =	veq.s32 v2, s1;
	v2 =	vmovc v7;
	s3 =	sshrl.u32 s3, $0x1;
	v9 =	vsel vm10, v4, v9  }
0x620: {  	s1 =	smul.u32 s7, s0;
	vm9 =	vlt.u32 v2, s7;
	s7 =	sadd.s32 s25, s10;
	v7 =	vadd.f32 $9.999999710e-10, v8;
	s3 =	sadd.s32 s25, s3;
	v4 =	vnsel vm7, $0x0, v5  }
0x621: {  	p2 =	slt.u32 s2, $0x7C;
	s4 =	sor.u32 s26, s4;
	vm7 =	vmmov vm5;
	v5 =	vld [tilespmem:s3+$0x10000];
	s3 =	sadd.s32 s25, s8;
	v6 =	vsel vm3, v6, v4;
	vm3 =	vmmov vm8  }
0x622: {  	s1 =	sshrl.u32 s1, $0x1;
	v7 =	vnsel vm4, $0x0, v7;
	s8 =	sor.u32 s26, s11;
	vm4 =	vmmov vm2;
	v4 =	vld [tilespmem:s7+$0x10000];
	[tilespmem:s4+$0x0] =	vst v10;
	s4 =	sor.u32 s26, s9  }
0x623: {  	s9 =	sadd.s32 s25, s1;
	v3 =	vsel vm6, v3, v7;
	vm6 =	vmmov vm9;
	s7 =	smov.u32 s2;
	s26 =	smov.u32 s25;
	[tilespmem:s31+$0x0] =	vst v6  }
0x624: {  	s23 =	sadd.s32 $0x200, s23;
	s25 =	smov.u32 s12;
	s1 =	smov.u32 s28;
	v6 =	vld [tilespmem:s3+$0x10000];
	[tilespmem:s8+$0x0] =	vst v3  }
0x625: {  	s30 =	sadd.s32 $0x400, s30;
	s24 =	sadd.s32 $0xFFFFFFFF, s13;
	s2 =	sand.u32 $0x380, s6;
	v3 =	vld [tilespmem:s9+$0x10000];
	[tilespmem:s4+$0x0] =	vst v9  }
.Ltmp80:
0x626: {  	s29 =	sand.u32 $0x7800, s5;
	v7 =	vor.u32 s25, v1;
	s3 =	sadd.s32 $0xFFFFFF80, s6;
	v8 =	vadd.f32 $5.000000000e-01, v5;
	(pc) =	sbr.rel @p2 .LBB2_154-.Ltmp80, $4  }
0x627: {  	vm2 =	veq.s32 v7, s7;
	vm5 =	veq.s32 v7, s24;
	s4 =	sadd.s32 $0xFFFFFE80, s6;
	s6 =	sadd.s32 $0xFFFFFF00, s6;
	s3 =	sand.u32 $0x300, s3;
	v11 =	vadd.f32 $5.000000000e-01, v4  }
0x628: {  	vm10 =	veq.s32 v2, s0;
	s28 =	sadd.s32 $0xFFFFFFFE, s13;
	vm9 =	vlt.u32 v2, s0;
	s0 =	sadd.s32 $0xFFFFFFFD, s13;
	s3 =	sor.u32 s3, s29;
	v8 =	vand.u32 $0x7FFFFFFF, v8  }
0x629: {  	s15 =	smul.u32 s24, s28;
	s14 =	sand.u32 $0x200, s4;
	s31 =	sor.u32 s26, s3;
	v10 =	vadd.f32 $9.999999710e-10, v8;
	v9 =	vadd.f32 $5.000000000e-01, v6;
	v11 =	vand.u32 $0x7FFFFFFF, v11  }
0x62a: {  	s17 =	smul.u32 s13, s24;
	s13 =	sadd.s32 $0x4, s13;
	vm8 =	vlt.u32 v7, s28;
	s9 =	sor.u32 s2, s29;
	v8 =	vadd.f32 $5.000000000e-01, v3;
	v11 =	vadd.f32 $9.999999710e-10, v11  }
0x62b: {  	s4 =	smov.u32 s19;
	s13 =	smov.u32 s0  }
0x62c: {  	v12 =	vmov v2;
	s0 =	smov.u32 s30;
	s19 =	smov.u32 s24;
	v2 =	vmov v7;
	s30 =	smov.u32 s7  }
.LBB2_156:
0x62d: {  	s2 =	smul.u32 s28, s13  }
0x62e: {  	s5 =	smul.u32 s30, s13  }
0x62f: {  	s2 =	sshrl.u32 s2, $0x1  }
0x630: {  	s5 =	sshrl.u32 s5, $0x1;
	s2 =	sadd.s32 s25, s2  }
0x631: {  	s3 =	sshrl.u32 s17, $0x1;
	v10 =	vnsel @p1 vm10, $0x0, v10;
	s17 =	sadd.s32 s25, s5;
	v7 =	vld [tilespmem:s2+$0x10000]  }
0x632: {  	s15 =	sshrl.u32 s15, $0x1;
	v9 =	vand.u32 @p1 $0x7FFFFFFF, v9;
	v11 =	vnsel @p1 vm7, $0x0, v11;
	v8 =	vand.u32 @p1 $0x7FFFFFFF, v8;
	s3 =	sadd.s32 s25, s3;
	v52 =	vld [tilespmem:s17+$0x10000]  }
0x633: {  	vm10 =	veq.s32 @p1 v12, s1;
	vm2 =	vmmov vm2;
	vm12 =	vlt.u32 v2, s13;
	v51 =	vld [tilespmem:s3+$0x10000];
	s2 =	sadd.s32 s25, s15  }
0x634: {  	vm13 =	veq.s32 v2, s13;
	vm14 =	veq.s32 v2, s28;
	v9 =	vadd.f32 @p1 $9.999999710e-10, v9;
	v13 =	vld [tilespmem:s2+$0x10000]  }
0x635: {  	v5 =	vsel @p1 vm9, v5, v10;
	vm9 =	vlt.u32 @p1 v12, s4;
	v8 =	vadd.f32 @p1 $9.999999710e-10, v8  }
0x636: {  	v4 =	vsel @p1 vm9, v4, v11;
	vm9 =	vlt.u32 v2, s30;
	v9 =	vnsel @p1 vm10, $0x0, v9  }
0x637: {  	s1 =	sand.u32 @p1 $0x280, s6;
	v8 =	vnsel @p1 vm4, $0x0, v8;
	v53 =	vadd.f32 $5.000000000e-01, v7;
	v14 =	vadd.f32 $5.000000000e-01, v52  }
0x638: {  	s0 =	sand.u32 $0x7800, s0;
	s24 =	sadd.s32 $0xFFFFFF80, s23;
	s1 =	sor.u32 @p1 s1, s29;
	v6 =	vsel @p1 vm3, v6, v9;
	vm3 =	vmmov vm5;
	v54 =	vadd.f32 $5.000000000e-01, v51  }
0x639: {  	s18 =	sadd.s32 $0xFFFFFF00, s23;
	s4 =	sand.u32 $0x300, s24;
	s1 =	sor.u32 @p1 s26, s1;
	v55 =	vadd.f32 $5.000000000e-01, v13;
	v9 =	vand.u32 $0x7FFFFFFF, v53;
	v60 =	vand.u32 $0x7FFFFFFF, v14  }
0x63a: {  	s3 =	sor.u32 @p1 s26, s9;
	s30 =	sand.u32 $0x380, s23;
	[tilespmem:s1+$0x0] =	vst @p1 v5;
	s2 =	sor.u32 @p1 s14, s29;
	v58 =	vand.u32 $0x7FFFFFFF, v54;
	v56 =	vadd.f32 $9.999999710e-10, v9;
	v61 =	vadd.f32 $9.999999710e-10, v60  }
0x63b: {  	[tilespmem:s3+$0x0] =	vst @p1 v4;
	v3 =	vsel @p1 vm6, v3, v8;
	s1 =	sor.u32 @p1 s26, s2;
	s2 =	sand.u32 $0x280, s18;
	s26 =	sadd.s32 $0xFFFFFE80, s23;
	v62 =	vadd.f32 $9.999999710e-10, v58;
	v57 =	vand.u32 $0x7FFFFFFF, v55  }
0x63c: {  	s29 =	sor.u32 s4, s0;
	[tilespmem:s1+$0x0] =	vst @p1 v3;
	s2 =	sor.u32 s2, s0;
	s1 =	sand.u32 $0x200, s26;
	v59 =	vadd.f32 $9.999999710e-10, v57;
	v3 =	vnsel vm13, $0x0, v56;
	v5 =	vnsel vm2, $0x0, v61  }
0x63d: {  	[tilespmem:s31+$0x0] =	vst @p1 v6;
	s2 =	sor.u32 s25, s2;
	s1 =	sor.u32 s1, s0;
	s0 =	sor.u32 s30, s0;
	vm2 =	vlt.u32 v2, s19;
	v2 =	vnsel vm3, $0x0, v62;
	v3 =	vsel vm12, v7, v3  }
.Ltmp81:
0x63e: {  	vm11 =	vmmov vm8;
	s0 =	sor.u32 s25, s0;
	v63 =	vnsel vm14, $0x0, v59;
	v2 =	vsel vm2, v51, v2;
	[tilespmem:s2+$0x0] =	vst v3;
	(pc) =	sbr.rel @p0 .LBB2_158-.Ltmp81, $4  }
0x63f: {  	vm15 =	vmmov vm9;
	s3 =	sor.u32 s25, s29;
	v6 =	vsel vm11, v13, v63;
	[tilespmem:s0+$0x0] =	vst v2  }
0x640: {  	s31 =	rddreg [dreg:$0x1];
	s1 =	sor.u32 s25, s1;
	v3 =	vsel vm15, v52, v5;
	[tilespmem:s3+$0x0] =	vst v6  }
0x641: {  	s0 =	sadd.s32 s31, s22;
	[tilespmem:s1+$0x0] =	vst v3  }
0x642: {  	[hbm4b:s0+s16] =	stream.linear.scatter [tilespmem:s16], [sflag:$0x4], $0x8000, $0x38;
	[tilespmem:$0x18080] =	vst v63  }
0x643: {  	s0 =	sadd.s32 $0x1, s21  }
0x644: {  	s1 =	sshrl.u32 s0, $0x3  }
0x645: {  	s0 =	sshll.u32 s0, $0x7;
	s1 =	smul.u32 $0x40400, s1  }
.Ltmp82:
0x646: {  	s0 =	sand.u32 $0x380, s0;
	(pc) =	sbr.rel .LBB2_34-.Ltmp82, $4  }
0x647: {  	s30 =	rddreg [dreg:$0x0];
	s0 =	sor.u32 s0, s1  }
0x648: {  	s31 =	simm.s32 $0x80;
	s2 =	simm.s32 $0x400;
	s0 =	sshrl.u32 s0, $0x3  }
0x649: {  	s3 =	simm.s32 $0x10000;
	s20 =	sadd.s32 $0x1, s20;
	s0 =	sadd.s32 s30, s0  }
0x64a: {  	[tilespmem:s3], [sflag:$0x1] =	stream.strided.gather [hbm4b:s0+s31], $0x4000, s2, s31, $0x38;
	[tilespmem:$0x18080] =	vst v63  }
.LBB2_133:
.Ltmp83:
0x64b: {  	(pc) =	sbr.rel .LBB2_138-.Ltmp83, $2  }
0x64c: {  	_ =	sdelay $0x2  }
0x64d: {  	_ = 	snop  }
.LBB2_151:
.Ltmp84:
0x64e: {  	(pc) =	sbr.rel .LBB2_156-.Ltmp84, $2  }
0x64f: {  	_ =	sdelay $0x2  }
0x650: {  	s25 =	smov.u32 s26;
	s28 =	simm.s32 $0x2  }
.LBB2_135:
.Ltmp85:
0x651: {  	(pc) =	sbr.rel .LBB2_138-.Ltmp85, $2  }
0x652: {  	_ =	sdelay $0x2  }
0x653: {  	s13 =	simm.s32 $0x1380;
	s1 =	simm.s32 $0x1B80  }
.LBB2_153:
.Ltmp86:
0x654: {  	(pc) =	sbr.rel .LBB2_156-.Ltmp86, $3  }
0x655: {  	_ =	sdelay $0x1  }
0x656: {  	s13 =	simm.s32 $0x5;
	s4 =	simm.s32 $0x3  }
0x657: {  	v12 =	vmov v2;
	s0 =	simm.s32 $0x400;
	s19 =	simm.s32 $0x7;
	v2 =	vmov v7;
	s30 =	simm.s32 $0x4  }
.LBB2_159:
0x658: {  	_ =	sfence.sel $0x180000  }
0x659: {  	[bflag:$0x0] =	sbarrier.arrive $0xFFFF  }
0x65a: {  	_ =	strace $0x90000047  }
0x65b: {  	s0 =	stileid.u32;
	[bflag:$0x2] =	sbarrier.arrive $0xFFFF  }
0x65c: {  	p0 =	sne.s32 s0, $0x0;
	s0 =	rddreg [dreg:$0x2]  }
0x65d: {  	s0 =	sadd.s32 @!p0 $0x100000, s0  }
0x65e: {  	[sflag:s0] =	ssyncadd.tile.s32 @!p0 $0x1;
	_ =	shalt  }
.Lfunc_end2:
_tile_overlayer_lowered:
.L_overlay_start_2:
0x65f: {  	(tag) =	ssettag $0x2  }
0x660: {  	s0 =	rddreg [dreg:$0x0];
	s2 =	stileid.u32  }
0x661: {  	s1 =	rddreg [dreg:$0x1];
	p0 =	sne.s32 s2, $0x0  }
0x662: {  	s3 =	rddreg [dreg:$0x2];
	[bflag:$0x3] =	sbarrier.arrive $0xFFFF;
	s2 =	simm.s32 @!p0 $0x1C05  }
0x663: {  	[timem:s3], [sflag:s2] =	dma.local @!p0 [hbm:s0], s1  }
0x664: {  	s0 =	simm.s32 @!p0 $0x5  }
0x665: {  	_ =	swait.ge @!p0 [sflag:s0], s1  }
0x666: {  	s1 =	ssub.s32 @!p0 $0x0, s1;
	[sflag:s0] =	ssyncset.done @!p0 $0x0  }
0x667: {  	[sflag:s0] =	ssyncadd.s32 @!p0 s1  }
0x668: {  	[bflag:$0x3] =	sbarrier.arrive $0xFFFF  }
0x669: {  	_ =	shalt  }

</sc_bundles>
